<compile_context>
chip_gen: v7x
topology: tpu7x:2x2x1
jax: 0.10.2.dev20260603
libtpu: 0.0.44.dev20260713+nightly
codegen_flags: <defaults>
</compile_context>

<pallas_src>
import functools

import jax
import jax.numpy as jnp
from jax import lax
from jax.experimental import pallas as pl
from jax.experimental.pallas import tpu as pltpu
from jax.experimental.pallas import tpu_sc as plsc

N = 10000
E = 320000
D_IN = 128
D_HID = 256
D_OUT = 128
N_EXP = 4

NC = 2
NS = 16
NW = NC * NS
CH = 80
NCH = 125
EPW = NCH * CH
EP = NW * EPW
NP = 10240
SLICE = NP // NS
ZR = 64

@functools.lru_cache(maxsize=None)
def _mesh():
    return plsc.VectorSubcoreMesh(
        core_axis_name="c", subcore_axis_name="s",
        num_cores=NC, num_subcores=NS,
    )


def _zero_fill_1d(buf, n):
    def body(i, _):
        buf[pl.ds(i * 16, 16)] = jnp.zeros((16,), jnp.float32)
        return 0
    lax.fori_loop(0, n // 16, body, 0)


@functools.lru_cache(maxsize=None)
def _make_deg_kernel():
    return functools.partial(
        pl.kernel,
        out_type=jax.ShapeDtypeStruct((NC, NP), jnp.float32),
        mesh=_mesh(),
        compiler_params=pltpu.CompilerParams(use_tc_tiling_on_sc=False),
        scratch_types=[
            pltpu.VMEM((NCH, CH), jnp.int32),
            pltpu.VMEM((CH,), jnp.float32),
            pltpu.VMEM((SLICE,), jnp.float32),
            pltpu.VMEM_SHARED((NP,), jnp.float32),
        ],
    )(_deg_body)


def _deg_body(dst_hbm, out_hbm, idx_v, ones_v, zero_v, acc_sh):
    cid = lax.axis_index("c")
    sid = lax.axis_index("s")
    wid = cid * NS + sid

    _zero_fill_1d(zero_v, SLICE)
    for i in range(CH // 16):
        ones_v[pl.ds(i * 16, 16)] = jnp.ones((16,), jnp.float32)
    pltpu.sync_copy(zero_v, acc_sh.at[pl.ds(sid * SLICE, SLICE)])
    pltpu.sync_copy(dst_hbm.at[wid], idx_v)
    plsc.subcore_barrier()

    def body(c, _):
        pltpu.sync_copy(ones_v, acc_sh.at[idx_v.at[c]], add=True)
        return 0
    lax.fori_loop(0, NCH, body, 0)

    plsc.subcore_barrier()
    pltpu.sync_copy(
        acc_sh.at[pl.ds(sid * SLICE, SLICE)],
        out_hbm.at[cid, pl.ds(sid * SLICE, SLICE)],
    )


@functools.lru_cache(maxsize=None)
def _make_prop_kernel(T, W):
    @functools.partial(
        pl.kernel,
        out_type=jax.ShapeDtypeStruct((NC, T * NP, W), jnp.float32),
        mesh=_mesh(),
        compiler_params=pltpu.CompilerParams(use_tc_tiling_on_sc=False),
        scratch_types=[
            pltpu.VMEM((NCH, CH), jnp.int32),
            pltpu.VMEM((NCH, CH), jnp.int32),
            pltpu.VMEM((CH, W), jnp.float32),
            pltpu.VMEM((CH, W), jnp.float32),
            pltpu.VMEM((ZR, W), jnp.float32),
            pltpu.VMEM_SHARED((NP, W), jnp.float32),
            pltpu.SemaphoreType.DMA,
            pltpu.SemaphoreType.DMA,
        ],
    )
    def _prop(src_hbm, dst_hbm, *rest):
        tables = rest[:T]
        out_hbm = rest[T]
        (src_v, dst_v, rows0_v, rows1_v, zero_v, acc_sh,
         sem0, sem1) = rest[T + 1:]
        cid = lax.axis_index("c")
        sid = lax.axis_index("s")
        wid = cid * NS + sid

        def zbody(r, _):
            for c in range(W // 16):
                zero_v[r, pl.ds(c * 16, 16)] = jnp.zeros((16,), jnp.float32)
            return 0
        lax.fori_loop(0, ZR, zbody, 0)

        pltpu.sync_copy(src_hbm.at[wid], src_v)
        pltpu.sync_copy(dst_hbm.at[wid], dst_v)

        for t in range(T):
            tbl = tables[t]
            for bz in range(SLICE // ZR):
                pltpu.sync_copy(
                    zero_v, acc_sh.at[pl.ds(sid * SLICE + bz * ZR, ZR)]
                )
            plsc.subcore_barrier()

            pltpu.async_copy(tbl.at[src_v.at[0]], rows0_v, sem0)

            def body(i, _):
                c0 = 2 * i
                c1 = 2 * i + 1
                pltpu.make_async_copy(
                    tbl.at[src_v.at[c0]], rows0_v, sem0).wait()
                pltpu.async_copy(tbl.at[src_v.at[c1]], rows1_v, sem1)
                pltpu.sync_copy(rows0_v, acc_sh.at[dst_v.at[c0]], add=True)
                pltpu.make_async_copy(
                    tbl.at[src_v.at[c1]], rows1_v, sem1).wait()
                pltpu.async_copy(tbl.at[src_v.at[c1 + 1]], rows0_v, sem0)
                pltpu.sync_copy(rows1_v, acc_sh.at[dst_v.at[c1]], add=True)
                return 0
            lax.fori_loop(0, NCH // 2, body, 0)
            pltpu.make_async_copy(
                tbl.at[src_v.at[NCH - 1]], rows0_v, sem0).wait()
            pltpu.sync_copy(
                rows0_v, acc_sh.at[dst_v.at[NCH - 1]], add=True)

            plsc.subcore_barrier()
            pltpu.sync_copy(
                acc_sh.at[pl.ds(sid * SLICE, SLICE)],
                out_hbm.at[cid, pl.ds(t * NP + sid * SLICE, SLICE)],
            )
    return _prop


BLK = 512
NB = NP // BLK


def _isq_of(deg2_blk):
    deg = deg2_blk[0] + deg2_blk[1]
    return lax.rsqrt(jnp.maximum(deg, 1.0))


def _prep_body(deg2_ref, x_ref, xs_ref):
    isq = _isq_of(deg2_ref[...])
    xs_ref[...] = x_ref[...] * isq[:, None]


def _prep_call(deg2, x):
    return pl.pallas_call(
        _prep_body,
        grid=(NB,),
        in_specs=[
            pl.BlockSpec((NC, BLK), lambda i: (0, i)),
            pl.BlockSpec((BLK, D_IN), lambda i: (i, 0)),
        ],
        out_specs=pl.BlockSpec((BLK, D_IN), lambda i: (i, 0)),
        out_shape=jax.ShapeDtypeStruct((N, D_IN), jnp.float32),
    )(deg2, x)


def _experts_body(deg2_ref, s1_ref, W1_ref, b1_ref, W2_ref, *out_refs):
    isq = _isq_of(deg2_ref[...])
    p1 = (s1_ref[0] + s1_ref[1]) * isq[:, None]
    for e in range(N_EXP):
        h = jnp.dot(p1, W1_ref[e], preferred_element_type=jnp.float32)
        h = jnp.maximum(h + b1_ref[e][None, :], 0.0)
        g = jnp.dot(h, W2_ref[e], preferred_element_type=jnp.float32)
        out_refs[e][...] = g * isq[:, None]


def _experts_call(deg2, s1, W1, b1, W2):
    return pl.pallas_call(
        _experts_body,
        grid=(NB,),
        in_specs=[
            pl.BlockSpec((NC, BLK), lambda i: (0, i)),
            pl.BlockSpec((NC, BLK, D_IN), lambda i: (0, i, 0)),
            pl.BlockSpec((N_EXP, D_IN, D_HID), lambda i: (0, 0, 0)),
            pl.BlockSpec((N_EXP, D_HID), lambda i: (0, 0)),
            pl.BlockSpec((N_EXP, D_HID, D_OUT), lambda i: (0, 0, 0)),
        ],
        out_specs=[pl.BlockSpec((BLK, D_OUT), lambda i: (i, 0))] * N_EXP,
        out_shape=[jax.ShapeDtypeStruct((N, D_OUT), jnp.float32)] * N_EXP,
    )(deg2, s1, W1, b1, W2)


def _final_body(deg2_ref, x_ref, wg_ref, thr_ref, mask_ref, b2_ref, s2_ref,
                out_ref):
    isq = _isq_of(deg2_ref[...])
    x = x_ref[...]
    logits = jnp.dot(x, wg_ref[...], preferred_element_type=jnp.float32)
    m = jnp.max(logits, axis=1, keepdims=True)
    ex = jnp.exp(logits - m)
    soft = ex / jnp.sum(ex, axis=1, keepdims=True)
    hard = 0.5 * (jnp.sign(logits - thr_ref[0][None, :]) + 1.0)
    gates = soft * hard * mask_ref[0][None, :]
    gates = gates / (jnp.sum(gates, axis=1, keepdims=True) + 1e-10)
    acc = jnp.dot(gates, b2_ref[...], preferred_element_type=jnp.float32)
    s2 = s2_ref[0] + s2_ref[1]
    total = None
    for e in range(N_EXP):
        term = gates[:, e:e + 1] * s2[e]
        total = term if total is None else total + term
    out_ref[...] = total * isq[:, None] + acc


def _final_call(deg2, x, w_gate, thr, mask, b2, s2):
    return pl.pallas_call(
        _final_body,
        grid=(NB,),
        in_specs=[
            pl.BlockSpec((NC, BLK), lambda i: (0, i)),
            pl.BlockSpec((BLK, D_IN), lambda i: (i, 0)),
            pl.BlockSpec((D_IN, N_EXP), lambda i: (0, 0)),
            pl.BlockSpec((1, N_EXP), lambda i: (0, 0)),
            pl.BlockSpec((1, N_EXP), lambda i: (0, 0)),
            pl.BlockSpec((N_EXP, D_OUT), lambda i: (0, 0)),
            pl.BlockSpec((NC, N_EXP, BLK, D_OUT), lambda i: (0, 0, i, 0)),
        ],
        out_specs=pl.BlockSpec((BLK, D_OUT), lambda i: (i, 0)),
        out_shape=jax.ShapeDtypeStruct((N, D_OUT), jnp.float32),
    )(deg2, x, w_gate, thr, mask, b2, s2)


def kernel(x, edge_index, w_gate, gate_threshold, W1, b1, W2, b2,
           experts_mask):
    src2 = edge_index[0].astype(jnp.int32).reshape(NW, NCH, CH)
    dst2 = edge_index[1].astype(jnp.int32).reshape(NW, NCH, CH)

    deg2 = _make_deg_kernel()(dst2)
    xs = _prep_call(deg2, x)
    s1 = _make_prop_kernel(1, D_IN)(src2, dst2, xs)
    s1 = s1.reshape(NC, NP, D_IN)
    g = _experts_call(deg2, s1, W1, b1, W2)
    s2 = _make_prop_kernel(N_EXP, D_OUT)(src2, dst2, *g)
    s2 = s2.reshape(NC, N_EXP, NP, D_OUT)
    return _final_call(
        deg2, x, w_gate,
        gate_threshold.reshape(1, N_EXP), experts_mask.reshape(1, N_EXP),
        b2, s2,
    )

# --- scband reference (transcript-rebuilt; emitter-appended) ---
"""Pipeline reference for scband-sagmm-network-1623497638192 (READ-ONLY COPY).

The authoritative reference and input builder live on the scoring server;
editing this copy changes nothing except your own understanding.
"""

import jax, jax.numpy as jnp
import numpy as np

N = 10000
E_EDGES = 320000
D_IN = 128
D_HID = 256
D_OUT = 128
N_EXP = 4


def sign_ste(x):
    # SAGMMGateBackward: sign in fwd, identity grad in bwd
    return x + jax.lax.stop_gradient(jnp.sign(x) - x)


def setup_inputs(seed: int = 0):
    key = jax.random.key(seed)
    ks = jax.random.split(key, 8)
    x = jax.random.normal(ks[0], (N, D_IN), dtype=jnp.float32)
    edge_index = jax.random.randint(ks[1], (2, E_EDGES), 0, N)
    w_gate = jax.random.normal(ks[2], (D_IN, N_EXP), dtype=jnp.float32) * 0.01
    gate_threshold = jnp.zeros((N_EXP,), dtype=jnp.float32)
    W1 = jax.random.normal(ks[3], (N_EXP, D_IN, D_HID), dtype=jnp.float32) * (1.0 / np.sqrt(D_IN))
    b1 = jnp.zeros((N_EXP, D_HID), dtype=jnp.float32)
    W2 = jax.random.normal(ks[4], (N_EXP, D_HID, D_OUT), dtype=jnp.float32) * (1.0 / np.sqrt(D_HID))
    b2 = jnp.zeros((N_EXP, D_OUT), dtype=jnp.float32)
    experts_mask = jnp.ones((N_EXP,), dtype=jnp.float32)
    return {"x": x, "edge_index": edge_index, "w_gate": w_gate, "gate_threshold": gate_threshold,
            "W1": W1, "b1": b1, "W2": W2, "b2": b2, "experts_mask": experts_mask}


def _propagate(h, src, dst, coef):
    msg = h[src] * coef[:, None]
    return jax.ops.segment_sum(msg, dst, num_segments=N)


def reference(x, edge_index, w_gate, gate_threshold, W1, b1, W2, b2, experts_mask):
    src = edge_index[0]
    dst = edge_index[1]
    deg = jax.ops.segment_sum(jnp.ones((E_EDGES,), dtype=jnp.float32), dst, num_segments=N)
    deg = jnp.maximum(deg, 1.0)
    inv_sqrt = 1.0 / jnp.sqrt(deg)
    coef = inv_sqrt[src] * inv_sqrt[dst]
    # gating: clean logits (eval mode, no noise), threshold via sign-STE gate, softmax weights
    logits = x @ w_gate
    hard = 0.5 * (sign_ste(logits - gate_threshold[None, :]) + 1.0)
    soft = jax.nn.softmax(logits, axis=1)
    gates = soft * hard * experts_mask[None, :]
    gates = gates / (jnp.sum(gates, axis=1, keepdims=True) + 1e-10)
    # experts: 2-layer GCN each (GCN/SAGE/JK/SGC pool approximated by GCN propagation math)
    outs = []
    for e in range(N_EXP):
        h = _propagate(x, src, dst, coef) @ W1[e] + b1[e]
        h = jax.nn.relu(h)
        h = _propagate(h, src, dst, coef) @ W2[e] + b2[e]
        outs.append(h)
    stacked = jnp.stack(outs, axis=1)  # [N, E, C]
    out = jnp.sum(gates[:, :, None] * stacked, axis=1)
    return out

if __name__ == "__main__":
    import jax
    _d = setup_inputs()
    print(jax.jit(kernel)(*tuple(_d.values())))

</pallas_src>

<mosaic_0001>
#map = affine_map<(d0, d1) -> (0, 0, 0)>
#map1 = affine_map<(d0, d1) -> (0, 0)>
module attributes {stable_mosaic.version = 14 : i64} {
  func.func @_prop(%arg0: i32, %arg1: i32, %arg2: memref<32x125x80xi32, #tpu.memory_space<hbm>>, %arg3: memref<32x125x80xi32, #tpu.memory_space<hbm>>, %arg4: memref<10000x128xf32, #tpu.memory_space<hbm>>, %arg5: memref<10000x128xf32, #tpu.memory_space<hbm>>, %arg6: memref<10000x128xf32, #tpu.memory_space<hbm>>, %arg7: memref<10000x128xf32, #tpu.memory_space<hbm>>, %arg8: memref<2x40960x128xf32, #tpu.memory_space<hbm>>, %arg9: memref<125x80xi32, #tpu.memory_space<vmem>>, %arg10: memref<125x80xi32, #tpu.memory_space<vmem>>, %arg11: memref<80x128xf32, #tpu.memory_space<vmem>>, %arg12: memref<80x128xf32, #tpu.memory_space<vmem>>, %arg13: memref<64x128xf32, #tpu.memory_space<vmem>>, %arg14: memref<10240x128xf32, #tpu.memory_space<vmem_shared>>, %arg15: memref<!tpu.dma_semaphore, #tpu.memory_space<semaphore_mem>>, %arg16: memref<!tpu.dma_semaphore, #tpu.memory_space<semaphore_mem>>) attributes {dimension_semantics = [#tpu.dimension_semantics<core_parallel>, #tpu.dimension_semantics<subcore_parallel>], iteration_bounds = array<i64: 2, 16>, scalar_prefetch = 0 : i64, scratch_operands = 8 : i64, tpu.core_type = #tpu.core_type<sc_vector_subcore>, window_params = [{transform_indices = #map}, {transform_indices = #map}, {transform_indices = #map1}, {transform_indices = #map1}, {transform_indices = #map1}, {transform_indices = #map1}, {transform_indices = #map}]} {
    %mul3A = arith.constant 16 : i32
    %mul3A_0 = arith.muli %arg0, %mul3A : i32
    %add3A = arith.addi %mul3A_0, %arg1 : i32
    %scan3A = arith.constant 0 : i32
    %scan3A_1 = arith.constant 0 : i32
    %scan3A_2 = arith.constant 64 : i32
    %scan3A_3 = arith.addi %scan3A_1, %scan3A_2 : i32
    %scan3A_4 = arith.constant 1 : i32
    %scan3A_5 = scf.for %scan3A_283 = %scan3A_1 to %scan3A_3 step %scan3A_4 iter_args(%scan3A_284 = %scan3A) -> (i32)  : i32 {
      %broadcast_in_dim3A = arith.constant 0.000000e+00 : f32
      %broadcast_in_dim3A_285 = vector.broadcast %broadcast_in_dim3A : f32 to vector<16xf32>
      %swap3A = arith.index_cast %scan3A_283 : i32 to index
      %swap3A_286 = arith.constant 0 : index
      %swap3A_287 = tpu.vector_load %arg13[%swap3A, %swap3A_286] {strides = array<i32>} : memref<64x128xf32, #tpu.memory_space<vmem>>, vector<1x16xf32>,
      %swap3A_288 = vector.shape_cast %swap3A_287 : vector<1x16xf32> to vector<16xf32>
      %swap3A_289 = vector.shape_cast %broadcast_in_dim3A_285 : vector<16xf32> to vector<1x16xf32>
      tpu.vector_store %arg13[%swap3A, %swap3A_286], %swap3A_289 {strides = array<i32>} : memref<64x128xf32, #tpu.memory_space<vmem>>, vector<1x16xf32>,
      %broadcast_in_dim3A_290 = arith.constant 0.000000e+00 : f32
      %broadcast_in_dim3A_291 = vector.broadcast %broadcast_in_dim3A_290 : f32 to vector<16xf32>
      %swap3A_292 = arith.index_cast %scan3A_283 : i32 to index
      %swap3A_293 = arith.constant 16 : index
      %swap3A_294 = tpu.vector_load %arg13[%swap3A_292, %swap3A_293] {strides = array<i32>} : memref<64x128xf32, #tpu.memory_space<vmem>>, vector<1x16xf32>,
      %swap3A_295 = vector.shape_cast %swap3A_294 : vector<1x16xf32> to vector<16xf32>
      %swap3A_296 = vector.shape_cast %broadcast_in_dim3A_291 : vector<16xf32> to vector<1x16xf32>
      tpu.vector_store %arg13[%swap3A_292, %swap3A_293], %swap3A_296 {strides = array<i32>} : memref<64x128xf32, #tpu.memory_space<vmem>>, vector<1x16xf32>,
      %broadcast_in_dim3A_297 = arith.constant 0.000000e+00 : f32
      %broadcast_in_dim3A_298 = vector.broadcast %broadcast_in_dim3A_297 : f32 to vector<16xf32>
      %swap3A_299 = arith.index_cast %scan3A_283 : i32 to index
      %swap3A_300 = arith.constant 32 : index
      %swap3A_301 = tpu.vector_load %arg13[%swap3A_299, %swap3A_300] {strides = array<i32>} : memref<64x128xf32, #tpu.memory_space<vmem>>, vector<1x16xf32>,
      %swap3A_302 = vector.shape_cast %swap3A_301 : vector<1x16xf32> to vector<16xf32>
      %swap3A_303 = vector.shape_cast %broadcast_in_dim3A_298 : vector<16xf32> to vector<1x16xf32>
      tpu.vector_store %arg13[%swap3A_299, %swap3A_300], %swap3A_303 {strides = array<i32>} : memref<64x128xf32, #tpu.memory_space<vmem>>, vector<1x16xf32>,
      %broadcast_in_dim3A_304 = arith.constant 0.000000e+00 : f32
      %broadcast_in_dim3A_305 = vector.broadcast %broadcast_in_dim3A_304 : f32 to vector<16xf32>
      %swap3A_306 = arith.index_cast %scan3A_283 : i32 to index
      %swap3A_307 = arith.constant 48 : index
      %swap3A_308 = tpu.vector_load %arg13[%swap3A_306, %swap3A_307] {strides = array<i32>} : memref<64x128xf32, #tpu.memory_space<vmem>>, vector<1x16xf32>,
      %swap3A_309 = vector.shape_cast %swap3A_308 : vector<1x16xf32> to vector<16xf32>
      %swap3A_310 = vector.shape_cast %broadcast_in_dim3A_305 : vector<16xf32> to vector<1x16xf32>
      tpu.vector_store %arg13[%swap3A_306, %swap3A_307], %swap3A_310 {strides = array<i32>} : memref<64x128xf32, #tpu.memory_space<vmem>>, vector<1x16xf32>,
      %broadcast_in_dim3A_311 = arith.constant 0.000000e+00 : f32
      %broadcast_in_dim3A_312 = vector.broadcast %broadcast_in_dim3A_311 : f32 to vector<16xf32>
      %swap3A_313 = arith.index_cast %scan3A_283 : i32 to index
      %swap3A_314 = arith.constant 64 : index
      %swap3A_315 = tpu.vector_load %arg13[%swap3A_313, %swap3A_314] {strides = array<i32>} : memref<64x128xf32, #tpu.memory_space<vmem>>, vector<1x16xf32>,
      %swap3A_316 = vector.shape_cast %swap3A_315 : vector<1x16xf32> to vector<16xf32>
      %swap3A_317 = vector.shape_cast %broadcast_in_dim3A_312 : vector<16xf32> to vector<1x16xf32>
      tpu.vector_store %arg13[%swap3A_313, %swap3A_314], %swap3A_317 {strides = array<i32>} : memref<64x128xf32, #tpu.memory_space<vmem>>, vector<1x16xf32>,
      %broadcast_in_dim3A_318 = arith.constant 0.000000e+00 : f32
      %broadcast_in_dim3A_319 = vector.broadcast %broadcast_in_dim3A_318 : f32 to vector<16xf32>
      %swap3A_320 = arith.index_cast %scan3A_283 : i32 to index
      %swap3A_321 = arith.constant 80 : index
      %swap3A_322 = tpu.vector_load %arg13[%swap3A_320, %swap3A_321] {strides = array<i32>} : memref<64x128xf32, #tpu.memory_space<vmem>>, vector<1x16xf32>,
      %swap3A_323 = vector.shape_cast %swap3A_322 : vector<1x16xf32> to vector<16xf32>
      %swap3A_324 = vector.shape_cast %broadcast_in_dim3A_319 : vector<16xf32> to vector<1x16xf32>
      tpu.vector_store %arg13[%swap3A_320, %swap3A_321], %swap3A_324 {strides = array<i32>} : memref<64x128xf32, #tpu.memory_space<vmem>>, vector<1x16xf32>,
      %broadcast_in_dim3A_325 = arith.constant 0.000000e+00 : f32
      %broadcast_in_dim3A_326 = vector.broadcast %broadcast_in_dim3A_325 : f32 to vector<16xf32>
      %swap3A_327 = arith.index_cast %scan3A_283 : i32 to index
      %swap3A_328 = arith.constant 96 : index
      %swap3A_329 = tpu.vector_load %arg13[%swap3A_327, %swap3A_328] {strides = array<i32>} : memref<64x128xf32, #tpu.memory_space<vmem>>, vector<1x16xf32>,
      %swap3A_330 = vector.shape_cast %swap3A_329 : vector<1x16xf32> to vector<16xf32>
      %swap3A_331 = vector.shape_cast %broadcast_in_dim3A_326 : vector<16xf32> to vector<1x16xf32>
      tpu.vector_store %arg13[%swap3A_327, %swap3A_328], %swap3A_331 {strides = array<i32>} : memref<64x128xf32, #tpu.memory_space<vmem>>, vector<1x16xf32>,
      %broadcast_in_dim3A_332 = arith.constant 0.000000e+00 : f32
      %broadcast_in_dim3A_333 = vector.broadcast %broadcast_in_dim3A_332 : f32 to vector<16xf32>
      %swap3A_334 = arith.index_cast %scan3A_283 : i32 to index
      %swap3A_335 = arith.constant 112 : index
      %swap3A_336 = tpu.vector_load %arg13[%swap3A_334, %swap3A_335] {strides = array<i32>} : memref<64x128xf32, #tpu.memory_space<vmem>>, vector<1x16xf32>,
      %swap3A_337 = vector.shape_cast %swap3A_336 : vector<1x16xf32> to vector<16xf32>
      %swap3A_338 = vector.shape_cast %broadcast_in_dim3A_333 : vector<16xf32> to vector<1x16xf32>
      tpu.vector_store %arg13[%swap3A_334, %swap3A_335], %swap3A_338 {strides = array<i32>} : memref<64x128xf32, #tpu.memory_space<vmem>>, vector<1x16xf32>,
      %scan3A_339 = arith.constant 0 : i32
      scf.yield %scan3A_339 : i32
    }
    %scan3A_6 = arith.constant 64 : i32
    "tpu.region"() ({
      %run_scoped3A_283 = tpu.sem_alloc : memref<!tpu.dma_semaphore, #tpu.memory_space<semaphore_mem>>
      %dma_start3A_284 = arith.constant 0 : i32
      %dma_start3A_285 = arith.constant 0 : i32
      %dma_start3A_286 = tpu.memref_slice %arg2[%add3A, %dma_start3A_284, %dma_start3A_285] : memref<32x125x80xi32, #tpu.memory_space<hbm>> -> memref<1x125x80xi32, #tpu.memory_space<hbm>>
      %dma_start3A_287 = tpu.memref_squeeze %dma_start3A_286 : memref<1x125x80xi32, #tpu.memory_space<hbm>> -> memref<125x80xi32, #tpu.memory_space<hbm>>
      %dma_start3A_288 = arith.constant 0 : i32
      %dma_start3A_289 = arith.constant 0 : i32
      %dma_start3A_290 = tpu.memref_slice %arg2[%add3A, %dma_start3A_288, %dma_start3A_289] : memref<32x125x80xi32, #tpu.memory_space<hbm>> -> memref<1x125x80xi32, #tpu.memory_space<hbm>>
      %dma_start3A_291 = tpu.memref_squeeze %dma_start3A_290 : memref<1x125x80xi32, #tpu.memory_space<hbm>> -> memref<125x80xi32, #tpu.memory_space<hbm>>
      tpu.enqueue_dma source(%dma_start3A_291 : memref<125x80xi32, #tpu.memory_space<hbm>>) target(%arg9 : memref<125x80xi32, #tpu.memory_space<vmem>>) target_semaphore(%run_scoped3A_283 : memref<!tpu.dma_semaphore, #tpu.memory_space<semaphore_mem>>)
      %dma_wait3A_292 = arith.constant 0 : i32
      %dma_wait3A_293 = arith.constant 0 : i32
      %dma_wait3A_294 = tpu.memref_slice %arg2[%add3A, %dma_wait3A_292, %dma_wait3A_293] : memref<32x125x80xi32, #tpu.memory_space<hbm>> -> memref<1x125x80xi32, #tpu.memory_space<hbm>>
      %dma_wait3A_295 = tpu.memref_squeeze %dma_wait3A_294 : memref<1x125x80xi32, #tpu.memory_space<hbm>> -> memref<125x80xi32, #tpu.memory_space<hbm>>
      %dma_wait3A_296 = arith.constant 0 : i32
      %dma_wait3A_297 = arith.constant 0 : i32
      %dma_wait3A_298 = tpu.memref_slice %arg2[%add3A, %dma_wait3A_296, %dma_wait3A_297] : memref<32x125x80xi32, #tpu.memory_space<hbm>> -> memref<1x125x80xi32, #tpu.memory_space<hbm>>
      %dma_wait3A_299 = tpu.memref_squeeze %dma_wait3A_298 : memref<1x125x80xi32, #tpu.memory_space<hbm>> -> memref<125x80xi32, #tpu.memory_space<hbm>>
      tpu.wait_dma2 semaphore(%run_scoped3A_283 : memref<!tpu.dma_semaphore, #tpu.memory_space<semaphore_mem>>) src(%dma_wait3A_299 : memref<125x80xi32, #tpu.memory_space<hbm>>) dst(%arg9 : memref<125x80xi32, #tpu.memory_space<vmem>>)
      tpu.yield
    }) : () -> ()
    "tpu.region"() ({
      %run_scoped3A_283 = tpu.sem_alloc : memref<!tpu.dma_semaphore, #tpu.memory_space<semaphore_mem>>
      %dma_start3A_284 = arith.constant 0 : i32
      %dma_start3A_285 = arith.constant 0 : i32
      %dma_start3A_286 = tpu.memref_slice %arg3[%add3A, %dma_start3A_284, %dma_start3A_285] : memref<32x125x80xi32, #tpu.memory_space<hbm>> -> memref<1x125x80xi32, #tpu.memory_space<hbm>>
      %dma_start3A_287 = tpu.memref_squeeze %dma_start3A_286 : memref<1x125x80xi32, #tpu.memory_space<hbm>> -> memref<125x80xi32, #tpu.memory_space<hbm>>
      %dma_start3A_288 = arith.constant 0 : i32
      %dma_start3A_289 = arith.constant 0 : i32
      %dma_start3A_290 = tpu.memref_slice %arg3[%add3A, %dma_start3A_288, %dma_start3A_289] : memref<32x125x80xi32, #tpu.memory_space<hbm>> -> memref<1x125x80xi32, #tpu.memory_space<hbm>>
      %dma_start3A_291 = tpu.memref_squeeze %dma_start3A_290 : memref<1x125x80xi32, #tpu.memory_space<hbm>> -> memref<125x80xi32, #tpu.memory_space<hbm>>
      tpu.enqueue_dma source(%dma_start3A_291 : memref<125x80xi32, #tpu.memory_space<hbm>>) target(%arg10 : memref<125x80xi32, #tpu.memory_space<vmem>>) target_semaphore(%run_scoped3A_283 : memref<!tpu.dma_semaphore, #tpu.memory_space<semaphore_mem>>)
      %dma_wait3A_292 = arith.constant 0 : i32
      %dma_wait3A_293 = arith.constant 0 : i32
      %dma_wait3A_294 = tpu.memref_slice %arg3[%add3A, %dma_wait3A_292, %dma_wait3A_293] : memref<32x125x80xi32, #tpu.memory_space<hbm>> -> memref<1x125x80xi32, #tpu.memory_space<hbm>>
      %dma_wait3A_295 = tpu.memref_squeeze %dma_wait3A_294 : memref<1x125x80xi32, #tpu.memory_space<hbm>> -> memref<125x80xi32, #tpu.memory_space<hbm>>
      %dma_wait3A_296 = arith.constant 0 : i32
      %dma_wait3A_297 = arith.constant 0 : i32
      %dma_wait3A_298 = tpu.memref_slice %arg3[%add3A, %dma_wait3A_296, %dma_wait3A_297] : memref<32x125x80xi32, #tpu.memory_space<hbm>> -> memref<1x125x80xi32, #tpu.memory_space<hbm>>
      %dma_wait3A_299 = tpu.memref_squeeze %dma_wait3A_298 : memref<1x125x80xi32, #tpu.memory_space<hbm>> -> memref<125x80xi32, #tpu.memory_space<hbm>>
      tpu.wait_dma2 semaphore(%run_scoped3A_283 : memref<!tpu.dma_semaphore, #tpu.memory_space<semaphore_mem>>) src(%dma_wait3A_299 : memref<125x80xi32, #tpu.memory_space<hbm>>) dst(%arg10 : memref<125x80xi32, #tpu.memory_space<vmem>>)
      tpu.yield
    }) : () -> ()
    %mul3A_7 = arith.constant 640 : i32
    %mul3A_8 = arith.muli %arg1, %mul3A_7 : i32
    %add3A_9 = arith.constant 0 : i32
    %add3A_10 = arith.addi %mul3A_8, %add3A_9 : i32
    "tpu.region"() ({
      %run_scoped3A_283 = tpu.sem_alloc : memref<!tpu.dma_semaphore, #tpu.memory_space<semaphore_mem>>
      %dma_start3A_284 = arith.constant 0 : i32
      %dma_start3A_285 = tpu.memref_slice %arg14[%add3A_10, %dma_start3A_284] : memref<10240x128xf32, #tpu.memory_space<vmem_shared>> -> memref<64x128xf32, #tpu.memory_space<vmem_shared>>
      %dma_start3A_286 = arith.constant 0 : i32
      %dma_start3A_287 = tpu.memref_slice %arg14[%add3A_10, %dma_start3A_286] : memref<10240x128xf32, #tpu.memory_space<vmem_shared>> -> memref<64x128xf32, #tpu.memory_space<vmem_shared>>
      tpu.enqueue_dma source(%arg13 : memref<64x128xf32, #tpu.memory_space<vmem>>) target(%dma_start3A_287 : memref<64x128xf32, #tpu.memory_space<vmem_shared>>) target_semaphore(%run_scoped3A_283 : memref<!tpu.dma_semaphore, #tpu.memory_space<semaphore_mem>>)
      %dma_wait3A_288 = arith.constant 0 : i32
      %dma_wait3A_289 = tpu.memref_slice %arg14[%add3A_10, %dma_wait3A_288] : memref<10240x128xf32, #tpu.memory_space<vmem_shared>> -> memref<64x128xf32, #tpu.memory_space<vmem_shared>>
      %dma_wait3A_290 = arith.constant 0 : i32
      %dma_wait3A_291 = tpu.memref_slice %arg14[%add3A_10, %dma_wait3A_290] : memref<10240x128xf32, #tpu.memory_space<vmem_shared>> -> memref<64x128xf32, #tpu.memory_space<vmem_shared>>
      tpu.wait_dma2 semaphore(%run_scoped3A_283 : memref<!tpu.dma_semaphore, #tpu.memory_space<semaphore_mem>>) src(%arg13 : memref<64x128xf32, #tpu.memory_space<vmem>>) dst(%dma_wait3A_291 : memref<64x128xf32, #tpu.memory_space<vmem_shared>>)
      tpu.yield
    }) : () -> ()
    %mul3A_11 = arith.constant 640 : i32
    %mul3A_12 = arith.muli %arg1, %mul3A_11 : i32
    %add3A_13 = arith.constant 64 : i32
    %add3A_14 = arith.addi %mul3A_12, %add3A_13 : i32
    "tpu.region"() ({
      %run_scoped3A_283 = tpu.sem_alloc : memref<!tpu.dma_semaphore, #tpu.memory_space<semaphore_mem>>
      %dma_start3A_284 = arith.constant 0 : i32
      %dma_start3A_285 = tpu.memref_slice %arg14[%add3A_14, %dma_start3A_284] : memref<10240x128xf32, #tpu.memory_space<vmem_shared>> -> memref<64x128xf32, #tpu.memory_space<vmem_shared>>
      %dma_start3A_286 = arith.constant 0 : i32
      %dma_start3A_287 = tpu.memref_slice %arg14[%add3A_14, %dma_start3A_286] : memref<10240x128xf32, #tpu.memory_space<vmem_shared>> -> memref<64x128xf32, #tpu.memory_space<vmem_shared>>
      tpu.enqueue_dma source(%arg13 : memref<64x128xf32, #tpu.memory_space<vmem>>) target(%dma_start3A_287 : memref<64x128xf32, #tpu.memory_space<vmem_shared>>) target_semaphore(%run_scoped3A_283 : memref<!tpu.dma_semaphore, #tpu.memory_space<semaphore_mem>>)
      %dma_wait3A_288 = arith.constant 0 : i32
      %dma_wait3A_289 = tpu.memref_slice %arg14[%add3A_14, %dma_wait3A_288] : memref<10240x128xf32, #tpu.memory_space<vmem_shared>> -> memref<64x128xf32, #tpu.memory_space<vmem_shared>>
      %dma_wait3A_290 = arith.constant 0 : i32
      %dma_wait3A_291 = tpu.memref_slice %arg14[%add3A_14, %dma_wait3A_290] : memref<10240x128xf32, #tpu.memory_space<vmem_shared>> -> memref<64x128xf32, #tpu.memory_space<vmem_shared>>
      tpu.wait_dma2 semaphore(%run_scoped3A_283 : memref<!tpu.dma_semaphore, #tpu.memory_space<semaphore_mem>>) src(%arg13 : memref<64x128xf32, #tpu.memory_space<vmem>>) dst(%dma_wait3A_291 : memref<64x128xf32, #tpu.memory_space<vmem_shared>>)
      tpu.yield
    }) : () -> ()
    %mul3A_15 = arith.constant 640 : i32
    %mul3A_16 = arith.muli %arg1, %mul3A_15 : i32
    %add3A_17 = arith.constant 128 : i32
    %add3A_18 = arith.addi %mul3A_16, %add3A_17 : i32
    "tpu.region"() ({
      %run_scoped3A_283 = tpu.sem_alloc : memref<!tpu.dma_semaphore, #tpu.memory_space<semaphore_mem>>
      %dma_start3A_284 = arith.constant 0 : i32
      %dma_start3A_285 = tpu.memref_slice %arg14[%add3A_18, %dma_start3A_284] : memref<10240x128xf32, #tpu.memory_space<vmem_shared>> -> memref<64x128xf32, #tpu.memory_space<vmem_shared>>
      %dma_start3A_286 = arith.constant 0 : i32
      %dma_start3A_287 = tpu.memref_slice %arg14[%add3A_18, %dma_start3A_286] : memref<10240x128xf32, #tpu.memory_space<vmem_shared>> -> memref<64x128xf32, #tpu.memory_space<vmem_shared>>
      tpu.enqueue_dma source(%arg13 : memref<64x128xf32, #tpu.memory_space<vmem>>) target(%dma_start3A_287 : memref<64x128xf32, #tpu.memory_space<vmem_shared>>) target_semaphore(%run_scoped3A_283 : memref<!tpu.dma_semaphore, #tpu.memory_space<semaphore_mem>>)
      %dma_wait3A_288 = arith.constant 0 : i32
      %dma_wait3A_289 = tpu.memref_slice %arg14[%add3A_18, %dma_wait3A_288] : memref<10240x128xf32, #tpu.memory_space<vmem_shared>> -> memref<64x128xf32, #tpu.memory_space<vmem_shared>>
      %dma_wait3A_290 = arith.constant 0 : i32
      %dma_wait3A_291 = tpu.memref_slice %arg14[%add3A_18, %dma_wait3A_290] : memref<10240x128xf32, #tpu.memory_space<vmem_shared>> -> memref<64x128xf32, #tpu.memory_space<vmem_shared>>
      tpu.wait_dma2 semaphore(%run_scoped3A_283 : memref<!tpu.dma_semaphore, #tpu.memory_space<semaphore_mem>>) src(%arg13 : memref<64x128xf32, #tpu.memory_space<vmem>>) dst(%dma_wait3A_291 : memref<64x128xf32, #tpu.memory_space<vmem_shared>>)
      tpu.yield
    }) : () -> ()
    %mul3A_19 = arith.constant 640 : i32
    %mul3A_20 = arith.muli %arg1, %mul3A_19 : i32
    %add3A_21 = arith.constant 192 : i32
    %add3A_22 = arith.addi %mul3A_20, %add3A_21 : i32
    "tpu.region"() ({
      %run_scoped3A_283 = tpu.sem_alloc : memref<!tpu.dma_semaphore, #tpu.memory_space<semaphore_mem>>
      %dma_start3A_284 = arith.constant 0 : i32
      %dma_start3A_285 = tpu.memref_slice %arg14[%add3A_22, %dma_start3A_284] : memref<10240x128xf32, #tpu.memory_space<vmem_shared>> -> memref<64x128xf32, #tpu.memory_space<vmem_shared>>
      %dma_start3A_286 = arith.constant 0 : i32
      %dma_start3A_287 = tpu.memref_slice %arg14[%add3A_22, %dma_start3A_286] : memref<10240x128xf32, #tpu.memory_space<vmem_shared>> -> memref<64x128xf32, #tpu.memory_space<vmem_shared>>
      tpu.enqueue_dma source(%arg13 : memref<64x128xf32, #tpu.memory_space<vmem>>) target(%dma_start3A_287 : memref<64x128xf32, #tpu.memory_space<vmem_shared>>) target_semaphore(%run_scoped3A_283 : memref<!tpu.dma_semaphore, #tpu.memory_space<semaphore_mem>>)
      %dma_wait3A_288 = arith.constant 0 : i32
      %dma_wait3A_289 = tpu.memref_slice %arg14[%add3A_22, %dma_wait3A_288] : memref<10240x128xf32, #tpu.memory_space<vmem_shared>> -> memref<64x128xf32, #tpu.memory_space<vmem_shared>>
      %dma_wait3A_290 = arith.constant 0 : i32
      %dma_wait3A_291 = tpu.memref_slice %arg14[%add3A_22, %dma_wait3A_290] : memref<10240x128xf32, #tpu.memory_space<vmem_shared>> -> memref<64x128xf32, #tpu.memory_space<vmem_shared>>
      tpu.wait_dma2 semaphore(%run_scoped3A_283 : memref<!tpu.dma_semaphore, #tpu.memory_space<semaphore_mem>>) src(%arg13 : memref<64x128xf32, #tpu.memory_space<vmem>>) dst(%dma_wait3A_291 : memref<64x128xf32, #tpu.memory_space<vmem_shared>>)
      tpu.yield
    }) : () -> ()
    %mul3A_23 = arith.constant 640 : i32
    %mul3A_24 = arith.muli %arg1, %mul3A_23 : i32
    %add3A_25 = arith.constant 256 : i32
    %add3A_26 = arith.addi %mul3A_24, %add3A_25 : i32
    "tpu.region"() ({
      %run_scoped3A_283 = tpu.sem_alloc : memref<!tpu.dma_semaphore, #tpu.memory_space<semaphore_mem>>
      %dma_start3A_284 = arith.constant 0 : i32
      %dma_start3A_285 = tpu.memref_slice %arg14[%add3A_26, %dma_start3A_284] : memref<10240x128xf32, #tpu.memory_space<vmem_shared>> -> memref<64x128xf32, #tpu.memory_space<vmem_shared>>
      %dma_start3A_286 = arith.constant 0 : i32
      %dma_start3A_287 = tpu.memref_slice %arg14[%add3A_26, %dma_start3A_286] : memref<10240x128xf32, #tpu.memory_space<vmem_shared>> -> memref<64x128xf32, #tpu.memory_space<vmem_shared>>
      tpu.enqueue_dma source(%arg13 : memref<64x128xf32, #tpu.memory_space<vmem>>) target(%dma_start3A_287 : memref<64x128xf32, #tpu.memory_space<vmem_shared>>) target_semaphore(%run_scoped3A_283 : memref<!tpu.dma_semaphore, #tpu.memory_space<semaphore_mem>>)
      %dma_wait3A_288 = arith.constant 0 : i32
      %dma_wait3A_289 = tpu.memref_slice %arg14[%add3A_26, %dma_wait3A_288] : memref<10240x128xf32, #tpu.memory_space<vmem_shared>> -> memref<64x128xf32, #tpu.memory_space<vmem_shared>>
      %dma_wait3A_290 = arith.constant 0 : i32
      %dma_wait3A_291 = tpu.memref_slice %arg14[%add3A_26, %dma_wait3A_290] : memref<10240x128xf32, #tpu.memory_space<vmem_shared>> -> memref<64x128xf32, #tpu.memory_space<vmem_shared>>
      tpu.wait_dma2 semaphore(%run_scoped3A_283 : memref<!tpu.dma_semaphore, #tpu.memory_space<semaphore_mem>>) src(%arg13 : memref<64x128xf32, #tpu.memory_space<vmem>>) dst(%dma_wait3A_291 : memref<64x128xf32, #tpu.memory_space<vmem_shared>>)
      tpu.yield
    }) : () -> ()
    %mul3A_27 = arith.constant 640 : i32
    %mul3A_28 = arith.muli %arg1, %mul3A_27 : i32
    %add3A_29 = arith.constant 320 : i32
    %add3A_30 = arith.addi %mul3A_28, %add3A_29 : i32
    "tpu.region"() ({
      %run_scoped3A_283 = tpu.sem_alloc : memref<!tpu.dma_semaphore, #tpu.memory_space<semaphore_mem>>
      %dma_start3A_284 = arith.constant 0 : i32
      %dma_start3A_285 = tpu.memref_slice %arg14[%add3A_30, %dma_start3A_284] : memref<10240x128xf32, #tpu.memory_space<vmem_shared>> -> memref<64x128xf32, #tpu.memory_space<vmem_shared>>
      %dma_start3A_286 = arith.constant 0 : i32
      %dma_start3A_287 = tpu.memref_slice %arg14[%add3A_30, %dma_start3A_286] : memref<10240x128xf32, #tpu.memory_space<vmem_shared>> -> memref<64x128xf32, #tpu.memory_space<vmem_shared>>
      tpu.enqueue_dma source(%arg13 : memref<64x128xf32, #tpu.memory_space<vmem>>) target(%dma_start3A_287 : memref<64x128xf32, #tpu.memory_space<vmem_shared>>) target_semaphore(%run_scoped3A_283 : memref<!tpu.dma_semaphore, #tpu.memory_space<semaphore_mem>>)
      %dma_wait3A_288 = arith.constant 0 : i32
      %dma_wait3A_289 = tpu.memref_slice %arg14[%add3A_30, %dma_wait3A_288] : memref<10240x128xf32, #tpu.memory_space<vmem_shared>> -> memref<64x128xf32, #tpu.memory_space<vmem_shared>>
      %dma_wait3A_290 = arith.constant 0 : i32
      %dma_wait3A_291 = tpu.memref_slice %arg14[%add3A_30, %dma_wait3A_290] : memref<10240x128xf32, #tpu.memory_space<vmem_shared>> -> memref<64x128xf32, #tpu.memory_space<vmem_shared>>
      tpu.wait_dma2 semaphore(%run_scoped3A_283 : memref<!tpu.dma_semaphore, #tpu.memory_space<semaphore_mem>>) src(%arg13 : memref<64x128xf32, #tpu.memory_space<vmem>>) dst(%dma_wait3A_291 : memref<64x128xf32, #tpu.memory_space<vmem_shared>>)
      tpu.yield
    }) : () -> ()
    %mul3A_31 = arith.constant 640 : i32
    %mul3A_32 = arith.muli %arg1, %mul3A_31 : i32
    %add3A_33 = arith.constant 384 : i32
    %add3A_34 = arith.addi %mul3A_32, %add3A_33 : i32
    "tpu.region"() ({
      %run_scoped3A_283 = tpu.sem_alloc : memref<!tpu.dma_semaphore, #tpu.memory_space<semaphore_mem>>
      %dma_start3A_284 = arith.constant 0 : i32
      %dma_start3A_285 = tpu.memref_slice %arg14[%add3A_34, %dma_start3A_284] : memref<10240x128xf32, #tpu.memory_space<vmem_shared>> -> memref<64x128xf32, #tpu.memory_space<vmem_shared>>
      %dma_start3A_286 = arith.constant 0 : i32
      %dma_start3A_287 = tpu.memref_slice %arg14[%add3A_34, %dma_start3A_286] : memref<10240x128xf32, #tpu.memory_space<vmem_shared>> -> memref<64x128xf32, #tpu.memory_space<vmem_shared>>
      tpu.enqueue_dma source(%arg13 : memref<64x128xf32, #tpu.memory_space<vmem>>) target(%dma_start3A_287 : memref<64x128xf32, #tpu.memory_space<vmem_shared>>) target_semaphore(%run_scoped3A_283 : memref<!tpu.dma_semaphore, #tpu.memory_space<semaphore_mem>>)
      %dma_wait3A_288 = arith.constant 0 : i32
      %dma_wait3A_289 = tpu.memref_slice %arg14[%add3A_34, %dma_wait3A_288] : memref<10240x128xf32, #tpu.memory_space<vmem_shared>> -> memref<64x128xf32, #tpu.memory_space<vmem_shared>>
      %dma_wait3A_290 = arith.constant 0 : i32
      %dma_wait3A_291 = tpu.memref_slice %arg14[%add3A_34, %dma_wait3A_290] : memref<10240x128xf32, #tpu.memory_space<vmem_shared>> -> memref<64x128xf32, #tpu.memory_space<vmem_shared>>
      tpu.wait_dma2 semaphore(%run_scoped3A_283 : memref<!tpu.dma_semaphore, #tpu.memory_space<semaphore_mem>>) src(%arg13 : memref<64x128xf32, #tpu.memory_space<vmem>>) dst(%dma_wait3A_291 : memref<64x128xf32, #tpu.memory_space<vmem_shared>>)
      tpu.yield
    }) : () -> ()
    %mul3A_35 = arith.constant 640 : i32
    %mul3A_36 = arith.muli %arg1, %mul3A_35 : i32
    %add3A_37 = arith.constant 448 : i32
    %add3A_38 = arith.addi %mul3A_36, %add3A_37 : i32
    "tpu.region"() ({
      %run_scoped3A_283 = tpu.sem_alloc : memref<!tpu.dma_semaphore, #tpu.memory_space<semaphore_mem>>
      %dma_start3A_284 = arith.constant 0 : i32
      %dma_start3A_285 = tpu.memref_slice %arg14[%add3A_38, %dma_start3A_284] : memref<10240x128xf32, #tpu.memory_space<vmem_shared>> -> memref<64x128xf32, #tpu.memory_space<vmem_shared>>
      %dma_start3A_286 = arith.constant 0 : i32
      %dma_start3A_287 = tpu.memref_slice %arg14[%add3A_38, %dma_start3A_286] : memref<10240x128xf32, #tpu.memory_space<vmem_shared>> -> memref<64x128xf32, #tpu.memory_space<vmem_shared>>
      tpu.enqueue_dma source(%arg13 : memref<64x128xf32, #tpu.memory_space<vmem>>) target(%dma_start3A_287 : memref<64x128xf32, #tpu.memory_space<vmem_shared>>) target_semaphore(%run_scoped3A_283 : memref<!tpu.dma_semaphore, #tpu.memory_space<semaphore_mem>>)
      %dma_wait3A_288 = arith.constant 0 : i32
      %dma_wait3A_289 = tpu.memref_slice %arg14[%add3A_38, %dma_wait3A_288] : memref<10240x128xf32, #tpu.memory_space<vmem_shared>> -> memref<64x128xf32, #tpu.memory_space<vmem_shared>>
      %dma_wait3A_290 = arith.constant 0 : i32
      %dma_wait3A_291 = tpu.memref_slice %arg14[%add3A_38, %dma_wait3A_290] : memref<10240x128xf32, #tpu.memory_space<vmem_shared>> -> memref<64x128xf32, #tpu.memory_space<vmem_shared>>
      tpu.wait_dma2 semaphore(%run_scoped3A_283 : memref<!tpu.dma_semaphore, #tpu.memory_space<semaphore_mem>>) src(%arg13 : memref<64x128xf32, #tpu.memory_space<vmem>>) dst(%dma_wait3A_291 : memref<64x128xf32, #tpu.memory_space<vmem_shared>>)
      tpu.yield
    }) : () -> ()
    %mul3A_39 = arith.constant 640 : i32
    %mul3A_40 = arith.muli %arg1, %mul3A_39 : i32
    %add3A_41 = arith.constant 512 : i32
    %add3A_42 = arith.addi %mul3A_40, %add3A_41 : i32
    "tpu.region"() ({
      %run_scoped3A_283 = tpu.sem_alloc : memref<!tpu.dma_semaphore, #tpu.memory_space<semaphore_mem>>
      %dma_start3A_284 = arith.constant 0 : i32
      %dma_start3A_285 = tpu.memref_slice %arg14[%add3A_42, %dma_start3A_284] : memref<10240x128xf32, #tpu.memory_space<vmem_shared>> -> memref<64x128xf32, #tpu.memory_space<vmem_shared>>
      %dma_start3A_286 = arith.constant 0 : i32
      %dma_start3A_287 = tpu.memref_slice %arg14[%add3A_42, %dma_start3A_286] : memref<10240x128xf32, #tpu.memory_space<vmem_shared>> -> memref<64x128xf32, #tpu.memory_space<vmem_shared>>
      tpu.enqueue_dma source(%arg13 : memref<64x128xf32, #tpu.memory_space<vmem>>) target(%dma_start3A_287 : memref<64x128xf32, #tpu.memory_space<vmem_shared>>) target_semaphore(%run_scoped3A_283 : memref<!tpu.dma_semaphore, #tpu.memory_space<semaphore_mem>>)
      %dma_wait3A_288 = arith.constant 0 : i32
      %dma_wait3A_289 = tpu.memref_slice %arg14[%add3A_42, %dma_wait3A_288] : memref<10240x128xf32, #tpu.memory_space<vmem_shared>> -> memref<64x128xf32, #tpu.memory_space<vmem_shared>>
      %dma_wait3A_290 = arith.constant 0 : i32
      %dma_wait3A_291 = tpu.memref_slice %arg14[%add3A_42, %dma_wait3A_290] : memref<10240x128xf32, #tpu.memory_space<vmem_shared>> -> memref<64x128xf32, #tpu.memory_space<vmem_shared>>
      tpu.wait_dma2 semaphore(%run_scoped3A_283 : memref<!tpu.dma_semaphore, #tpu.memory_space<semaphore_mem>>) src(%arg13 : memref<64x128xf32, #tpu.memory_space<vmem>>) dst(%dma_wait3A_291 : memref<64x128xf32, #tpu.memory_space<vmem_shared>>)
      tpu.yield
    }) : () -> ()
    %mul3A_43 = arith.constant 640 : i32
    %mul3A_44 = arith.muli %arg1, %mul3A_43 : i32
    %add3A_45 = arith.constant 576 : i32
    %add3A_46 = arith.addi %mul3A_44, %add3A_45 : i32
    "tpu.region"() ({
      %run_scoped3A_283 = tpu.sem_alloc : memref<!tpu.dma_semaphore, #tpu.memory_space<semaphore_mem>>
      %dma_start3A_284 = arith.constant 0 : i32
      %dma_start3A_285 = tpu.memref_slice %arg14[%add3A_46, %dma_start3A_284] : memref<10240x128xf32, #tpu.memory_space<vmem_shared>> -> memref<64x128xf32, #tpu.memory_space<vmem_shared>>
      %dma_start3A_286 = arith.constant 0 : i32
      %dma_start3A_287 = tpu.memref_slice %arg14[%add3A_46, %dma_start3A_286] : memref<10240x128xf32, #tpu.memory_space<vmem_shared>> -> memref<64x128xf32, #tpu.memory_space<vmem_shared>>
      tpu.enqueue_dma source(%arg13 : memref<64x128xf32, #tpu.memory_space<vmem>>) target(%dma_start3A_287 : memref<64x128xf32, #tpu.memory_space<vmem_shared>>) target_semaphore(%run_scoped3A_283 : memref<!tpu.dma_semaphore, #tpu.memory_space<semaphore_mem>>)
      %dma_wait3A_288 = arith.constant 0 : i32
      %dma_wait3A_289 = tpu.memref_slice %arg14[%add3A_46, %dma_wait3A_288] : memref<10240x128xf32, #tpu.memory_space<vmem_shared>> -> memref<64x128xf32, #tpu.memory_space<vmem_shared>>
      %dma_wait3A_290 = arith.constant 0 : i32
      %dma_wait3A_291 = tpu.memref_slice %arg14[%add3A_46, %dma_wait3A_290] : memref<10240x128xf32, #tpu.memory_space<vmem_shared>> -> memref<64x128xf32, #tpu.memory_space<vmem_shared>>
      tpu.wait_dma2 semaphore(%run_scoped3A_283 : memref<!tpu.dma_semaphore, #tpu.memory_space<semaphore_mem>>) src(%arg13 : memref<64x128xf32, #tpu.memory_space<vmem>>) dst(%dma_wait3A_291 : memref<64x128xf32, #tpu.memory_space<vmem_shared>>)
      tpu.yield
    }) : () -> ()
    %barrier3A = arith.constant 0 : index
    tpu.barrier barrier_id(%barrier3A)
    %dma_start3A = arith.constant 0 : i32
    %dma_start3A_47 = arith.constant 0 : i32
    %dma_start3A_48 = tpu.memref_slice %arg9[%dma_start3A, %dma_start3A_47] : memref<125x80xi32, #tpu.memory_space<vmem>> -> memref<1x80xi32, #tpu.memory_space<vmem>>
    %dma_start3A_49 = tpu.memref_squeeze %dma_start3A_48 : memref<1x80xi32, #tpu.memory_space<vmem>> -> memref<80xi32, #tpu.memory_space<vmem>>
    %dma_start3A_50 = arith.constant 0 : i32
    %dma_start3A_51 = arith.constant 0 : i32
    %dma_start3A_52 = tpu.memref_slice %arg4[%dma_start3A_50, %dma_start3A_51] : memref<10000x128xf32, #tpu.memory_space<hbm>> -> memref<10000x128xf32, #tpu.memory_space<hbm>>
    tpu.enqueue_indirect_dma source(%dma_start3A_52 : memref<10000x128xf32, #tpu.memory_space<hbm>>) target(%arg11 : memref<80x128xf32, #tpu.memory_space<vmem>>) offsets(%dma_start3A_49 : memref<80xi32, #tpu.memory_space<vmem>>) semaphore(%arg15 : memref<!tpu.dma_semaphore, #tpu.memory_space<semaphore_mem>>)
    %scan3A_53 = arith.constant 0 : i32
    %scan3A_54 = arith.constant 0 : i32
    %scan3A_55 = arith.constant 62 : i32
    %scan3A_56 = arith.addi %scan3A_54, %scan3A_55 : i32
    %scan3A_57 = arith.constant 1 : i32
    %scan3A_58 = scf.for %scan3A_283 = %scan3A_54 to %scan3A_56 step %scan3A_57 iter_args(%scan3A_284 = %scan3A_53) -> (i32)  : i32 {
      %mul3A_285 = arith.constant 2 : i32
      %mul3A_286 = arith.muli %mul3A_285, %scan3A_283 : i32
      %mul3A_287 = arith.constant 2 : i32
      %mul3A_288 = arith.muli %mul3A_287, %scan3A_283 : i32
      %add3A_289 = arith.constant 1 : i32
      %add3A_290 = arith.addi %mul3A_288, %add3A_289 : i32
      %dma_wait3A_291 = arith.constant 0 : i32
      %dma_wait3A_292 = tpu.memref_slice %arg9[%mul3A_286, %dma_wait3A_291] : memref<125x80xi32, #tpu.memory_space<vmem>> -> memref<1x80xi32, #tpu.memory_space<vmem>>
      %dma_wait3A_293 = tpu.memref_squeeze %dma_wait3A_292 : memref<1x80xi32, #tpu.memory_space<vmem>> -> memref<80xi32, #tpu.memory_space<vmem>>
      %dma_wait3A_294 = arith.constant 0 : i32
      %dma_wait3A_295 = arith.constant 0 : i32
      %dma_wait3A_296 = tpu.memref_slice %arg4[%dma_wait3A_294, %dma_wait3A_295] : memref<10000x128xf32, #tpu.memory_space<hbm>> -> memref<10000x128xf32, #tpu.memory_space<hbm>>
      tpu.wait_indirect_dma semaphore(%arg15 : memref<!tpu.dma_semaphore, #tpu.memory_space<semaphore_mem>>) src(%dma_wait3A_296 : memref<10000x128xf32, #tpu.memory_space<hbm>>) dst(%arg11 : memref<80x128xf32, #tpu.memory_space<vmem>>)
      %dma_start3A_297 = arith.constant 0 : i32
      %dma_start3A_298 = tpu.memref_slice %arg9[%add3A_290, %dma_start3A_297] : memref<125x80xi32, #tpu.memory_space<vmem>> -> memref<1x80xi32, #tpu.memory_space<vmem>>
      %dma_start3A_299 = tpu.memref_squeeze %dma_start3A_298 : memref<1x80xi32, #tpu.memory_space<vmem>> -> memref<80xi32, #tpu.memory_space<vmem>>
      %dma_start3A_300 = arith.constant 0 : i32
      %dma_start3A_301 = arith.constant 0 : i32
      %dma_start3A_302 = tpu.memref_slice %arg4[%dma_start3A_300, %dma_start3A_301] : memref<10000x128xf32, #tpu.memory_space<hbm>> -> memref<10000x128xf32, #tpu.memory_space<hbm>>
      tpu.enqueue_indirect_dma source(%dma_start3A_302 : memref<10000x128xf32, #tpu.memory_space<hbm>>) target(%arg12 : memref<80x128xf32, #tpu.memory_space<vmem>>) offsets(%dma_start3A_299 : memref<80xi32, #tpu.memory_space<vmem>>) semaphore(%arg16 : memref<!tpu.dma_semaphore, #tpu.memory_space<semaphore_mem>>)
      "tpu.region"() ({
        %run_scoped3A_318 = tpu.sem_alloc : memref<!tpu.dma_semaphore, #tpu.memory_space<semaphore_mem>>
        %dma_start3A_319 = arith.constant 0 : i32
        %dma_start3A_320 = tpu.memref_slice %arg10[%mul3A_286, %dma_start3A_319] : memref<125x80xi32, #tpu.memory_space<vmem>> -> memref<1x80xi32, #tpu.memory_space<vmem>>
        %dma_start3A_321 = tpu.memref_squeeze %dma_start3A_320 : memref<1x80xi32, #tpu.memory_space<vmem>> -> memref<80xi32, #tpu.memory_space<vmem>>
        %dma_start3A_322 = arith.constant 0 : i32
        %dma_start3A_323 = arith.constant 0 : i32
        %dma_start3A_324 = tpu.memref_slice %arg14[%dma_start3A_322, %dma_start3A_323] : memref<10240x128xf32, #tpu.memory_space<vmem_shared>> -> memref<10240x128xf32, #tpu.memory_space<vmem_shared>>
        tpu.enqueue_indirect_dma source(%arg11 : memref<80x128xf32, #tpu.memory_space<vmem>>) target(%dma_start3A_324 : memref<10240x128xf32, #tpu.memory_space<vmem_shared>>) offsets(%dma_start3A_321 : memref<80xi32, #tpu.memory_space<vmem>>) semaphore(%run_scoped3A_318 : memref<!tpu.dma_semaphore, #tpu.memory_space<semaphore_mem>>) {add = true}
        %dma_wait3A_325 = arith.constant 0 : i32
        %dma_wait3A_326 = tpu.memref_slice %arg10[%mul3A_286, %dma_wait3A_325] : memref<125x80xi32, #tpu.memory_space<vmem>> -> memref<1x80xi32, #tpu.memory_space<vmem>>
        %dma_wait3A_327 = tpu.memref_squeeze %dma_wait3A_326 : memref<1x80xi32, #tpu.memory_space<vmem>> -> memref<80xi32, #tpu.memory_space<vmem>>
        %dma_wait3A_328 = arith.constant 0 : i32
        %dma_wait3A_329 = arith.constant 0 : i32
        %dma_wait3A_330 = tpu.memref_slice %arg14[%dma_wait3A_328, %dma_wait3A_329] : memref<10240x128xf32, #tpu.memory_space<vmem_shared>> -> memref<10240x128xf32, #tpu.memory_space<vmem_shared>>
        tpu.wait_indirect_dma semaphore(%run_scoped3A_318 : memref<!tpu.dma_semaphore, #tpu.memory_space<semaphore_mem>>) src(%arg11 : memref<80x128xf32, #tpu.memory_space<vmem>>) dst(%dma_wait3A_330 : memref<10240x128xf32, #tpu.memory_space<vmem_shared>>)
        tpu.yield
      }) : () -> ()
      %dma_wait3A_303 = arith.constant 0 : i32
      %dma_wait3A_304 = tpu.memref_slice %arg9[%add3A_290, %dma_wait3A_303] : memref<125x80xi32, #tpu.memory_space<vmem>> -> memref<1x80xi32, #tpu.memory_space<vmem>>
      %dma_wait3A_305 = tpu.memref_squeeze %dma_wait3A_304 : memref<1x80xi32, #tpu.memory_space<vmem>> -> memref<80xi32, #tpu.memory_space<vmem>>
      %dma_wait3A_306 = arith.constant 0 : i32
      %dma_wait3A_307 = arith.constant 0 : i32
      %dma_wait3A_308 = tpu.memref_slice %arg4[%dma_wait3A_306, %dma_wait3A_307] : memref<10000x128xf32, #tpu.memory_space<hbm>> -> memref<10000x128xf32, #tpu.memory_space<hbm>>
      tpu.wait_indirect_dma semaphore(%arg16 : memref<!tpu.dma_semaphore, #tpu.memory_space<semaphore_mem>>) src(%dma_wait3A_308 : memref<10000x128xf32, #tpu.memory_space<hbm>>) dst(%arg12 : memref<80x128xf32, #tpu.memory_space<vmem>>)
      %add3A_309 = arith.constant 1 : i32
      %add3A_310 = arith.addi %add3A_290, %add3A_309 : i32
      %dma_start3A_311 = arith.constant 0 : i32
      %dma_start3A_312 = tpu.memref_slice %arg9[%add3A_310, %dma_start3A_311] : memref<125x80xi32, #tpu.memory_space<vmem>> -> memref<1x80xi32, #tpu.memory_space<vmem>>
      %dma_start3A_313 = tpu.memref_squeeze %dma_start3A_312 : memref<1x80xi32, #tpu.memory_space<vmem>> -> memref<80xi32, #tpu.memory_space<vmem>>
      %dma_start3A_314 = arith.constant 0 : i32
      %dma_start3A_315 = arith.constant 0 : i32
      %dma_start3A_316 = tpu.memref_slice %arg4[%dma_start3A_314, %dma_start3A_315] : memref<10000x128xf32, #tpu.memory_space<hbm>> -> memref<10000x128xf32, #tpu.memory_space<hbm>>
      tpu.enqueue_indirect_dma source(%dma_start3A_316 : memref<10000x128xf32, #tpu.memory_space<hbm>>) target(%arg11 : memref<80x128xf32, #tpu.memory_space<vmem>>) offsets(%dma_start3A_313 : memref<80xi32, #tpu.memory_space<vmem>>) semaphore(%arg15 : memref<!tpu.dma_semaphore, #tpu.memory_space<semaphore_mem>>)
      "tpu.region"() ({
        %run_scoped3A_318 = tpu.sem_alloc : memref<!tpu.dma_semaphore, #tpu.memory_space<semaphore_mem>>
        %dma_start3A_319 = arith.constant 0 : i32
        %dma_start3A_320 = tpu.memref_slice %arg10[%add3A_290, %dma_start3A_319] : memref<125x80xi32, #tpu.memory_space<vmem>> -> memref<1x80xi32, #tpu.memory_space<vmem>>
        %dma_start3A_321 = tpu.memref_squeeze %dma_start3A_320 : memref<1x80xi32, #tpu.memory_space<vmem>> -> memref<80xi32, #tpu.memory_space<vmem>>
        %dma_start3A_322 = arith.constant 0 : i32
        %dma_start3A_323 = arith.constant 0 : i32
        %dma_start3A_324 = tpu.memref_slice %arg14[%dma_start3A_322, %dma_start3A_323] : memref<10240x128xf32, #tpu.memory_space<vmem_shared>> -> memref<10240x128xf32, #tpu.memory_space<vmem_shared>>
        tpu.enqueue_indirect_dma source(%arg12 : memref<80x128xf32, #tpu.memory_space<vmem>>) target(%dma_start3A_324 : memref<10240x128xf32, #tpu.memory_space<vmem_shared>>) offsets(%dma_start3A_321 : memref<80xi32, #tpu.memory_space<vmem>>) semaphore(%run_scoped3A_318 : memref<!tpu.dma_semaphore, #tpu.memory_space<semaphore_mem>>) {add = true}
        %dma_wait3A_325 = arith.constant 0 : i32
        %dma_wait3A_326 = tpu.memref_slice %arg10[%add3A_290, %dma_wait3A_325] : memref<125x80xi32, #tpu.memory_space<vmem>> -> memref<1x80xi32, #tpu.memory_space<vmem>>
        %dma_wait3A_327 = tpu.memref_squeeze %dma_wait3A_326 : memref<1x80xi32, #tpu.memory_space<vmem>> -> memref<80xi32, #tpu.memory_space<vmem>>
        %dma_wait3A_328 = arith.constant 0 : i32
        %dma_wait3A_329 = arith.constant 0 : i32
        %dma_wait3A_330 = tpu.memref_slice %arg14[%dma_wait3A_328, %dma_wait3A_329] : memref<10240x128xf32, #tpu.memory_space<vmem_shared>> -> memref<10240x128xf32, #tpu.memory_space<vmem_shared>>
        tpu.wait_indirect_dma semaphore(%run_scoped3A_318 : memref<!tpu.dma_semaphore, #tpu.memory_space<semaphore_mem>>) src(%arg12 : memref<80x128xf32, #tpu.memory_space<vmem>>) dst(%dma_wait3A_330 : memref<10240x128xf32, #tpu.memory_space<vmem_shared>>)
        tpu.yield
      }) : () -> ()
      %scan3A_317 = arith.constant 0 : i32
      scf.yield %scan3A_317 : i32
    }
    %scan3A_59 = arith.constant 62 : i32
    %dma_wait3A = arith.constant 124 : i32
    %dma_wait3A_60 = arith.constant 0 : i32
    %dma_wait3A_61 = tpu.memref_slice %arg9[%dma_wait3A, %dma_wait3A_60] : memref<125x80xi32, #tpu.memory_space<vmem>> -> memref<1x80xi32, #tpu.memory_space<vmem>>
    %dma_wait3A_62 = tpu.memref_squeeze %dma_wait3A_61 : memref<1x80xi32, #tpu.memory_space<vmem>> -> memref<80xi32, #tpu.memory_space<vmem>>
    %dma_wait3A_63 = arith.constant 0 : i32
    %dma_wait3A_64 = arith.constant 0 : i32
    %dma_wait3A_65 = tpu.memref_slice %arg4[%dma_wait3A_63, %dma_wait3A_64] : memref<10000x128xf32, #tpu.memory_space<hbm>> -> memref<10000x128xf32, #tpu.memory_space<hbm>>
    tpu.wait_indirect_dma semaphore(%arg15 : memref<!tpu.dma_semaphore, #tpu.memory_space<semaphore_mem>>) src(%dma_wait3A_65 : memref<10000x128xf32, #tpu.memory_space<hbm>>) dst(%arg11 : memref<80x128xf32, #tpu.memory_space<vmem>>)
    %run_scoped3A = arith.constant 124 : i32
    "tpu.region"() ({
      %run_scoped3A_283 = tpu.sem_alloc : memref<!tpu.dma_semaphore, #tpu.memory_space<semaphore_mem>>
      %dma_start3A_284 = arith.constant 0 : i32
      %dma_start3A_285 = tpu.memref_slice %arg10[%run_scoped3A, %dma_start3A_284] : memref<125x80xi32, #tpu.memory_space<vmem>> -> memref<1x80xi32, #tpu.memory_space<vmem>>
      %dma_start3A_286 = tpu.memref_squeeze %dma_start3A_285 : memref<1x80xi32, #tpu.memory_space<vmem>> -> memref<80xi32, #tpu.memory_space<vmem>>
      %dma_start3A_287 = arith.constant 0 : i32
      %dma_start3A_288 = arith.constant 0 : i32
      %dma_start3A_289 = tpu.memref_slice %arg14[%dma_start3A_287, %dma_start3A_288] : memref<10240x128xf32, #tpu.memory_space<vmem_shared>> -> memref<10240x128xf32, #tpu.memory_space<vmem_shared>>
      tpu.enqueue_indirect_dma source(%arg11 : memref<80x128xf32, #tpu.memory_space<vmem>>) target(%dma_start3A_289 : memref<10240x128xf32, #tpu.memory_space<vmem_shared>>) offsets(%dma_start3A_286 : memref<80xi32, #tpu.memory_space<vmem>>) semaphore(%run_scoped3A_283 : memref<!tpu.dma_semaphore, #tpu.memory_space<semaphore_mem>>) {add = true}
      %dma_wait3A_290 = arith.constant 0 : i32
      %dma_wait3A_291 = tpu.memref_slice %arg10[%run_scoped3A, %dma_wait3A_290] : memref<125x80xi32, #tpu.memory_space<vmem>> -> memref<1x80xi32, #tpu.memory_space<vmem>>
      %dma_wait3A_292 = tpu.memref_squeeze %dma_wait3A_291 : memref<1x80xi32, #tpu.memory_space<vmem>> -> memref<80xi32, #tpu.memory_space<vmem>>
      %dma_wait3A_293 = arith.constant 0 : i32
      %dma_wait3A_294 = arith.constant 0 : i32
      %dma_wait3A_295 = tpu.memref_slice %arg14[%dma_wait3A_293, %dma_wait3A_294] : memref<10240x128xf32, #tpu.memory_space<vmem_shared>> -> memref<10240x128xf32, #tpu.memory_space<vmem_shared>>
      tpu.wait_indirect_dma semaphore(%run_scoped3A_283 : memref<!tpu.dma_semaphore, #tpu.memory_space<semaphore_mem>>) src(%arg11 : memref<80x128xf32, #tpu.memory_space<vmem>>) dst(%dma_wait3A_295 : memref<10240x128xf32, #tpu.memory_space<vmem_shared>>)
      tpu.yield
    }) : () -> ()
    %barrier3A_66 = arith.constant 0 : index
    tpu.barrier barrier_id(%barrier3A_66)
    %mul3A_67 = arith.constant 640 : i32
    %mul3A_68 = arith.muli %arg1, %mul3A_67 : i32
    %mul3A_69 = arith.constant 640 : i32
    %mul3A_70 = arith.muli %arg1, %mul3A_69 : i32
    %add3A_71 = arith.constant 0 : i32
    %add3A_72 = arith.addi %add3A_71, %mul3A_70 : i32
    "tpu.region"() ({
      %run_scoped3A_283 = tpu.sem_alloc : memref<!tpu.dma_semaphore, #tpu.memory_space<semaphore_mem>>
      %dma_start3A_284 = arith.constant 0 : i32
      %dma_start3A_285 = tpu.memref_slice %arg8[%arg0, %add3A_72, %dma_start3A_284] : memref<2x40960x128xf32, #tpu.memory_space<hbm>> -> memref<1x640x128xf32, #tpu.memory_space<hbm>>
      %dma_start3A_286 = tpu.memref_squeeze %dma_start3A_285 : memref<1x640x128xf32, #tpu.memory_space<hbm>> -> memref<640x128xf32, #tpu.memory_space<hbm>>
      %dma_start3A_287 = arith.constant 0 : i32
      %dma_start3A_288 = tpu.memref_slice %arg14[%mul3A_68, %dma_start3A_287] : memref<10240x128xf32, #tpu.memory_space<vmem_shared>> -> memref<640x128xf32, #tpu.memory_space<vmem_shared>>
      tpu.enqueue_dma source(%dma_start3A_288 : memref<640x128xf32, #tpu.memory_space<vmem_shared>>) target(%dma_start3A_286 : memref<640x128xf32, #tpu.memory_space<hbm>>) target_semaphore(%run_scoped3A_283 : memref<!tpu.dma_semaphore, #tpu.memory_space<semaphore_mem>>)
      %dma_wait3A_289 = arith.constant 0 : i32
      %dma_wait3A_290 = tpu.memref_slice %arg8[%arg0, %add3A_72, %dma_wait3A_289] : memref<2x40960x128xf32, #tpu.memory_space<hbm>> -> memref<1x640x128xf32, #tpu.memory_space<hbm>>
      %dma_wait3A_291 = tpu.memref_squeeze %dma_wait3A_290 : memref<1x640x128xf32, #tpu.memory_space<hbm>> -> memref<640x128xf32, #tpu.memory_space<hbm>>
      %dma_wait3A_292 = arith.constant 0 : i32
      %dma_wait3A_293 = tpu.memref_slice %arg14[%mul3A_68, %dma_wait3A_292] : memref<10240x128xf32, #tpu.memory_space<vmem_shared>> -> memref<640x128xf32, #tpu.memory_space<vmem_shared>>
      tpu.wait_dma2 semaphore(%run_scoped3A_283 : memref<!tpu.dma_semaphore, #tpu.memory_space<semaphore_mem>>) src(%dma_wait3A_293 : memref<640x128xf32, #tpu.memory_space<vmem_shared>>) dst(%dma_wait3A_291 : memref<640x128xf32, #tpu.memory_space<hbm>>)
      tpu.yield
    }) : () -> ()
    %mul3A_73 = arith.constant 640 : i32
    %mul3A_74 = arith.muli %arg1, %mul3A_73 : i32
    %add3A_75 = arith.constant 0 : i32
    %add3A_76 = arith.addi %mul3A_74, %add3A_75 : i32
    "tpu.region"() ({
      %run_scoped3A_283 = tpu.sem_alloc : memref<!tpu.dma_semaphore, #tpu.memory_space<semaphore_mem>>
      %dma_start3A_284 = arith.constant 0 : i32
      %dma_start3A_285 = tpu.memref_slice %arg14[%add3A_76, %dma_start3A_284] : memref<10240x128xf32, #tpu.memory_space<vmem_shared>> -> memref<64x128xf32, #tpu.memory_space<vmem_shared>>
      %dma_start3A_286 = arith.constant 0 : i32
      %dma_start3A_287 = tpu.memref_slice %arg14[%add3A_76, %dma_start3A_286] : memref<10240x128xf32, #tpu.memory_space<vmem_shared>> -> memref<64x128xf32, #tpu.memory_space<vmem_shared>>
      tpu.enqueue_dma source(%arg13 : memref<64x128xf32, #tpu.memory_space<vmem>>) target(%dma_start3A_287 : memref<64x128xf32, #tpu.memory_space<vmem_shared>>) target_semaphore(%run_scoped3A_283 : memref<!tpu.dma_semaphore, #tpu.memory_space<semaphore_mem>>)
      %dma_wait3A_288 = arith.constant 0 : i32
      %dma_wait3A_289 = tpu.memref_slice %arg14[%add3A_76, %dma_wait3A_288] : memref<10240x128xf32, #tpu.memory_space<vmem_shared>> -> memref<64x128xf32, #tpu.memory_space<vmem_shared>>
      %dma_wait3A_290 = arith.constant 0 : i32
      %dma_wait3A_291 = tpu.memref_slice %arg14[%add3A_76, %dma_wait3A_290] : memref<10240x128xf32, #tpu.memory_space<vmem_shared>> -> memref<64x128xf32, #tpu.memory_space<vmem_shared>>
      tpu.wait_dma2 semaphore(%run_scoped3A_283 : memref<!tpu.dma_semaphore, #tpu.memory_space<semaphore_mem>>) src(%arg13 : memref<64x128xf32, #tpu.memory_space<vmem>>) dst(%dma_wait3A_291 : memref<64x128xf32, #tpu.memory_space<vmem_shared>>)
      tpu.yield
    }) : () -> ()
    %mul3A_77 = arith.constant 640 : i32
    %mul3A_78 = arith.muli %arg1, %mul3A_77 : i32
    %add3A_79 = arith.constant 64 : i32
    %add3A_80 = arith.addi %mul3A_78, %add3A_79 : i32
    "tpu.region"() ({
      %run_scoped3A_283 = tpu.sem_alloc : memref<!tpu.dma_semaphore, #tpu.memory_space<semaphore_mem>>
      %dma_start3A_284 = arith.constant 0 : i32
      %dma_start3A_285 = tpu.memref_slice %arg14[%add3A_80, %dma_start3A_284] : memref<10240x128xf32, #tpu.memory_space<vmem_shared>> -> memref<64x128xf32, #tpu.memory_space<vmem_shared>>
      %dma_start3A_286 = arith.constant 0 : i32
      %dma_start3A_287 = tpu.memref_slice %arg14[%add3A_80, %dma_start3A_286] : memref<10240x128xf32, #tpu.memory_space<vmem_shared>> -> memref<64x128xf32, #tpu.memory_space<vmem_shared>>
      tpu.enqueue_dma source(%arg13 : memref<64x128xf32, #tpu.memory_space<vmem>>) target(%dma_start3A_287 : memref<64x128xf32, #tpu.memory_space<vmem_shared>>) target_semaphore(%run_scoped3A_283 : memref<!tpu.dma_semaphore, #tpu.memory_space<semaphore_mem>>)
      %dma_wait3A_288 = arith.constant 0 : i32
      %dma_wait3A_289 = tpu.memref_slice %arg14[%add3A_80, %dma_wait3A_288] : memref<10240x128xf32, #tpu.memory_space<vmem_shared>> -> memref<64x128xf32, #tpu.memory_space<vmem_shared>>
      %dma_wait3A_290 = arith.constant 0 : i32
      %dma_wait3A_291 = tpu.memref_slice %arg14[%add3A_80, %dma_wait3A_290] : memref<10240x128xf32, #tpu.memory_space<vmem_shared>> -> memref<64x128xf32, #tpu.memory_space<vmem_shared>>
      tpu.wait_dma2 semaphore(%run_scoped3A_283 : memref<!tpu.dma_semaphore, #tpu.memory_space<semaphore_mem>>) src(%arg13 : memref<64x128xf32, #tpu.memory_space<vmem>>) dst(%dma_wait3A_291 : memref<64x128xf32, #tpu.memory_space<vmem_shared>>)
      tpu.yield
    }) : () -> ()
    %mul3A_81 = arith.constant 640 : i32
    %mul3A_82 = arith.muli %arg1, %mul3A_81 : i32
    %add3A_83 = arith.constant 128 : i32
    %add3A_84 = arith.addi %mul3A_82, %add3A_83 : i32
    "tpu.region"() ({
      %run_scoped3A_283 = tpu.sem_alloc : memref<!tpu.dma_semaphore, #tpu.memory_space<semaphore_mem>>
      %dma_start3A_284 = arith.constant 0 : i32
      %dma_start3A_285 = tpu.memref_slice %arg14[%add3A_84, %dma_start3A_284] : memref<10240x128xf32, #tpu.memory_space<vmem_shared>> -> memref<64x128xf32, #tpu.memory_space<vmem_shared>>
      %dma_start3A_286 = arith.constant 0 : i32
      %dma_start3A_287 = tpu.memref_slice %arg14[%add3A_84, %dma_start3A_286] : memref<10240x128xf32, #tpu.memory_space<vmem_shared>> -> memref<64x128xf32, #tpu.memory_space<vmem_shared>>
      tpu.enqueue_dma source(%arg13 : memref<64x128xf32, #tpu.memory_space<vmem>>) target(%dma_start3A_287 : memref<64x128xf32, #tpu.memory_space<vmem_shared>>) target_semaphore(%run_scoped3A_283 : memref<!tpu.dma_semaphore, #tpu.memory_space<semaphore_mem>>)
      %dma_wait3A_288 = arith.constant 0 : i32
      %dma_wait3A_289 = tpu.memref_slice %arg14[%add3A_84, %dma_wait3A_288] : memref<10240x128xf32, #tpu.memory_space<vmem_shared>> -> memref<64x128xf32, #tpu.memory_space<vmem_shared>>
      %dma_wait3A_290 = arith.constant 0 : i32
      %dma_wait3A_291 = tpu.memref_slice %arg14[%add3A_84, %dma_wait3A_290] : memref<10240x128xf32, #tpu.memory_space<vmem_shared>> -> memref<64x128xf32, #tpu.memory_space<vmem_shared>>
      tpu.wait_dma2 semaphore(%run_scoped3A_283 : memref<!tpu.dma_semaphore, #tpu.memory_space<semaphore_mem>>) src(%arg13 : memref<64x128xf32, #tpu.memory_space<vmem>>) dst(%dma_wait3A_291 : memref<64x128xf32, #tpu.memory_space<vmem_shared>>)
      tpu.yield
    }) : () -> ()
    %mul3A_85 = arith.constant 640 : i32
    %mul3A_86 = arith.muli %arg1, %mul3A_85 : i32
    %add3A_87 = arith.constant 192 : i32
    %add3A_88 = arith.addi %mul3A_86, %add3A_87 : i32
    "tpu.region"() ({
      %run_scoped3A_283 = tpu.sem_alloc : memref<!tpu.dma_semaphore, #tpu.memory_space<semaphore_mem>>
      %dma_start3A_284 = arith.constant 0 : i32
      %dma_start3A_285 = tpu.memref_slice %arg14[%add3A_88, %dma_start3A_284] : memref<10240x128xf32, #tpu.memory_space<vmem_shared>> -> memref<64x128xf32, #tpu.memory_space<vmem_shared>>
      %dma_start3A_286 = arith.constant 0 : i32
      %dma_start3A_287 = tpu.memref_slice %arg14[%add3A_88, %dma_start3A_286] : memref<10240x128xf32, #tpu.memory_space<vmem_shared>> -> memref<64x128xf32, #tpu.memory_space<vmem_shared>>
      tpu.enqueue_dma source(%arg13 : memref<64x128xf32, #tpu.memory_space<vmem>>) target(%dma_start3A_287 : memref<64x128xf32, #tpu.memory_space<vmem_shared>>) target_semaphore(%run_scoped3A_283 : memref<!tpu.dma_semaphore, #tpu.memory_space<semaphore_mem>>)
      %dma_wait3A_288 = arith.constant 0 : i32
      %dma_wait3A_289 = tpu.memref_slice %arg14[%add3A_88, %dma_wait3A_288] : memref<10240x128xf32, #tpu.memory_space<vmem_shared>> -> memref<64x128xf32, #tpu.memory_space<vmem_shared>>
      %dma_wait3A_290 = arith.constant 0 : i32
      %dma_wait3A_291 = tpu.memref_slice %arg14[%add3A_88, %dma_wait3A_290] : memref<10240x128xf32, #tpu.memory_space<vmem_shared>> -> memref<64x128xf32, #tpu.memory_space<vmem_shared>>
      tpu.wait_dma2 semaphore(%run_scoped3A_283 : memref<!tpu.dma_semaphore, #tpu.memory_space<semaphore_mem>>) src(%arg13 : memref<64x128xf32, #tpu.memory_space<vmem>>) dst(%dma_wait3A_291 : memref<64x128xf32, #tpu.memory_space<vmem_shared>>)
      tpu.yield
    }) : () -> ()
    %mul3A_89 = arith.constant 640 : i32
    %mul3A_90 = arith.muli %arg1, %mul3A_89 : i32
    %add3A_91 = arith.constant 256 : i32
    %add3A_92 = arith.addi %mul3A_90, %add3A_91 : i32
    "tpu.region"() ({
      %run_scoped3A_283 = tpu.sem_alloc : memref<!tpu.dma_semaphore, #tpu.memory_space<semaphore_mem>>
      %dma_start3A_284 = arith.constant 0 : i32
      %dma_start3A_285 = tpu.memref_slice %arg14[%add3A_92, %dma_start3A_284] : memref<10240x128xf32, #tpu.memory_space<vmem_shared>> -> memref<64x128xf32, #tpu.memory_space<vmem_shared>>
      %dma_start3A_286 = arith.constant 0 : i32
      %dma_start3A_287 = tpu.memref_slice %arg14[%add3A_92, %dma_start3A_286] : memref<10240x128xf32, #tpu.memory_space<vmem_shared>> -> memref<64x128xf32, #tpu.memory_space<vmem_shared>>
      tpu.enqueue_dma source(%arg13 : memref<64x128xf32, #tpu.memory_space<vmem>>) target(%dma_start3A_287 : memref<64x128xf32, #tpu.memory_space<vmem_shared>>) target_semaphore(%run_scoped3A_283 : memref<!tpu.dma_semaphore, #tpu.memory_space<semaphore_mem>>)
      %dma_wait3A_288 = arith.constant 0 : i32
      %dma_wait3A_289 = tpu.memref_slice %arg14[%add3A_92, %dma_wait3A_288] : memref<10240x128xf32, #tpu.memory_space<vmem_shared>> -> memref<64x128xf32, #tpu.memory_space<vmem_shared>>
      %dma_wait3A_290 = arith.constant 0 : i32
      %dma_wait3A_291 = tpu.memref_slice %arg14[%add3A_92, %dma_wait3A_290] : memref<10240x128xf32, #tpu.memory_space<vmem_shared>> -> memref<64x128xf32, #tpu.memory_space<vmem_shared>>
      tpu.wait_dma2 semaphore(%run_scoped3A_283 : memref<!tpu.dma_semaphore, #tpu.memory_space<semaphore_mem>>) src(%arg13 : memref<64x128xf32, #tpu.memory_space<vmem>>) dst(%dma_wait3A_291 : memref<64x128xf32, #tpu.memory_space<vmem_shared>>)
      tpu.yield
    }) : () -> ()
    %mul3A_93 = arith.constant 640 : i32
    %mul3A_94 = arith.muli %arg1, %mul3A_93 : i32
    %add3A_95 = arith.constant 320 : i32
    %add3A_96 = arith.addi %mul3A_94, %add3A_95 : i32
    "tpu.region"() ({
      %run_scoped3A_283 = tpu.sem_alloc : memref<!tpu.dma_semaphore, #tpu.memory_space<semaphore_mem>>
      %dma_start3A_284 = arith.constant 0 : i32
      %dma_start3A_285 = tpu.memref_slice %arg14[%add3A_96, %dma_start3A_284] : memref<10240x128xf32, #tpu.memory_space<vmem_shared>> -> memref<64x128xf32, #tpu.memory_space<vmem_shared>>
      %dma_start3A_286 = arith.constant 0 : i32
      %dma_start3A_287 = tpu.memref_slice %arg14[%add3A_96, %dma_start3A_286] : memref<10240x128xf32, #tpu.memory_space<vmem_shared>> -> memref<64x128xf32, #tpu.memory_space<vmem_shared>>
      tpu.enqueue_dma source(%arg13 : memref<64x128xf32, #tpu.memory_space<vmem>>) target(%dma_start3A_287 : memref<64x128xf32, #tpu.memory_space<vmem_shared>>) target_semaphore(%run_scoped3A_283 : memref<!tpu.dma_semaphore, #tpu.memory_space<semaphore_mem>>)
      %dma_wait3A_288 = arith.constant 0 : i32
      %dma_wait3A_289 = tpu.memref_slice %arg14[%add3A_96, %dma_wait3A_288] : memref<10240x128xf32, #tpu.memory_space<vmem_shared>> -> memref<64x128xf32, #tpu.memory_space<vmem_shared>>
      %dma_wait3A_290 = arith.constant 0 : i32
      %dma_wait3A_291 = tpu.memref_slice %arg14[%add3A_96, %dma_wait3A_290] : memref<10240x128xf32, #tpu.memory_space<vmem_shared>> -> memref<64x128xf32, #tpu.memory_space<vmem_shared>>
      tpu.wait_dma2 semaphore(%run_scoped3A_283 : memref<!tpu.dma_semaphore, #tpu.memory_space<semaphore_mem>>) src(%arg13 : memref<64x128xf32, #tpu.memory_space<vmem>>) dst(%dma_wait3A_291 : memref<64x128xf32, #tpu.memory_space<vmem_shared>>)
      tpu.yield
    }) : () -> ()
    %mul3A_97 = arith.constant 640 : i32
    %mul3A_98 = arith.muli %arg1, %mul3A_97 : i32
    %add3A_99 = arith.constant 384 : i32
    %add3A_100 = arith.addi %mul3A_98, %add3A_99 : i32
    "tpu.region"() ({
      %run_scoped3A_283 = tpu.sem_alloc : memref<!tpu.dma_semaphore, #tpu.memory_space<semaphore_mem>>
      %dma_start3A_284 = arith.constant 0 : i32
      %dma_start3A_285 = tpu.memref_slice %arg14[%add3A_100, %dma_start3A_284] : memref<10240x128xf32, #tpu.memory_space<vmem_shared>> -> memref<64x128xf32, #tpu.memory_space<vmem_shared>>
      %dma_start3A_286 = arith.constant 0 : i32
      %dma_start3A_287 = tpu.memref_slice %arg14[%add3A_100, %dma_start3A_286] : memref<10240x128xf32, #tpu.memory_space<vmem_shared>> -> memref<64x128xf32, #tpu.memory_space<vmem_shared>>
      tpu.enqueue_dma source(%arg13 : memref<64x128xf32, #tpu.memory_space<vmem>>) target(%dma_start3A_287 : memref<64x128xf32, #tpu.memory_space<vmem_shared>>) target_semaphore(%run_scoped3A_283 : memref<!tpu.dma_semaphore, #tpu.memory_space<semaphore_mem>>)
      %dma_wait3A_288 = arith.constant 0 : i32
      %dma_wait3A_289 = tpu.memref_slice %arg14[%add3A_100, %dma_wait3A_288] : memref<10240x128xf32, #tpu.memory_space<vmem_shared>> -> memref<64x128xf32, #tpu.memory_space<vmem_shared>>
      %dma_wait3A_290 = arith.constant 0 : i32
      %dma_wait3A_291 = tpu.memref_slice %arg14[%add3A_100, %dma_wait3A_290] : memref<10240x128xf32, #tpu.memory_space<vmem_shared>> -> memref<64x128xf32, #tpu.memory_space<vmem_shared>>
      tpu.wait_dma2 semaphore(%run_scoped3A_283 : memref<!tpu.dma_semaphore, #tpu.memory_space<semaphore_mem>>) src(%arg13 : memref<64x128xf32, #tpu.memory_space<vmem>>) dst(%dma_wait3A_291 : memref<64x128xf32, #tpu.memory_space<vmem_shared>>)
      tpu.yield
    }) : () -> ()
    %mul3A_101 = arith.constant 640 : i32
    %mul3A_102 = arith.muli %arg1, %mul3A_101 : i32
    %add3A_103 = arith.constant 448 : i32
    %add3A_104 = arith.addi %mul3A_102, %add3A_103 : i32
    "tpu.region"() ({
      %run_scoped3A_283 = tpu.sem_alloc : memref<!tpu.dma_semaphore, #tpu.memory_space<semaphore_mem>>
      %dma_start3A_284 = arith.constant 0 : i32
      %dma_start3A_285 = tpu.memref_slice %arg14[%add3A_104, %dma_start3A_284] : memref<10240x128xf32, #tpu.memory_space<vmem_shared>> -> memref<64x128xf32, #tpu.memory_space<vmem_shared>>
      %dma_start3A_286 = arith.constant 0 : i32
      %dma_start3A_287 = tpu.memref_slice %arg14[%add3A_104, %dma_start3A_286] : memref<10240x128xf32, #tpu.memory_space<vmem_shared>> -> memref<64x128xf32, #tpu.memory_space<vmem_shared>>
      tpu.enqueue_dma source(%arg13 : memref<64x128xf32, #tpu.memory_space<vmem>>) target(%dma_start3A_287 : memref<64x128xf32, #tpu.memory_space<vmem_shared>>) target_semaphore(%run_scoped3A_283 : memref<!tpu.dma_semaphore, #tpu.memory_space<semaphore_mem>>)
      %dma_wait3A_288 = arith.constant 0 : i32
      %dma_wait3A_289 = tpu.memref_slice %arg14[%add3A_104, %dma_wait3A_288] : memref<10240x128xf32, #tpu.memory_space<vmem_shared>> -> memref<64x128xf32, #tpu.memory_space<vmem_shared>>
      %dma_wait3A_290 = arith.constant 0 : i32
      %dma_wait3A_291 = tpu.memref_slice %arg14[%add3A_104, %dma_wait3A_290] : memref<10240x128xf32, #tpu.memory_space<vmem_shared>> -> memref<64x128xf32, #tpu.memory_space<vmem_shared>>
      tpu.wait_dma2 semaphore(%run_scoped3A_283 : memref<!tpu.dma_semaphore, #tpu.memory_space<semaphore_mem>>) src(%arg13 : memref<64x128xf32, #tpu.memory_space<vmem>>) dst(%dma_wait3A_291 : memref<64x128xf32, #tpu.memory_space<vmem_shared>>)
      tpu.yield
    }) : () -> ()
    %mul3A_105 = arith.constant 640 : i32
    %mul3A_106 = arith.muli %arg1, %mul3A_105 : i32
    %add3A_107 = arith.constant 512 : i32
    %add3A_108 = arith.addi %mul3A_106, %add3A_107 : i32
    "tpu.region"() ({
      %run_scoped3A_283 = tpu.sem_alloc : memref<!tpu.dma_semaphore, #tpu.memory_space<semaphore_mem>>
      %dma_start3A_284 = arith.constant 0 : i32
      %dma_start3A_285 = tpu.memref_slice %arg14[%add3A_108, %dma_start3A_284] : memref<10240x128xf32, #tpu.memory_space<vmem_shared>> -> memref<64x128xf32, #tpu.memory_space<vmem_shared>>
      %dma_start3A_286 = arith.constant 0 : i32
      %dma_start3A_287 = tpu.memref_slice %arg14[%add3A_108, %dma_start3A_286] : memref<10240x128xf32, #tpu.memory_space<vmem_shared>> -> memref<64x128xf32, #tpu.memory_space<vmem_shared>>
      tpu.enqueue_dma source(%arg13 : memref<64x128xf32, #tpu.memory_space<vmem>>) target(%dma_start3A_287 : memref<64x128xf32, #tpu.memory_space<vmem_shared>>) target_semaphore(%run_scoped3A_283 : memref<!tpu.dma_semaphore, #tpu.memory_space<semaphore_mem>>)
      %dma_wait3A_288 = arith.constant 0 : i32
      %dma_wait3A_289 = tpu.memref_slice %arg14[%add3A_108, %dma_wait3A_288] : memref<10240x128xf32, #tpu.memory_space<vmem_shared>> -> memref<64x128xf32, #tpu.memory_space<vmem_shared>>
      %dma_wait3A_290 = arith.constant 0 : i32
      %dma_wait3A_291 = tpu.memref_slice %arg14[%add3A_108, %dma_wait3A_290] : memref<10240x128xf32, #tpu.memory_space<vmem_shared>> -> memref<64x128xf32, #tpu.memory_space<vmem_shared>>
      tpu.wait_dma2 semaphore(%run_scoped3A_283 : memref<!tpu.dma_semaphore, #tpu.memory_space<semaphore_mem>>) src(%arg13 : memref<64x128xf32, #tpu.memory_space<vmem>>) dst(%dma_wait3A_291 : memref<64x128xf32, #tpu.memory_space<vmem_shared>>)
      tpu.yield
    }) : () -> ()
    %mul3A_109 = arith.constant 640 : i32
    %mul3A_110 = arith.muli %arg1, %mul3A_109 : i32
    %add3A_111 = arith.constant 576 : i32
    %add3A_112 = arith.addi %mul3A_110, %add3A_111 : i32
    "tpu.region"() ({
      %run_scoped3A_283 = tpu.sem_alloc : memref<!tpu.dma_semaphore, #tpu.memory_space<semaphore_mem>>
      %dma_start3A_284 = arith.constant 0 : i32
      %dma_start3A_285 = tpu.memref_slice %arg14[%add3A_112, %dma_start3A_284] : memref<10240x128xf32, #tpu.memory_space<vmem_shared>> -> memref<64x128xf32, #tpu.memory_space<vmem_shared>>
      %dma_start3A_286 = arith.constant 0 : i32
      %dma_start3A_287 = tpu.memref_slice %arg14[%add3A_112, %dma_start3A_286] : memref<10240x128xf32, #tpu.memory_space<vmem_shared>> -> memref<64x128xf32, #tpu.memory_space<vmem_shared>>
      tpu.enqueue_dma source(%arg13 : memref<64x128xf32, #tpu.memory_space<vmem>>) target(%dma_start3A_287 : memref<64x128xf32, #tpu.memory_space<vmem_shared>>) target_semaphore(%run_scoped3A_283 : memref<!tpu.dma_semaphore, #tpu.memory_space<semaphore_mem>>)
      %dma_wait3A_288 = arith.constant 0 : i32
      %dma_wait3A_289 = tpu.memref_slice %arg14[%add3A_112, %dma_wait3A_288] : memref<10240x128xf32, #tpu.memory_space<vmem_shared>> -> memref<64x128xf32, #tpu.memory_space<vmem_shared>>
      %dma_wait3A_290 = arith.constant 0 : i32
      %dma_wait3A_291 = tpu.memref_slice %arg14[%add3A_112, %dma_wait3A_290] : memref<10240x128xf32, #tpu.memory_space<vmem_shared>> -> memref<64x128xf32, #tpu.memory_space<vmem_shared>>
      tpu.wait_dma2 semaphore(%run_scoped3A_283 : memref<!tpu.dma_semaphore, #tpu.memory_space<semaphore_mem>>) src(%arg13 : memref<64x128xf32, #tpu.memory_space<vmem>>) dst(%dma_wait3A_291 : memref<64x128xf32, #tpu.memory_space<vmem_shared>>)
      tpu.yield
    }) : () -> ()
    %barrier3A_113 = arith.constant 0 : index
    tpu.barrier barrier_id(%barrier3A_113)
    %dma_start3A_114 = arith.constant 0 : i32
    %dma_start3A_115 = arith.constant 0 : i32
    %dma_start3A_116 = tpu.memref_slice %arg9[%dma_start3A_114, %dma_start3A_115] : memref<125x80xi32, #tpu.memory_space<vmem>> -> memref<1x80xi32, #tpu.memory_space<vmem>>
    %dma_start3A_117 = tpu.memref_squeeze %dma_start3A_116 : memref<1x80xi32, #tpu.memory_space<vmem>> -> memref<80xi32, #tpu.memory_space<vmem>>
    %dma_start3A_118 = arith.constant 0 : i32
    %dma_start3A_119 = arith.constant 0 : i32
    %dma_start3A_120 = tpu.memref_slice %arg5[%dma_start3A_118, %dma_start3A_119] : memref<10000x128xf32, #tpu.memory_space<hbm>> -> memref<10000x128xf32, #tpu.memory_space<hbm>>
    tpu.enqueue_indirect_dma source(%dma_start3A_120 : memref<10000x128xf32, #tpu.memory_space<hbm>>) target(%arg11 : memref<80x128xf32, #tpu.memory_space<vmem>>) offsets(%dma_start3A_117 : memref<80xi32, #tpu.memory_space<vmem>>) semaphore(%arg15 : memref<!tpu.dma_semaphore, #tpu.memory_space<semaphore_mem>>)
    %scan3A_121 = arith.constant 0 : i32
    %scan3A_122 = arith.constant 0 : i32
    %scan3A_123 = arith.constant 62 : i32
    %scan3A_124 = arith.addi %scan3A_122, %scan3A_123 : i32
    %scan3A_125 = arith.constant 1 : i32
    %scan3A_126 = scf.for %scan3A_283 = %scan3A_122 to %scan3A_124 step %scan3A_125 iter_args(%scan3A_284 = %scan3A_121) -> (i32)  : i32 {
      %mul3A_285 = arith.constant 2 : i32
      %mul3A_286 = arith.muli %mul3A_285, %scan3A_283 : i32
      %mul3A_287 = arith.constant 2 : i32
      %mul3A_288 = arith.muli %mul3A_287, %scan3A_283 : i32
      %add3A_289 = arith.constant 1 : i32
      %add3A_290 = arith.addi %mul3A_288, %add3A_289 : i32
      %dma_wait3A_291 = arith.constant 0 : i32
      %dma_wait3A_292 = tpu.memref_slice %arg9[%mul3A_286, %dma_wait3A_291] : memref<125x80xi32, #tpu.memory_space<vmem>> -> memref<1x80xi32, #tpu.memory_space<vmem>>
      %dma_wait3A_293 = tpu.memref_squeeze %dma_wait3A_292 : memref<1x80xi32, #tpu.memory_space<vmem>> -> memref<80xi32, #tpu.memory_space<vmem>>
      %dma_wait3A_294 = arith.constant 0 : i32
      %dma_wait3A_295 = arith.constant 0 : i32
      %dma_wait3A_296 = tpu.memref_slice %arg5[%dma_wait3A_294, %dma_wait3A_295] : memref<10000x128xf32, #tpu.memory_space<hbm>> -> memref<10000x128xf32, #tpu.memory_space<hbm>>
      tpu.wait_indirect_dma semaphore(%arg15 : memref<!tpu.dma_semaphore, #tpu.memory_space<semaphore_mem>>) src(%dma_wait3A_296 : memref<10000x128xf32, #tpu.memory_space<hbm>>) dst(%arg11 : memref<80x128xf32, #tpu.memory_space<vmem>>)
      %dma_start3A_297 = arith.constant 0 : i32
      %dma_start3A_298 = tpu.memref_slice %arg9[%add3A_290, %dma_start3A_297] : memref<125x80xi32, #tpu.memory_space<vmem>> -> memref<1x80xi32, #tpu.memory_space<vmem>>
      %dma_start3A_299 = tpu.memref_squeeze %dma_start3A_298 : memref<1x80xi32, #tpu.memory_space<vmem>> -> memref<80xi32, #tpu.memory_space<vmem>>
      %dma_start3A_300 = arith.constant 0 : i32
      %dma_start3A_301 = arith.constant 0 : i32
      %dma_start3A_302 = tpu.memref_slice %arg5[%dma_start3A_300, %dma_start3A_301] : memref<10000x128xf32, #tpu.memory_space<hbm>> -> memref<10000x128xf32, #tpu.memory_space<hbm>>
      tpu.enqueue_indirect_dma source(%dma_start3A_302 : memref<10000x128xf32, #tpu.memory_space<hbm>>) target(%arg12 : memref<80x128xf32, #tpu.memory_space<vmem>>) offsets(%dma_start3A_299 : memref<80xi32, #tpu.memory_space<vmem>>) semaphore(%arg16 : memref<!tpu.dma_semaphore, #tpu.memory_space<semaphore_mem>>)
      "tpu.region"() ({
        %run_scoped3A_318 = tpu.sem_alloc : memref<!tpu.dma_semaphore, #tpu.memory_space<semaphore_mem>>
        %dma_start3A_319 = arith.constant 0 : i32
        %dma_start3A_320 = tpu.memref_slice %arg10[%mul3A_286, %dma_start3A_319] : memref<125x80xi32, #tpu.memory_space<vmem>> -> memref<1x80xi32, #tpu.memory_space<vmem>>
        %dma_start3A_321 = tpu.memref_squeeze %dma_start3A_320 : memref<1x80xi32, #tpu.memory_space<vmem>> -> memref<80xi32, #tpu.memory_space<vmem>>
        %dma_start3A_322 = arith.constant 0 : i32
        %dma_start3A_323 = arith.constant 0 : i32
        %dma_start3A_324 = tpu.memref_slice %arg14[%dma_start3A_322, %dma_start3A_323] : memref<10240x128xf32, #tpu.memory_space<vmem_shared>> -> memref<10240x128xf32, #tpu.memory_space<vmem_shared>>
        tpu.enqueue_indirect_dma source(%arg11 : memref<80x128xf32, #tpu.memory_space<vmem>>) target(%dma_start3A_324 : memref<10240x128xf32, #tpu.memory_space<vmem_shared>>) offsets(%dma_start3A_321 : memref<80xi32, #tpu.memory_space<vmem>>) semaphore(%run_scoped3A_318 : memref<!tpu.dma_semaphore, #tpu.memory_space<semaphore_mem>>) {add = true}
        %dma_wait3A_325 = arith.constant 0 : i32
        %dma_wait3A_326 = tpu.memref_slice %arg10[%mul3A_286, %dma_wait3A_325] : memref<125x80xi32, #tpu.memory_space<vmem>> -> memref<1x80xi32, #tpu.memory_space<vmem>>
        %dma_wait3A_327 = tpu.memref_squeeze %dma_wait3A_326 : memref<1x80xi32, #tpu.memory_space<vmem>> -> memref<80xi32, #tpu.memory_space<vmem>>
        %dma_wait3A_328 = arith.constant 0 : i32
        %dma_wait3A_329 = arith.constant 0 : i32
        %dma_wait3A_330 = tpu.memref_slice %arg14[%dma_wait3A_328, %dma_wait3A_329] : memref<10240x128xf32, #tpu.memory_space<vmem_shared>> -> memref<10240x128xf32, #tpu.memory_space<vmem_shared>>
        tpu.wait_indirect_dma semaphore(%run_scoped3A_318 : memref<!tpu.dma_semaphore, #tpu.memory_space<semaphore_mem>>) src(%arg11 : memref<80x128xf32, #tpu.memory_space<vmem>>) dst(%dma_wait3A_330 : memref<10240x128xf32, #tpu.memory_space<vmem_shared>>)
        tpu.yield
      }) : () -> ()
      %dma_wait3A_303 = arith.constant 0 : i32
      %dma_wait3A_304 = tpu.memref_slice %arg9[%add3A_290, %dma_wait3A_303] : memref<125x80xi32, #tpu.memory_space<vmem>> -> memref<1x80xi32, #tpu.memory_space<vmem>>
      %dma_wait3A_305 = tpu.memref_squeeze %dma_wait3A_304 : memref<1x80xi32, #tpu.memory_space<vmem>> -> memref<80xi32, #tpu.memory_space<vmem>>
      %dma_wait3A_306 = arith.constant 0 : i32
      %dma_wait3A_307 = arith.constant 0 : i32
      %dma_wait3A_308 = tpu.memref_slice %arg5[%dma_wait3A_306, %dma_wait3A_307] : memref<10000x128xf32, #tpu.memory_space<hbm>> -> memref<10000x128xf32, #tpu.memory_space<hbm>>
      tpu.wait_indirect_dma semaphore(%arg16 : memref<!tpu.dma_semaphore, #tpu.memory_space<semaphore_mem>>) src(%dma_wait3A_308 : memref<10000x128xf32, #tpu.memory_space<hbm>>) dst(%arg12 : memref<80x128xf32, #tpu.memory_space<vmem>>)
      %add3A_309 = arith.constant 1 : i32
      %add3A_310 = arith.addi %add3A_290, %add3A_309 : i32
      %dma_start3A_311 = arith.constant 0 : i32
      %dma_start3A_312 = tpu.memref_slice %arg9[%add3A_310, %dma_start3A_311] : memref<125x80xi32, #tpu.memory_space<vmem>> -> memref<1x80xi32, #tpu.memory_space<vmem>>
      %dma_start3A_313 = tpu.memref_squeeze %dma_start3A_312 : memref<1x80xi32, #tpu.memory_space<vmem>> -> memref<80xi32, #tpu.memory_space<vmem>>
      %dma_start3A_314 = arith.constant 0 : i32
      %dma_start3A_315 = arith.constant 0 : i32
      %dma_start3A_316 = tpu.memref_slice %arg5[%dma_start3A_314, %dma_start3A_315] : memref<10000x128xf32, #tpu.memory_space<hbm>> -> memref<10000x128xf32, #tpu.memory_space<hbm>>
      tpu.enqueue_indirect_dma source(%dma_start3A_316 : memref<10000x128xf32, #tpu.memory_space<hbm>>) target(%arg11 : memref<80x128xf32, #tpu.memory_space<vmem>>) offsets(%dma_start3A_313 : memref<80xi32, #tpu.memory_space<vmem>>) semaphore(%arg15 : memref<!tpu.dma_semaphore, #tpu.memory_space<semaphore_mem>>)
      "tpu.region"() ({
        %run_scoped3A_318 = tpu.sem_alloc : memref<!tpu.dma_semaphore, #tpu.memory_space<semaphore_mem>>
        %dma_start3A_319 = arith.constant 0 : i32
        %dma_start3A_320 = tpu.memref_slice %arg10[%add3A_290, %dma_start3A_319] : memref<125x80xi32, #tpu.memory_space<vmem>> -> memref<1x80xi32, #tpu.memory_space<vmem>>
        %dma_start3A_321 = tpu.memref_squeeze %dma_start3A_320 : memref<1x80xi32, #tpu.memory_space<vmem>> -> memref<80xi32, #tpu.memory_space<vmem>>
        %dma_start3A_322 = arith.constant 0 : i32
        %dma_start3A_323 = arith.constant 0 : i32
        %dma_start3A_324 = tpu.memref_slice %arg14[%dma_start3A_322, %dma_start3A_323] : memref<10240x128xf32, #tpu.memory_space<vmem_shared>> -> memref<10240x128xf32, #tpu.memory_space<vmem_shared>>
        tpu.enqueue_indirect_dma source(%arg12 : memref<80x128xf32, #tpu.memory_space<vmem>>) target(%dma_start3A_324 : memref<10240x128xf32, #tpu.memory_space<vmem_shared>>) offsets(%dma_start3A_321 : memref<80xi32, #tpu.memory_space<vmem>>) semaphore(%run_scoped3A_318 : memref<!tpu.dma_semaphore, #tpu.memory_space<semaphore_mem>>) {add = true}
        %dma_wait3A_325 = arith.constant 0 : i32
        %dma_wait3A_326 = tpu.memref_slice %arg10[%add3A_290, %dma_wait3A_325] : memref<125x80xi32, #tpu.memory_space<vmem>> -> memref<1x80xi32, #tpu.memory_space<vmem>>
        %dma_wait3A_327 = tpu.memref_squeeze %dma_wait3A_326 : memref<1x80xi32, #tpu.memory_space<vmem>> -> memref<80xi32, #tpu.memory_space<vmem>>
        %dma_wait3A_328 = arith.constant 0 : i32
        %dma_wait3A_329 = arith.constant 0 : i32
        %dma_wait3A_330 = tpu.memref_slice %arg14[%dma_wait3A_328, %dma_wait3A_329] : memref<10240x128xf32, #tpu.memory_space<vmem_shared>> -> memref<10240x128xf32, #tpu.memory_space<vmem_shared>>
        tpu.wait_indirect_dma semaphore(%run_scoped3A_318 : memref<!tpu.dma_semaphore, #tpu.memory_space<semaphore_mem>>) src(%arg12 : memref<80x128xf32, #tpu.memory_space<vmem>>) dst(%dma_wait3A_330 : memref<10240x128xf32, #tpu.memory_space<vmem_shared>>)
        tpu.yield
      }) : () -> ()
      %scan3A_317 = arith.constant 0 : i32
      scf.yield %scan3A_317 : i32
    }
    %scan3A_127 = arith.constant 62 : i32
    %dma_wait3A_128 = arith.constant 124 : i32
    %dma_wait3A_129 = arith.constant 0 : i32
    %dma_wait3A_130 = tpu.memref_slice %arg9[%dma_wait3A_128, %dma_wait3A_129] : memref<125x80xi32, #tpu.memory_space<vmem>> -> memref<1x80xi32, #tpu.memory_space<vmem>>
    %dma_wait3A_131 = tpu.memref_squeeze %dma_wait3A_130 : memref<1x80xi32, #tpu.memory_space<vmem>> -> memref<80xi32, #tpu.memory_space<vmem>>
    %dma_wait3A_132 = arith.constant 0 : i32
    %dma_wait3A_133 = arith.constant 0 : i32
    %dma_wait3A_134 = tpu.memref_slice %arg5[%dma_wait3A_132, %dma_wait3A_133] : memref<10000x128xf32, #tpu.memory_space<hbm>> -> memref<10000x128xf32, #tpu.memory_space<hbm>>
    tpu.wait_indirect_dma semaphore(%arg15 : memref<!tpu.dma_semaphore, #tpu.memory_space<semaphore_mem>>) src(%dma_wait3A_134 : memref<10000x128xf32, #tpu.memory_space<hbm>>) dst(%arg11 : memref<80x128xf32, #tpu.memory_space<vmem>>)
    %run_scoped3A_135 = arith.constant 124 : i32
    "tpu.region"() ({
      %run_scoped3A_283 = tpu.sem_alloc : memref<!tpu.dma_semaphore, #tpu.memory_space<semaphore_mem>>
      %dma_start3A_284 = arith.constant 0 : i32
      %dma_start3A_285 = tpu.memref_slice %arg10[%run_scoped3A_135, %dma_start3A_284] : memref<125x80xi32, #tpu.memory_space<vmem>> -> memref<1x80xi32, #tpu.memory_space<vmem>>
      %dma_start3A_286 = tpu.memref_squeeze %dma_start3A_285 : memref<1x80xi32, #tpu.memory_space<vmem>> -> memref<80xi32, #tpu.memory_space<vmem>>
      %dma_start3A_287 = arith.constant 0 : i32
      %dma_start3A_288 = arith.constant 0 : i32
      %dma_start3A_289 = tpu.memref_slice %arg14[%dma_start3A_287, %dma_start3A_288] : memref<10240x128xf32, #tpu.memory_space<vmem_shared>> -> memref<10240x128xf32, #tpu.memory_space<vmem_shared>>
      tpu.enqueue_indirect_dma source(%arg11 : memref<80x128xf32, #tpu.memory_space<vmem>>) target(%dma_start3A_289 : memref<10240x128xf32, #tpu.memory_space<vmem_shared>>) offsets(%dma_start3A_286 : memref<80xi32, #tpu.memory_space<vmem>>) semaphore(%run_scoped3A_283 : memref<!tpu.dma_semaphore, #tpu.memory_space<semaphore_mem>>) {add = true}
      %dma_wait3A_290 = arith.constant 0 : i32
      %dma_wait3A_291 = tpu.memref_slice %arg10[%run_scoped3A_135, %dma_wait3A_290] : memref<125x80xi32, #tpu.memory_space<vmem>> -> memref<1x80xi32, #tpu.memory_space<vmem>>
      %dma_wait3A_292 = tpu.memref_squeeze %dma_wait3A_291 : memref<1x80xi32, #tpu.memory_space<vmem>> -> memref<80xi32, #tpu.memory_space<vmem>>
      %dma_wait3A_293 = arith.constant 0 : i32
      %dma_wait3A_294 = arith.constant 0 : i32
      %dma_wait3A_295 = tpu.memref_slice %arg14[%dma_wait3A_293, %dma_wait3A_294] : memref<10240x128xf32, #tpu.memory_space<vmem_shared>> -> memref<10240x128xf32, #tpu.memory_space<vmem_shared>>
      tpu.wait_indirect_dma semaphore(%run_scoped3A_283 : memref<!tpu.dma_semaphore, #tpu.memory_space<semaphore_mem>>) src(%arg11 : memref<80x128xf32, #tpu.memory_space<vmem>>) dst(%dma_wait3A_295 : memref<10240x128xf32, #tpu.memory_space<vmem_shared>>)
      tpu.yield
    }) : () -> ()
    %barrier3A_136 = arith.constant 0 : index
    tpu.barrier barrier_id(%barrier3A_136)
    %mul3A_137 = arith.constant 640 : i32
    %mul3A_138 = arith.muli %arg1, %mul3A_137 : i32
    %mul3A_139 = arith.constant 640 : i32
    %mul3A_140 = arith.muli %arg1, %mul3A_139 : i32
    %add3A_141 = arith.constant 10240 : i32
    %add3A_142 = arith.addi %add3A_141, %mul3A_140 : i32
    "tpu.region"() ({
      %run_scoped3A_283 = tpu.sem_alloc : memref<!tpu.dma_semaphore, #tpu.memory_space<semaphore_mem>>
      %dma_start3A_284 = arith.constant 0 : i32
      %dma_start3A_285 = tpu.memref_slice %arg8[%arg0, %add3A_142, %dma_start3A_284] : memref<2x40960x128xf32, #tpu.memory_space<hbm>> -> memref<1x640x128xf32, #tpu.memory_space<hbm>>
      %dma_start3A_286 = tpu.memref_squeeze %dma_start3A_285 : memref<1x640x128xf32, #tpu.memory_space<hbm>> -> memref<640x128xf32, #tpu.memory_space<hbm>>
      %dma_start3A_287 = arith.constant 0 : i32
      %dma_start3A_288 = tpu.memref_slice %arg14[%mul3A_138, %dma_start3A_287] : memref<10240x128xf32, #tpu.memory_space<vmem_shared>> -> memref<640x128xf32, #tpu.memory_space<vmem_shared>>
      tpu.enqueue_dma source(%dma_start3A_288 : memref<640x128xf32, #tpu.memory_space<vmem_shared>>) target(%dma_start3A_286 : memref<640x128xf32, #tpu.memory_space<hbm>>) target_semaphore(%run_scoped3A_283 : memref<!tpu.dma_semaphore, #tpu.memory_space<semaphore_mem>>)
      %dma_wait3A_289 = arith.constant 0 : i32
      %dma_wait3A_290 = tpu.memref_slice %arg8[%arg0, %add3A_142, %dma_wait3A_289] : memref<2x40960x128xf32, #tpu.memory_space<hbm>> -> memref<1x640x128xf32, #tpu.memory_space<hbm>>
      %dma_wait3A_291 = tpu.memref_squeeze %dma_wait3A_290 : memref<1x640x128xf32, #tpu.memory_space<hbm>> -> memref<640x128xf32, #tpu.memory_space<hbm>>
      %dma_wait3A_292 = arith.constant 0 : i32
      %dma_wait3A_293 = tpu.memref_slice %arg14[%mul3A_138, %dma_wait3A_292] : memref<10240x128xf32, #tpu.memory_space<vmem_shared>> -> memref<640x128xf32, #tpu.memory_space<vmem_shared>>
      tpu.wait_dma2 semaphore(%run_scoped3A_283 : memref<!tpu.dma_semaphore, #tpu.memory_space<semaphore_mem>>) src(%dma_wait3A_293 : memref<640x128xf32, #tpu.memory_space<vmem_shared>>) dst(%dma_wait3A_291 : memref<640x128xf32, #tpu.memory_space<hbm>>)
      tpu.yield
    }) : () -> ()
    %mul3A_143 = arith.constant 640 : i32
    %mul3A_144 = arith.muli %arg1, %mul3A_143 : i32
    %add3A_145 = arith.constant 0 : i32
    %add3A_146 = arith.addi %mul3A_144, %add3A_145 : i32
    "tpu.region"() ({
      %run_scoped3A_283 = tpu.sem_alloc : memref<!tpu.dma_semaphore, #tpu.memory_space<semaphore_mem>>
      %dma_start3A_284 = arith.constant 0 : i32
      %dma_start3A_285 = tpu.memref_slice %arg14[%add3A_146, %dma_start3A_284] : memref<10240x128xf32, #tpu.memory_space<vmem_shared>> -> memref<64x128xf32, #tpu.memory_space<vmem_shared>>
      %dma_start3A_286 = arith.constant 0 : i32
      %dma_start3A_287 = tpu.memref_slice %arg14[%add3A_146, %dma_start3A_286] : memref<10240x128xf32, #tpu.memory_space<vmem_shared>> -> memref<64x128xf32, #tpu.memory_space<vmem_shared>>
      tpu.enqueue_dma source(%arg13 : memref<64x128xf32, #tpu.memory_space<vmem>>) target(%dma_start3A_287 : memref<64x128xf32, #tpu.memory_space<vmem_shared>>) target_semaphore(%run_scoped3A_283 : memref<!tpu.dma_semaphore, #tpu.memory_space<semaphore_mem>>)
      %dma_wait3A_288 = arith.constant 0 : i32
      %dma_wait3A_289 = tpu.memref_slice %arg14[%add3A_146, %dma_wait3A_288] : memref<10240x128xf32, #tpu.memory_space<vmem_shared>> -> memref<64x128xf32, #tpu.memory_space<vmem_shared>>
      %dma_wait3A_290 = arith.constant 0 : i32
      %dma_wait3A_291 = tpu.memref_slice %arg14[%add3A_146, %dma_wait3A_290] : memref<10240x128xf32, #tpu.memory_space<vmem_shared>> -> memref<64x128xf32, #tpu.memory_space<vmem_shared>>
      tpu.wait_dma2 semaphore(%run_scoped3A_283 : memref<!tpu.dma_semaphore, #tpu.memory_space<semaphore_mem>>) src(%arg13 : memref<64x128xf32, #tpu.memory_space<vmem>>) dst(%dma_wait3A_291 : memref<64x128xf32, #tpu.memory_space<vmem_shared>>)
      tpu.yield
    }) : () -> ()
    %mul3A_147 = arith.constant 640 : i32
    %mul3A_148 = arith.muli %arg1, %mul3A_147 : i32
    %add3A_149 = arith.constant 64 : i32
    %add3A_150 = arith.addi %mul3A_148, %add3A_149 : i32
    "tpu.region"() ({
      %run_scoped3A_283 = tpu.sem_alloc : memref<!tpu.dma_semaphore, #tpu.memory_space<semaphore_mem>>
      %dma_start3A_284 = arith.constant 0 : i32
      %dma_start3A_285 = tpu.memref_slice %arg14[%add3A_150, %dma_start3A_284] : memref<10240x128xf32, #tpu.memory_space<vmem_shared>> -> memref<64x128xf32, #tpu.memory_space<vmem_shared>>
      %dma_start3A_286 = arith.constant 0 : i32
      %dma_start3A_287 = tpu.memref_slice %arg14[%add3A_150, %dma_start3A_286] : memref<10240x128xf32, #tpu.memory_space<vmem_shared>> -> memref<64x128xf32, #tpu.memory_space<vmem_shared>>
      tpu.enqueue_dma source(%arg13 : memref<64x128xf32, #tpu.memory_space<vmem>>) target(%dma_start3A_287 : memref<64x128xf32, #tpu.memory_space<vmem_shared>>) target_semaphore(%run_scoped3A_283 : memref<!tpu.dma_semaphore, #tpu.memory_space<semaphore_mem>>)
      %dma_wait3A_288 = arith.constant 0 : i32
      %dma_wait3A_289 = tpu.memref_slice %arg14[%add3A_150, %dma_wait3A_288] : memref<10240x128xf32, #tpu.memory_space<vmem_shared>> -> memref<64x128xf32, #tpu.memory_space<vmem_shared>>
      %dma_wait3A_290 = arith.constant 0 : i32
      %dma_wait3A_291 = tpu.memref_slice %arg14[%add3A_150, %dma_wait3A_290] : memref<10240x128xf32, #tpu.memory_space<vmem_shared>> -> memref<64x128xf32, #tpu.memory_space<vmem_shared>>
      tpu.wait_dma2 semaphore(%run_scoped3A_283 : memref<!tpu.dma_semaphore, #tpu.memory_space<semaphore_mem>>) src(%arg13 : memref<64x128xf32, #tpu.memory_space<vmem>>) dst(%dma_wait3A_291 : memref<64x128xf32, #tpu.memory_space<vmem_shared>>)
      tpu.yield
    }) : () -> ()
    %mul3A_151 = arith.constant 640 : i32
    %mul3A_152 = arith.muli %arg1, %mul3A_151 : i32
    %add3A_153 = arith.constant 128 : i32
    %add3A_154 = arith.addi %mul3A_152, %add3A_153 : i32
    "tpu.region"() ({
      %run_scoped3A_283 = tpu.sem_alloc : memref<!tpu.dma_semaphore, #tpu.memory_space<semaphore_mem>>
      %dma_start3A_284 = arith.constant 0 : i32
      %dma_start3A_285 = tpu.memref_slice %arg14[%add3A_154, %dma_start3A_284] : memref<10240x128xf32, #tpu.memory_space<vmem_shared>> -> memref<64x128xf32, #tpu.memory_space<vmem_shared>>
      %dma_start3A_286 = arith.constant 0 : i32
      %dma_start3A_287 = tpu.memref_slice %arg14[%add3A_154, %dma_start3A_286] : memref<10240x128xf32, #tpu.memory_space<vmem_shared>> -> memref<64x128xf32, #tpu.memory_space<vmem_shared>>
      tpu.enqueue_dma source(%arg13 : memref<64x128xf32, #tpu.memory_space<vmem>>) target(%dma_start3A_287 : memref<64x128xf32, #tpu.memory_space<vmem_shared>>) target_semaphore(%run_scoped3A_283 : memref<!tpu.dma_semaphore, #tpu.memory_space<semaphore_mem>>)
      %dma_wait3A_288 = arith.constant 0 : i32
      %dma_wait3A_289 = tpu.memref_slice %arg14[%add3A_154, %dma_wait3A_288] : memref<10240x128xf32, #tpu.memory_space<vmem_shared>> -> memref<64x128xf32, #tpu.memory_space<vmem_shared>>
      %dma_wait3A_290 = arith.constant 0 : i32
      %dma_wait3A_291 = tpu.memref_slice %arg14[%add3A_154, %dma_wait3A_290] : memref<10240x128xf32, #tpu.memory_space<vmem_shared>> -> memref<64x128xf32, #tpu.memory_space<vmem_shared>>
      tpu.wait_dma2 semaphore(%run_scoped3A_283 : memref<!tpu.dma_semaphore, #tpu.memory_space<semaphore_mem>>) src(%arg13 : memref<64x128xf32, #tpu.memory_space<vmem>>) dst(%dma_wait3A_291 : memref<64x128xf32, #tpu.memory_space<vmem_shared>>)
      tpu.yield
    }) : () -> ()
    %mul3A_155 = arith.constant 640 : i32
    %mul3A_156 = arith.muli %arg1, %mul3A_155 : i32
    %add3A_157 = arith.constant 192 : i32
    %add3A_158 = arith.addi %mul3A_156, %add3A_157 : i32
    "tpu.region"() ({
      %run_scoped3A_283 = tpu.sem_alloc : memref<!tpu.dma_semaphore, #tpu.memory_space<semaphore_mem>>
      %dma_start3A_284 = arith.constant 0 : i32
      %dma_start3A_285 = tpu.memref_slice %arg14[%add3A_158, %dma_start3A_284] : memref<10240x128xf32, #tpu.memory_space<vmem_shared>> -> memref<64x128xf32, #tpu.memory_space<vmem_shared>>
      %dma_start3A_286 = arith.constant 0 : i32
      %dma_start3A_287 = tpu.memref_slice %arg14[%add3A_158, %dma_start3A_286] : memref<10240x128xf32, #tpu.memory_space<vmem_shared>> -> memref<64x128xf32, #tpu.memory_space<vmem_shared>>
      tpu.enqueue_dma source(%arg13 : memref<64x128xf32, #tpu.memory_space<vmem>>) target(%dma_start3A_287 : memref<64x128xf32, #tpu.memory_space<vmem_shared>>) target_semaphore(%run_scoped3A_283 : memref<!tpu.dma_semaphore, #tpu.memory_space<semaphore_mem>>)
      %dma_wait3A_288 = arith.constant 0 : i32
      %dma_wait3A_289 = tpu.memref_slice %arg14[%add3A_158, %dma_wait3A_288] : memref<10240x128xf32, #tpu.memory_space<vmem_shared>> -> memref<64x128xf32, #tpu.memory_space<vmem_shared>>
      %dma_wait3A_290 = arith.constant 0 : i32
      %dma_wait3A_291 = tpu.memref_slice %arg14[%add3A_158, %dma_wait3A_290] : memref<10240x128xf32, #tpu.memory_space<vmem_shared>> -> memref<64x128xf32, #tpu.memory_space<vmem_shared>>
      tpu.wait_dma2 semaphore(%run_scoped3A_283 : memref<!tpu.dma_semaphore, #tpu.memory_space<semaphore_mem>>) src(%arg13 : memref<64x128xf32, #tpu.memory_space<vmem>>) dst(%dma_wait3A_291 : memref<64x128xf32, #tpu.memory_space<vmem_shared>>)
      tpu.yield
    }) : () -> ()
    %mul3A_159 = arith.constant 640 : i32
    %mul3A_160 = arith.muli %arg1, %mul3A_159 : i32
    %add3A_161 = arith.constant 256 : i32
    %add3A_162 = arith.addi %mul3A_160, %add3A_161 : i32
    "tpu.region"() ({
      %run_scoped3A_283 = tpu.sem_alloc : memref<!tpu.dma_semaphore, #tpu.memory_space<semaphore_mem>>
      %dma_start3A_284 = arith.constant 0 : i32
      %dma_start3A_285 = tpu.memref_slice %arg14[%add3A_162, %dma_start3A_284] : memref<10240x128xf32, #tpu.memory_space<vmem_shared>> -> memref<64x128xf32, #tpu.memory_space<vmem_shared>>
      %dma_start3A_286 = arith.constant 0 : i32
      %dma_start3A_287 = tpu.memref_slice %arg14[%add3A_162, %dma_start3A_286] : memref<10240x128xf32, #tpu.memory_space<vmem_shared>> -> memref<64x128xf32, #tpu.memory_space<vmem_shared>>
      tpu.enqueue_dma source(%arg13 : memref<64x128xf32, #tpu.memory_space<vmem>>) target(%dma_start3A_287 : memref<64x128xf32, #tpu.memory_space<vmem_shared>>) target_semaphore(%run_scoped3A_283 : memref<!tpu.dma_semaphore, #tpu.memory_space<semaphore_mem>>)
      %dma_wait3A_288 = arith.constant 0 : i32
      %dma_wait3A_289 = tpu.memref_slice %arg14[%add3A_162, %dma_wait3A_288] : memref<10240x128xf32, #tpu.memory_space<vmem_shared>> -> memref<64x128xf32, #tpu.memory_space<vmem_shared>>
      %dma_wait3A_290 = arith.constant 0 : i32
      %dma_wait3A_291 = tpu.memref_slice %arg14[%add3A_162, %dma_wait3A_290] : memref<10240x128xf32, #tpu.memory_space<vmem_shared>> -> memref<64x128xf32, #tpu.memory_space<vmem_shared>>
      tpu.wait_dma2 semaphore(%run_scoped3A_283 : memref<!tpu.dma_semaphore, #tpu.memory_space<semaphore_mem>>) src(%arg13 : memref<64x128xf32, #tpu.memory_space<vmem>>) dst(%dma_wait3A_291 : memref<64x128xf32, #tpu.memory_space<vmem_shared>>)
      tpu.yield
    }) : () -> ()
    %mul3A_163 = arith.constant 640 : i32
    %mul3A_164 = arith.muli %arg1, %mul3A_163 : i32
    %add3A_165 = arith.constant 320 : i32
    %add3A_166 = arith.addi %mul3A_164, %add3A_165 : i32
    "tpu.region"() ({
      %run_scoped3A_283 = tpu.sem_alloc : memref<!tpu.dma_semaphore, #tpu.memory_space<semaphore_mem>>
      %dma_start3A_284 = arith.constant 0 : i32
      %dma_start3A_285 = tpu.memref_slice %arg14[%add3A_166, %dma_start3A_284] : memref<10240x128xf32, #tpu.memory_space<vmem_shared>> -> memref<64x128xf32, #tpu.memory_space<vmem_shared>>
      %dma_start3A_286 = arith.constant 0 : i32
      %dma_start3A_287 = tpu.memref_slice %arg14[%add3A_166, %dma_start3A_286] : memref<10240x128xf32, #tpu.memory_space<vmem_shared>> -> memref<64x128xf32, #tpu.memory_space<vmem_shared>>
      tpu.enqueue_dma source(%arg13 : memref<64x128xf32, #tpu.memory_space<vmem>>) target(%dma_start3A_287 : memref<64x128xf32, #tpu.memory_space<vmem_shared>>) target_semaphore(%run_scoped3A_283 : memref<!tpu.dma_semaphore, #tpu.memory_space<semaphore_mem>>)
      %dma_wait3A_288 = arith.constant 0 : i32
      %dma_wait3A_289 = tpu.memref_slice %arg14[%add3A_166, %dma_wait3A_288] : memref<10240x128xf32, #tpu.memory_space<vmem_shared>> -> memref<64x128xf32, #tpu.memory_space<vmem_shared>>
      %dma_wait3A_290 = arith.constant 0 : i32
      %dma_wait3A_291 = tpu.memref_slice %arg14[%add3A_166, %dma_wait3A_290] : memref<10240x128xf32, #tpu.memory_space<vmem_shared>> -> memref<64x128xf32, #tpu.memory_space<vmem_shared>>
      tpu.wait_dma2 semaphore(%run_scoped3A_283 : memref<!tpu.dma_semaphore, #tpu.memory_space<semaphore_mem>>) src(%arg13 : memref<64x128xf32, #tpu.memory_space<vmem>>) dst(%dma_wait3A_291 : memref<64x128xf32, #tpu.memory_space<vmem_shared>>)
      tpu.yield
    }) : () -> ()
    %mul3A_167 = arith.constant 640 : i32
    %mul3A_168 = arith.muli %arg1, %mul3A_167 : i32
    %add3A_169 = arith.constant 384 : i32
    %add3A_170 = arith.addi %mul3A_168, %add3A_169 : i32
    "tpu.region"() ({
      %run_scoped3A_283 = tpu.sem_alloc : memref<!tpu.dma_semaphore, #tpu.memory_space<semaphore_mem>>
      %dma_start3A_284 = arith.constant 0 : i32
      %dma_start3A_285 = tpu.memref_slice %arg14[%add3A_170, %dma_start3A_284] : memref<10240x128xf32, #tpu.memory_space<vmem_shared>> -> memref<64x128xf32, #tpu.memory_space<vmem_shared>>
      %dma_start3A_286 = arith.constant 0 : i32
      %dma_start3A_287 = tpu.memref_slice %arg14[%add3A_170, %dma_start3A_286] : memref<10240x128xf32, #tpu.memory_space<vmem_shared>> -> memref<64x128xf32, #tpu.memory_space<vmem_shared>>
      tpu.enqueue_dma source(%arg13 : memref<64x128xf32, #tpu.memory_space<vmem>>) target(%dma_start3A_287 : memref<64x128xf32, #tpu.memory_space<vmem_shared>>) target_semaphore(%run_scoped3A_283 : memref<!tpu.dma_semaphore, #tpu.memory_space<semaphore_mem>>)
      %dma_wait3A_288 = arith.constant 0 : i32
      %dma_wait3A_289 = tpu.memref_slice %arg14[%add3A_170, %dma_wait3A_288] : memref<10240x128xf32, #tpu.memory_space<vmem_shared>> -> memref<64x128xf32, #tpu.memory_space<vmem_shared>>
      %dma_wait3A_290 = arith.constant 0 : i32
      %dma_wait3A_291 = tpu.memref_slice %arg14[%add3A_170, %dma_wait3A_290] : memref<10240x128xf32, #tpu.memory_space<vmem_shared>> -> memref<64x128xf32, #tpu.memory_space<vmem_shared>>
      tpu.wait_dma2 semaphore(%run_scoped3A_283 : memref<!tpu.dma_semaphore, #tpu.memory_space<semaphore_mem>>) src(%arg13 : memref<64x128xf32, #tpu.memory_space<vmem>>) dst(%dma_wait3A_291 : memref<64x128xf32, #tpu.memory_space<vmem_shared>>)
      tpu.yield
    }) : () -> ()
    %mul3A_171 = arith.constant 640 : i32
    %mul3A_172 = arith.muli %arg1, %mul3A_171 : i32
    %add3A_173 = arith.constant 448 : i32
    %add3A_174 = arith.addi %mul3A_172, %add3A_173 : i32
    "tpu.region"() ({
      %run_scoped3A_283 = tpu.sem_alloc : memref<!tpu.dma_semaphore, #tpu.memory_space<semaphore_mem>>
      %dma_start3A_284 = arith.constant 0 : i32
      %dma_start3A_285 = tpu.memref_slice %arg14[%add3A_174, %dma_start3A_284] : memref<10240x128xf32, #tpu.memory_space<vmem_shared>> -> memref<64x128xf32, #tpu.memory_space<vmem_shared>>
      %dma_start3A_286 = arith.constant 0 : i32
      %dma_start3A_287 = tpu.memref_slice %arg14[%add3A_174, %dma_start3A_286] : memref<10240x128xf32, #tpu.memory_space<vmem_shared>> -> memref<64x128xf32, #tpu.memory_space<vmem_shared>>
      tpu.enqueue_dma source(%arg13 : memref<64x128xf32, #tpu.memory_space<vmem>>) target(%dma_start3A_287 : memref<64x128xf32, #tpu.memory_space<vmem_shared>>) target_semaphore(%run_scoped3A_283 : memref<!tpu.dma_semaphore, #tpu.memory_space<semaphore_mem>>)
      %dma_wait3A_288 = arith.constant 0 : i32
      %dma_wait3A_289 = tpu.memref_slice %arg14[%add3A_174, %dma_wait3A_288] : memref<10240x128xf32, #tpu.memory_space<vmem_shared>> -> memref<64x128xf32, #tpu.memory_space<vmem_shared>>
      %dma_wait3A_290 = arith.constant 0 : i32
      %dma_wait3A_291 = tpu.memref_slice %arg14[%add3A_174, %dma_wait3A_290] : memref<10240x128xf32, #tpu.memory_space<vmem_shared>> -> memref<64x128xf32, #tpu.memory_space<vmem_shared>>
      tpu.wait_dma2 semaphore(%run_scoped3A_283 : memref<!tpu.dma_semaphore, #tpu.memory_space<semaphore_mem>>) src(%arg13 : memref<64x128xf32, #tpu.memory_space<vmem>>) dst(%dma_wait3A_291 : memref<64x128xf32, #tpu.memory_space<vmem_shared>>)
      tpu.yield
    }) : () -> ()
    %mul3A_175 = arith.constant 640 : i32
    %mul3A_176 = arith.muli %arg1, %mul3A_175 : i32
    %add3A_177 = arith.constant 512 : i32
    %add3A_178 = arith.addi %mul3A_176, %add3A_177 : i32
    "tpu.region"() ({
      %run_scoped3A_283 = tpu.sem_alloc : memref<!tpu.dma_semaphore, #tpu.memory_space<semaphore_mem>>
      %dma_start3A_284 = arith.constant 0 : i32
      %dma_start3A_285 = tpu.memref_slice %arg14[%add3A_178, %dma_start3A_284] : memref<10240x128xf32, #tpu.memory_space<vmem_shared>> -> memref<64x128xf32, #tpu.memory_space<vmem_shared>>
      %dma_start3A_286 = arith.constant 0 : i32
      %dma_start3A_287 = tpu.memref_slice %arg14[%add3A_178, %dma_start3A_286] : memref<10240x128xf32, #tpu.memory_space<vmem_shared>> -> memref<64x128xf32, #tpu.memory_space<vmem_shared>>
      tpu.enqueue_dma source(%arg13 : memref<64x128xf32, #tpu.memory_space<vmem>>) target(%dma_start3A_287 : memref<64x128xf32, #tpu.memory_space<vmem_shared>>) target_semaphore(%run_scoped3A_283 : memref<!tpu.dma_semaphore, #tpu.memory_space<semaphore_mem>>)
      %dma_wait3A_288 = arith.constant 0 : i32
      %dma_wait3A_289 = tpu.memref_slice %arg14[%add3A_178, %dma_wait3A_288] : memref<10240x128xf32, #tpu.memory_space<vmem_shared>> -> memref<64x128xf32, #tpu.memory_space<vmem_shared>>
      %dma_wait3A_290 = arith.constant 0 : i32
      %dma_wait3A_291 = tpu.memref_slice %arg14[%add3A_178, %dma_wait3A_290] : memref<10240x128xf32, #tpu.memory_space<vmem_shared>> -> memref<64x128xf32, #tpu.memory_space<vmem_shared>>
      tpu.wait_dma2 semaphore(%run_scoped3A_283 : memref<!tpu.dma_semaphore, #tpu.memory_space<semaphore_mem>>) src(%arg13 : memref<64x128xf32, #tpu.memory_space<vmem>>) dst(%dma_wait3A_291 : memref<64x128xf32, #tpu.memory_space<vmem_shared>>)
      tpu.yield
    }) : () -> ()
    %mul3A_179 = arith.constant 640 : i32
    %mul3A_180 = arith.muli %arg1, %mul3A_179 : i32
    %add3A_181 = arith.constant 576 : i32
    %add3A_182 = arith.addi %mul3A_180, %add3A_181 : i32
    "tpu.region"() ({
      %run_scoped3A_283 = tpu.sem_alloc : memref<!tpu.dma_semaphore, #tpu.memory_space<semaphore_mem>>
      %dma_start3A_284 = arith.constant 0 : i32
      %dma_start3A_285 = tpu.memref_slice %arg14[%add3A_182, %dma_start3A_284] : memref<10240x128xf32, #tpu.memory_space<vmem_shared>> -> memref<64x128xf32, #tpu.memory_space<vmem_shared>>
      %dma_start3A_286 = arith.constant 0 : i32
      %dma_start3A_287 = tpu.memref_slice %arg14[%add3A_182, %dma_start3A_286] : memref<10240x128xf32, #tpu.memory_space<vmem_shared>> -> memref<64x128xf32, #tpu.memory_space<vmem_shared>>
      tpu.enqueue_dma source(%arg13 : memref<64x128xf32, #tpu.memory_space<vmem>>) target(%dma_start3A_287 : memref<64x128xf32, #tpu.memory_space<vmem_shared>>) target_semaphore(%run_scoped3A_283 : memref<!tpu.dma_semaphore, #tpu.memory_space<semaphore_mem>>)
      %dma_wait3A_288 = arith.constant 0 : i32
      %dma_wait3A_289 = tpu.memref_slice %arg14[%add3A_182, %dma_wait3A_288] : memref<10240x128xf32, #tpu.memory_space<vmem_shared>> -> memref<64x128xf32, #tpu.memory_space<vmem_shared>>
      %dma_wait3A_290 = arith.constant 0 : i32
      %dma_wait3A_291 = tpu.memref_slice %arg14[%add3A_182, %dma_wait3A_290] : memref<10240x128xf32, #tpu.memory_space<vmem_shared>> -> memref<64x128xf32, #tpu.memory_space<vmem_shared>>
      tpu.wait_dma2 semaphore(%run_scoped3A_283 : memref<!tpu.dma_semaphore, #tpu.memory_space<semaphore_mem>>) src(%arg13 : memref<64x128xf32, #tpu.memory_space<vmem>>) dst(%dma_wait3A_291 : memref<64x128xf32, #tpu.memory_space<vmem_shared>>)
      tpu.yield
    }) : () -> ()
    %barrier3A_183 = arith.constant 0 : index
    tpu.barrier barrier_id(%barrier3A_183)
    %dma_start3A_184 = arith.constant 0 : i32
    %dma_start3A_185 = arith.constant 0 : i32
    %dma_start3A_186 = tpu.memref_slice %arg9[%dma_start3A_184, %dma_start3A_185] : memref<125x80xi32, #tpu.memory_space<vmem>> -> memref<1x80xi32, #tpu.memory_space<vmem>>
    %dma_start3A_187 = tpu.memref_squeeze %dma_start3A_186 : memref<1x80xi32, #tpu.memory_space<vmem>> -> memref<80xi32, #tpu.memory_space<vmem>>
    %dma_start3A_188 = arith.constant 0 : i32
    %dma_start3A_189 = arith.constant 0 : i32
    %dma_start3A_190 = tpu.memref_slice %arg6[%dma_start3A_188, %dma_start3A_189] : memref<10000x128xf32, #tpu.memory_space<hbm>> -> memref<10000x128xf32, #tpu.memory_space<hbm>>
    tpu.enqueue_indirect_dma source(%dma_start3A_190 : memref<10000x128xf32, #tpu.memory_space<hbm>>) target(%arg11 : memref<80x128xf32, #tpu.memory_space<vmem>>) offsets(%dma_start3A_187 : memref<80xi32, #tpu.memory_space<vmem>>) semaphore(%arg15 : memref<!tpu.dma_semaphore, #tpu.memory_space<semaphore_mem>>)
    %scan3A_191 = arith.constant 0 : i32
    %scan3A_192 = arith.constant 0 : i32
    %scan3A_193 = arith.constant 62 : i32
    %scan3A_194 = arith.addi %scan3A_192, %scan3A_193 : i32
    %scan3A_195 = arith.constant 1 : i32
    %scan3A_196 = scf.for %scan3A_283 = %scan3A_192 to %scan3A_194 step %scan3A_195 iter_args(%scan3A_284 = %scan3A_191) -> (i32)  : i32 {
      %mul3A_285 = arith.constant 2 : i32
      %mul3A_286 = arith.muli %mul3A_285, %scan3A_283 : i32
      %mul3A_287 = arith.constant 2 : i32
      %mul3A_288 = arith.muli %mul3A_287, %scan3A_283 : i32
      %add3A_289 = arith.constant 1 : i32
      %add3A_290 = arith.addi %mul3A_288, %add3A_289 : i32
      %dma_wait3A_291 = arith.constant 0 : i32
      %dma_wait3A_292 = tpu.memref_slice %arg9[%mul3A_286, %dma_wait3A_291] : memref<125x80xi32, #tpu.memory_space<vmem>> -> memref<1x80xi32, #tpu.memory_space<vmem>>
      %dma_wait3A_293 = tpu.memref_squeeze %dma_wait3A_292 : memref<1x80xi32, #tpu.memory_space<vmem>> -> memref<80xi32, #tpu.memory_space<vmem>>
      %dma_wait3A_294 = arith.constant 0 : i32
      %dma_wait3A_295 = arith.constant 0 : i32
      %dma_wait3A_296 = tpu.memref_slice %arg6[%dma_wait3A_294, %dma_wait3A_295] : memref<10000x128xf32, #tpu.memory_space<hbm>> -> memref<10000x128xf32, #tpu.memory_space<hbm>>
      tpu.wait_indirect_dma semaphore(%arg15 : memref<!tpu.dma_semaphore, #tpu.memory_space<semaphore_mem>>) src(%dma_wait3A_296 : memref<10000x128xf32, #tpu.memory_space<hbm>>) dst(%arg11 : memref<80x128xf32, #tpu.memory_space<vmem>>)
      %dma_start3A_297 = arith.constant 0 : i32
      %dma_start3A_298 = tpu.memref_slice %arg9[%add3A_290, %dma_start3A_297] : memref<125x80xi32, #tpu.memory_space<vmem>> -> memref<1x80xi32, #tpu.memory_space<vmem>>
      %dma_start3A_299 = tpu.memref_squeeze %dma_start3A_298 : memref<1x80xi32, #tpu.memory_space<vmem>> -> memref<80xi32, #tpu.memory_space<vmem>>
      %dma_start3A_300 = arith.constant 0 : i32
      %dma_start3A_301 = arith.constant 0 : i32
      %dma_start3A_302 = tpu.memref_slice %arg6[%dma_start3A_300, %dma_start3A_301] : memref<10000x128xf32, #tpu.memory_space<hbm>> -> memref<10000x128xf32, #tpu.memory_space<hbm>>
      tpu.enqueue_indirect_dma source(%dma_start3A_302 : memref<10000x128xf32, #tpu.memory_space<hbm>>) target(%arg12 : memref<80x128xf32, #tpu.memory_space<vmem>>) offsets(%dma_start3A_299 : memref<80xi32, #tpu.memory_space<vmem>>) semaphore(%arg16 : memref<!tpu.dma_semaphore, #tpu.memory_space<semaphore_mem>>)
      "tpu.region"() ({
        %run_scoped3A_318 = tpu.sem_alloc : memref<!tpu.dma_semaphore, #tpu.memory_space<semaphore_mem>>
        %dma_start3A_319 = arith.constant 0 : i32
        %dma_start3A_320 = tpu.memref_slice %arg10[%mul3A_286, %dma_start3A_319] : memref<125x80xi32, #tpu.memory_space<vmem>> -> memref<1x80xi32, #tpu.memory_space<vmem>>
        %dma_start3A_321 = tpu.memref_squeeze %dma_start3A_320 : memref<1x80xi32, #tpu.memory_space<vmem>> -> memref<80xi32, #tpu.memory_space<vmem>>
        %dma_start3A_322 = arith.constant 0 : i32
        %dma_start3A_323 = arith.constant 0 : i32
        %dma_start3A_324 = tpu.memref_slice %arg14[%dma_start3A_322, %dma_start3A_323] : memref<10240x128xf32, #tpu.memory_space<vmem_shared>> -> memref<10240x128xf32, #tpu.memory_space<vmem_shared>>
        tpu.enqueue_indirect_dma source(%arg11 : memref<80x128xf32, #tpu.memory_space<vmem>>) target(%dma_start3A_324 : memref<10240x128xf32, #tpu.memory_space<vmem_shared>>) offsets(%dma_start3A_321 : memref<80xi32, #tpu.memory_space<vmem>>) semaphore(%run_scoped3A_318 : memref<!tpu.dma_semaphore, #tpu.memory_space<semaphore_mem>>) {add = true}
        %dma_wait3A_325 = arith.constant 0 : i32
        %dma_wait3A_326 = tpu.memref_slice %arg10[%mul3A_286, %dma_wait3A_325] : memref<125x80xi32, #tpu.memory_space<vmem>> -> memref<1x80xi32, #tpu.memory_space<vmem>>
        %dma_wait3A_327 = tpu.memref_squeeze %dma_wait3A_326 : memref<1x80xi32, #tpu.memory_space<vmem>> -> memref<80xi32, #tpu.memory_space<vmem>>
        %dma_wait3A_328 = arith.constant 0 : i32
        %dma_wait3A_329 = arith.constant 0 : i32
        %dma_wait3A_330 = tpu.memref_slice %arg14[%dma_wait3A_328, %dma_wait3A_329] : memref<10240x128xf32, #tpu.memory_space<vmem_shared>> -> memref<10240x128xf32, #tpu.memory_space<vmem_shared>>
        tpu.wait_indirect_dma semaphore(%run_scoped3A_318 : memref<!tpu.dma_semaphore, #tpu.memory_space<semaphore_mem>>) src(%arg11 : memref<80x128xf32, #tpu.memory_space<vmem>>) dst(%dma_wait3A_330 : memref<10240x128xf32, #tpu.memory_space<vmem_shared>>)
        tpu.yield
      }) : () -> ()
      %dma_wait3A_303 = arith.constant 0 : i32
      %dma_wait3A_304 = tpu.memref_slice %arg9[%add3A_290, %dma_wait3A_303] : memref<125x80xi32, #tpu.memory_space<vmem>> -> memref<1x80xi32, #tpu.memory_space<vmem>>
      %dma_wait3A_305 = tpu.memref_squeeze %dma_wait3A_304 : memref<1x80xi32, #tpu.memory_space<vmem>> -> memref<80xi32, #tpu.memory_space<vmem>>
      %dma_wait3A_306 = arith.constant 0 : i32
      %dma_wait3A_307 = arith.constant 0 : i32
      %dma_wait3A_308 = tpu.memref_slice %arg6[%dma_wait3A_306, %dma_wait3A_307] : memref<10000x128xf32, #tpu.memory_space<hbm>> -> memref<10000x128xf32, #tpu.memory_space<hbm>>
      tpu.wait_indirect_dma semaphore(%arg16 : memref<!tpu.dma_semaphore, #tpu.memory_space<semaphore_mem>>) src(%dma_wait3A_308 : memref<10000x128xf32, #tpu.memory_space<hbm>>) dst(%arg12 : memref<80x128xf32, #tpu.memory_space<vmem>>)
      %add3A_309 = arith.constant 1 : i32
      %add3A_310 = arith.addi %add3A_290, %add3A_309 : i32
      %dma_start3A_311 = arith.constant 0 : i32
      %dma_start3A_312 = tpu.memref_slice %arg9[%add3A_310, %dma_start3A_311] : memref<125x80xi32, #tpu.memory_space<vmem>> -> memref<1x80xi32, #tpu.memory_space<vmem>>
      %dma_start3A_313 = tpu.memref_squeeze %dma_start3A_312 : memref<1x80xi32, #tpu.memory_space<vmem>> -> memref<80xi32, #tpu.memory_space<vmem>>
      %dma_start3A_314 = arith.constant 0 : i32
      %dma_start3A_315 = arith.constant 0 : i32
      %dma_start3A_316 = tpu.memref_slice %arg6[%dma_start3A_314, %dma_start3A_315] : memref<10000x128xf32, #tpu.memory_space<hbm>> -> memref<10000x128xf32, #tpu.memory_space<hbm>>
      tpu.enqueue_indirect_dma source(%dma_start3A_316 : memref<10000x128xf32, #tpu.memory_space<hbm>>) target(%arg11 : memref<80x128xf32, #tpu.memory_space<vmem>>) offsets(%dma_start3A_313 : memref<80xi32, #tpu.memory_space<vmem>>) semaphore(%arg15 : memref<!tpu.dma_semaphore, #tpu.memory_space<semaphore_mem>>)
      "tpu.region"() ({
        %run_scoped3A_318 = tpu.sem_alloc : memref<!tpu.dma_semaphore, #tpu.memory_space<semaphore_mem>>
        %dma_start3A_319 = arith.constant 0 : i32
        %dma_start3A_320 = tpu.memref_slice %arg10[%add3A_290, %dma_start3A_319] : memref<125x80xi32, #tpu.memory_space<vmem>> -> memref<1x80xi32, #tpu.memory_space<vmem>>
        %dma_start3A_321 = tpu.memref_squeeze %dma_start3A_320 : memref<1x80xi32, #tpu.memory_space<vmem>> -> memref<80xi32, #tpu.memory_space<vmem>>
        %dma_start3A_322 = arith.constant 0 : i32
        %dma_start3A_323 = arith.constant 0 : i32
        %dma_start3A_324 = tpu.memref_slice %arg14[%dma_start3A_322, %dma_start3A_323] : memref<10240x128xf32, #tpu.memory_space<vmem_shared>> -> memref<10240x128xf32, #tpu.memory_space<vmem_shared>>
        tpu.enqueue_indirect_dma source(%arg12 : memref<80x128xf32, #tpu.memory_space<vmem>>) target(%dma_start3A_324 : memref<10240x128xf32, #tpu.memory_space<vmem_shared>>) offsets(%dma_start3A_321 : memref<80xi32, #tpu.memory_space<vmem>>) semaphore(%run_scoped3A_318 : memref<!tpu.dma_semaphore, #tpu.memory_space<semaphore_mem>>) {add = true}
        %dma_wait3A_325 = arith.constant 0 : i32
        %dma_wait3A_326 = tpu.memref_slice %arg10[%add3A_290, %dma_wait3A_325] : memref<125x80xi32, #tpu.memory_space<vmem>> -> memref<1x80xi32, #tpu.memory_space<vmem>>
        %dma_wait3A_327 = tpu.memref_squeeze %dma_wait3A_326 : memref<1x80xi32, #tpu.memory_space<vmem>> -> memref<80xi32, #tpu.memory_space<vmem>>
        %dma_wait3A_328 = arith.constant 0 : i32
        %dma_wait3A_329 = arith.constant 0 : i32
        %dma_wait3A_330 = tpu.memref_slice %arg14[%dma_wait3A_328, %dma_wait3A_329] : memref<10240x128xf32, #tpu.memory_space<vmem_shared>> -> memref<10240x128xf32, #tpu.memory_space<vmem_shared>>
        tpu.wait_indirect_dma semaphore(%run_scoped3A_318 : memref<!tpu.dma_semaphore, #tpu.memory_space<semaphore_mem>>) src(%arg12 : memref<80x128xf32, #tpu.memory_space<vmem>>) dst(%dma_wait3A_330 : memref<10240x128xf32, #tpu.memory_space<vmem_shared>>)
        tpu.yield
      }) : () -> ()
      %scan3A_317 = arith.constant 0 : i32
      scf.yield %scan3A_317 : i32
    }
    %scan3A_197 = arith.constant 62 : i32
    %dma_wait3A_198 = arith.constant 124 : i32
    %dma_wait3A_199 = arith.constant 0 : i32
    %dma_wait3A_200 = tpu.memref_slice %arg9[%dma_wait3A_198, %dma_wait3A_199] : memref<125x80xi32, #tpu.memory_space<vmem>> -> memref<1x80xi32, #tpu.memory_space<vmem>>
    %dma_wait3A_201 = tpu.memref_squeeze %dma_wait3A_200 : memref<1x80xi32, #tpu.memory_space<vmem>> -> memref<80xi32, #tpu.memory_space<vmem>>
    %dma_wait3A_202 = arith.constant 0 : i32
    %dma_wait3A_203 = arith.constant 0 : i32
    %dma_wait3A_204 = tpu.memref_slice %arg6[%dma_wait3A_202, %dma_wait3A_203] : memref<10000x128xf32, #tpu.memory_space<hbm>> -> memref<10000x128xf32, #tpu.memory_space<hbm>>
    tpu.wait_indirect_dma semaphore(%arg15 : memref<!tpu.dma_semaphore, #tpu.memory_space<semaphore_mem>>) src(%dma_wait3A_204 : memref<10000x128xf32, #tpu.memory_space<hbm>>) dst(%arg11 : memref<80x128xf32, #tpu.memory_space<vmem>>)
    %run_scoped3A_205 = arith.constant 124 : i32
    "tpu.region"() ({
      %run_scoped3A_283 = tpu.sem_alloc : memref<!tpu.dma_semaphore, #tpu.memory_space<semaphore_mem>>
      %dma_start3A_284 = arith.constant 0 : i32
      %dma_start3A_285 = tpu.memref_slice %arg10[%run_scoped3A_205, %dma_start3A_284] : memref<125x80xi32, #tpu.memory_space<vmem>> -> memref<1x80xi32, #tpu.memory_space<vmem>>
      %dma_start3A_286 = tpu.memref_squeeze %dma_start3A_285 : memref<1x80xi32, #tpu.memory_space<vmem>> -> memref<80xi32, #tpu.memory_space<vmem>>
      %dma_start3A_287 = arith.constant 0 : i32
      %dma_start3A_288 = arith.constant 0 : i32
      %dma_start3A_289 = tpu.memref_slice %arg14[%dma_start3A_287, %dma_start3A_288] : memref<10240x128xf32, #tpu.memory_space<vmem_shared>> -> memref<10240x128xf32, #tpu.memory_space<vmem_shared>>
      tpu.enqueue_indirect_dma source(%arg11 : memref<80x128xf32, #tpu.memory_space<vmem>>) target(%dma_start3A_289 : memref<10240x128xf32, #tpu.memory_space<vmem_shared>>) offsets(%dma_start3A_286 : memref<80xi32, #tpu.memory_space<vmem>>) semaphore(%run_scoped3A_283 : memref<!tpu.dma_semaphore, #tpu.memory_space<semaphore_mem>>) {add = true}
      %dma_wait3A_290 = arith.constant 0 : i32
      %dma_wait3A_291 = tpu.memref_slice %arg10[%run_scoped3A_205, %dma_wait3A_290] : memref<125x80xi32, #tpu.memory_space<vmem>> -> memref<1x80xi32, #tpu.memory_space<vmem>>
      %dma_wait3A_292 = tpu.memref_squeeze %dma_wait3A_291 : memref<1x80xi32, #tpu.memory_space<vmem>> -> memref<80xi32, #tpu.memory_space<vmem>>
      %dma_wait3A_293 = arith.constant 0 : i32
      %dma_wait3A_294 = arith.constant 0 : i32
      %dma_wait3A_295 = tpu.memref_slice %arg14[%dma_wait3A_293, %dma_wait3A_294] : memref<10240x128xf32, #tpu.memory_space<vmem_shared>> -> memref<10240x128xf32, #tpu.memory_space<vmem_shared>>
      tpu.wait_indirect_dma semaphore(%run_scoped3A_283 : memref<!tpu.dma_semaphore, #tpu.memory_space<semaphore_mem>>) src(%arg11 : memref<80x128xf32, #tpu.memory_space<vmem>>) dst(%dma_wait3A_295 : memref<10240x128xf32, #tpu.memory_space<vmem_shared>>)
      tpu.yield
    }) : () -> ()
    %barrier3A_206 = arith.constant 0 : index
    tpu.barrier barrier_id(%barrier3A_206)
    %mul3A_207 = arith.constant 640 : i32
    %mul3A_208 = arith.muli %arg1, %mul3A_207 : i32
    %mul3A_209 = arith.constant 640 : i32
    %mul3A_210 = arith.muli %arg1, %mul3A_209 : i32
    %add3A_211 = arith.constant 20480 : i32
    %add3A_212 = arith.addi %add3A_211, %mul3A_210 : i32
    "tpu.region"() ({
      %run_scoped3A_283 = tpu.sem_alloc : memref<!tpu.dma_semaphore, #tpu.memory_space<semaphore_mem>>
      %dma_start3A_284 = arith.constant 0 : i32
      %dma_start3A_285 = tpu.memref_slice %arg8[%arg0, %add3A_212, %dma_start3A_284] : memref<2x40960x128xf32, #tpu.memory_space<hbm>> -> memref<1x640x128xf32, #tpu.memory_space<hbm>>
      %dma_start3A_286 = tpu.memref_squeeze %dma_start3A_285 : memref<1x640x128xf32, #tpu.memory_space<hbm>> -> memref<640x128xf32, #tpu.memory_space<hbm>>
      %dma_start3A_287 = arith.constant 0 : i32
      %dma_start3A_288 = tpu.memref_slice %arg14[%mul3A_208, %dma_start3A_287] : memref<10240x128xf32, #tpu.memory_space<vmem_shared>> -> memref<640x128xf32, #tpu.memory_space<vmem_shared>>
      tpu.enqueue_dma source(%dma_start3A_288 : memref<640x128xf32, #tpu.memory_space<vmem_shared>>) target(%dma_start3A_286 : memref<640x128xf32, #tpu.memory_space<hbm>>) target_semaphore(%run_scoped3A_283 : memref<!tpu.dma_semaphore, #tpu.memory_space<semaphore_mem>>)
      %dma_wait3A_289 = arith.constant 0 : i32
      %dma_wait3A_290 = tpu.memref_slice %arg8[%arg0, %add3A_212, %dma_wait3A_289] : memref<2x40960x128xf32, #tpu.memory_space<hbm>> -> memref<1x640x128xf32, #tpu.memory_space<hbm>>
      %dma_wait3A_291 = tpu.memref_squeeze %dma_wait3A_290 : memref<1x640x128xf32, #tpu.memory_space<hbm>> -> memref<640x128xf32, #tpu.memory_space<hbm>>
      %dma_wait3A_292 = arith.constant 0 : i32
      %dma_wait3A_293 = tpu.memref_slice %arg14[%mul3A_208, %dma_wait3A_292] : memref<10240x128xf32, #tpu.memory_space<vmem_shared>> -> memref<640x128xf32, #tpu.memory_space<vmem_shared>>
      tpu.wait_dma2 semaphore(%run_scoped3A_283 : memref<!tpu.dma_semaphore, #tpu.memory_space<semaphore_mem>>) src(%dma_wait3A_293 : memref<640x128xf32, #tpu.memory_space<vmem_shared>>) dst(%dma_wait3A_291 : memref<640x128xf32, #tpu.memory_space<hbm>>)
      tpu.yield
    }) : () -> ()
    %mul3A_213 = arith.constant 640 : i32
    %mul3A_214 = arith.muli %arg1, %mul3A_213 : i32
    %add3A_215 = arith.constant 0 : i32
    %add3A_216 = arith.addi %mul3A_214, %add3A_215 : i32
    "tpu.region"() ({
      %run_scoped3A_283 = tpu.sem_alloc : memref<!tpu.dma_semaphore, #tpu.memory_space<semaphore_mem>>
      %dma_start3A_284 = arith.constant 0 : i32
      %dma_start3A_285 = tpu.memref_slice %arg14[%add3A_216, %dma_start3A_284] : memref<10240x128xf32, #tpu.memory_space<vmem_shared>> -> memref<64x128xf32, #tpu.memory_space<vmem_shared>>
      %dma_start3A_286 = arith.constant 0 : i32
      %dma_start3A_287 = tpu.memref_slice %arg14[%add3A_216, %dma_start3A_286] : memref<10240x128xf32, #tpu.memory_space<vmem_shared>> -> memref<64x128xf32, #tpu.memory_space<vmem_shared>>
      tpu.enqueue_dma source(%arg13 : memref<64x128xf32, #tpu.memory_space<vmem>>) target(%dma_start3A_287 : memref<64x128xf32, #tpu.memory_space<vmem_shared>>) target_semaphore(%run_scoped3A_283 : memref<!tpu.dma_semaphore, #tpu.memory_space<semaphore_mem>>)
      %dma_wait3A_288 = arith.constant 0 : i32
      %dma_wait3A_289 = tpu.memref_slice %arg14[%add3A_216, %dma_wait3A_288] : memref<10240x128xf32, #tpu.memory_space<vmem_shared>> -> memref<64x128xf32, #tpu.memory_space<vmem_shared>>
      %dma_wait3A_290 = arith.constant 0 : i32
      %dma_wait3A_291 = tpu.memref_slice %arg14[%add3A_216, %dma_wait3A_290] : memref<10240x128xf32, #tpu.memory_space<vmem_shared>> -> memref<64x128xf32, #tpu.memory_space<vmem_shared>>
      tpu.wait_dma2 semaphore(%run_scoped3A_283 : memref<!tpu.dma_semaphore, #tpu.memory_space<semaphore_mem>>) src(%arg13 : memref<64x128xf32, #tpu.memory_space<vmem>>) dst(%dma_wait3A_291 : memref<64x128xf32, #tpu.memory_space<vmem_shared>>)
      tpu.yield
    }) : () -> ()
    %mul3A_217 = arith.constant 640 : i32
    %mul3A_218 = arith.muli %arg1, %mul3A_217 : i32
    %add3A_219 = arith.constant 64 : i32
    %add3A_220 = arith.addi %mul3A_218, %add3A_219 : i32
    "tpu.region"() ({
      %run_scoped3A_283 = tpu.sem_alloc : memref<!tpu.dma_semaphore, #tpu.memory_space<semaphore_mem>>
      %dma_start3A_284 = arith.constant 0 : i32
      %dma_start3A_285 = tpu.memref_slice %arg14[%add3A_220, %dma_start3A_284] : memref<10240x128xf32, #tpu.memory_space<vmem_shared>> -> memref<64x128xf32, #tpu.memory_space<vmem_shared>>
      %dma_start3A_286 = arith.constant 0 : i32
      %dma_start3A_287 = tpu.memref_slice %arg14[%add3A_220, %dma_start3A_286] : memref<10240x128xf32, #tpu.memory_space<vmem_shared>> -> memref<64x128xf32, #tpu.memory_space<vmem_shared>>
      tpu.enqueue_dma source(%arg13 : memref<64x128xf32, #tpu.memory_space<vmem>>) target(%dma_start3A_287 : memref<64x128xf32, #tpu.memory_space<vmem_shared>>) target_semaphore(%run_scoped3A_283 : memref<!tpu.dma_semaphore, #tpu.memory_space<semaphore_mem>>)
      %dma_wait3A_288 = arith.constant 0 : i32
      %dma_wait3A_289 = tpu.memref_slice %arg14[%add3A_220, %dma_wait3A_288] : memref<10240x128xf32, #tpu.memory_space<vmem_shared>> -> memref<64x128xf32, #tpu.memory_space<vmem_shared>>
      %dma_wait3A_290 = arith.constant 0 : i32
      %dma_wait3A_291 = tpu.memref_slice %arg14[%add3A_220, %dma_wait3A_290] : memref<10240x128xf32, #tpu.memory_space<vmem_shared>> -> memref<64x128xf32, #tpu.memory_space<vmem_shared>>
      tpu.wait_dma2 semaphore(%run_scoped3A_283 : memref<!tpu.dma_semaphore, #tpu.memory_space<semaphore_mem>>) src(%arg13 : memref<64x128xf32, #tpu.memory_space<vmem>>) dst(%dma_wait3A_291 : memref<64x128xf32, #tpu.memory_space<vmem_shared>>)
      tpu.yield
    }) : () -> ()
    %mul3A_221 = arith.constant 640 : i32
    %mul3A_222 = arith.muli %arg1, %mul3A_221 : i32
    %add3A_223 = arith.constant 128 : i32
    %add3A_224 = arith.addi %mul3A_222, %add3A_223 : i32
    "tpu.region"() ({
      %run_scoped3A_283 = tpu.sem_alloc : memref<!tpu.dma_semaphore, #tpu.memory_space<semaphore_mem>>
      %dma_start3A_284 = arith.constant 0 : i32
      %dma_start3A_285 = tpu.memref_slice %arg14[%add3A_224, %dma_start3A_284] : memref<10240x128xf32, #tpu.memory_space<vmem_shared>> -> memref<64x128xf32, #tpu.memory_space<vmem_shared>>
      %dma_start3A_286 = arith.constant 0 : i32
      %dma_start3A_287 = tpu.memref_slice %arg14[%add3A_224, %dma_start3A_286] : memref<10240x128xf32, #tpu.memory_space<vmem_shared>> -> memref<64x128xf32, #tpu.memory_space<vmem_shared>>
      tpu.enqueue_dma source(%arg13 : memref<64x128xf32, #tpu.memory_space<vmem>>) target(%dma_start3A_287 : memref<64x128xf32, #tpu.memory_space<vmem_shared>>) target_semaphore(%run_scoped3A_283 : memref<!tpu.dma_semaphore, #tpu.memory_space<semaphore_mem>>)
      %dma_wait3A_288 = arith.constant 0 : i32
      %dma_wait3A_289 = tpu.memref_slice %arg14[%add3A_224, %dma_wait3A_288] : memref<10240x128xf32, #tpu.memory_space<vmem_shared>> -> memref<64x128xf32, #tpu.memory_space<vmem_shared>>
      %dma_wait3A_290 = arith.constant 0 : i32
      %dma_wait3A_291 = tpu.memref_slice %arg14[%add3A_224, %dma_wait3A_290] : memref<10240x128xf32, #tpu.memory_space<vmem_shared>> -> memref<64x128xf32, #tpu.memory_space<vmem_shared>>
      tpu.wait_dma2 semaphore(%run_scoped3A_283 : memref<!tpu.dma_semaphore, #tpu.memory_space<semaphore_mem>>) src(%arg13 : memref<64x128xf32, #tpu.memory_space<vmem>>) dst(%dma_wait3A_291 : memref<64x128xf32, #tpu.memory_space<vmem_shared>>)
      tpu.yield
    }) : () -> ()
    %mul3A_225 = arith.constant 640 : i32
    %mul3A_226 = arith.muli %arg1, %mul3A_225 : i32
    %add3A_227 = arith.constant 192 : i32
    %add3A_228 = arith.addi %mul3A_226, %add3A_227 : i32
    "tpu.region"() ({
      %run_scoped3A_283 = tpu.sem_alloc : memref<!tpu.dma_semaphore, #tpu.memory_space<semaphore_mem>>
      %dma_start3A_284 = arith.constant 0 : i32
      %dma_start3A_285 = tpu.memref_slice %arg14[%add3A_228, %dma_start3A_284] : memref<10240x128xf32, #tpu.memory_space<vmem_shared>> -> memref<64x128xf32, #tpu.memory_space<vmem_shared>>
      %dma_start3A_286 = arith.constant 0 : i32
      %dma_start3A_287 = tpu.memref_slice %arg14[%add3A_228, %dma_start3A_286] : memref<10240x128xf32, #tpu.memory_space<vmem_shared>> -> memref<64x128xf32, #tpu.memory_space<vmem_shared>>
      tpu.enqueue_dma source(%arg13 : memref<64x128xf32, #tpu.memory_space<vmem>>) target(%dma_start3A_287 : memref<64x128xf32, #tpu.memory_space<vmem_shared>>) target_semaphore(%run_scoped3A_283 : memref<!tpu.dma_semaphore, #tpu.memory_space<semaphore_mem>>)
      %dma_wait3A_288 = arith.constant 0 : i32
      %dma_wait3A_289 = tpu.memref_slice %arg14[%add3A_228, %dma_wait3A_288] : memref<10240x128xf32, #tpu.memory_space<vmem_shared>> -> memref<64x128xf32, #tpu.memory_space<vmem_shared>>
      %dma_wait3A_290 = arith.constant 0 : i32
      %dma_wait3A_291 = tpu.memref_slice %arg14[%add3A_228, %dma_wait3A_290] : memref<10240x128xf32, #tpu.memory_space<vmem_shared>> -> memref<64x128xf32, #tpu.memory_space<vmem_shared>>
      tpu.wait_dma2 semaphore(%run_scoped3A_283 : memref<!tpu.dma_semaphore, #tpu.memory_space<semaphore_mem>>) src(%arg13 : memref<64x128xf32, #tpu.memory_space<vmem>>) dst(%dma_wait3A_291 : memref<64x128xf32, #tpu.memory_space<vmem_shared>>)
      tpu.yield
    }) : () -> ()
    %mul3A_229 = arith.constant 640 : i32
    %mul3A_230 = arith.muli %arg1, %mul3A_229 : i32
    %add3A_231 = arith.constant 256 : i32
    %add3A_232 = arith.addi %mul3A_230, %add3A_231 : i32
    "tpu.region"() ({
      %run_scoped3A_283 = tpu.sem_alloc : memref<!tpu.dma_semaphore, #tpu.memory_space<semaphore_mem>>
      %dma_start3A_284 = arith.constant 0 : i32
      %dma_start3A_285 = tpu.memref_slice %arg14[%add3A_232, %dma_start3A_284] : memref<10240x128xf32, #tpu.memory_space<vmem_shared>> -> memref<64x128xf32, #tpu.memory_space<vmem_shared>>
      %dma_start3A_286 = arith.constant 0 : i32
      %dma_start3A_287 = tpu.memref_slice %arg14[%add3A_232, %dma_start3A_286] : memref<10240x128xf32, #tpu.memory_space<vmem_shared>> -> memref<64x128xf32, #tpu.memory_space<vmem_shared>>
      tpu.enqueue_dma source(%arg13 : memref<64x128xf32, #tpu.memory_space<vmem>>) target(%dma_start3A_287 : memref<64x128xf32, #tpu.memory_space<vmem_shared>>) target_semaphore(%run_scoped3A_283 : memref<!tpu.dma_semaphore, #tpu.memory_space<semaphore_mem>>)
      %dma_wait3A_288 = arith.constant 0 : i32
      %dma_wait3A_289 = tpu.memref_slice %arg14[%add3A_232, %dma_wait3A_288] : memref<10240x128xf32, #tpu.memory_space<vmem_shared>> -> memref<64x128xf32, #tpu.memory_space<vmem_shared>>
      %dma_wait3A_290 = arith.constant 0 : i32
      %dma_wait3A_291 = tpu.memref_slice %arg14[%add3A_232, %dma_wait3A_290] : memref<10240x128xf32, #tpu.memory_space<vmem_shared>> -> memref<64x128xf32, #tpu.memory_space<vmem_shared>>
      tpu.wait_dma2 semaphore(%run_scoped3A_283 : memref<!tpu.dma_semaphore, #tpu.memory_space<semaphore_mem>>) src(%arg13 : memref<64x128xf32, #tpu.memory_space<vmem>>) dst(%dma_wait3A_291 : memref<64x128xf32, #tpu.memory_space<vmem_shared>>)
      tpu.yield
    }) : () -> ()
    %mul3A_233 = arith.constant 640 : i32
    %mul3A_234 = arith.muli %arg1, %mul3A_233 : i32
    %add3A_235 = arith.constant 320 : i32
    %add3A_236 = arith.addi %mul3A_234, %add3A_235 : i32
    "tpu.region"() ({
      %run_scoped3A_283 = tpu.sem_alloc : memref<!tpu.dma_semaphore, #tpu.memory_space<semaphore_mem>>
      %dma_start3A_284 = arith.constant 0 : i32
      %dma_start3A_285 = tpu.memref_slice %arg14[%add3A_236, %dma_start3A_284] : memref<10240x128xf32, #tpu.memory_space<vmem_shared>> -> memref<64x128xf32, #tpu.memory_space<vmem_shared>>
      %dma_start3A_286 = arith.constant 0 : i32
      %dma_start3A_287 = tpu.memref_slice %arg14[%add3A_236, %dma_start3A_286] : memref<10240x128xf32, #tpu.memory_space<vmem_shared>> -> memref<64x128xf32, #tpu.memory_space<vmem_shared>>
      tpu.enqueue_dma source(%arg13 : memref<64x128xf32, #tpu.memory_space<vmem>>) target(%dma_start3A_287 : memref<64x128xf32, #tpu.memory_space<vmem_shared>>) target_semaphore(%run_scoped3A_283 : memref<!tpu.dma_semaphore, #tpu.memory_space<semaphore_mem>>)
      %dma_wait3A_288 = arith.constant 0 : i32
      %dma_wait3A_289 = tpu.memref_slice %arg14[%add3A_236, %dma_wait3A_288] : memref<10240x128xf32, #tpu.memory_space<vmem_shared>> -> memref<64x128xf32, #tpu.memory_space<vmem_shared>>
      %dma_wait3A_290 = arith.constant 0 : i32
      %dma_wait3A_291 = tpu.memref_slice %arg14[%add3A_236, %dma_wait3A_290] : memref<10240x128xf32, #tpu.memory_space<vmem_shared>> -> memref<64x128xf32, #tpu.memory_space<vmem_shared>>
      tpu.wait_dma2 semaphore(%run_scoped3A_283 : memref<!tpu.dma_semaphore, #tpu.memory_space<semaphore_mem>>) src(%arg13 : memref<64x128xf32, #tpu.memory_space<vmem>>) dst(%dma_wait3A_291 : memref<64x128xf32, #tpu.memory_space<vmem_shared>>)
      tpu.yield
    }) : () -> ()
    %mul3A_237 = arith.constant 640 : i32
    %mul3A_238 = arith.muli %arg1, %mul3A_237 : i32
    %add3A_239 = arith.constant 384 : i32
    %add3A_240 = arith.addi %mul3A_238, %add3A_239 : i32
    "tpu.region"() ({
      %run_scoped3A_283 = tpu.sem_alloc : memref<!tpu.dma_semaphore, #tpu.memory_space<semaphore_mem>>
      %dma_start3A_284 = arith.constant 0 : i32
      %dma_start3A_285 = tpu.memref_slice %arg14[%add3A_240, %dma_start3A_284] : memref<10240x128xf32, #tpu.memory_space<vmem_shared>> -> memref<64x128xf32, #tpu.memory_space<vmem_shared>>
      %dma_start3A_286 = arith.constant 0 : i32
      %dma_start3A_287 = tpu.memref_slice %arg14[%add3A_240, %dma_start3A_286] : memref<10240x128xf32, #tpu.memory_space<vmem_shared>> -> memref<64x128xf32, #tpu.memory_space<vmem_shared>>
      tpu.enqueue_dma source(%arg13 : memref<64x128xf32, #tpu.memory_space<vmem>>) target(%dma_start3A_287 : memref<64x128xf32, #tpu.memory_space<vmem_shared>>) target_semaphore(%run_scoped3A_283 : memref<!tpu.dma_semaphore, #tpu.memory_space<semaphore_mem>>)
      %dma_wait3A_288 = arith.constant 0 : i32
      %dma_wait3A_289 = tpu.memref_slice %arg14[%add3A_240, %dma_wait3A_288] : memref<10240x128xf32, #tpu.memory_space<vmem_shared>> -> memref<64x128xf32, #tpu.memory_space<vmem_shared>>
      %dma_wait3A_290 = arith.constant 0 : i32
      %dma_wait3A_291 = tpu.memref_slice %arg14[%add3A_240, %dma_wait3A_290] : memref<10240x128xf32, #tpu.memory_space<vmem_shared>> -> memref<64x128xf32, #tpu.memory_space<vmem_shared>>
      tpu.wait_dma2 semaphore(%run_scoped3A_283 : memref<!tpu.dma_semaphore, #tpu.memory_space<semaphore_mem>>) src(%arg13 : memref<64x128xf32, #tpu.memory_space<vmem>>) dst(%dma_wait3A_291 : memref<64x128xf32, #tpu.memory_space<vmem_shared>>)
      tpu.yield
    }) : () -> ()
    %mul3A_241 = arith.constant 640 : i32
    %mul3A_242 = arith.muli %arg1, %mul3A_241 : i32
    %add3A_243 = arith.constant 448 : i32
    %add3A_244 = arith.addi %mul3A_242, %add3A_243 : i32
    "tpu.region"() ({
      %run_scoped3A_283 = tpu.sem_alloc : memref<!tpu.dma_semaphore, #tpu.memory_space<semaphore_mem>>
      %dma_start3A_284 = arith.constant 0 : i32
      %dma_start3A_285 = tpu.memref_slice %arg14[%add3A_244, %dma_start3A_284] : memref<10240x128xf32, #tpu.memory_space<vmem_shared>> -> memref<64x128xf32, #tpu.memory_space<vmem_shared>>
      %dma_start3A_286 = arith.constant 0 : i32
      %dma_start3A_287 = tpu.memref_slice %arg14[%add3A_244, %dma_start3A_286] : memref<10240x128xf32, #tpu.memory_space<vmem_shared>> -> memref<64x128xf32, #tpu.memory_space<vmem_shared>>
      tpu.enqueue_dma source(%arg13 : memref<64x128xf32, #tpu.memory_space<vmem>>) target(%dma_start3A_287 : memref<64x128xf32, #tpu.memory_space<vmem_shared>>) target_semaphore(%run_scoped3A_283 : memref<!tpu.dma_semaphore, #tpu.memory_space<semaphore_mem>>)
      %dma_wait3A_288 = arith.constant 0 : i32
      %dma_wait3A_289 = tpu.memref_slice %arg14[%add3A_244, %dma_wait3A_288] : memref<10240x128xf32, #tpu.memory_space<vmem_shared>> -> memref<64x128xf32, #tpu.memory_space<vmem_shared>>
      %dma_wait3A_290 = arith.constant 0 : i32
      %dma_wait3A_291 = tpu.memref_slice %arg14[%add3A_244, %dma_wait3A_290] : memref<10240x128xf32, #tpu.memory_space<vmem_shared>> -> memref<64x128xf32, #tpu.memory_space<vmem_shared>>
      tpu.wait_dma2 semaphore(%run_scoped3A_283 : memref<!tpu.dma_semaphore, #tpu.memory_space<semaphore_mem>>) src(%arg13 : memref<64x128xf32, #tpu.memory_space<vmem>>) dst(%dma_wait3A_291 : memref<64x128xf32, #tpu.memory_space<vmem_shared>>)
      tpu.yield
    }) : () -> ()
    %mul3A_245 = arith.constant 640 : i32
    %mul3A_246 = arith.muli %arg1, %mul3A_245 : i32
    %add3A_247 = arith.constant 512 : i32
    %add3A_248 = arith.addi %mul3A_246, %add3A_247 : i32
    "tpu.region"() ({
      %run_scoped3A_283 = tpu.sem_alloc : memref<!tpu.dma_semaphore, #tpu.memory_space<semaphore_mem>>
      %dma_start3A_284 = arith.constant 0 : i32
      %dma_start3A_285 = tpu.memref_slice %arg14[%add3A_248, %dma_start3A_284] : memref<10240x128xf32, #tpu.memory_space<vmem_shared>> -> memref<64x128xf32, #tpu.memory_space<vmem_shared>>
      %dma_start3A_286 = arith.constant 0 : i32
      %dma_start3A_287 = tpu.memref_slice %arg14[%add3A_248, %dma_start3A_286] : memref<10240x128xf32, #tpu.memory_space<vmem_shared>> -> memref<64x128xf32, #tpu.memory_space<vmem_shared>>
      tpu.enqueue_dma source(%arg13 : memref<64x128xf32, #tpu.memory_space<vmem>>) target(%dma_start3A_287 : memref<64x128xf32, #tpu.memory_space<vmem_shared>>) target_semaphore(%run_scoped3A_283 : memref<!tpu.dma_semaphore, #tpu.memory_space<semaphore_mem>>)
      %dma_wait3A_288 = arith.constant 0 : i32
      %dma_wait3A_289 = tpu.memref_slice %arg14[%add3A_248, %dma_wait3A_288] : memref<10240x128xf32, #tpu.memory_space<vmem_shared>> -> memref<64x128xf32, #tpu.memory_space<vmem_shared>>
      %dma_wait3A_290 = arith.constant 0 : i32
      %dma_wait3A_291 = tpu.memref_slice %arg14[%add3A_248, %dma_wait3A_290] : memref<10240x128xf32, #tpu.memory_space<vmem_shared>> -> memref<64x128xf32, #tpu.memory_space<vmem_shared>>
      tpu.wait_dma2 semaphore(%run_scoped3A_283 : memref<!tpu.dma_semaphore, #tpu.memory_space<semaphore_mem>>) src(%arg13 : memref<64x128xf32, #tpu.memory_space<vmem>>) dst(%dma_wait3A_291 : memref<64x128xf32, #tpu.memory_space<vmem_shared>>)
      tpu.yield
    }) : () -> ()
    %mul3A_249 = arith.constant 640 : i32
    %mul3A_250 = arith.muli %arg1, %mul3A_249 : i32
    %add3A_251 = arith.constant 576 : i32
    %add3A_252 = arith.addi %mul3A_250, %add3A_251 : i32
    "tpu.region"() ({
      %run_scoped3A_283 = tpu.sem_alloc : memref<!tpu.dma_semaphore, #tpu.memory_space<semaphore_mem>>
      %dma_start3A_284 = arith.constant 0 : i32
      %dma_start3A_285 = tpu.memref_slice %arg14[%add3A_252, %dma_start3A_284] : memref<10240x128xf32, #tpu.memory_space<vmem_shared>> -> memref<64x128xf32, #tpu.memory_space<vmem_shared>>
      %dma_start3A_286 = arith.constant 0 : i32
      %dma_start3A_287 = tpu.memref_slice %arg14[%add3A_252, %dma_start3A_286] : memref<10240x128xf32, #tpu.memory_space<vmem_shared>> -> memref<64x128xf32, #tpu.memory_space<vmem_shared>>
      tpu.enqueue_dma source(%arg13 : memref<64x128xf32, #tpu.memory_space<vmem>>) target(%dma_start3A_287 : memref<64x128xf32, #tpu.memory_space<vmem_shared>>) target_semaphore(%run_scoped3A_283 : memref<!tpu.dma_semaphore, #tpu.memory_space<semaphore_mem>>)
      %dma_wait3A_288 = arith.constant 0 : i32
      %dma_wait3A_289 = tpu.memref_slice %arg14[%add3A_252, %dma_wait3A_288] : memref<10240x128xf32, #tpu.memory_space<vmem_shared>> -> memref<64x128xf32, #tpu.memory_space<vmem_shared>>
      %dma_wait3A_290 = arith.constant 0 : i32
      %dma_wait3A_291 = tpu.memref_slice %arg14[%add3A_252, %dma_wait3A_290] : memref<10240x128xf32, #tpu.memory_space<vmem_shared>> -> memref<64x128xf32, #tpu.memory_space<vmem_shared>>
      tpu.wait_dma2 semaphore(%run_scoped3A_283 : memref<!tpu.dma_semaphore, #tpu.memory_space<semaphore_mem>>) src(%arg13 : memref<64x128xf32, #tpu.memory_space<vmem>>) dst(%dma_wait3A_291 : memref<64x128xf32, #tpu.memory_space<vmem_shared>>)
      tpu.yield
    }) : () -> ()
    %barrier3A_253 = arith.constant 0 : index
    tpu.barrier barrier_id(%barrier3A_253)
    %dma_start3A_254 = arith.constant 0 : i32
    %dma_start3A_255 = arith.constant 0 : i32
    %dma_start3A_256 = tpu.memref_slice %arg9[%dma_start3A_254, %dma_start3A_255] : memref<125x80xi32, #tpu.memory_space<vmem>> -> memref<1x80xi32, #tpu.memory_space<vmem>>
    %dma_start3A_257 = tpu.memref_squeeze %dma_start3A_256 : memref<1x80xi32, #tpu.memory_space<vmem>> -> memref<80xi32, #tpu.memory_space<vmem>>
    %dma_start3A_258 = arith.constant 0 : i32
    %dma_start3A_259 = arith.constant 0 : i32
    %dma_start3A_260 = tpu.memref_slice %arg7[%dma_start3A_258, %dma_start3A_259] : memref<10000x128xf32, #tpu.memory_space<hbm>> -> memref<10000x128xf32, #tpu.memory_space<hbm>>
    tpu.enqueue_indirect_dma source(%dma_start3A_260 : memref<10000x128xf32, #tpu.memory_space<hbm>>) target(%arg11 : memref<80x128xf32, #tpu.memory_space<vmem>>) offsets(%dma_start3A_257 : memref<80xi32, #tpu.memory_space<vmem>>) semaphore(%arg15 : memref<!tpu.dma_semaphore, #tpu.memory_space<semaphore_mem>>)
    %scan3A_261 = arith.constant 0 : i32
    %scan3A_262 = arith.constant 0 : i32
    %scan3A_263 = arith.constant 62 : i32
    %scan3A_264 = arith.addi %scan3A_262, %scan3A_263 : i32
    %scan3A_265 = arith.constant 1 : i32
    %scan3A_266 = scf.for %scan3A_283 = %scan3A_262 to %scan3A_264 step %scan3A_265 iter_args(%scan3A_284 = %scan3A_261) -> (i32)  : i32 {
      %mul3A_285 = arith.constant 2 : i32
      %mul3A_286 = arith.muli %mul3A_285, %scan3A_283 : i32
      %mul3A_287 = arith.constant 2 : i32
      %mul3A_288 = arith.muli %mul3A_287, %scan3A_283 : i32
      %add3A_289 = arith.constant 1 : i32
      %add3A_290 = arith.addi %mul3A_288, %add3A_289 : i32
      %dma_wait3A_291 = arith.constant 0 : i32
      %dma_wait3A_292 = tpu.memref_slice %arg9[%mul3A_286, %dma_wait3A_291] : memref<125x80xi32, #tpu.memory_space<vmem>> -> memref<1x80xi32, #tpu.memory_space<vmem>>
      %dma_wait3A_293 = tpu.memref_squeeze %dma_wait3A_292 : memref<1x80xi32, #tpu.memory_space<vmem>> -> memref<80xi32, #tpu.memory_space<vmem>>
      %dma_wait3A_294 = arith.constant 0 : i32
      %dma_wait3A_295 = arith.constant 0 : i32
      %dma_wait3A_296 = tpu.memref_slice %arg7[%dma_wait3A_294, %dma_wait3A_295] : memref<10000x128xf32, #tpu.memory_space<hbm>> -> memref<10000x128xf32, #tpu.memory_space<hbm>>
      tpu.wait_indirect_dma semaphore(%arg15 : memref<!tpu.dma_semaphore, #tpu.memory_space<semaphore_mem>>) src(%dma_wait3A_296 : memref<10000x128xf32, #tpu.memory_space<hbm>>) dst(%arg11 : memref<80x128xf32, #tpu.memory_space<vmem>>)
      %dma_start3A_297 = arith.constant 0 : i32
      %dma_start3A_298 = tpu.memref_slice %arg9[%add3A_290, %dma_start3A_297] : memref<125x80xi32, #tpu.memory_space<vmem>> -> memref<1x80xi32, #tpu.memory_space<vmem>>
      %dma_start3A_299 = tpu.memref_squeeze %dma_start3A_298 : memref<1x80xi32, #tpu.memory_space<vmem>> -> memref<80xi32, #tpu.memory_space<vmem>>
      %dma_start3A_300 = arith.constant 0 : i32
      %dma_start3A_301 = arith.constant 0 : i32
      %dma_start3A_302 = tpu.memref_slice %arg7[%dma_start3A_300, %dma_start3A_301] : memref<10000x128xf32, #tpu.memory_space<hbm>> -> memref<10000x128xf32, #tpu.memory_space<hbm>>
      tpu.enqueue_indirect_dma source(%dma_start3A_302 : memref<10000x128xf32, #tpu.memory_space<hbm>>) target(%arg12 : memref<80x128xf32, #tpu.memory_space<vmem>>) offsets(%dma_start3A_299 : memref<80xi32, #tpu.memory_space<vmem>>) semaphore(%arg16 : memref<!tpu.dma_semaphore, #tpu.memory_space<semaphore_mem>>)
      "tpu.region"() ({
        %run_scoped3A_318 = tpu.sem_alloc : memref<!tpu.dma_semaphore, #tpu.memory_space<semaphore_mem>>
        %dma_start3A_319 = arith.constant 0 : i32
        %dma_start3A_320 = tpu.memref_slice %arg10[%mul3A_286, %dma_start3A_319] : memref<125x80xi32, #tpu.memory_space<vmem>> -> memref<1x80xi32, #tpu.memory_space<vmem>>
        %dma_start3A_321 = tpu.memref_squeeze %dma_start3A_320 : memref<1x80xi32, #tpu.memory_space<vmem>> -> memref<80xi32, #tpu.memory_space<vmem>>
        %dma_start3A_322 = arith.constant 0 : i32
        %dma_start3A_323 = arith.constant 0 : i32
        %dma_start3A_324 = tpu.memref_slice %arg14[%dma_start3A_322, %dma_start3A_323] : memref<10240x128xf32, #tpu.memory_space<vmem_shared>> -> memref<10240x128xf32, #tpu.memory_space<vmem_shared>>
        tpu.enqueue_indirect_dma source(%arg11 : memref<80x128xf32, #tpu.memory_space<vmem>>) target(%dma_start3A_324 : memref<10240x128xf32, #tpu.memory_space<vmem_shared>>) offsets(%dma_start3A_321 : memref<80xi32, #tpu.memory_space<vmem>>) semaphore(%run_scoped3A_318 : memref<!tpu.dma_semaphore, #tpu.memory_space<semaphore_mem>>) {add = true}
        %dma_wait3A_325 = arith.constant 0 : i32
        %dma_wait3A_326 = tpu.memref_slice %arg10[%mul3A_286, %dma_wait3A_325] : memref<125x80xi32, #tpu.memory_space<vmem>> -> memref<1x80xi32, #tpu.memory_space<vmem>>
        %dma_wait3A_327 = tpu.memref_squeeze %dma_wait3A_326 : memref<1x80xi32, #tpu.memory_space<vmem>> -> memref<80xi32, #tpu.memory_space<vmem>>
        %dma_wait3A_328 = arith.constant 0 : i32
        %dma_wait3A_329 = arith.constant 0 : i32
        %dma_wait3A_330 = tpu.memref_slice %arg14[%dma_wait3A_328, %dma_wait3A_329] : memref<10240x128xf32, #tpu.memory_space<vmem_shared>> -> memref<10240x128xf32, #tpu.memory_space<vmem_shared>>
        tpu.wait_indirect_dma semaphore(%run_scoped3A_318 : memref<!tpu.dma_semaphore, #tpu.memory_space<semaphore_mem>>) src(%arg11 : memref<80x128xf32, #tpu.memory_space<vmem>>) dst(%dma_wait3A_330 : memref<10240x128xf32, #tpu.memory_space<vmem_shared>>)
        tpu.yield
      }) : () -> ()
      %dma_wait3A_303 = arith.constant 0 : i32
      %dma_wait3A_304 = tpu.memref_slice %arg9[%add3A_290, %dma_wait3A_303] : memref<125x80xi32, #tpu.memory_space<vmem>> -> memref<1x80xi32, #tpu.memory_space<vmem>>
      %dma_wait3A_305 = tpu.memref_squeeze %dma_wait3A_304 : memref<1x80xi32, #tpu.memory_space<vmem>> -> memref<80xi32, #tpu.memory_space<vmem>>
      %dma_wait3A_306 = arith.constant 0 : i32
      %dma_wait3A_307 = arith.constant 0 : i32
      %dma_wait3A_308 = tpu.memref_slice %arg7[%dma_wait3A_306, %dma_wait3A_307] : memref<10000x128xf32, #tpu.memory_space<hbm>> -> memref<10000x128xf32, #tpu.memory_space<hbm>>
      tpu.wait_indirect_dma semaphore(%arg16 : memref<!tpu.dma_semaphore, #tpu.memory_space<semaphore_mem>>) src(%dma_wait3A_308 : memref<10000x128xf32, #tpu.memory_space<hbm>>) dst(%arg12 : memref<80x128xf32, #tpu.memory_space<vmem>>)
      %add3A_309 = arith.constant 1 : i32
      %add3A_310 = arith.addi %add3A_290, %add3A_309 : i32
      %dma_start3A_311 = arith.constant 0 : i32
      %dma_start3A_312 = tpu.memref_slice %arg9[%add3A_310, %dma_start3A_311] : memref<125x80xi32, #tpu.memory_space<vmem>> -> memref<1x80xi32, #tpu.memory_space<vmem>>
      %dma_start3A_313 = tpu.memref_squeeze %dma_start3A_312 : memref<1x80xi32, #tpu.memory_space<vmem>> -> memref<80xi32, #tpu.memory_space<vmem>>
      %dma_start3A_314 = arith.constant 0 : i32
      %dma_start3A_315 = arith.constant 0 : i32
      %dma_start3A_316 = tpu.memref_slice %arg7[%dma_start3A_314, %dma_start3A_315] : memref<10000x128xf32, #tpu.memory_space<hbm>> -> memref<10000x128xf32, #tpu.memory_space<hbm>>
      tpu.enqueue_indirect_dma source(%dma_start3A_316 : memref<10000x128xf32, #tpu.memory_space<hbm>>) target(%arg11 : memref<80x128xf32, #tpu.memory_space<vmem>>) offsets(%dma_start3A_313 : memref<80xi32, #tpu.memory_space<vmem>>) semaphore(%arg15 : memref<!tpu.dma_semaphore, #tpu.memory_space<semaphore_mem>>)
      "tpu.region"() ({
        %run_scoped3A_318 = tpu.sem_alloc : memref<!tpu.dma_semaphore, #tpu.memory_space<semaphore_mem>>
        %dma_start3A_319 = arith.constant 0 : i32
        %dma_start3A_320 = tpu.memref_slice %arg10[%add3A_290, %dma_start3A_319] : memref<125x80xi32, #tpu.memory_space<vmem>> -> memref<1x80xi32, #tpu.memory_space<vmem>>
        %dma_start3A_321 = tpu.memref_squeeze %dma_start3A_320 : memref<1x80xi32, #tpu.memory_space<vmem>> -> memref<80xi32, #tpu.memory_space<vmem>>
        %dma_start3A_322 = arith.constant 0 : i32
        %dma_start3A_323 = arith.constant 0 : i32
        %dma_start3A_324 = tpu.memref_slice %arg14[%dma_start3A_322, %dma_start3A_323] : memref<10240x128xf32, #tpu.memory_space<vmem_shared>> -> memref<10240x128xf32, #tpu.memory_space<vmem_shared>>
        tpu.enqueue_indirect_dma source(%arg12 : memref<80x128xf32, #tpu.memory_space<vmem>>) target(%dma_start3A_324 : memref<10240x128xf32, #tpu.memory_space<vmem_shared>>) offsets(%dma_start3A_321 : memref<80xi32, #tpu.memory_space<vmem>>) semaphore(%run_scoped3A_318 : memref<!tpu.dma_semaphore, #tpu.memory_space<semaphore_mem>>) {add = true}
        %dma_wait3A_325 = arith.constant 0 : i32
        %dma_wait3A_326 = tpu.memref_slice %arg10[%add3A_290, %dma_wait3A_325] : memref<125x80xi32, #tpu.memory_space<vmem>> -> memref<1x80xi32, #tpu.memory_space<vmem>>
        %dma_wait3A_327 = tpu.memref_squeeze %dma_wait3A_326 : memref<1x80xi32, #tpu.memory_space<vmem>> -> memref<80xi32, #tpu.memory_space<vmem>>
        %dma_wait3A_328 = arith.constant 0 : i32
        %dma_wait3A_329 = arith.constant 0 : i32
        %dma_wait3A_330 = tpu.memref_slice %arg14[%dma_wait3A_328, %dma_wait3A_329] : memref<10240x128xf32, #tpu.memory_space<vmem_shared>> -> memref<10240x128xf32, #tpu.memory_space<vmem_shared>>
        tpu.wait_indirect_dma semaphore(%run_scoped3A_318 : memref<!tpu.dma_semaphore, #tpu.memory_space<semaphore_mem>>) src(%arg12 : memref<80x128xf32, #tpu.memory_space<vmem>>) dst(%dma_wait3A_330 : memref<10240x128xf32, #tpu.memory_space<vmem_shared>>)
        tpu.yield
      }) : () -> ()
      %scan3A_317 = arith.constant 0 : i32
      scf.yield %scan3A_317 : i32
    }
    %scan3A_267 = arith.constant 62 : i32
    %dma_wait3A_268 = arith.constant 124 : i32
    %dma_wait3A_269 = arith.constant 0 : i32
    %dma_wait3A_270 = tpu.memref_slice %arg9[%dma_wait3A_268, %dma_wait3A_269] : memref<125x80xi32, #tpu.memory_space<vmem>> -> memref<1x80xi32, #tpu.memory_space<vmem>>
    %dma_wait3A_271 = tpu.memref_squeeze %dma_wait3A_270 : memref<1x80xi32, #tpu.memory_space<vmem>> -> memref<80xi32, #tpu.memory_space<vmem>>
    %dma_wait3A_272 = arith.constant 0 : i32
    %dma_wait3A_273 = arith.constant 0 : i32
    %dma_wait3A_274 = tpu.memref_slice %arg7[%dma_wait3A_272, %dma_wait3A_273] : memref<10000x128xf32, #tpu.memory_space<hbm>> -> memref<10000x128xf32, #tpu.memory_space<hbm>>
    tpu.wait_indirect_dma semaphore(%arg15 : memref<!tpu.dma_semaphore, #tpu.memory_space<semaphore_mem>>) src(%dma_wait3A_274 : memref<10000x128xf32, #tpu.memory_space<hbm>>) dst(%arg11 : memref<80x128xf32, #tpu.memory_space<vmem>>)
    %run_scoped3A_275 = arith.constant 124 : i32
    "tpu.region"() ({
      %run_scoped3A_283 = tpu.sem_alloc : memref<!tpu.dma_semaphore, #tpu.memory_space<semaphore_mem>>
      %dma_start3A_284 = arith.constant 0 : i32
      %dma_start3A_285 = tpu.memref_slice %arg10[%run_scoped3A_275, %dma_start3A_284] : memref<125x80xi32, #tpu.memory_space<vmem>> -> memref<1x80xi32, #tpu.memory_space<vmem>>
      %dma_start3A_286 = tpu.memref_squeeze %dma_start3A_285 : memref<1x80xi32, #tpu.memory_space<vmem>> -> memref<80xi32, #tpu.memory_space<vmem>>
      %dma_start3A_287 = arith.constant 0 : i32
      %dma_start3A_288 = arith.constant 0 : i32
      %dma_start3A_289 = tpu.memref_slice %arg14[%dma_start3A_287, %dma_start3A_288] : memref<10240x128xf32, #tpu.memory_space<vmem_shared>> -> memref<10240x128xf32, #tpu.memory_space<vmem_shared>>
      tpu.enqueue_indirect_dma source(%arg11 : memref<80x128xf32, #tpu.memory_space<vmem>>) target(%dma_start3A_289 : memref<10240x128xf32, #tpu.memory_space<vmem_shared>>) offsets(%dma_start3A_286 : memref<80xi32, #tpu.memory_space<vmem>>) semaphore(%run_scoped3A_283 : memref<!tpu.dma_semaphore, #tpu.memory_space<semaphore_mem>>) {add = true}
      %dma_wait3A_290 = arith.constant 0 : i32
      %dma_wait3A_291 = tpu.memref_slice %arg10[%run_scoped3A_275, %dma_wait3A_290] : memref<125x80xi32, #tpu.memory_space<vmem>> -> memref<1x80xi32, #tpu.memory_space<vmem>>
      %dma_wait3A_292 = tpu.memref_squeeze %dma_wait3A_291 : memref<1x80xi32, #tpu.memory_space<vmem>> -> memref<80xi32, #tpu.memory_space<vmem>>
      %dma_wait3A_293 = arith.constant 0 : i32
      %dma_wait3A_294 = arith.constant 0 : i32
      %dma_wait3A_295 = tpu.memref_slice %arg14[%dma_wait3A_293, %dma_wait3A_294] : memref<10240x128xf32, #tpu.memory_space<vmem_shared>> -> memref<10240x128xf32, #tpu.memory_space<vmem_shared>>
      tpu.wait_indirect_dma semaphore(%run_scoped3A_283 : memref<!tpu.dma_semaphore, #tpu.memory_space<semaphore_mem>>) src(%arg11 : memref<80x128xf32, #tpu.memory_space<vmem>>) dst(%dma_wait3A_295 : memref<10240x128xf32, #tpu.memory_space<vmem_shared>>)
      tpu.yield
    }) : () -> ()
    %barrier3A_276 = arith.constant 0 : index
    tpu.barrier barrier_id(%barrier3A_276)
    %mul3A_277 = arith.constant 640 : i32
    %mul3A_278 = arith.muli %arg1, %mul3A_277 : i32
    %mul3A_279 = arith.constant 640 : i32
    %mul3A_280 = arith.muli %arg1, %mul3A_279 : i32
    %add3A_281 = arith.constant 30720 : i32
    %add3A_282 = arith.addi %add3A_281, %mul3A_280 : i32
    "tpu.region"() ({
      %run_scoped3A_283 = tpu.sem_alloc : memref<!tpu.dma_semaphore, #tpu.memory_space<semaphore_mem>>
      %dma_start3A_284 = arith.constant 0 : i32
      %dma_start3A_285 = tpu.memref_slice %arg8[%arg0, %add3A_282, %dma_start3A_284] : memref<2x40960x128xf32, #tpu.memory_space<hbm>> -> memref<1x640x128xf32, #tpu.memory_space<hbm>>
      %dma_start3A_286 = tpu.memref_squeeze %dma_start3A_285 : memref<1x640x128xf32, #tpu.memory_space<hbm>> -> memref<640x128xf32, #tpu.memory_space<hbm>>
      %dma_start3A_287 = arith.constant 0 : i32
      %dma_start3A_288 = tpu.memref_slice %arg14[%mul3A_278, %dma_start3A_287] : memref<10240x128xf32, #tpu.memory_space<vmem_shared>> -> memref<640x128xf32, #tpu.memory_space<vmem_shared>>
      tpu.enqueue_dma source(%dma_start3A_288 : memref<640x128xf32, #tpu.memory_space<vmem_shared>>) target(%dma_start3A_286 : memref<640x128xf32, #tpu.memory_space<hbm>>) target_semaphore(%run_scoped3A_283 : memref<!tpu.dma_semaphore, #tpu.memory_space<semaphore_mem>>)
      %dma_wait3A_289 = arith.constant 0 : i32
      %dma_wait3A_290 = tpu.memref_slice %arg8[%arg0, %add3A_282, %dma_wait3A_289] : memref<2x40960x128xf32, #tpu.memory_space<hbm>> -> memref<1x640x128xf32, #tpu.memory_space<hbm>>
      %dma_wait3A_291 = tpu.memref_squeeze %dma_wait3A_290 : memref<1x640x128xf32, #tpu.memory_space<hbm>> -> memref<640x128xf32, #tpu.memory_space<hbm>>
      %dma_wait3A_292 = arith.constant 0 : i32
      %dma_wait3A_293 = tpu.memref_slice %arg14[%mul3A_278, %dma_wait3A_292] : memref<10240x128xf32, #tpu.memory_space<vmem_shared>> -> memref<640x128xf32, #tpu.memory_space<vmem_shared>>
      tpu.wait_dma2 semaphore(%run_scoped3A_283 : memref<!tpu.dma_semaphore, #tpu.memory_space<semaphore_mem>>) src(%dma_wait3A_293 : memref<640x128xf32, #tpu.memory_space<vmem_shared>>) dst(%dma_wait3A_291 : memref<640x128xf32, #tpu.memory_space<hbm>>)
      tpu.yield
    }) : () -> ()
    return
  }
}

#map = affine_map<(d0, d1) -> (0, 0, 0)>
#map1 = affine_map<(d0, d1) -> (0, 0)>
module attributes {stable_mosaic.version = 14 : i64} {
  func.func @_prop(%arg0: i32, %arg1: i32, %arg2: memref<32x125x80xi32, #tpu.memory_space<hbm>>, %arg3: memref<32x125x80xi32, #tpu.memory_space<hbm>>, %arg4: memref<10000x128xf32, #tpu.memory_space<hbm>>, %arg5: memref<2x10240x128xf32, #tpu.memory_space<hbm>>, %arg6: memref<125x80xi32, #tpu.memory_space<vmem>>, %arg7: memref<125x80xi32, #tpu.memory_space<vmem>>, %arg8: memref<80x128xf32, #tpu.memory_space<vmem>>, %arg9: memref<80x128xf32, #tpu.memory_space<vmem>>, %arg10: memref<64x128xf32, #tpu.memory_space<vmem>>, %arg11: memref<10240x128xf32, #tpu.memory_space<vmem_shared>>, %arg12: memref<!tpu.dma_semaphore, #tpu.memory_space<semaphore_mem>>, %arg13: memref<!tpu.dma_semaphore, #tpu.memory_space<semaphore_mem>>) attributes {dimension_semantics = [#tpu.dimension_semantics<core_parallel>, #tpu.dimension_semantics<subcore_parallel>], iteration_bounds = array<i64: 2, 16>, scalar_prefetch = 0 : i64, scratch_operands = 8 : i64, tpu.core_type = #tpu.core_type<sc_vector_subcore>, window_params = [{transform_indices = #map}, {transform_indices = #map}, {transform_indices = #map1}, {transform_indices = #map}]} {
    %mul3A = arith.constant 16 : i32
    %mul3A_0 = arith.muli %arg0, %mul3A : i32
    %add3A = arith.addi %mul3A_0, %arg1 : i32
    %scan3A = arith.constant 0 : i32
    %scan3A_1 = arith.constant 0 : i32
    %scan3A_2 = arith.constant 64 : i32
    %scan3A_3 = arith.addi %scan3A_1, %scan3A_2 : i32
    %scan3A_4 = arith.constant 1 : i32
    %scan3A_5 = scf.for %scan3A_73 = %scan3A_1 to %scan3A_3 step %scan3A_4 iter_args(%scan3A_74 = %scan3A) -> (i32)  : i32 {
      %broadcast_in_dim3A = arith.constant 0.000000e+00 : f32
      %broadcast_in_dim3A_75 = vector.broadcast %broadcast_in_dim3A : f32 to vector<16xf32>
      %swap3A = arith.index_cast %scan3A_73 : i32 to index
      %swap3A_76 = arith.constant 0 : index
      %swap3A_77 = tpu.vector_load %arg10[%swap3A, %swap3A_76] {strides = array<i32>} : memref<64x128xf32, #tpu.memory_space<vmem>>, vector<1x16xf32>,
      %swap3A_78 = vector.shape_cast %swap3A_77 : vector<1x16xf32> to vector<16xf32>
      %swap3A_79 = vector.shape_cast %broadcast_in_dim3A_75 : vector<16xf32> to vector<1x16xf32>
      tpu.vector_store %arg10[%swap3A, %swap3A_76], %swap3A_79 {strides = array<i32>} : memref<64x128xf32, #tpu.memory_space<vmem>>, vector<1x16xf32>,
      %broadcast_in_dim3A_80 = arith.constant 0.000000e+00 : f32
      %broadcast_in_dim3A_81 = vector.broadcast %broadcast_in_dim3A_80 : f32 to vector<16xf32>
      %swap3A_82 = arith.index_cast %scan3A_73 : i32 to index
      %swap3A_83 = arith.constant 16 : index
      %swap3A_84 = tpu.vector_load %arg10[%swap3A_82, %swap3A_83] {strides = array<i32>} : memref<64x128xf32, #tpu.memory_space<vmem>>, vector<1x16xf32>,
      %swap3A_85 = vector.shape_cast %swap3A_84 : vector<1x16xf32> to vector<16xf32>
      %swap3A_86 = vector.shape_cast %broadcast_in_dim3A_81 : vector<16xf32> to vector<1x16xf32>
      tpu.vector_store %arg10[%swap3A_82, %swap3A_83], %swap3A_86 {strides = array<i32>} : memref<64x128xf32, #tpu.memory_space<vmem>>, vector<1x16xf32>,
      %broadcast_in_dim3A_87 = arith.constant 0.000000e+00 : f32
      %broadcast_in_dim3A_88 = vector.broadcast %broadcast_in_dim3A_87 : f32 to vector<16xf32>
      %swap3A_89 = arith.index_cast %scan3A_73 : i32 to index
      %swap3A_90 = arith.constant 32 : index
      %swap3A_91 = tpu.vector_load %arg10[%swap3A_89, %swap3A_90] {strides = array<i32>} : memref<64x128xf32, #tpu.memory_space<vmem>>, vector<1x16xf32>,
      %swap3A_92 = vector.shape_cast %swap3A_91 : vector<1x16xf32> to vector<16xf32>
      %swap3A_93 = vector.shape_cast %broadcast_in_dim3A_88 : vector<16xf32> to vector<1x16xf32>
      tpu.vector_store %arg10[%swap3A_89, %swap3A_90], %swap3A_93 {strides = array<i32>} : memref<64x128xf32, #tpu.memory_space<vmem>>, vector<1x16xf32>,
      %broadcast_in_dim3A_94 = arith.constant 0.000000e+00 : f32
      %broadcast_in_dim3A_95 = vector.broadcast %broadcast_in_dim3A_94 : f32 to vector<16xf32>
      %swap3A_96 = arith.index_cast %scan3A_73 : i32 to index
      %swap3A_97 = arith.constant 48 : index
      %swap3A_98 = tpu.vector_load %arg10[%swap3A_96, %swap3A_97] {strides = array<i32>} : memref<64x128xf32, #tpu.memory_space<vmem>>, vector<1x16xf32>,
      %swap3A_99 = vector.shape_cast %swap3A_98 : vector<1x16xf32> to vector<16xf32>
      %swap3A_100 = vector.shape_cast %broadcast_in_dim3A_95 : vector<16xf32> to vector<1x16xf32>
      tpu.vector_store %arg10[%swap3A_96, %swap3A_97], %swap3A_100 {strides = array<i32>} : memref<64x128xf32, #tpu.memory_space<vmem>>, vector<1x16xf32>,
      %broadcast_in_dim3A_101 = arith.constant 0.000000e+00 : f32
      %broadcast_in_dim3A_102 = vector.broadcast %broadcast_in_dim3A_101 : f32 to vector<16xf32>
      %swap3A_103 = arith.index_cast %scan3A_73 : i32 to index
      %swap3A_104 = arith.constant 64 : index
      %swap3A_105 = tpu.vector_load %arg10[%swap3A_103, %swap3A_104] {strides = array<i32>} : memref<64x128xf32, #tpu.memory_space<vmem>>, vector<1x16xf32>,
      %swap3A_106 = vector.shape_cast %swap3A_105 : vector<1x16xf32> to vector<16xf32>
      %swap3A_107 = vector.shape_cast %broadcast_in_dim3A_102 : vector<16xf32> to vector<1x16xf32>
      tpu.vector_store %arg10[%swap3A_103, %swap3A_104], %swap3A_107 {strides = array<i32>} : memref<64x128xf32, #tpu.memory_space<vmem>>, vector<1x16xf32>,
      %broadcast_in_dim3A_108 = arith.constant 0.000000e+00 : f32
      %broadcast_in_dim3A_109 = vector.broadcast %broadcast_in_dim3A_108 : f32 to vector<16xf32>
      %swap3A_110 = arith.index_cast %scan3A_73 : i32 to index
      %swap3A_111 = arith.constant 80 : index
      %swap3A_112 = tpu.vector_load %arg10[%swap3A_110, %swap3A_111] {strides = array<i32>} : memref<64x128xf32, #tpu.memory_space<vmem>>, vector<1x16xf32>,
      %swap3A_113 = vector.shape_cast %swap3A_112 : vector<1x16xf32> to vector<16xf32>
      %swap3A_114 = vector.shape_cast %broadcast_in_dim3A_109 : vector<16xf32> to vector<1x16xf32>
      tpu.vector_store %arg10[%swap3A_110, %swap3A_111], %swap3A_114 {strides = array<i32>} : memref<64x128xf32, #tpu.memory_space<vmem>>, vector<1x16xf32>,
      %broadcast_in_dim3A_115 = arith.constant 0.000000e+00 : f32
      %broadcast_in_dim3A_116 = vector.broadcast %broadcast_in_dim3A_115 : f32 to vector<16xf32>
      %swap3A_117 = arith.index_cast %scan3A_73 : i32 to index
      %swap3A_118 = arith.constant 96 : index
      %swap3A_119 = tpu.vector_load %arg10[%swap3A_117, %swap3A_118] {strides = array<i32>} : memref<64x128xf32, #tpu.memory_space<vmem>>, vector<1x16xf32>,
      %swap3A_120 = vector.shape_cast %swap3A_119 : vector<1x16xf32> to vector<16xf32>
      %swap3A_121 = vector.shape_cast %broadcast_in_dim3A_116 : vector<16xf32> to vector<1x16xf32>
      tpu.vector_store %arg10[%swap3A_117, %swap3A_118], %swap3A_121 {strides = array<i32>} : memref<64x128xf32, #tpu.memory_space<vmem>>, vector<1x16xf32>,
      %broadcast_in_dim3A_122 = arith.constant 0.000000e+00 : f32
      %broadcast_in_dim3A_123 = vector.broadcast %broadcast_in_dim3A_122 : f32 to vector<16xf32>
      %swap3A_124 = arith.index_cast %scan3A_73 : i32 to index
      %swap3A_125 = arith.constant 112 : index
      %swap3A_126 = tpu.vector_load %arg10[%swap3A_124, %swap3A_125] {strides = array<i32>} : memref<64x128xf32, #tpu.memory_space<vmem>>, vector<1x16xf32>,
      %swap3A_127 = vector.shape_cast %swap3A_126 : vector<1x16xf32> to vector<16xf32>
      %swap3A_128 = vector.shape_cast %broadcast_in_dim3A_123 : vector<16xf32> to vector<1x16xf32>
      tpu.vector_store %arg10[%swap3A_124, %swap3A_125], %swap3A_128 {strides = array<i32>} : memref<64x128xf32, #tpu.memory_space<vmem>>, vector<1x16xf32>,
      %scan3A_129 = arith.constant 0 : i32
      scf.yield %scan3A_129 : i32
    }
    %scan3A_6 = arith.constant 64 : i32
    "tpu.region"() ({
      %run_scoped3A_73 = tpu.sem_alloc : memref<!tpu.dma_semaphore, #tpu.memory_space<semaphore_mem>>
      %dma_start3A_74 = arith.constant 0 : i32
      %dma_start3A_75 = arith.constant 0 : i32
      %dma_start3A_76 = tpu.memref_slice %arg2[%add3A, %dma_start3A_74, %dma_start3A_75] : memref<32x125x80xi32, #tpu.memory_space<hbm>> -> memref<1x125x80xi32, #tpu.memory_space<hbm>>
      %dma_start3A_77 = tpu.memref_squeeze %dma_start3A_76 : memref<1x125x80xi32, #tpu.memory_space<hbm>> -> memref<125x80xi32, #tpu.memory_space<hbm>>
      %dma_start3A_78 = arith.constant 0 : i32
      %dma_start3A_79 = arith.constant 0 : i32
      %dma_start3A_80 = tpu.memref_slice %arg2[%add3A, %dma_start3A_78, %dma_start3A_79] : memref<32x125x80xi32, #tpu.memory_space<hbm>> -> memref<1x125x80xi32, #tpu.memory_space<hbm>>
      %dma_start3A_81 = tpu.memref_squeeze %dma_start3A_80 : memref<1x125x80xi32, #tpu.memory_space<hbm>> -> memref<125x80xi32, #tpu.memory_space<hbm>>
      tpu.enqueue_dma source(%dma_start3A_81 : memref<125x80xi32, #tpu.memory_space<hbm>>) target(%arg6 : memref<125x80xi32, #tpu.memory_space<vmem>>) target_semaphore(%run_scoped3A_73 : memref<!tpu.dma_semaphore, #tpu.memory_space<semaphore_mem>>)
      %dma_wait3A_82 = arith.constant 0 : i32
      %dma_wait3A_83 = arith.constant 0 : i32
      %dma_wait3A_84 = tpu.memref_slice %arg2[%add3A, %dma_wait3A_82, %dma_wait3A_83] : memref<32x125x80xi32, #tpu.memory_space<hbm>> -> memref<1x125x80xi32, #tpu.memory_space<hbm>>
      %dma_wait3A_85 = tpu.memref_squeeze %dma_wait3A_84 : memref<1x125x80xi32, #tpu.memory_space<hbm>> -> memref<125x80xi32, #tpu.memory_space<hbm>>
      %dma_wait3A_86 = arith.constant 0 : i32
      %dma_wait3A_87 = arith.constant 0 : i32
      %dma_wait3A_88 = tpu.memref_slice %arg2[%add3A, %dma_wait3A_86, %dma_wait3A_87] : memref<32x125x80xi32, #tpu.memory_space<hbm>> -> memref<1x125x80xi32, #tpu.memory_space<hbm>>
      %dma_wait3A_89 = tpu.memref_squeeze %dma_wait3A_88 : memref<1x125x80xi32, #tpu.memory_space<hbm>> -> memref<125x80xi32, #tpu.memory_space<hbm>>
      tpu.wait_dma2 semaphore(%run_scoped3A_73 : memref<!tpu.dma_semaphore, #tpu.memory_space<semaphore_mem>>) src(%dma_wait3A_89 : memref<125x80xi32, #tpu.memory_space<hbm>>) dst(%arg6 : memref<125x80xi32, #tpu.memory_space<vmem>>)
      tpu.yield
    }) : () -> ()
    "tpu.region"() ({
      %run_scoped3A_73 = tpu.sem_alloc : memref<!tpu.dma_semaphore, #tpu.memory_space<semaphore_mem>>
      %dma_start3A_74 = arith.constant 0 : i32
      %dma_start3A_75 = arith.constant 0 : i32
      %dma_start3A_76 = tpu.memref_slice %arg3[%add3A, %dma_start3A_74, %dma_start3A_75] : memref<32x125x80xi32, #tpu.memory_space<hbm>> -> memref<1x125x80xi32, #tpu.memory_space<hbm>>
      %dma_start3A_77 = tpu.memref_squeeze %dma_start3A_76 : memref<1x125x80xi32, #tpu.memory_space<hbm>> -> memref<125x80xi32, #tpu.memory_space<hbm>>
      %dma_start3A_78 = arith.constant 0 : i32
      %dma_start3A_79 = arith.constant 0 : i32
      %dma_start3A_80 = tpu.memref_slice %arg3[%add3A, %dma_start3A_78, %dma_start3A_79] : memref<32x125x80xi32, #tpu.memory_space<hbm>> -> memref<1x125x80xi32, #tpu.memory_space<hbm>>
      %dma_start3A_81 = tpu.memref_squeeze %dma_start3A_80 : memref<1x125x80xi32, #tpu.memory_space<hbm>> -> memref<125x80xi32, #tpu.memory_space<hbm>>
      tpu.enqueue_dma source(%dma_start3A_81 : memref<125x80xi32, #tpu.memory_space<hbm>>) target(%arg7 : memref<125x80xi32, #tpu.memory_space<vmem>>) target_semaphore(%run_scoped3A_73 : memref<!tpu.dma_semaphore, #tpu.memory_space<semaphore_mem>>)
      %dma_wait3A_82 = arith.constant 0 : i32
      %dma_wait3A_83 = arith.constant 0 : i32
      %dma_wait3A_84 = tpu.memref_slice %arg3[%add3A, %dma_wait3A_82, %dma_wait3A_83] : memref<32x125x80xi32, #tpu.memory_space<hbm>> -> memref<1x125x80xi32, #tpu.memory_space<hbm>>
      %dma_wait3A_85 = tpu.memref_squeeze %dma_wait3A_84 : memref<1x125x80xi32, #tpu.memory_space<hbm>> -> memref<125x80xi32, #tpu.memory_space<hbm>>
      %dma_wait3A_86 = arith.constant 0 : i32
      %dma_wait3A_87 = arith.constant 0 : i32
      %dma_wait3A_88 = tpu.memref_slice %arg3[%add3A, %dma_wait3A_86, %dma_wait3A_87] : memref<32x125x80xi32, #tpu.memory_space<hbm>> -> memref<1x125x80xi32, #tpu.memory_space<hbm>>
      %dma_wait3A_89 = tpu.memref_squeeze %dma_wait3A_88 : memref<1x125x80xi32, #tpu.memory_space<hbm>> -> memref<125x80xi32, #tpu.memory_space<hbm>>
      tpu.wait_dma2 semaphore(%run_scoped3A_73 : memref<!tpu.dma_semaphore, #tpu.memory_space<semaphore_mem>>) src(%dma_wait3A_89 : memref<125x80xi32, #tpu.memory_space<hbm>>) dst(%arg7 : memref<125x80xi32, #tpu.memory_space<vmem>>)
      tpu.yield
    }) : () -> ()
    %mul3A_7 = arith.constant 640 : i32
    %mul3A_8 = arith.muli %arg1, %mul3A_7 : i32
    %add3A_9 = arith.constant 0 : i32
    %add3A_10 = arith.addi %mul3A_8, %add3A_9 : i32
    "tpu.region"() ({
      %run_scoped3A_73 = tpu.sem_alloc : memref<!tpu.dma_semaphore, #tpu.memory_space<semaphore_mem>>
      %dma_start3A_74 = arith.constant 0 : i32
      %dma_start3A_75 = tpu.memref_slice %arg11[%add3A_10, %dma_start3A_74] : memref<10240x128xf32, #tpu.memory_space<vmem_shared>> -> memref<64x128xf32, #tpu.memory_space<vmem_shared>>
      %dma_start3A_76 = arith.constant 0 : i32
      %dma_start3A_77 = tpu.memref_slice %arg11[%add3A_10, %dma_start3A_76] : memref<10240x128xf32, #tpu.memory_space<vmem_shared>> -> memref<64x128xf32, #tpu.memory_space<vmem_shared>>
      tpu.enqueue_dma source(%arg10 : memref<64x128xf32, #tpu.memory_space<vmem>>) target(%dma_start3A_77 : memref<64x128xf32, #tpu.memory_space<vmem_shared>>) target_semaphore(%run_scoped3A_73 : memref<!tpu.dma_semaphore, #tpu.memory_space<semaphore_mem>>)
      %dma_wait3A_78 = arith.constant 0 : i32
      %dma_wait3A_79 = tpu.memref_slice %arg11[%add3A_10, %dma_wait3A_78] : memref<10240x128xf32, #tpu.memory_space<vmem_shared>> -> memref<64x128xf32, #tpu.memory_space<vmem_shared>>
      %dma_wait3A_80 = arith.constant 0 : i32
      %dma_wait3A_81 = tpu.memref_slice %arg11[%add3A_10, %dma_wait3A_80] : memref<10240x128xf32, #tpu.memory_space<vmem_shared>> -> memref<64x128xf32, #tpu.memory_space<vmem_shared>>
      tpu.wait_dma2 semaphore(%run_scoped3A_73 : memref<!tpu.dma_semaphore, #tpu.memory_space<semaphore_mem>>) src(%arg10 : memref<64x128xf32, #tpu.memory_space<vmem>>) dst(%dma_wait3A_81 : memref<64x128xf32, #tpu.memory_space<vmem_shared>>)
      tpu.yield
    }) : () -> ()
    %mul3A_11 = arith.constant 640 : i32
    %mul3A_12 = arith.muli %arg1, %mul3A_11 : i32
    %add3A_13 = arith.constant 64 : i32
    %add3A_14 = arith.addi %mul3A_12, %add3A_13 : i32
    "tpu.region"() ({
      %run_scoped3A_73 = tpu.sem_alloc : memref<!tpu.dma_semaphore, #tpu.memory_space<semaphore_mem>>
      %dma_start3A_74 = arith.constant 0 : i32
      %dma_start3A_75 = tpu.memref_slice %arg11[%add3A_14, %dma_start3A_74] : memref<10240x128xf32, #tpu.memory_space<vmem_shared>> -> memref<64x128xf32, #tpu.memory_space<vmem_shared>>
      %dma_start3A_76 = arith.constant 0 : i32
      %dma_start3A_77 = tpu.memref_slice %arg11[%add3A_14, %dma_start3A_76] : memref<10240x128xf32, #tpu.memory_space<vmem_shared>> -> memref<64x128xf32, #tpu.memory_space<vmem_shared>>
      tpu.enqueue_dma source(%arg10 : memref<64x128xf32, #tpu.memory_space<vmem>>) target(%dma_start3A_77 : memref<64x128xf32, #tpu.memory_space<vmem_shared>>) target_semaphore(%run_scoped3A_73 : memref<!tpu.dma_semaphore, #tpu.memory_space<semaphore_mem>>)
      %dma_wait3A_78 = arith.constant 0 : i32
      %dma_wait3A_79 = tpu.memref_slice %arg11[%add3A_14, %dma_wait3A_78] : memref<10240x128xf32, #tpu.memory_space<vmem_shared>> -> memref<64x128xf32, #tpu.memory_space<vmem_shared>>
      %dma_wait3A_80 = arith.constant 0 : i32
      %dma_wait3A_81 = tpu.memref_slice %arg11[%add3A_14, %dma_wait3A_80] : memref<10240x128xf32, #tpu.memory_space<vmem_shared>> -> memref<64x128xf32, #tpu.memory_space<vmem_shared>>
      tpu.wait_dma2 semaphore(%run_scoped3A_73 : memref<!tpu.dma_semaphore, #tpu.memory_space<semaphore_mem>>) src(%arg10 : memref<64x128xf32, #tpu.memory_space<vmem>>) dst(%dma_wait3A_81 : memref<64x128xf32, #tpu.memory_space<vmem_shared>>)
      tpu.yield
    }) : () -> ()
    %mul3A_15 = arith.constant 640 : i32
    %mul3A_16 = arith.muli %arg1, %mul3A_15 : i32
    %add3A_17 = arith.constant 128 : i32
    %add3A_18 = arith.addi %mul3A_16, %add3A_17 : i32
    "tpu.region"() ({
      %run_scoped3A_73 = tpu.sem_alloc : memref<!tpu.dma_semaphore, #tpu.memory_space<semaphore_mem>>
      %dma_start3A_74 = arith.constant 0 : i32
      %dma_start3A_75 = tpu.memref_slice %arg11[%add3A_18, %dma_start3A_74] : memref<10240x128xf32, #tpu.memory_space<vmem_shared>> -> memref<64x128xf32, #tpu.memory_space<vmem_shared>>
      %dma_start3A_76 = arith.constant 0 : i32
      %dma_start3A_77 = tpu.memref_slice %arg11[%add3A_18, %dma_start3A_76] : memref<10240x128xf32, #tpu.memory_space<vmem_shared>> -> memref<64x128xf32, #tpu.memory_space<vmem_shared>>
      tpu.enqueue_dma source(%arg10 : memref<64x128xf32, #tpu.memory_space<vmem>>) target(%dma_start3A_77 : memref<64x128xf32, #tpu.memory_space<vmem_shared>>) target_semaphore(%run_scoped3A_73 : memref<!tpu.dma_semaphore, #tpu.memory_space<semaphore_mem>>)
      %dma_wait3A_78 = arith.constant 0 : i32
      %dma_wait3A_79 = tpu.memref_slice %arg11[%add3A_18, %dma_wait3A_78] : memref<10240x128xf32, #tpu.memory_space<vmem_shared>> -> memref<64x128xf32, #tpu.memory_space<vmem_shared>>
      %dma_wait3A_80 = arith.constant 0 : i32
      %dma_wait3A_81 = tpu.memref_slice %arg11[%add3A_18, %dma_wait3A_80] : memref<10240x128xf32, #tpu.memory_space<vmem_shared>> -> memref<64x128xf32, #tpu.memory_space<vmem_shared>>
      tpu.wait_dma2 semaphore(%run_scoped3A_73 : memref<!tpu.dma_semaphore, #tpu.memory_space<semaphore_mem>>) src(%arg10 : memref<64x128xf32, #tpu.memory_space<vmem>>) dst(%dma_wait3A_81 : memref<64x128xf32, #tpu.memory_space<vmem_shared>>)
      tpu.yield
    }) : () -> ()
    %mul3A_19 = arith.constant 640 : i32
    %mul3A_20 = arith.muli %arg1, %mul3A_19 : i32
    %add3A_21 = arith.constant 192 : i32
    %add3A_22 = arith.addi %mul3A_20, %add3A_21 : i32
    "tpu.region"() ({
      %run_scoped3A_73 = tpu.sem_alloc : memref<!tpu.dma_semaphore, #tpu.memory_space<semaphore_mem>>
      %dma_start3A_74 = arith.constant 0 : i32
      %dma_start3A_75 = tpu.memref_slice %arg11[%add3A_22, %dma_start3A_74] : memref<10240x128xf32, #tpu.memory_space<vmem_shared>> -> memref<64x128xf32, #tpu.memory_space<vmem_shared>>
      %dma_start3A_76 = arith.constant 0 : i32
      %dma_start3A_77 = tpu.memref_slice %arg11[%add3A_22, %dma_start3A_76] : memref<10240x128xf32, #tpu.memory_space<vmem_shared>> -> memref<64x128xf32, #tpu.memory_space<vmem_shared>>
      tpu.enqueue_dma source(%arg10 : memref<64x128xf32, #tpu.memory_space<vmem>>) target(%dma_start3A_77 : memref<64x128xf32, #tpu.memory_space<vmem_shared>>) target_semaphore(%run_scoped3A_73 : memref<!tpu.dma_semaphore, #tpu.memory_space<semaphore_mem>>)
      %dma_wait3A_78 = arith.constant 0 : i32
      %dma_wait3A_79 = tpu.memref_slice %arg11[%add3A_22, %dma_wait3A_78] : memref<10240x128xf32, #tpu.memory_space<vmem_shared>> -> memref<64x128xf32, #tpu.memory_space<vmem_shared>>
      %dma_wait3A_80 = arith.constant 0 : i32
      %dma_wait3A_81 = tpu.memref_slice %arg11[%add3A_22, %dma_wait3A_80] : memref<10240x128xf32, #tpu.memory_space<vmem_shared>> -> memref<64x128xf32, #tpu.memory_space<vmem_shared>>
      tpu.wait_dma2 semaphore(%run_scoped3A_73 : memref<!tpu.dma_semaphore, #tpu.memory_space<semaphore_mem>>) src(%arg10 : memref<64x128xf32, #tpu.memory_space<vmem>>) dst(%dma_wait3A_81 : memref<64x128xf32, #tpu.memory_space<vmem_shared>>)
      tpu.yield
    }) : () -> ()
    %mul3A_23 = arith.constant 640 : i32
    %mul3A_24 = arith.muli %arg1, %mul3A_23 : i32
    %add3A_25 = arith.constant 256 : i32
    %add3A_26 = arith.addi %mul3A_24, %add3A_25 : i32
    "tpu.region"() ({
      %run_scoped3A_73 = tpu.sem_alloc : memref<!tpu.dma_semaphore, #tpu.memory_space<semaphore_mem>>
      %dma_start3A_74 = arith.constant 0 : i32
      %dma_start3A_75 = tpu.memref_slice %arg11[%add3A_26, %dma_start3A_74] : memref<10240x128xf32, #tpu.memory_space<vmem_shared>> -> memref<64x128xf32, #tpu.memory_space<vmem_shared>>
      %dma_start3A_76 = arith.constant 0 : i32
      %dma_start3A_77 = tpu.memref_slice %arg11[%add3A_26, %dma_start3A_76] : memref<10240x128xf32, #tpu.memory_space<vmem_shared>> -> memref<64x128xf32, #tpu.memory_space<vmem_shared>>
      tpu.enqueue_dma source(%arg10 : memref<64x128xf32, #tpu.memory_space<vmem>>) target(%dma_start3A_77 : memref<64x128xf32, #tpu.memory_space<vmem_shared>>) target_semaphore(%run_scoped3A_73 : memref<!tpu.dma_semaphore, #tpu.memory_space<semaphore_mem>>)
      %dma_wait3A_78 = arith.constant 0 : i32
      %dma_wait3A_79 = tpu.memref_slice %arg11[%add3A_26, %dma_wait3A_78] : memref<10240x128xf32, #tpu.memory_space<vmem_shared>> -> memref<64x128xf32, #tpu.memory_space<vmem_shared>>
      %dma_wait3A_80 = arith.constant 0 : i32
      %dma_wait3A_81 = tpu.memref_slice %arg11[%add3A_26, %dma_wait3A_80] : memref<10240x128xf32, #tpu.memory_space<vmem_shared>> -> memref<64x128xf32, #tpu.memory_space<vmem_shared>>
      tpu.wait_dma2 semaphore(%run_scoped3A_73 : memref<!tpu.dma_semaphore, #tpu.memory_space<semaphore_mem>>) src(%arg10 : memref<64x128xf32, #tpu.memory_space<vmem>>) dst(%dma_wait3A_81 : memref<64x128xf32, #tpu.memory_space<vmem_shared>>)
      tpu.yield
    }) : () -> ()
    %mul3A_27 = arith.constant 640 : i32
    %mul3A_28 = arith.muli %arg1, %mul3A_27 : i32
    %add3A_29 = arith.constant 320 : i32
    %add3A_30 = arith.addi %mul3A_28, %add3A_29 : i32
    "tpu.region"() ({
      %run_scoped3A_73 = tpu.sem_alloc : memref<!tpu.dma_semaphore, #tpu.memory_space<semaphore_mem>>
      %dma_start3A_74 = arith.constant 0 : i32
      %dma_start3A_75 = tpu.memref_slice %arg11[%add3A_30, %dma_start3A_74] : memref<10240x128xf32, #tpu.memory_space<vmem_shared>> -> memref<64x128xf32, #tpu.memory_space<vmem_shared>>
      %dma_start3A_76 = arith.constant 0 : i32
      %dma_start3A_77 = tpu.memref_slice %arg11[%add3A_30, %dma_start3A_76] : memref<10240x128xf32, #tpu.memory_space<vmem_shared>> -> memref<64x128xf32, #tpu.memory_space<vmem_shared>>
      tpu.enqueue_dma source(%arg10 : memref<64x128xf32, #tpu.memory_space<vmem>>) target(%dma_start3A_77 : memref<64x128xf32, #tpu.memory_space<vmem_shared>>) target_semaphore(%run_scoped3A_73 : memref<!tpu.dma_semaphore, #tpu.memory_space<semaphore_mem>>)
      %dma_wait3A_78 = arith.constant 0 : i32
      %dma_wait3A_79 = tpu.memref_slice %arg11[%add3A_30, %dma_wait3A_78] : memref<10240x128xf32, #tpu.memory_space<vmem_shared>> -> memref<64x128xf32, #tpu.memory_space<vmem_shared>>
      %dma_wait3A_80 = arith.constant 0 : i32
      %dma_wait3A_81 = tpu.memref_slice %arg11[%add3A_30, %dma_wait3A_80] : memref<10240x128xf32, #tpu.memory_space<vmem_shared>> -> memref<64x128xf32, #tpu.memory_space<vmem_shared>>
      tpu.wait_dma2 semaphore(%run_scoped3A_73 : memref<!tpu.dma_semaphore, #tpu.memory_space<semaphore_mem>>) src(%arg10 : memref<64x128xf32, #tpu.memory_space<vmem>>) dst(%dma_wait3A_81 : memref<64x128xf32, #tpu.memory_space<vmem_shared>>)
      tpu.yield
    }) : () -> ()
    %mul3A_31 = arith.constant 640 : i32
    %mul3A_32 = arith.muli %arg1, %mul3A_31 : i32
    %add3A_33 = arith.constant 384 : i32
    %add3A_34 = arith.addi %mul3A_32, %add3A_33 : i32
    "tpu.region"() ({
      %run_scoped3A_73 = tpu.sem_alloc : memref<!tpu.dma_semaphore, #tpu.memory_space<semaphore_mem>>
      %dma_start3A_74 = arith.constant 0 : i32
      %dma_start3A_75 = tpu.memref_slice %arg11[%add3A_34, %dma_start3A_74] : memref<10240x128xf32, #tpu.memory_space<vmem_shared>> -> memref<64x128xf32, #tpu.memory_space<vmem_shared>>
      %dma_start3A_76 = arith.constant 0 : i32
      %dma_start3A_77 = tpu.memref_slice %arg11[%add3A_34, %dma_start3A_76] : memref<10240x128xf32, #tpu.memory_space<vmem_shared>> -> memref<64x128xf32, #tpu.memory_space<vmem_shared>>
      tpu.enqueue_dma source(%arg10 : memref<64x128xf32, #tpu.memory_space<vmem>>) target(%dma_start3A_77 : memref<64x128xf32, #tpu.memory_space<vmem_shared>>) target_semaphore(%run_scoped3A_73 : memref<!tpu.dma_semaphore, #tpu.memory_space<semaphore_mem>>)
      %dma_wait3A_78 = arith.constant 0 : i32
      %dma_wait3A_79 = tpu.memref_slice %arg11[%add3A_34, %dma_wait3A_78] : memref<10240x128xf32, #tpu.memory_space<vmem_shared>> -> memref<64x128xf32, #tpu.memory_space<vmem_shared>>
      %dma_wait3A_80 = arith.constant 0 : i32
      %dma_wait3A_81 = tpu.memref_slice %arg11[%add3A_34, %dma_wait3A_80] : memref<10240x128xf32, #tpu.memory_space<vmem_shared>> -> memref<64x128xf32, #tpu.memory_space<vmem_shared>>
      tpu.wait_dma2 semaphore(%run_scoped3A_73 : memref<!tpu.dma_semaphore, #tpu.memory_space<semaphore_mem>>) src(%arg10 : memref<64x128xf32, #tpu.memory_space<vmem>>) dst(%dma_wait3A_81 : memref<64x128xf32, #tpu.memory_space<vmem_shared>>)
      tpu.yield
    }) : () -> ()
    %mul3A_35 = arith.constant 640 : i32
    %mul3A_36 = arith.muli %arg1, %mul3A_35 : i32
    %add3A_37 = arith.constant 448 : i32
    %add3A_38 = arith.addi %mul3A_36, %add3A_37 : i32
    "tpu.region"() ({
      %run_scoped3A_73 = tpu.sem_alloc : memref<!tpu.dma_semaphore, #tpu.memory_space<semaphore_mem>>
      %dma_start3A_74 = arith.constant 0 : i32
      %dma_start3A_75 = tpu.memref_slice %arg11[%add3A_38, %dma_start3A_74] : memref<10240x128xf32, #tpu.memory_space<vmem_shared>> -> memref<64x128xf32, #tpu.memory_space<vmem_shared>>
      %dma_start3A_76 = arith.constant 0 : i32
      %dma_start3A_77 = tpu.memref_slice %arg11[%add3A_38, %dma_start3A_76] : memref<10240x128xf32, #tpu.memory_space<vmem_shared>> -> memref<64x128xf32, #tpu.memory_space<vmem_shared>>
      tpu.enqueue_dma source(%arg10 : memref<64x128xf32, #tpu.memory_space<vmem>>) target(%dma_start3A_77 : memref<64x128xf32, #tpu.memory_space<vmem_shared>>) target_semaphore(%run_scoped3A_73 : memref<!tpu.dma_semaphore, #tpu.memory_space<semaphore_mem>>)
      %dma_wait3A_78 = arith.constant 0 : i32
      %dma_wait3A_79 = tpu.memref_slice %arg11[%add3A_38, %dma_wait3A_78] : memref<10240x128xf32, #tpu.memory_space<vmem_shared>> -> memref<64x128xf32, #tpu.memory_space<vmem_shared>>
      %dma_wait3A_80 = arith.constant 0 : i32
      %dma_wait3A_81 = tpu.memref_slice %arg11[%add3A_38, %dma_wait3A_80] : memref<10240x128xf32, #tpu.memory_space<vmem_shared>> -> memref<64x128xf32, #tpu.memory_space<vmem_shared>>
      tpu.wait_dma2 semaphore(%run_scoped3A_73 : memref<!tpu.dma_semaphore, #tpu.memory_space<semaphore_mem>>) src(%arg10 : memref<64x128xf32, #tpu.memory_space<vmem>>) dst(%dma_wait3A_81 : memref<64x128xf32, #tpu.memory_space<vmem_shared>>)
      tpu.yield
    }) : () -> ()
    %mul3A_39 = arith.constant 640 : i32
    %mul3A_40 = arith.muli %arg1, %mul3A_39 : i32
    %add3A_41 = arith.constant 512 : i32
    %add3A_42 = arith.addi %mul3A_40, %add3A_41 : i32
    "tpu.region"() ({
      %run_scoped3A_73 = tpu.sem_alloc : memref<!tpu.dma_semaphore, #tpu.memory_space<semaphore_mem>>
      %dma_start3A_74 = arith.constant 0 : i32
      %dma_start3A_75 = tpu.memref_slice %arg11[%add3A_42, %dma_start3A_74] : memref<10240x128xf32, #tpu.memory_space<vmem_shared>> -> memref<64x128xf32, #tpu.memory_space<vmem_shared>>
      %dma_start3A_76 = arith.constant 0 : i32
      %dma_start3A_77 = tpu.memref_slice %arg11[%add3A_42, %dma_start3A_76] : memref<10240x128xf32, #tpu.memory_space<vmem_shared>> -> memref<64x128xf32, #tpu.memory_space<vmem_shared>>
      tpu.enqueue_dma source(%arg10 : memref<64x128xf32, #tpu.memory_space<vmem>>) target(%dma_start3A_77 : memref<64x128xf32, #tpu.memory_space<vmem_shared>>) target_semaphore(%run_scoped3A_73 : memref<!tpu.dma_semaphore, #tpu.memory_space<semaphore_mem>>)
      %dma_wait3A_78 = arith.constant 0 : i32
      %dma_wait3A_79 = tpu.memref_slice %arg11[%add3A_42, %dma_wait3A_78] : memref<10240x128xf32, #tpu.memory_space<vmem_shared>> -> memref<64x128xf32, #tpu.memory_space<vmem_shared>>
      %dma_wait3A_80 = arith.constant 0 : i32
      %dma_wait3A_81 = tpu.memref_slice %arg11[%add3A_42, %dma_wait3A_80] : memref<10240x128xf32, #tpu.memory_space<vmem_shared>> -> memref<64x128xf32, #tpu.memory_space<vmem_shared>>
      tpu.wait_dma2 semaphore(%run_scoped3A_73 : memref<!tpu.dma_semaphore, #tpu.memory_space<semaphore_mem>>) src(%arg10 : memref<64x128xf32, #tpu.memory_space<vmem>>) dst(%dma_wait3A_81 : memref<64x128xf32, #tpu.memory_space<vmem_shared>>)
      tpu.yield
    }) : () -> ()
    %mul3A_43 = arith.constant 640 : i32
    %mul3A_44 = arith.muli %arg1, %mul3A_43 : i32
    %add3A_45 = arith.constant 576 : i32
    %add3A_46 = arith.addi %mul3A_44, %add3A_45 : i32
    "tpu.region"() ({
      %run_scoped3A_73 = tpu.sem_alloc : memref<!tpu.dma_semaphore, #tpu.memory_space<semaphore_mem>>
      %dma_start3A_74 = arith.constant 0 : i32
      %dma_start3A_75 = tpu.memref_slice %arg11[%add3A_46, %dma_start3A_74] : memref<10240x128xf32, #tpu.memory_space<vmem_shared>> -> memref<64x128xf32, #tpu.memory_space<vmem_shared>>
      %dma_start3A_76 = arith.constant 0 : i32
      %dma_start3A_77 = tpu.memref_slice %arg11[%add3A_46, %dma_start3A_76] : memref<10240x128xf32, #tpu.memory_space<vmem_shared>> -> memref<64x128xf32, #tpu.memory_space<vmem_shared>>
      tpu.enqueue_dma source(%arg10 : memref<64x128xf32, #tpu.memory_space<vmem>>) target(%dma_start3A_77 : memref<64x128xf32, #tpu.memory_space<vmem_shared>>) target_semaphore(%run_scoped3A_73 : memref<!tpu.dma_semaphore, #tpu.memory_space<semaphore_mem>>)
      %dma_wait3A_78 = arith.constant 0 : i32
      %dma_wait3A_79 = tpu.memref_slice %arg11[%add3A_46, %dma_wait3A_78] : memref<10240x128xf32, #tpu.memory_space<vmem_shared>> -> memref<64x128xf32, #tpu.memory_space<vmem_shared>>
      %dma_wait3A_80 = arith.constant 0 : i32
      %dma_wait3A_81 = tpu.memref_slice %arg11[%add3A_46, %dma_wait3A_80] : memref<10240x128xf32, #tpu.memory_space<vmem_shared>> -> memref<64x128xf32, #tpu.memory_space<vmem_shared>>
      tpu.wait_dma2 semaphore(%run_scoped3A_73 : memref<!tpu.dma_semaphore, #tpu.memory_space<semaphore_mem>>) src(%arg10 : memref<64x128xf32, #tpu.memory_space<vmem>>) dst(%dma_wait3A_81 : memref<64x128xf32, #tpu.memory_space<vmem_shared>>)
      tpu.yield
    }) : () -> ()
    %barrier3A = arith.constant 0 : index
    tpu.barrier barrier_id(%barrier3A)
    %dma_start3A = arith.constant 0 : i32
    %dma_start3A_47 = arith.constant 0 : i32
    %dma_start3A_48 = tpu.memref_slice %arg6[%dma_start3A, %dma_start3A_47] : memref<125x80xi32, #tpu.memory_space<vmem>> -> memref<1x80xi32, #tpu.memory_space<vmem>>
    %dma_start3A_49 = tpu.memref_squeeze %dma_start3A_48 : memref<1x80xi32, #tpu.memory_space<vmem>> -> memref<80xi32, #tpu.memory_space<vmem>>
    %dma_start3A_50 = arith.constant 0 : i32
    %dma_start3A_51 = arith.constant 0 : i32
    %dma_start3A_52 = tpu.memref_slice %arg4[%dma_start3A_50, %dma_start3A_51] : memref<10000x128xf32, #tpu.memory_space<hbm>> -> memref<10000x128xf32, #tpu.memory_space<hbm>>
    tpu.enqueue_indirect_dma source(%dma_start3A_52 : memref<10000x128xf32, #tpu.memory_space<hbm>>) target(%arg8 : memref<80x128xf32, #tpu.memory_space<vmem>>) offsets(%dma_start3A_49 : memref<80xi32, #tpu.memory_space<vmem>>) semaphore(%arg12 : memref<!tpu.dma_semaphore, #tpu.memory_space<semaphore_mem>>)
    %scan3A_53 = arith.constant 0 : i32
    %scan3A_54 = arith.constant 0 : i32
    %scan3A_55 = arith.constant 62 : i32
    %scan3A_56 = arith.addi %scan3A_54, %scan3A_55 : i32
    %scan3A_57 = arith.constant 1 : i32
    %scan3A_58 = scf.for %scan3A_73 = %scan3A_54 to %scan3A_56 step %scan3A_57 iter_args(%scan3A_74 = %scan3A_53) -> (i32)  : i32 {
      %mul3A_75 = arith.constant 2 : i32
      %mul3A_76 = arith.muli %mul3A_75, %scan3A_73 : i32
      %mul3A_77 = arith.constant 2 : i32
      %mul3A_78 = arith.muli %mul3A_77, %scan3A_73 : i32
      %add3A_79 = arith.constant 1 : i32
      %add3A_80 = arith.addi %mul3A_78, %add3A_79 : i32
      %dma_wait3A_81 = arith.constant 0 : i32
      %dma_wait3A_82 = tpu.memref_slice %arg6[%mul3A_76, %dma_wait3A_81] : memref<125x80xi32, #tpu.memory_space<vmem>> -> memref<1x80xi32, #tpu.memory_space<vmem>>
      %dma_wait3A_83 = tpu.memref_squeeze %dma_wait3A_82 : memref<1x80xi32, #tpu.memory_space<vmem>> -> memref<80xi32, #tpu.memory_space<vmem>>
      %dma_wait3A_84 = arith.constant 0 : i32
      %dma_wait3A_85 = arith.constant 0 : i32
      %dma_wait3A_86 = tpu.memref_slice %arg4[%dma_wait3A_84, %dma_wait3A_85] : memref<10000x128xf32, #tpu.memory_space<hbm>> -> memref<10000x128xf32, #tpu.memory_space<hbm>>
      tpu.wait_indirect_dma semaphore(%arg12 : memref<!tpu.dma_semaphore, #tpu.memory_space<semaphore_mem>>) src(%dma_wait3A_86 : memref<10000x128xf32, #tpu.memory_space<hbm>>) dst(%arg8 : memref<80x128xf32, #tpu.memory_space<vmem>>)
      %dma_start3A_87 = arith.constant 0 : i32
      %dma_start3A_88 = tpu.memref_slice %arg6[%add3A_80, %dma_start3A_87] : memref<125x80xi32, #tpu.memory_space<vmem>> -> memref<1x80xi32, #tpu.memory_space<vmem>>
      %dma_start3A_89 = tpu.memref_squeeze %dma_start3A_88 : memref<1x80xi32, #tpu.memory_space<vmem>> -> memref<80xi32, #tpu.memory_space<vmem>>
      %dma_start3A_90 = arith.constant 0 : i32
      %dma_start3A_91 = arith.constant 0 : i32
      %dma_start3A_92 = tpu.memref_slice %arg4[%dma_start3A_90, %dma_start3A_91] : memref<10000x128xf32, #tpu.memory_space<hbm>> -> memref<10000x128xf32, #tpu.memory_space<hbm>>
      tpu.enqueue_indirect_dma source(%dma_start3A_92 : memref<10000x128xf32, #tpu.memory_space<hbm>>) target(%arg9 : memref<80x128xf32, #tpu.memory_space<vmem>>) offsets(%dma_start3A_89 : memref<80xi32, #tpu.memory_space<vmem>>) semaphore(%arg13 : memref<!tpu.dma_semaphore, #tpu.memory_space<semaphore_mem>>)
      "tpu.region"() ({
        %run_scoped3A_108 = tpu.sem_alloc : memref<!tpu.dma_semaphore, #tpu.memory_space<semaphore_mem>>
        %dma_start3A_109 = arith.constant 0 : i32
        %dma_start3A_110 = tpu.memref_slice %arg7[%mul3A_76, %dma_start3A_109] : memref<125x80xi32, #tpu.memory_space<vmem>> -> memref<1x80xi32, #tpu.memory_space<vmem>>
        %dma_start3A_111 = tpu.memref_squeeze %dma_start3A_110 : memref<1x80xi32, #tpu.memory_space<vmem>> -> memref<80xi32, #tpu.memory_space<vmem>>
        %dma_start3A_112 = arith.constant 0 : i32
        %dma_start3A_113 = arith.constant 0 : i32
        %dma_start3A_114 = tpu.memref_slice %arg11[%dma_start3A_112, %dma_start3A_113] : memref<10240x128xf32, #tpu.memory_space<vmem_shared>> -> memref<10240x128xf32, #tpu.memory_space<vmem_shared>>
        tpu.enqueue_indirect_dma source(%arg8 : memref<80x128xf32, #tpu.memory_space<vmem>>) target(%dma_start3A_114 : memref<10240x128xf32, #tpu.memory_space<vmem_shared>>) offsets(%dma_start3A_111 : memref<80xi32, #tpu.memory_space<vmem>>) semaphore(%run_scoped3A_108 : memref<!tpu.dma_semaphore, #tpu.memory_space<semaphore_mem>>) {add = true}
        %dma_wait3A_115 = arith.constant 0 : i32
        %dma_wait3A_116 = tpu.memref_slice %arg7[%mul3A_76, %dma_wait3A_115] : memref<125x80xi32, #tpu.memory_space<vmem>> -> memref<1x80xi32, #tpu.memory_space<vmem>>
        %dma_wait3A_117 = tpu.memref_squeeze %dma_wait3A_116 : memref<1x80xi32, #tpu.memory_space<vmem>> -> memref<80xi32, #tpu.memory_space<vmem>>
        %dma_wait3A_118 = arith.constant 0 : i32
        %dma_wait3A_119 = arith.constant 0 : i32
        %dma_wait3A_120 = tpu.memref_slice %arg11[%dma_wait3A_118, %dma_wait3A_119] : memref<10240x128xf32, #tpu.memory_space<vmem_shared>> -> memref<10240x128xf32, #tpu.memory_space<vmem_shared>>
        tpu.wait_indirect_dma semaphore(%run_scoped3A_108 : memref<!tpu.dma_semaphore, #tpu.memory_space<semaphore_mem>>) src(%arg8 : memref<80x128xf32, #tpu.memory_space<vmem>>) dst(%dma_wait3A_120 : memref<10240x128xf32, #tpu.memory_space<vmem_shared>>)
        tpu.yield
      }) : () -> ()
      %dma_wait3A_93 = arith.constant 0 : i32
      %dma_wait3A_94 = tpu.memref_slice %arg6[%add3A_80, %dma_wait3A_93] : memref<125x80xi32, #tpu.memory_space<vmem>> -> memref<1x80xi32, #tpu.memory_space<vmem>>
      %dma_wait3A_95 = tpu.memref_squeeze %dma_wait3A_94 : memref<1x80xi32, #tpu.memory_space<vmem>> -> memref<80xi32, #tpu.memory_space<vmem>>
      %dma_wait3A_96 = arith.constant 0 : i32
      %dma_wait3A_97 = arith.constant 0 : i32
      %dma_wait3A_98 = tpu.memref_slice %arg4[%dma_wait3A_96, %dma_wait3A_97] : memref<10000x128xf32, #tpu.memory_space<hbm>> -> memref<10000x128xf32, #tpu.memory_space<hbm>>
      tpu.wait_indirect_dma semaphore(%arg13 : memref<!tpu.dma_semaphore, #tpu.memory_space<semaphore_mem>>) src(%dma_wait3A_98 : memref<10000x128xf32, #tpu.memory_space<hbm>>) dst(%arg9 : memref<80x128xf32, #tpu.memory_space<vmem>>)
      %add3A_99 = arith.constant 1 : i32
      %add3A_100 = arith.addi %add3A_80, %add3A_99 : i32
      %dma_start3A_101 = arith.constant 0 : i32
      %dma_start3A_102 = tpu.memref_slice %arg6[%add3A_100, %dma_start3A_101] : memref<125x80xi32, #tpu.memory_space<vmem>> -> memref<1x80xi32, #tpu.memory_space<vmem>>
      %dma_start3A_103 = tpu.memref_squeeze %dma_start3A_102 : memref<1x80xi32, #tpu.memory_space<vmem>> -> memref<80xi32, #tpu.memory_space<vmem>>
      %dma_start3A_104 = arith.constant 0 : i32
      %dma_start3A_105 = arith.constant 0 : i32
      %dma_start3A_106 = tpu.memref_slice %arg4[%dma_start3A_104, %dma_start3A_105] : memref<10000x128xf32, #tpu.memory_space<hbm>> -> memref<10000x128xf32, #tpu.memory_space<hbm>>
      tpu.enqueue_indirect_dma source(%dma_start3A_106 : memref<10000x128xf32, #tpu.memory_space<hbm>>) target(%arg8 : memref<80x128xf32, #tpu.memory_space<vmem>>) offsets(%dma_start3A_103 : memref<80xi32, #tpu.memory_space<vmem>>) semaphore(%arg12 : memref<!tpu.dma_semaphore, #tpu.memory_space<semaphore_mem>>)
      "tpu.region"() ({
        %run_scoped3A_108 = tpu.sem_alloc : memref<!tpu.dma_semaphore, #tpu.memory_space<semaphore_mem>>
        %dma_start3A_109 = arith.constant 0 : i32
        %dma_start3A_110 = tpu.memref_slice %arg7[%add3A_80, %dma_start3A_109] : memref<125x80xi32, #tpu.memory_space<vmem>> -> memref<1x80xi32, #tpu.memory_space<vmem>>
        %dma_start3A_111 = tpu.memref_squeeze %dma_start3A_110 : memref<1x80xi32, #tpu.memory_space<vmem>> -> memref<80xi32, #tpu.memory_space<vmem>>
        %dma_start3A_112 = arith.constant 0 : i32
        %dma_start3A_113 = arith.constant 0 : i32
        %dma_start3A_114 = tpu.memref_slice %arg11[%dma_start3A_112, %dma_start3A_113] : memref<10240x128xf32, #tpu.memory_space<vmem_shared>> -> memref<10240x128xf32, #tpu.memory_space<vmem_shared>>
        tpu.enqueue_indirect_dma source(%arg9 : memref<80x128xf32, #tpu.memory_space<vmem>>) target(%dma_start3A_114 : memref<10240x128xf32, #tpu.memory_space<vmem_shared>>) offsets(%dma_start3A_111 : memref<80xi32, #tpu.memory_space<vmem>>) semaphore(%run_scoped3A_108 : memref<!tpu.dma_semaphore, #tpu.memory_space<semaphore_mem>>) {add = true}
        %dma_wait3A_115 = arith.constant 0 : i32
        %dma_wait3A_116 = tpu.memref_slice %arg7[%add3A_80, %dma_wait3A_115] : memref<125x80xi32, #tpu.memory_space<vmem>> -> memref<1x80xi32, #tpu.memory_space<vmem>>
        %dma_wait3A_117 = tpu.memref_squeeze %dma_wait3A_116 : memref<1x80xi32, #tpu.memory_space<vmem>> -> memref<80xi32, #tpu.memory_space<vmem>>
        %dma_wait3A_118 = arith.constant 0 : i32
        %dma_wait3A_119 = arith.constant 0 : i32
        %dma_wait3A_120 = tpu.memref_slice %arg11[%dma_wait3A_118, %dma_wait3A_119] : memref<10240x128xf32, #tpu.memory_space<vmem_shared>> -> memref<10240x128xf32, #tpu.memory_space<vmem_shared>>
        tpu.wait_indirect_dma semaphore(%run_scoped3A_108 : memref<!tpu.dma_semaphore, #tpu.memory_space<semaphore_mem>>) src(%arg9 : memref<80x128xf32, #tpu.memory_space<vmem>>) dst(%dma_wait3A_120 : memref<10240x128xf32, #tpu.memory_space<vmem_shared>>)
        tpu.yield
      }) : () -> ()
      %scan3A_107 = arith.constant 0 : i32
      scf.yield %scan3A_107 : i32
    }
    %scan3A_59 = arith.constant 62 : i32
    %dma_wait3A = arith.constant 124 : i32
    %dma_wait3A_60 = arith.constant 0 : i32
    %dma_wait3A_61 = tpu.memref_slice %arg6[%dma_wait3A, %dma_wait3A_60] : memref<125x80xi32, #tpu.memory_space<vmem>> -> memref<1x80xi32, #tpu.memory_space<vmem>>
    %dma_wait3A_62 = tpu.memref_squeeze %dma_wait3A_61 : memref<1x80xi32, #tpu.memory_space<vmem>> -> memref<80xi32, #tpu.memory_space<vmem>>
    %dma_wait3A_63 = arith.constant 0 : i32
    %dma_wait3A_64 = arith.constant 0 : i32
    %dma_wait3A_65 = tpu.memref_slice %arg4[%dma_wait3A_63, %dma_wait3A_64] : memref<10000x128xf32, #tpu.memory_space<hbm>> -> memref<10000x128xf32, #tpu.memory_space<hbm>>
    tpu.wait_indirect_dma semaphore(%arg12 : memref<!tpu.dma_semaphore, #tpu.memory_space<semaphore_mem>>) src(%dma_wait3A_65 : memref<10000x128xf32, #tpu.memory_space<hbm>>) dst(%arg8 : memref<80x128xf32, #tpu.memory_space<vmem>>)
    %run_scoped3A = arith.constant 124 : i32
    "tpu.region"() ({
      %run_scoped3A_73 = tpu.sem_alloc : memref<!tpu.dma_semaphore, #tpu.memory_space<semaphore_mem>>
      %dma_start3A_74 = arith.constant 0 : i32
      %dma_start3A_75 = tpu.memref_slice %arg7[%run_scoped3A, %dma_start3A_74] : memref<125x80xi32, #tpu.memory_space<vmem>> -> memref<1x80xi32, #tpu.memory_space<vmem>>
      %dma_start3A_76 = tpu.memref_squeeze %dma_start3A_75 : memref<1x80xi32, #tpu.memory_space<vmem>> -> memref<80xi32, #tpu.memory_space<vmem>>
      %dma_start3A_77 = arith.constant 0 : i32
      %dma_start3A_78 = arith.constant 0 : i32
      %dma_start3A_79 = tpu.memref_slice %arg11[%dma_start3A_77, %dma_start3A_78] : memref<10240x128xf32, #tpu.memory_space<vmem_shared>> -> memref<10240x128xf32, #tpu.memory_space<vmem_shared>>
      tpu.enqueue_indirect_dma source(%arg8 : memref<80x128xf32, #tpu.memory_space<vmem>>) target(%dma_start3A_79 : memref<10240x128xf32, #tpu.memory_space<vmem_shared>>) offsets(%dma_start3A_76 : memref<80xi32, #tpu.memory_space<vmem>>) semaphore(%run_scoped3A_73 : memref<!tpu.dma_semaphore, #tpu.memory_space<semaphore_mem>>) {add = true}
      %dma_wait3A_80 = arith.constant 0 : i32
      %dma_wait3A_81 = tpu.memref_slice %arg7[%run_scoped3A, %dma_wait3A_80] : memref<125x80xi32, #tpu.memory_space<vmem>> -> memref<1x80xi32, #tpu.memory_space<vmem>>
      %dma_wait3A_82 = tpu.memref_squeeze %dma_wait3A_81 : memref<1x80xi32, #tpu.memory_space<vmem>> -> memref<80xi32, #tpu.memory_space<vmem>>
      %dma_wait3A_83 = arith.constant 0 : i32
      %dma_wait3A_84 = arith.constant 0 : i32
      %dma_wait3A_85 = tpu.memref_slice %arg11[%dma_wait3A_83, %dma_wait3A_84] : memref<10240x128xf32, #tpu.memory_space<vmem_shared>> -> memref<10240x128xf32, #tpu.memory_space<vmem_shared>>
      tpu.wait_indirect_dma semaphore(%run_scoped3A_73 : memref<!tpu.dma_semaphore, #tpu.memory_space<semaphore_mem>>) src(%arg8 : memref<80x128xf32, #tpu.memory_space<vmem>>) dst(%dma_wait3A_85 : memref<10240x128xf32, #tpu.memory_space<vmem_shared>>)
      tpu.yield
    }) : () -> ()
    %barrier3A_66 = arith.constant 0 : index
    tpu.barrier barrier_id(%barrier3A_66)
    %mul3A_67 = arith.constant 640 : i32
    %mul3A_68 = arith.muli %arg1, %mul3A_67 : i32
    %mul3A_69 = arith.constant 640 : i32
    %mul3A_70 = arith.muli %arg1, %mul3A_69 : i32
    %add3A_71 = arith.constant 0 : i32
    %add3A_72 = arith.addi %add3A_71, %mul3A_70 : i32
    "tpu.region"() ({
      %run_scoped3A_73 = tpu.sem_alloc : memref<!tpu.dma_semaphore, #tpu.memory_space<semaphore_mem>>
      %dma_start3A_74 = arith.constant 0 : i32
      %dma_start3A_75 = tpu.memref_slice %arg5[%arg0, %add3A_72, %dma_start3A_74] : memref<2x10240x128xf32, #tpu.memory_space<hbm>> -> memref<1x640x128xf32, #tpu.memory_space<hbm>>
      %dma_start3A_76 = tpu.memref_squeeze %dma_start3A_75 : memref<1x640x128xf32, #tpu.memory_space<hbm>> -> memref<640x128xf32, #tpu.memory_space<hbm>>
      %dma_start3A_77 = arith.constant 0 : i32
      %dma_start3A_78 = tpu.memref_slice %arg11[%mul3A_68, %dma_start3A_77] : memref<10240x128xf32, #tpu.memory_space<vmem_shared>> -> memref<640x128xf32, #tpu.memory_space<vmem_shared>>
      tpu.enqueue_dma source(%dma_start3A_78 : memref<640x128xf32, #tpu.memory_space<vmem_shared>>) target(%dma_start3A_76 : memref<640x128xf32, #tpu.memory_space<hbm>>) target_semaphore(%run_scoped3A_73 : memref<!tpu.dma_semaphore, #tpu.memory_space<semaphore_mem>>)
      %dma_wait3A_79 = arith.constant 0 : i32
      %dma_wait3A_80 = tpu.memref_slice %arg5[%arg0, %add3A_72, %dma_wait3A_79] : memref<2x10240x128xf32, #tpu.memory_space<hbm>> -> memref<1x640x128xf32, #tpu.memory_space<hbm>>
      %dma_wait3A_81 = tpu.memref_squeeze %dma_wait3A_80 : memref<1x640x128xf32, #tpu.memory_space<hbm>> -> memref<640x128xf32, #tpu.memory_space<hbm>>
      %dma_wait3A_82 = arith.constant 0 : i32
      %dma_wait3A_83 = tpu.memref_slice %arg11[%mul3A_68, %dma_wait3A_82] : memref<10240x128xf32, #tpu.memory_space<vmem_shared>> -> memref<640x128xf32, #tpu.memory_space<vmem_shared>>
      tpu.wait_dma2 semaphore(%run_scoped3A_73 : memref<!tpu.dma_semaphore, #tpu.memory_space<semaphore_mem>>) src(%dma_wait3A_83 : memref<640x128xf32, #tpu.memory_space<vmem_shared>>) dst(%dma_wait3A_81 : memref<640x128xf32, #tpu.memory_space<hbm>>)
      tpu.yield
    }) : () -> ()
    return
  }
}

#map = affine_map<(d0, d1) -> (0, 0, 0)>
#map1 = affine_map<(d0, d1) -> (0, 0)>
module attributes {stable_mosaic.version = 14 : i64} {
  func.func @_deg_body(%arg0: i32, %arg1: i32, %arg2: memref<32x125x80xi32, #tpu.memory_space<hbm>>, %arg3: memref<2x10240xf32, #tpu.memory_space<hbm>>, %arg4: memref<125x80xi32, #tpu.memory_space<vmem>>, %arg5: memref<80xf32, #tpu.memory_space<vmem>>, %arg6: memref<640xf32, #tpu.memory_space<vmem>>, %arg7: memref<10240xf32, #tpu.memory_space<vmem_shared>>) attributes {dimension_semantics = [#tpu.dimension_semantics<core_parallel>, #tpu.dimension_semantics<subcore_parallel>], iteration_bounds = array<i64: 2, 16>, scalar_prefetch = 0 : i64, scratch_operands = 4 : i64, tpu.core_type = #tpu.core_type<sc_vector_subcore>, window_params = [{transform_indices = #map}, {transform_indices = #map1}]} {
    %mul3A = arith.constant 16 : i32
    %mul3A_0 = arith.muli %arg0, %mul3A : i32
    %add3A = arith.addi %mul3A_0, %arg1 : i32
    %scan3A = arith.constant 0 : i32
    %scan3A_1 = arith.constant 0 : i32
    %scan3A_2 = arith.constant 40 : i32
    %scan3A_3 = arith.addi %scan3A_1, %scan3A_2 : i32
    %scan3A_4 = arith.constant 1 : i32
    %scan3A_5 = scf.for %scan3A_49 = %scan3A_1 to %scan3A_3 step %scan3A_4 iter_args(%scan3A_50 = %scan3A) -> (i32)  : i32 {
      %broadcast_in_dim3A_51 = arith.constant 0.000000e+00 : f32
      %broadcast_in_dim3A_52 = vector.broadcast %broadcast_in_dim3A_51 : f32 to vector<16xf32>
      %mul3A_53 = arith.constant 16 : i32
      %mul3A_54 = arith.muli %scan3A_49, %mul3A_53 : i32
      %swap3A_55 = arith.index_cast %mul3A_54 : i32 to index
      %swap3A_56 = tpu.vector_load %arg6[%swap3A_55] {strides = array<i32>} : memref<640xf32, #tpu.memory_space<vmem>>, vector<16xf32>,
      %swap3A_57 = vector.shape_cast %swap3A_56 : vector<16xf32> to vector<16xf32>
      %swap3A_58 = vector.shape_cast %broadcast_in_dim3A_52 : vector<16xf32> to vector<16xf32>
      tpu.vector_store %arg6[%swap3A_55], %swap3A_58 {strides = array<i32>} : memref<640xf32, #tpu.memory_space<vmem>>, vector<16xf32>,
      %scan3A_59 = arith.constant 0 : i32
      scf.yield %scan3A_59 : i32
    }
    %scan3A_6 = arith.constant 40 : i32
    %broadcast_in_dim3A = arith.constant 1.000000e+00 : f32
    %broadcast_in_dim3A_7 = vector.broadcast %broadcast_in_dim3A : f32 to vector<16xf32>
    %swap3A = arith.constant 0 : index
    %swap3A_8 = tpu.vector_load %arg5[%swap3A] {strides = array<i32>} : memref<80xf32, #tpu.memory_space<vmem>>, vector<16xf32>,
    %swap3A_9 = vector.shape_cast %swap3A_8 : vector<16xf32> to vector<16xf32>
    %swap3A_10 = vector.shape_cast %broadcast_in_dim3A_7 : vector<16xf32> to vector<16xf32>
    tpu.vector_store %arg5[%swap3A], %swap3A_10 {strides = array<i32>} : memref<80xf32, #tpu.memory_space<vmem>>, vector<16xf32>,
    %broadcast_in_dim3A_11 = arith.constant 1.000000e+00 : f32
    %broadcast_in_dim3A_12 = vector.broadcast %broadcast_in_dim3A_11 : f32 to vector<16xf32>
    %swap3A_13 = arith.constant 16 : index
    %swap3A_14 = tpu.vector_load %arg5[%swap3A_13] {strides = array<i32>} : memref<80xf32, #tpu.memory_space<vmem>>, vector<16xf32>,
    %swap3A_15 = vector.shape_cast %swap3A_14 : vector<16xf32> to vector<16xf32>
    %swap3A_16 = vector.shape_cast %broadcast_in_dim3A_12 : vector<16xf32> to vector<16xf32>
    tpu.vector_store %arg5[%swap3A_13], %swap3A_16 {strides = array<i32>} : memref<80xf32, #tpu.memory_space<vmem>>, vector<16xf32>,
    %broadcast_in_dim3A_17 = arith.constant 1.000000e+00 : f32
    %broadcast_in_dim3A_18 = vector.broadcast %broadcast_in_dim3A_17 : f32 to vector<16xf32>
    %swap3A_19 = arith.constant 32 : index
    %swap3A_20 = tpu.vector_load %arg5[%swap3A_19] {strides = array<i32>} : memref<80xf32, #tpu.memory_space<vmem>>, vector<16xf32>,
    %swap3A_21 = vector.shape_cast %swap3A_20 : vector<16xf32> to vector<16xf32>
    %swap3A_22 = vector.shape_cast %broadcast_in_dim3A_18 : vector<16xf32> to vector<16xf32>
    tpu.vector_store %arg5[%swap3A_19], %swap3A_22 {strides = array<i32>} : memref<80xf32, #tpu.memory_space<vmem>>, vector<16xf32>,
    %broadcast_in_dim3A_23 = arith.constant 1.000000e+00 : f32
    %broadcast_in_dim3A_24 = vector.broadcast %broadcast_in_dim3A_23 : f32 to vector<16xf32>
    %swap3A_25 = arith.constant 48 : index
    %swap3A_26 = tpu.vector_load %arg5[%swap3A_25] {strides = array<i32>} : memref<80xf32, #tpu.memory_space<vmem>>, vector<16xf32>,
    %swap3A_27 = vector.shape_cast %swap3A_26 : vector<16xf32> to vector<16xf32>
    %swap3A_28 = vector.shape_cast %broadcast_in_dim3A_24 : vector<16xf32> to vector<16xf32>
    tpu.vector_store %arg5[%swap3A_25], %swap3A_28 {strides = array<i32>} : memref<80xf32, #tpu.memory_space<vmem>>, vector<16xf32>,
    %broadcast_in_dim3A_29 = arith.constant 1.000000e+00 : f32
    %broadcast_in_dim3A_30 = vector.broadcast %broadcast_in_dim3A_29 : f32 to vector<16xf32>
    %swap3A_31 = arith.constant 64 : index
    %swap3A_32 = tpu.vector_load %arg5[%swap3A_31] {strides = array<i32>} : memref<80xf32, #tpu.memory_space<vmem>>, vector<16xf32>,
    %swap3A_33 = vector.shape_cast %swap3A_32 : vector<16xf32> to vector<16xf32>
    %swap3A_34 = vector.shape_cast %broadcast_in_dim3A_30 : vector<16xf32> to vector<16xf32>
    tpu.vector_store %arg5[%swap3A_31], %swap3A_34 {strides = array<i32>} : memref<80xf32, #tpu.memory_space<vmem>>, vector<16xf32>,
    %mul3A_35 = arith.constant 640 : i32
    %mul3A_36 = arith.muli %arg1, %mul3A_35 : i32
    "tpu.region"() ({
      %run_scoped3A = tpu.sem_alloc : memref<!tpu.dma_semaphore, #tpu.memory_space<semaphore_mem>>
      %dma_start3A = tpu.memref_slice %arg7[%mul3A_36] : memref<10240xf32, #tpu.memory_space<vmem_shared>> -> memref<640xf32, #tpu.memory_space<vmem_shared>>
      %dma_start3A_49 = tpu.memref_slice %arg7[%mul3A_36] : memref<10240xf32, #tpu.memory_space<vmem_shared>> -> memref<640xf32, #tpu.memory_space<vmem_shared>>
      tpu.enqueue_dma source(%arg6 : memref<640xf32, #tpu.memory_space<vmem>>) target(%dma_start3A_49 : memref<640xf32, #tpu.memory_space<vmem_shared>>) target_semaphore(%run_scoped3A : memref<!tpu.dma_semaphore, #tpu.memory_space<semaphore_mem>>)
      %dma_wait3A = tpu.memref_slice %arg7[%mul3A_36] : memref<10240xf32, #tpu.memory_space<vmem_shared>> -> memref<640xf32, #tpu.memory_space<vmem_shared>>
      %dma_wait3A_50 = tpu.memref_slice %arg7[%mul3A_36] : memref<10240xf32, #tpu.memory_space<vmem_shared>> -> memref<640xf32, #tpu.memory_space<vmem_shared>>
      tpu.wait_dma2 semaphore(%run_scoped3A : memref<!tpu.dma_semaphore, #tpu.memory_space<semaphore_mem>>) src(%arg6 : memref<640xf32, #tpu.memory_space<vmem>>) dst(%dma_wait3A_50 : memref<640xf32, #tpu.memory_space<vmem_shared>>)
      tpu.yield
    }) : () -> ()
    "tpu.region"() ({
      %run_scoped3A = tpu.sem_alloc : memref<!tpu.dma_semaphore, #tpu.memory_space<semaphore_mem>>
      %dma_start3A = arith.constant 0 : i32
      %dma_start3A_49 = arith.constant 0 : i32
      %dma_start3A_50 = tpu.memref_slice %arg2[%add3A, %dma_start3A, %dma_start3A_49] : memref<32x125x80xi32, #tpu.memory_space<hbm>> -> memref<1x125x80xi32, #tpu.memory_space<hbm>>
      %dma_start3A_51 = tpu.memref_squeeze %dma_start3A_50 : memref<1x125x80xi32, #tpu.memory_space<hbm>> -> memref<125x80xi32, #tpu.memory_space<hbm>>
      %dma_start3A_52 = arith.constant 0 : i32
      %dma_start3A_53 = arith.constant 0 : i32
      %dma_start3A_54 = tpu.memref_slice %arg2[%add3A, %dma_start3A_52, %dma_start3A_53] : memref<32x125x80xi32, #tpu.memory_space<hbm>> -> memref<1x125x80xi32, #tpu.memory_space<hbm>>
      %dma_start3A_55 = tpu.memref_squeeze %dma_start3A_54 : memref<1x125x80xi32, #tpu.memory_space<hbm>> -> memref<125x80xi32, #tpu.memory_space<hbm>>
      tpu.enqueue_dma source(%dma_start3A_55 : memref<125x80xi32, #tpu.memory_space<hbm>>) target(%arg4 : memref<125x80xi32, #tpu.memory_space<vmem>>) target_semaphore(%run_scoped3A : memref<!tpu.dma_semaphore, #tpu.memory_space<semaphore_mem>>)
      %dma_wait3A = arith.constant 0 : i32
      %dma_wait3A_56 = arith.constant 0 : i32
      %dma_wait3A_57 = tpu.memref_slice %arg2[%add3A, %dma_wait3A, %dma_wait3A_56] : memref<32x125x80xi32, #tpu.memory_space<hbm>> -> memref<1x125x80xi32, #tpu.memory_space<hbm>>
      %dma_wait3A_58 = tpu.memref_squeeze %dma_wait3A_57 : memref<1x125x80xi32, #tpu.memory_space<hbm>> -> memref<125x80xi32, #tpu.memory_space<hbm>>
      %dma_wait3A_59 = arith.constant 0 : i32
      %dma_wait3A_60 = arith.constant 0 : i32
      %dma_wait3A_61 = tpu.memref_slice %arg2[%add3A, %dma_wait3A_59, %dma_wait3A_60] : memref<32x125x80xi32, #tpu.memory_space<hbm>> -> memref<1x125x80xi32, #tpu.memory_space<hbm>>
      %dma_wait3A_62 = tpu.memref_squeeze %dma_wait3A_61 : memref<1x125x80xi32, #tpu.memory_space<hbm>> -> memref<125x80xi32, #tpu.memory_space<hbm>>
      tpu.wait_dma2 semaphore(%run_scoped3A : memref<!tpu.dma_semaphore, #tpu.memory_space<semaphore_mem>>) src(%dma_wait3A_62 : memref<125x80xi32, #tpu.memory_space<hbm>>) dst(%arg4 : memref<125x80xi32, #tpu.memory_space<vmem>>)
      tpu.yield
    }) : () -> ()
    %barrier3A = arith.constant 0 : index
    tpu.barrier barrier_id(%barrier3A)
    %scan3A_37 = arith.constant 0 : i32
    %scan3A_38 = arith.constant 0 : i32
    %scan3A_39 = arith.constant 125 : i32
    %scan3A_40 = arith.addi %scan3A_38, %scan3A_39 : i32
    %scan3A_41 = arith.constant 1 : i32
    %scan3A_42 = scf.for %scan3A_49 = %scan3A_38 to %scan3A_40 step %scan3A_41 iter_args(%scan3A_50 = %scan3A_37) -> (i32)  : i32 {
      "tpu.region"() ({
        %run_scoped3A = tpu.sem_alloc : memref<!tpu.dma_semaphore, #tpu.memory_space<semaphore_mem>>
        %dma_start3A = arith.constant 0 : i32
        %dma_start3A_52 = tpu.memref_slice %arg4[%scan3A_49, %dma_start3A] : memref<125x80xi32, #tpu.memory_space<vmem>> -> memref<1x80xi32, #tpu.memory_space<vmem>>
        %dma_start3A_53 = tpu.memref_squeeze %dma_start3A_52 : memref<1x80xi32, #tpu.memory_space<vmem>> -> memref<80xi32, #tpu.memory_space<vmem>>
        %dma_start3A_54 = arith.constant 0 : i32
        %dma_start3A_55 = tpu.memref_slice %arg7[%dma_start3A_54] : memref<10240xf32, #tpu.memory_space<vmem_shared>> -> memref<10240xf32, #tpu.memory_space<vmem_shared>>
        tpu.enqueue_indirect_dma source(%arg5 : memref<80xf32, #tpu.memory_space<vmem>>) target(%dma_start3A_55 : memref<10240xf32, #tpu.memory_space<vmem_shared>>) offsets(%dma_start3A_53 : memref<80xi32, #tpu.memory_space<vmem>>) semaphore(%run_scoped3A : memref<!tpu.dma_semaphore, #tpu.memory_space<semaphore_mem>>) {add = true}
        %dma_wait3A = arith.constant 0 : i32
        %dma_wait3A_56 = tpu.memref_slice %arg4[%scan3A_49, %dma_wait3A] : memref<125x80xi32, #tpu.memory_space<vmem>> -> memref<1x80xi32, #tpu.memory_space<vmem>>
        %dma_wait3A_57 = tpu.memref_squeeze %dma_wait3A_56 : memref<1x80xi32, #tpu.memory_space<vmem>> -> memref<80xi32, #tpu.memory_space<vmem>>
        %dma_wait3A_58 = arith.constant 0 : i32
        %dma_wait3A_59 = tpu.memref_slice %arg7[%dma_wait3A_58] : memref<10240xf32, #tpu.memory_space<vmem_shared>> -> memref<10240xf32, #tpu.memory_space<vmem_shared>>
        tpu.wait_indirect_dma semaphore(%run_scoped3A : memref<!tpu.dma_semaphore, #tpu.memory_space<semaphore_mem>>) src(%arg5 : memref<80xf32, #tpu.memory_space<vmem>>) dst(%dma_wait3A_59 : memref<10240xf32, #tpu.memory_space<vmem_shared>>)
        tpu.yield
      }) : () -> ()
      %scan3A_51 = arith.constant 0 : i32
      scf.yield %scan3A_51 : i32
    }
    %scan3A_43 = arith.constant 125 : i32
    %barrier3A_44 = arith.constant 0 : index
    tpu.barrier barrier_id(%barrier3A_44)
    %mul3A_45 = arith.constant 640 : i32
    %mul3A_46 = arith.muli %arg1, %mul3A_45 : i32
    %mul3A_47 = arith.constant 640 : i32
    %mul3A_48 = arith.muli %arg1, %mul3A_47 : i32
    "tpu.region"() ({
      %run_scoped3A = tpu.sem_alloc : memref<!tpu.dma_semaphore, #tpu.memory_space<semaphore_mem>>
      %dma_start3A = tpu.memref_slice %arg3[%arg0, %mul3A_48] : memref<2x10240xf32, #tpu.memory_space<hbm>> -> memref<1x640xf32, #tpu.memory_space<hbm>>
      %dma_start3A_49 = tpu.memref_squeeze %dma_start3A : memref<1x640xf32, #tpu.memory_space<hbm>> -> memref<640xf32, #tpu.memory_space<hbm>>
      %dma_start3A_50 = tpu.memref_slice %arg7[%mul3A_46] : memref<10240xf32, #tpu.memory_space<vmem_shared>> -> memref<640xf32, #tpu.memory_space<vmem_shared>>
      tpu.enqueue_dma source(%dma_start3A_50 : memref<640xf32, #tpu.memory_space<vmem_shared>>) target(%dma_start3A_49 : memref<640xf32, #tpu.memory_space<hbm>>) target_semaphore(%run_scoped3A : memref<!tpu.dma_semaphore, #tpu.memory_space<semaphore_mem>>)
      %dma_wait3A = tpu.memref_slice %arg3[%arg0, %mul3A_48] : memref<2x10240xf32, #tpu.memory_space<hbm>> -> memref<1x640xf32, #tpu.memory_space<hbm>>
      %dma_wait3A_51 = tpu.memref_squeeze %dma_wait3A : memref<1x640xf32, #tpu.memory_space<hbm>> -> memref<640xf32, #tpu.memory_space<hbm>>
      %dma_wait3A_52 = tpu.memref_slice %arg7[%mul3A_46] : memref<10240xf32, #tpu.memory_space<vmem_shared>> -> memref<640xf32, #tpu.memory_space<vmem_shared>>
      tpu.wait_dma2 semaphore(%run_scoped3A : memref<!tpu.dma_semaphore, #tpu.memory_space<semaphore_mem>>) src(%dma_wait3A_52 : memref<640xf32, #tpu.memory_space<vmem_shared>>) dst(%dma_wait3A_51 : memref<640xf32, #tpu.memory_space<hbm>>)
      tpu.yield
    }) : () -> ()
    return
  }
}

module attributes {stable_mosaic.version = 14 : i64} {
  func.func @_prep_body(%arg0: i32, %arg1: memref<2x512xf32, #tpu.memory_space<vmem>>, %arg2: memref<512x128xf32, #tpu.memory_space<vmem>>, %arg3: memref<512x128xf32, #tpu.memory_space<vmem>>) attributes {dimension_semantics = [#tpu.dimension_semantics<arbitrary>], iteration_bounds = array<i64: 20>, scalar_prefetch = 0 : i64, scratch_operands = 0 : i64, tpu.core_type = #tpu.core_type<tc>, window_params = [{transform_indices = @transform_0, window_bounds = array<i64: 2, 512>}, {transform_indices = @transform_1, window_bounds = array<i64: 512, 128>}, {transform_indices = @transform_2, window_bounds = array<i64: 512, 128>}]} {
    %get3A = arith.constant 0 : index
    %get3A_0 = arith.constant 0 : index
    %get3A_1 = vector.load %arg1[%get3A, %get3A_0] : memref<2x512xf32, #tpu.memory_space<vmem>>, vector<2x512xf32>
    %slice3A = vector.extract_strided_slice %get3A_1 {offsets = [0, 0], sizes = [1, 512], strides = [1, 1]} : vector<2x512xf32> to vector<1x512xf32>
    %squeeze3A = vector.shape_cast %slice3A : vector<1x512xf32> to vector<512xf32>
    %slice3A_2 = vector.extract_strided_slice %get3A_1 {offsets = [1, 0], sizes = [1, 512], strides = [1, 1]} : vector<2x512xf32> to vector<1x512xf32>
    %squeeze3A_3 = vector.shape_cast %slice3A_2 : vector<1x512xf32> to vector<512xf32>
    %add3A = arith.addf %squeeze3A, %squeeze3A_3 : vector<512xf32>
    %max3A = arith.constant 1.000000e+00 : f32
    %max3A_4 = vector.broadcast %max3A : f32 to vector<512xf32>
    %max3A_5 = arith.maximumf %add3A, %max3A_4 : vector<512xf32>
    %rsqrt3A = math.rsqrt %max3A_5 : vector<512xf32>
    %get3A_6 = arith.constant 0 : index
    %get3A_7 = arith.constant 0 : index
    %get3A_8 = vector.load %arg2[%get3A_6, %get3A_7] : memref<512x128xf32, #tpu.memory_space<vmem>>, vector<512x128xf32>
    %broadcast_in_dim3A = vector.shape_cast %rsqrt3A : vector<512xf32> to vector<512x1xf32>
    %mul3A = vector.broadcast %broadcast_in_dim3A : vector<512x1xf32> to vector<512x128xf32>
    %mul3A_9 = arith.mulf %get3A_8, %mul3A : vector<512x128xf32>
    %swap3A = arith.constant 0 : index
    %swap3A_10 = arith.constant 0 : index
    %swap3A_11 = vector.load %arg3[%swap3A, %swap3A_10] : memref<512x128xf32, #tpu.memory_space<vmem>>, vector<512x128xf32>
    tpu.vector_store %arg3[%swap3A, %swap3A_10], %mul3A_9 {strides = array<i32>} : memref<512x128xf32, #tpu.memory_space<vmem>>, vector<512x128xf32>,
    return
  }
  func.func @transform_0(%arg0: i32) -> (i32, i32) {
    %c0_i32 = arith.constant 0 : i32
    %c0_i32_0 = arith.constant 0 : i32
    return %c0_i32, %arg0 : i32, i32
  }
  func.func @transform_1(%arg0: i32) -> (i32, i32) {
    %c0_i32 = arith.constant 0 : i32
    %c0_i32_0 = arith.constant 0 : i32
    return %arg0, %c0_i32 : i32, i32
  }
  func.func @transform_2(%arg0: i32) -> (i32, i32) {
    %c0_i32 = arith.constant 0 : i32
    %c0_i32_0 = arith.constant 0 : i32
    return %arg0, %c0_i32 : i32, i32
  }
}

module attributes {stable_mosaic.version = 14 : i64} {
  func.func @_experts_body(%arg0: i32, %arg1: memref<2x512xf32, #tpu.memory_space<vmem>>, %arg2: memref<2x512x128xf32, #tpu.memory_space<vmem>>, %arg3: memref<4x128x256xf32, #tpu.memory_space<vmem>>, %arg4: memref<4x256xf32, #tpu.memory_space<vmem>>, %arg5: memref<4x256x128xf32, #tpu.memory_space<vmem>>, %arg6: memref<512x128xf32, #tpu.memory_space<vmem>>, %arg7: memref<512x128xf32, #tpu.memory_space<vmem>>, %arg8: memref<512x128xf32, #tpu.memory_space<vmem>>, %arg9: memref<512x128xf32, #tpu.memory_space<vmem>>) attributes {dimension_semantics = [#tpu.dimension_semantics<arbitrary>], iteration_bounds = array<i64: 20>, scalar_prefetch = 0 : i64, scratch_operands = 0 : i64, tpu.core_type = #tpu.core_type<tc>, window_params = [{transform_indices = @transform_0, window_bounds = array<i64: 2, 512>}, {transform_indices = @transform_1, window_bounds = array<i64: 2, 512, 128>}, {pipeline_mode = #tpu.pipeline_mode<synchronous>, transform_indices = @transform_2, window_bounds = array<i64: 4, 128, 256>}, {pipeline_mode = #tpu.pipeline_mode<synchronous>, transform_indices = @transform_3, window_bounds = array<i64: 4, 256>}, {pipeline_mode = #tpu.pipeline_mode<synchronous>, transform_indices = @transform_4, window_bounds = array<i64: 4, 256, 128>}, {transform_indices = @transform_5, window_bounds = array<i64: 512, 128>}, {transform_indices = @transform_6, window_bounds = array<i64: 512, 128>}, {transform_indices = @transform_7, window_bounds = array<i64: 512, 128>}, {transform_indices = @transform_8, window_bounds = array<i64: 512, 128>}]} {
    %get3A = arith.constant 0 : index
    %get3A_0 = arith.constant 0 : index
    %get3A_1 = vector.load %arg1[%get3A, %get3A_0] : memref<2x512xf32, #tpu.memory_space<vmem>>, vector<2x512xf32>
    %slice3A = vector.extract_strided_slice %get3A_1 {offsets = [0, 0], sizes = [1, 512], strides = [1, 1]} : vector<2x512xf32> to vector<1x512xf32>
    %squeeze3A = vector.shape_cast %slice3A : vector<1x512xf32> to vector<512xf32>
    %slice3A_2 = vector.extract_strided_slice %get3A_1 {offsets = [1, 0], sizes = [1, 512], strides = [1, 1]} : vector<2x512xf32> to vector<1x512xf32>
    %squeeze3A_3 = vector.shape_cast %slice3A_2 : vector<1x512xf32> to vector<512xf32>
    %add3A = arith.addf %squeeze3A, %squeeze3A_3 : vector<512xf32>
    %max3A = arith.constant 1.000000e+00 : f32
    %max3A_4 = vector.broadcast %max3A : f32 to vector<512xf32>
    %max3A_5 = arith.maximumf %add3A, %max3A_4 : vector<512xf32>
    %rsqrt3A = math.rsqrt %max3A_5 : vector<512xf32>
    %get3A_6 = arith.constant 0 : index
    %get3A_7 = arith.constant 0 : index
    %get3A_8 = arith.constant 0 : index
    %get3A_9 = vector.load %arg2[%get3A_6, %get3A_7, %get3A_8] : memref<2x512x128xf32, #tpu.memory_space<vmem>>, vector<1x512x128xf32>
    %get3A_10 = vector.shape_cast %get3A_9 : vector<1x512x128xf32> to vector<512x128xf32>
    %get3A_11 = arith.constant 1 : index
    %get3A_12 = arith.constant 0 : index
    %get3A_13 = arith.constant 0 : index
    %get3A_14 = vector.load %arg2[%get3A_11, %get3A_12, %get3A_13] : memref<2x512x128xf32, #tpu.memory_space<vmem>>, vector<1x512x128xf32>
    %get3A_15 = vector.shape_cast %get3A_14 : vector<1x512x128xf32> to vector<512x128xf32>
    %add3A_16 = arith.addf %get3A_10, %get3A_15 : vector<512x128xf32>
    %broadcast_in_dim3A = vector.shape_cast %rsqrt3A : vector<512xf32> to vector<512x1xf32>
    %mul3A = vector.broadcast %broadcast_in_dim3A : vector<512x1xf32> to vector<512x128xf32>
    %mul3A_17 = arith.mulf %add3A_16, %mul3A : vector<512x128xf32>
    %get3A_18 = arith.constant 0 : index
    %get3A_19 = arith.constant 0 : index
    %get3A_20 = arith.constant 0 : index
    %get3A_21 = vector.load %arg3[%get3A_18, %get3A_19, %get3A_20] : memref<4x128x256xf32, #tpu.memory_space<vmem>>, vector<1x128x256xf32>
    %get3A_22 = vector.shape_cast %get3A_21 : vector<1x128x256xf32> to vector<128x256xf32>
    %dot_general3A = arith.constant dense<0.000000e+00> : vector<512x256xf32>
    %dot_general3A_23 = tpu.matmul %mul3A_17, %get3A_22, %dot_general3A {dimension_numbers = #tpu.dot_dimension_numbers<[1], [0], [0], [1], [0, 0, 1, 1], [], []>, transpose_lhs_hint = false} : vector<512x128xf32>, vector<128x256xf32>, vector<512x256xf32> -> vector<512x256xf32>
    %get3A_24 = arith.constant 0 : index
    %get3A_25 = arith.constant 0 : index
    %get3A_26 = vector.load %arg4[%get3A_24, %get3A_25] : memref<4x256xf32, #tpu.memory_space<vmem>>, vector<1x256xf32>
    %get3A_27 = vector.shape_cast %get3A_26 : vector<1x256xf32> to vector<256xf32>
    %broadcast_in_dim3A_28 = vector.shape_cast %get3A_27 : vector<256xf32> to vector<1x256xf32>
    %add3A_29 = vector.broadcast %broadcast_in_dim3A_28 : vector<1x256xf32> to vector<512x256xf32>
    %add3A_30 = arith.addf %dot_general3A_23, %add3A_29 : vector<512x256xf32>
    %max3A_31 = arith.constant 0.000000e+00 : f32
    %max3A_32 = vector.broadcast %max3A_31 : f32 to vector<512x256xf32>
    %max3A_33 = arith.maximumf %add3A_30, %max3A_32 : vector<512x256xf32>
    %get3A_34 = arith.constant 0 : index
    %get3A_35 = arith.constant 0 : index
    %get3A_36 = arith.constant 0 : index
    %get3A_37 = vector.load %arg5[%get3A_34, %get3A_35, %get3A_36] : memref<4x256x128xf32, #tpu.memory_space<vmem>>, vector<1x256x128xf32>
    %get3A_38 = vector.shape_cast %get3A_37 : vector<1x256x128xf32> to vector<256x128xf32>
    %dot_general3A_39 = arith.constant dense<0.000000e+00> : vector<512x128xf32>
    %dot_general3A_40 = tpu.matmul %max3A_33, %get3A_38, %dot_general3A_39 {dimension_numbers = #tpu.dot_dimension_numbers<[1], [0], [0], [1], [0, 0, 1, 1], [], []>, transpose_lhs_hint = false} : vector<512x256xf32>, vector<256x128xf32>, vector<512x128xf32> -> vector<512x128xf32>
    %broadcast_in_dim3A_41 = vector.shape_cast %rsqrt3A : vector<512xf32> to vector<512x1xf32>
    %mul3A_42 = vector.broadcast %broadcast_in_dim3A_41 : vector<512x1xf32> to vector<512x128xf32>
    %mul3A_43 = arith.mulf %dot_general3A_40, %mul3A_42 : vector<512x128xf32>
    %swap3A = arith.constant 0 : index
    %swap3A_44 = arith.constant 0 : index
    %swap3A_45 = vector.load %arg6[%swap3A, %swap3A_44] : memref<512x128xf32, #tpu.memory_space<vmem>>, vector<512x128xf32>
    tpu.vector_store %arg6[%swap3A, %swap3A_44], %mul3A_43 {strides = array<i32>} : memref<512x128xf32, #tpu.memory_space<vmem>>, vector<512x128xf32>,
    %get3A_46 = arith.constant 1 : index
    %get3A_47 = arith.constant 0 : index
    %get3A_48 = arith.constant 0 : index
    %get3A_49 = vector.load %arg3[%get3A_46, %get3A_47, %get3A_48] : memref<4x128x256xf32, #tpu.memory_space<vmem>>, vector<1x128x256xf32>
    %get3A_50 = vector.shape_cast %get3A_49 : vector<1x128x256xf32> to vector<128x256xf32>
    %dot_general3A_51 = arith.constant dense<0.000000e+00> : vector<512x256xf32>
    %dot_general3A_52 = tpu.matmul %mul3A_17, %get3A_50, %dot_general3A_51 {dimension_numbers = #tpu.dot_dimension_numbers<[1], [0], [0], [1], [0, 0, 1, 1], [], []>, transpose_lhs_hint = false} : vector<512x128xf32>, vector<128x256xf32>, vector<512x256xf32> -> vector<512x256xf32>
    %get3A_53 = arith.constant 1 : index
    %get3A_54 = arith.constant 0 : index
    %get3A_55 = vector.load %arg4[%get3A_53, %get3A_54] : memref<4x256xf32, #tpu.memory_space<vmem>>, vector<1x256xf32>
    %get3A_56 = vector.shape_cast %get3A_55 : vector<1x256xf32> to vector<256xf32>
    %broadcast_in_dim3A_57 = vector.shape_cast %get3A_56 : vector<256xf32> to vector<1x256xf32>
    %add3A_58 = vector.broadcast %broadcast_in_dim3A_57 : vector<1x256xf32> to vector<512x256xf32>
    %add3A_59 = arith.addf %dot_general3A_52, %add3A_58 : vector<512x256xf32>
    %max3A_60 = arith.constant 0.000000e+00 : f32
    %max3A_61 = vector.broadcast %max3A_60 : f32 to vector<512x256xf32>
    %max3A_62 = arith.maximumf %add3A_59, %max3A_61 : vector<512x256xf32>
    %get3A_63 = arith.constant 1 : index
    %get3A_64 = arith.constant 0 : index
    %get3A_65 = arith.constant 0 : index
    %get3A_66 = vector.load %arg5[%get3A_63, %get3A_64, %get3A_65] : memref<4x256x128xf32, #tpu.memory_space<vmem>>, vector<1x256x128xf32>
    %get3A_67 = vector.shape_cast %get3A_66 : vector<1x256x128xf32> to vector<256x128xf32>
    %dot_general3A_68 = arith.constant dense<0.000000e+00> : vector<512x128xf32>
    %dot_general3A_69 = tpu.matmul %max3A_62, %get3A_67, %dot_general3A_68 {dimension_numbers = #tpu.dot_dimension_numbers<[1], [0], [0], [1], [0, 0, 1, 1], [], []>, transpose_lhs_hint = false} : vector<512x256xf32>, vector<256x128xf32>, vector<512x128xf32> -> vector<512x128xf32>
    %broadcast_in_dim3A_70 = vector.shape_cast %rsqrt3A : vector<512xf32> to vector<512x1xf32>
    %mul3A_71 = vector.broadcast %broadcast_in_dim3A_70 : vector<512x1xf32> to vector<512x128xf32>
    %mul3A_72 = arith.mulf %dot_general3A_69, %mul3A_71 : vector<512x128xf32>
    %swap3A_73 = arith.constant 0 : index
    %swap3A_74 = arith.constant 0 : index
    %swap3A_75 = vector.load %arg7[%swap3A_73, %swap3A_74] : memref<512x128xf32, #tpu.memory_space<vmem>>, vector<512x128xf32>
    tpu.vector_store %arg7[%swap3A_73, %swap3A_74], %mul3A_72 {strides = array<i32>} : memref<512x128xf32, #tpu.memory_space<vmem>>, vector<512x128xf32>,
    %get3A_76 = arith.constant 2 : index
    %get3A_77 = arith.constant 0 : index
    %get3A_78 = arith.constant 0 : index
    %get3A_79 = vector.load %arg3[%get3A_76, %get3A_77, %get3A_78] : memref<4x128x256xf32, #tpu.memory_space<vmem>>, vector<1x128x256xf32>
    %get3A_80 = vector.shape_cast %get3A_79 : vector<1x128x256xf32> to vector<128x256xf32>
    %dot_general3A_81 = arith.constant dense<0.000000e+00> : vector<512x256xf32>
    %dot_general3A_82 = tpu.matmul %mul3A_17, %get3A_80, %dot_general3A_81 {dimension_numbers = #tpu.dot_dimension_numbers<[1], [0], [0], [1], [0, 0, 1, 1], [], []>, transpose_lhs_hint = false} : vector<512x128xf32>, vector<128x256xf32>, vector<512x256xf32> -> vector<512x256xf32>
    %get3A_83 = arith.constant 2 : index
    %get3A_84 = arith.constant 0 : index
    %get3A_85 = vector.load %arg4[%get3A_83, %get3A_84] : memref<4x256xf32, #tpu.memory_space<vmem>>, vector<1x256xf32>
    %get3A_86 = vector.shape_cast %get3A_85 : vector<1x256xf32> to vector<256xf32>
    %broadcast_in_dim3A_87 = vector.shape_cast %get3A_86 : vector<256xf32> to vector<1x256xf32>
    %add3A_88 = vector.broadcast %broadcast_in_dim3A_87 : vector<1x256xf32> to vector<512x256xf32>
    %add3A_89 = arith.addf %dot_general3A_82, %add3A_88 : vector<512x256xf32>
    %max3A_90 = arith.constant 0.000000e+00 : f32
    %max3A_91 = vector.broadcast %max3A_90 : f32 to vector<512x256xf32>
    %max3A_92 = arith.maximumf %add3A_89, %max3A_91 : vector<512x256xf32>
    %get3A_93 = arith.constant 2 : index
    %get3A_94 = arith.constant 0 : index
    %get3A_95 = arith.constant 0 : index
    %get3A_96 = vector.load %arg5[%get3A_93, %get3A_94, %get3A_95] : memref<4x256x128xf32, #tpu.memory_space<vmem>>, vector<1x256x128xf32>
    %get3A_97 = vector.shape_cast %get3A_96 : vector<1x256x128xf32> to vector<256x128xf32>
    %dot_general3A_98 = arith.constant dense<0.000000e+00> : vector<512x128xf32>
    %dot_general3A_99 = tpu.matmul %max3A_92, %get3A_97, %dot_general3A_98 {dimension_numbers = #tpu.dot_dimension_numbers<[1], [0], [0], [1], [0, 0, 1, 1], [], []>, transpose_lhs_hint = false} : vector<512x256xf32>, vector<256x128xf32>, vector<512x128xf32> -> vector<512x128xf32>
    %broadcast_in_dim3A_100 = vector.shape_cast %rsqrt3A : vector<512xf32> to vector<512x1xf32>
    %mul3A_101 = vector.broadcast %broadcast_in_dim3A_100 : vector<512x1xf32> to vector<512x128xf32>
    %mul3A_102 = arith.mulf %dot_general3A_99, %mul3A_101 : vector<512x128xf32>
    %swap3A_103 = arith.constant 0 : index
    %swap3A_104 = arith.constant 0 : index
    %swap3A_105 = vector.load %arg8[%swap3A_103, %swap3A_104] : memref<512x128xf32, #tpu.memory_space<vmem>>, vector<512x128xf32>
    tpu.vector_store %arg8[%swap3A_103, %swap3A_104], %mul3A_102 {strides = array<i32>} : memref<512x128xf32, #tpu.memory_space<vmem>>, vector<512x128xf32>,
    %get3A_106 = arith.constant 3 : index
    %get3A_107 = arith.constant 0 : index
    %get3A_108 = arith.constant 0 : index
    %get3A_109 = vector.load %arg3[%get3A_106, %get3A_107, %get3A_108] : memref<4x128x256xf32, #tpu.memory_space<vmem>>, vector<1x128x256xf32>
    %get3A_110 = vector.shape_cast %get3A_109 : vector<1x128x256xf32> to vector<128x256xf32>
    %dot_general3A_111 = arith.constant dense<0.000000e+00> : vector<512x256xf32>
    %dot_general3A_112 = tpu.matmul %mul3A_17, %get3A_110, %dot_general3A_111 {dimension_numbers = #tpu.dot_dimension_numbers<[1], [0], [0], [1], [0, 0, 1, 1], [], []>, transpose_lhs_hint = false} : vector<512x128xf32>, vector<128x256xf32>, vector<512x256xf32> -> vector<512x256xf32>
    %get3A_113 = arith.constant 3 : index
    %get3A_114 = arith.constant 0 : index
    %get3A_115 = vector.load %arg4[%get3A_113, %get3A_114] : memref<4x256xf32, #tpu.memory_space<vmem>>, vector<1x256xf32>
    %get3A_116 = vector.shape_cast %get3A_115 : vector<1x256xf32> to vector<256xf32>
    %broadcast_in_dim3A_117 = vector.shape_cast %get3A_116 : vector<256xf32> to vector<1x256xf32>
    %add3A_118 = vector.broadcast %broadcast_in_dim3A_117 : vector<1x256xf32> to vector<512x256xf32>
    %add3A_119 = arith.addf %dot_general3A_112, %add3A_118 : vector<512x256xf32>
    %max3A_120 = arith.constant 0.000000e+00 : f32
    %max3A_121 = vector.broadcast %max3A_120 : f32 to vector<512x256xf32>
    %max3A_122 = arith.maximumf %add3A_119, %max3A_121 : vector<512x256xf32>
    %get3A_123 = arith.constant 3 : index
    %get3A_124 = arith.constant 0 : index
    %get3A_125 = arith.constant 0 : index
    %get3A_126 = vector.load %arg5[%get3A_123, %get3A_124, %get3A_125] : memref<4x256x128xf32, #tpu.memory_space<vmem>>, vector<1x256x128xf32>
    %get3A_127 = vector.shape_cast %get3A_126 : vector<1x256x128xf32> to vector<256x128xf32>
    %dot_general3A_128 = arith.constant dense<0.000000e+00> : vector<512x128xf32>
    %dot_general3A_129 = tpu.matmul %max3A_122, %get3A_127, %dot_general3A_128 {dimension_numbers = #tpu.dot_dimension_numbers<[1], [0], [0], [1], [0, 0, 1, 1], [], []>, transpose_lhs_hint = false} : vector<512x256xf32>, vector<256x128xf32>, vector<512x128xf32> -> vector<512x128xf32>
    %broadcast_in_dim3A_130 = vector.shape_cast %rsqrt3A : vector<512xf32> to vector<512x1xf32>
    %mul3A_131 = vector.broadcast %broadcast_in_dim3A_130 : vector<512x1xf32> to vector<512x128xf32>
    %mul3A_132 = arith.mulf %dot_general3A_129, %mul3A_131 : vector<512x128xf32>
    %swap3A_133 = arith.constant 0 : index
    %swap3A_134 = arith.constant 0 : index
    %swap3A_135 = vector.load %arg9[%swap3A_133, %swap3A_134] : memref<512x128xf32, #tpu.memory_space<vmem>>, vector<512x128xf32>
    tpu.vector_store %arg9[%swap3A_133, %swap3A_134], %mul3A_132 {strides = array<i32>} : memref<512x128xf32, #tpu.memory_space<vmem>>, vector<512x128xf32>,
    return
  }
  func.func @transform_0(%arg0: i32) -> (i32, i32) {
    %c0_i32 = arith.constant 0 : i32
    %c0_i32_0 = arith.constant 0 : i32
    return %c0_i32, %arg0 : i32, i32
  }
  func.func @transform_1(%arg0: i32) -> (i32, i32, i32) {
    %c0_i32 = arith.constant 0 : i32
    %c0_i32_0 = arith.constant 0 : i32
    %c0_i32_1 = arith.constant 0 : i32
    return %c0_i32, %arg0, %c0_i32_0 : i32, i32, i32
  }
  func.func @transform_2(%arg0: i32) -> (i32, i32, i32) {
    %c0_i32 = arith.constant 0 : i32
    %c0_i32_0 = arith.constant 0 : i32
    %c0_i32_1 = arith.constant 0 : i32
    %c0_i32_2 = arith.constant 0 : i32
    return %c0_i32, %c0_i32_0, %c0_i32_1 : i32, i32, i32
  }
  func.func @transform_3(%arg0: i32) -> (i32, i32) {
    %c0_i32 = arith.constant 0 : i32
    %c0_i32_0 = arith.constant 0 : i32
    %c0_i32_1 = arith.constant 0 : i32
    return %c0_i32, %c0_i32_0 : i32, i32
  }
  func.func @transform_4(%arg0: i32) -> (i32, i32, i32) {
    %c0_i32 = arith.constant 0 : i32
    %c0_i32_0 = arith.constant 0 : i32
    %c0_i32_1 = arith.constant 0 : i32
    %c0_i32_2 = arith.constant 0 : i32
    return %c0_i32, %c0_i32_0, %c0_i32_1 : i32, i32, i32
  }
  func.func @transform_5(%arg0: i32) -> (i32, i32) {
    %c0_i32 = arith.constant 0 : i32
    %c0_i32_0 = arith.constant 0 : i32
    return %arg0, %c0_i32 : i32, i32
  }
  func.func @transform_6(%arg0: i32) -> (i32, i32) {
    %c0_i32 = arith.constant 0 : i32
    %c0_i32_0 = arith.constant 0 : i32
    return %arg0, %c0_i32 : i32, i32
  }
  func.func @transform_7(%arg0: i32) -> (i32, i32) {
    %c0_i32 = arith.constant 0 : i32
    %c0_i32_0 = arith.constant 0 : i32
    return %arg0, %c0_i32 : i32, i32
  }
  func.func @transform_8(%arg0: i32) -> (i32, i32) {
    %c0_i32 = arith.constant 0 : i32
    %c0_i32_0 = arith.constant 0 : i32
    return %arg0, %c0_i32 : i32, i32
  }
}

module attributes {stable_mosaic.version = 14 : i64} {
  func.func @_final_body(%arg0: i32, %arg1: memref<2x512xf32, #tpu.memory_space<vmem>>, %arg2: memref<512x128xf32, #tpu.memory_space<vmem>>, %arg3: memref<128x4xf32, #tpu.memory_space<vmem>>, %arg4: memref<1x4xf32, #tpu.memory_space<vmem>>, %arg5: memref<1x4xf32, #tpu.memory_space<vmem>>, %arg6: memref<4x128xf32, #tpu.memory_space<vmem>>, %arg7: memref<2x4x512x128xf32, #tpu.memory_space<vmem>>, %arg8: memref<512x128xf32, #tpu.memory_space<vmem>>) attributes {dimension_semantics = [#tpu.dimension_semantics<arbitrary>], iteration_bounds = array<i64: 20>, scalar_prefetch = 0 : i64, scratch_operands = 0 : i64, tpu.core_type = #tpu.core_type<tc>, window_params = [{transform_indices = @transform_0, window_bounds = array<i64: 2, 512>}, {transform_indices = @transform_1, window_bounds = array<i64: 512, 128>}, {pipeline_mode = #tpu.pipeline_mode<synchronous>, transform_indices = @transform_2, window_bounds = array<i64: 128, 4>}, {pipeline_mode = #tpu.pipeline_mode<synchronous>, transform_indices = @transform_3, window_bounds = array<i64: 1, 4>}, {pipeline_mode = #tpu.pipeline_mode<synchronous>, transform_indices = @transform_4, window_bounds = array<i64: 1, 4>}, {pipeline_mode = #tpu.pipeline_mode<synchronous>, transform_indices = @transform_5, window_bounds = array<i64: 4, 128>}, {transform_indices = @transform_6, window_bounds = array<i64: 2, 4, 512, 128>}, {transform_indices = @transform_7, window_bounds = array<i64: 512, 128>}]} {
    %get3A = arith.constant 0 : index
    %get3A_0 = arith.constant 0 : index
    %get3A_1 = vector.load %arg1[%get3A, %get3A_0] : memref<2x512xf32, #tpu.memory_space<vmem>>, vector<2x512xf32>
    %slice3A = vector.extract_strided_slice %get3A_1 {offsets = [0, 0], sizes = [1, 512], strides = [1, 1]} : vector<2x512xf32> to vector<1x512xf32>
    %squeeze3A = vector.shape_cast %slice3A : vector<1x512xf32> to vector<512xf32>
    %slice3A_2 = vector.extract_strided_slice %get3A_1 {offsets = [1, 0], sizes = [1, 512], strides = [1, 1]} : vector<2x512xf32> to vector<1x512xf32>
    %squeeze3A_3 = vector.shape_cast %slice3A_2 : vector<1x512xf32> to vector<512xf32>
    %add3A = arith.addf %squeeze3A, %squeeze3A_3 : vector<512xf32>
    %max3A = arith.constant 1.000000e+00 : f32
    %max3A_4 = vector.broadcast %max3A : f32 to vector<512xf32>
    %max3A_5 = arith.maximumf %add3A, %max3A_4 : vector<512xf32>
    %rsqrt3A = math.rsqrt %max3A_5 : vector<512xf32>
    %get3A_6 = arith.constant 0 : index
    %get3A_7 = arith.constant 0 : index
    %get3A_8 = vector.load %arg2[%get3A_6, %get3A_7] : memref<512x128xf32, #tpu.memory_space<vmem>>, vector<512x128xf32>
    %get3A_9 = arith.constant 0 : index
    %get3A_10 = arith.constant 0 : index
    %get3A_11 = vector.load %arg3[%get3A_9, %get3A_10] : memref<128x4xf32, #tpu.memory_space<vmem>>, vector<128x4xf32>
    %dot_general3A = arith.constant dense<0.000000e+00> : vector<512x4xf32>
    %dot_general3A_12 = tpu.matmul %get3A_8, %get3A_11, %dot_general3A {dimension_numbers = #tpu.dot_dimension_numbers<[1], [0], [0], [1], [0, 0, 1, 1], [], []>, transpose_lhs_hint = false} : vector<512x128xf32>, vector<128x4xf32>, vector<512x4xf32> -> vector<512x4xf32>
    %reduce_max3A = arith.constant dense<0xFF800000> : vector<512xf32>
    %reduce_max3A_13 = vector.multi_reduction <maximumf>, %dot_general3A_12, %reduce_max3A [1] : vector<512x4xf32> to vector<512xf32>
    %broadcast_in_dim3A = vector.shape_cast %reduce_max3A_13 : vector<512xf32> to vector<512x1xf32>
    %sub3A = vector.broadcast %broadcast_in_dim3A : vector<512x1xf32> to vector<512x4xf32>
    %sub3A_14 = arith.subf %dot_general3A_12, %sub3A : vector<512x4xf32>
    %exp3A = math.exp %sub3A_14 : vector<512x4xf32>
    %reduce_sum3A = arith.constant dense<0.000000e+00> : vector<512xf32>
    %reduce_sum3A_15 = vector.multi_reduction <add>, %exp3A, %reduce_sum3A [1] : vector<512x4xf32> to vector<512xf32>
    %broadcast_in_dim3A_16 = vector.shape_cast %reduce_sum3A_15 : vector<512xf32> to vector<512x1xf32>
    %div3A = vector.broadcast %broadcast_in_dim3A_16 : vector<512x1xf32> to vector<512x4xf32>
    %div3A_17 = arith.divf %exp3A, %div3A : vector<512x4xf32>
    %get3A_18 = arith.constant 0 : index
    %get3A_19 = arith.constant 0 : index
    %get3A_20 = vector.load %arg4[%get3A_18, %get3A_19] : memref<1x4xf32, #tpu.memory_space<vmem>>, vector<1x4xf32>
    %get3A_21 = vector.shape_cast %get3A_20 : vector<1x4xf32> to vector<4xf32>
    %broadcast_in_dim3A_22 = vector.shape_cast %get3A_21 : vector<4xf32> to vector<1x4xf32>
    %sub3A_23 = vector.broadcast %broadcast_in_dim3A_22 : vector<1x4xf32> to vector<512x4xf32>
    %sub3A_24 = arith.subf %dot_general3A_12, %sub3A_23 : vector<512x4xf32>
    %sign3A = tpu.bitcast %sub3A_24 : vector<512x4xf32> -> vector<512x4xi32>
    %sign3A_25 = arith.constant -2147483648 : i32
    %sign3A_26 = vector.broadcast %sign3A_25 : i32 to vector<512x4xi32>
    %sign3A_27 = arith.andi %sign3A, %sign3A_26 : vector<512x4xi32>
    %sign3A_28 = arith.constant 1065353216 : i32
    %sign3A_29 = vector.broadcast %sign3A_28 : i32 to vector<512x4xi32>
    %sign3A_30 = arith.ori %sign3A_29, %sign3A_27 : vector<512x4xi32>
    %sign3A_31 = tpu.bitcast %sign3A_30 : vector<512x4xi32> -> vector<512x4xf32>
    %sign3A_32 = math.absf %sub3A_24 : vector<512x4xf32>
    %sign3A_33 = arith.constant 0.000000e+00 : f32
    %sign3A_34 = vector.broadcast %sign3A_33 : f32 to vector<512x4xf32>
    %sign3A_35 = arith.cmpf ogt, %sign3A_32, %sign3A_34 : vector<512x4xf32>
    %sign3A_36 = arith.select %sign3A_35, %sign3A_31, %sub3A_24 : vector<512x4xi1>, vector<512x4xf32>
    %add3A_37 = arith.constant 1.000000e+00 : f32
    %add3A_38 = vector.broadcast %add3A_37 : f32 to vector<512x4xf32>
    %add3A_39 = arith.addf %sign3A_36, %add3A_38 : vector<512x4xf32>
    %mul3A = arith.constant 5.000000e-01 : f32
    %mul3A_40 = vector.broadcast %mul3A : f32 to vector<512x4xf32>
    %mul3A_41 = arith.mulf %mul3A_40, %add3A_39 : vector<512x4xf32>
    %mul3A_42 = arith.mulf %div3A_17, %mul3A_41 : vector<512x4xf32>
    %get3A_43 = arith.constant 0 : index
    %get3A_44 = arith.constant 0 : index
    %get3A_45 = vector.load %arg5[%get3A_43, %get3A_44] : memref<1x4xf32, #tpu.memory_space<vmem>>, vector<1x4xf32>
    %get3A_46 = vector.shape_cast %get3A_45 : vector<1x4xf32> to vector<4xf32>
    %broadcast_in_dim3A_47 = vector.shape_cast %get3A_46 : vector<4xf32> to vector<1x4xf32>
    %mul3A_48 = vector.broadcast %broadcast_in_dim3A_47 : vector<1x4xf32> to vector<512x4xf32>
    %mul3A_49 = arith.mulf %mul3A_42, %mul3A_48 : vector<512x4xf32>
    %reduce_sum3A_50 = arith.constant dense<0.000000e+00> : vector<512xf32>
    %reduce_sum3A_51 = vector.multi_reduction <add>, %mul3A_49, %reduce_sum3A_50 [1] : vector<512x4xf32> to vector<512xf32>
    %broadcast_in_dim3A_52 = vector.shape_cast %reduce_sum3A_51 : vector<512xf32> to vector<512x1xf32>
    %add3A_53 = arith.constant 1.000000e-10 : f32
    %add3A_54 = vector.broadcast %add3A_53 : f32 to vector<512x1xf32>
    %add3A_55 = arith.addf %broadcast_in_dim3A_52, %add3A_54 : vector<512x1xf32>
    %div3A_56 = vector.broadcast %add3A_55 : vector<512x1xf32> to vector<512x4xf32>
    %div3A_57 = arith.divf %mul3A_49, %div3A_56 : vector<512x4xf32>
    %get3A_58 = arith.constant 0 : index
    %get3A_59 = arith.constant 0 : index
    %get3A_60 = vector.load %arg6[%get3A_58, %get3A_59] : memref<4x128xf32, #tpu.memory_space<vmem>>, vector<4x128xf32>
    %dot_general3A_61 = arith.constant dense<0.000000e+00> : vector<512x128xf32>
    %dot_general3A_62 = tpu.matmul %div3A_57, %get3A_60, %dot_general3A_61 {dimension_numbers = #tpu.dot_dimension_numbers<[1], [0], [0], [1], [0, 0, 1, 1], [], []>, transpose_lhs_hint = false} : vector<512x4xf32>, vector<4x128xf32>, vector<512x128xf32> -> vector<512x128xf32>
    %get3A_63 = arith.constant 0 : index
    %get3A_64 = arith.constant 0 : index
    %get3A_65 = arith.constant 0 : index
    %get3A_66 = arith.constant 0 : index
    %get3A_67 = vector.load %arg7[%get3A_63, %get3A_64, %get3A_65, %get3A_66] : memref<2x4x512x128xf32, #tpu.memory_space<vmem>>, vector<1x4x512x128xf32>
    %get3A_68 = vector.shape_cast %get3A_67 : vector<1x4x512x128xf32> to vector<4x512x128xf32>
    %get3A_69 = arith.constant 1 : index
    %get3A_70 = arith.constant 0 : index
    %get3A_71 = arith.constant 0 : index
    %get3A_72 = arith.constant 0 : index
    %get3A_73 = vector.load %arg7[%get3A_69, %get3A_70, %get3A_71, %get3A_72] : memref<2x4x512x128xf32, #tpu.memory_space<vmem>>, vector<1x4x512x128xf32>
    %get3A_74 = vector.shape_cast %get3A_73 : vector<1x4x512x128xf32> to vector<4x512x128xf32>
    %add3A_75 = arith.addf %get3A_68, %get3A_74 : vector<4x512x128xf32>
    %slice3A_76 = vector.extract_strided_slice %div3A_57 {offsets = [0, 0], sizes = [512, 1], strides = [1, 1]} : vector<512x4xf32> to vector<512x1xf32>
    %slice3A_77 = vector.extract_strided_slice %add3A_75 {offsets = [0, 0, 0], sizes = [1, 512, 128], strides = [1, 1, 1]} : vector<4x512x128xf32> to vector<1x512x128xf32>
    %squeeze3A_78 = vector.shape_cast %slice3A_77 : vector<1x512x128xf32> to vector<512x128xf32>
    %mul3A_79 = vector.broadcast %slice3A_76 : vector<512x1xf32> to vector<512x128xf32>
    %mul3A_80 = arith.mulf %mul3A_79, %squeeze3A_78 : vector<512x128xf32>
    %slice3A_81 = vector.extract_strided_slice %div3A_57 {offsets = [0, 1], sizes = [512, 1], strides = [1, 1]} : vector<512x4xf32> to vector<512x1xf32>
    %slice3A_82 = vector.extract_strided_slice %add3A_75 {offsets = [1, 0, 0], sizes = [1, 512, 128], strides = [1, 1, 1]} : vector<4x512x128xf32> to vector<1x512x128xf32>
    %squeeze3A_83 = vector.shape_cast %slice3A_82 : vector<1x512x128xf32> to vector<512x128xf32>
    %mul3A_84 = vector.broadcast %slice3A_81 : vector<512x1xf32> to vector<512x128xf32>
    %mul3A_85 = arith.mulf %mul3A_84, %squeeze3A_83 : vector<512x128xf32>
    %add3A_86 = arith.addf %mul3A_80, %mul3A_85 : vector<512x128xf32>
    %slice3A_87 = vector.extract_strided_slice %div3A_57 {offsets = [0, 2], sizes = [512, 1], strides = [1, 1]} : vector<512x4xf32> to vector<512x1xf32>
    %slice3A_88 = vector.extract_strided_slice %add3A_75 {offsets = [2, 0, 0], sizes = [1, 512, 128], strides = [1, 1, 1]} : vector<4x512x128xf32> to vector<1x512x128xf32>
    %squeeze3A_89 = vector.shape_cast %slice3A_88 : vector<1x512x128xf32> to vector<512x128xf32>
    %mul3A_90 = vector.broadcast %slice3A_87 : vector<512x1xf32> to vector<512x128xf32>
    %mul3A_91 = arith.mulf %mul3A_90, %squeeze3A_89 : vector<512x128xf32>
    %add3A_92 = arith.addf %add3A_86, %mul3A_91 : vector<512x128xf32>
    %slice3A_93 = vector.extract_strided_slice %div3A_57 {offsets = [0, 3], sizes = [512, 1], strides = [1, 1]} : vector<512x4xf32> to vector<512x1xf32>
    %slice3A_94 = vector.extract_strided_slice %add3A_75 {offsets = [3, 0, 0], sizes = [1, 512, 128], strides = [1, 1, 1]} : vector<4x512x128xf32> to vector<1x512x128xf32>
    %squeeze3A_95 = vector.shape_cast %slice3A_94 : vector<1x512x128xf32> to vector<512x128xf32>
    %mul3A_96 = vector.broadcast %slice3A_93 : vector<512x1xf32> to vector<512x128xf32>
    %mul3A_97 = arith.mulf %mul3A_96, %squeeze3A_95 : vector<512x128xf32>
    %add3A_98 = arith.addf %add3A_92, %mul3A_97 : vector<512x128xf32>
    %broadcast_in_dim3A_99 = vector.shape_cast %rsqrt3A : vector<512xf32> to vector<512x1xf32>
    %mul3A_100 = vector.broadcast %broadcast_in_dim3A_99 : vector<512x1xf32> to vector<512x128xf32>
    %mul3A_101 = arith.mulf %add3A_98, %mul3A_100 : vector<512x128xf32>
    %add3A_102 = arith.addf %mul3A_101, %dot_general3A_62 : vector<512x128xf32>
    %swap3A = arith.constant 0 : index
    %swap3A_103 = arith.constant 0 : index
    %swap3A_104 = vector.load %arg8[%swap3A, %swap3A_103] : memref<512x128xf32, #tpu.memory_space<vmem>>, vector<512x128xf32>
    tpu.vector_store %arg8[%swap3A, %swap3A_103], %add3A_102 {strides = array<i32>} : memref<512x128xf32, #tpu.memory_space<vmem>>, vector<512x128xf32>,
    return
  }
  func.func @transform_0(%arg0: i32) -> (i32, i32) {
    %c0_i32 = arith.constant 0 : i32
    %c0_i32_0 = arith.constant 0 : i32
    return %c0_i32, %arg0 : i32, i32
  }
  func.func @transform_1(%arg0: i32) -> (i32, i32) {
    %c0_i32 = arith.constant 0 : i32
    %c0_i32_0 = arith.constant 0 : i32
    return %arg0, %c0_i32 : i32, i32
  }
  func.func @transform_2(%arg0: i32) -> (i32, i32) {
    %c0_i32 = arith.constant 0 : i32
    %c0_i32_0 = arith.constant 0 : i32
    %c0_i32_1 = arith.constant 0 : i32
    return %c0_i32, %c0_i32_0 : i32, i32
  }
  func.func @transform_3(%arg0: i32) -> (i32, i32) {
    %c0_i32 = arith.constant 0 : i32
    %c0_i32_0 = arith.constant 0 : i32
    %c0_i32_1 = arith.constant 0 : i32
    return %c0_i32, %c0_i32_0 : i32, i32
  }
  func.func @transform_4(%arg0: i32) -> (i32, i32) {
    %c0_i32 = arith.constant 0 : i32
    %c0_i32_0 = arith.constant 0 : i32
    %c0_i32_1 = arith.constant 0 : i32
    return %c0_i32, %c0_i32_0 : i32, i32
  }
  func.func @transform_5(%arg0: i32) -> (i32, i32) {
    %c0_i32 = arith.constant 0 : i32
    %c0_i32_0 = arith.constant 0 : i32
    %c0_i32_1 = arith.constant 0 : i32
    return %c0_i32, %c0_i32_0 : i32, i32
  }
  func.func @transform_6(%arg0: i32) -> (i32, i32, i32, i32) {
    %c0_i32 = arith.constant 0 : i32
    %c0_i32_0 = arith.constant 0 : i32
    %c0_i32_1 = arith.constant 0 : i32
    %c0_i32_2 = arith.constant 0 : i32
    return %c0_i32, %c0_i32_0, %arg0, %c0_i32_1 : i32, i32, i32, i32
  }
  func.func @transform_7(%arg0: i32) -> (i32, i32) {
    %c0_i32 = arith.constant 0 : i32
    %c0_i32_0 = arith.constant 0 : i32
    return %arg0, %c0_i32 : i32, i32
  }
}

</mosaic_0001>

<sc_bundles>
// kernel: kernel.11.cloned.1.call-start
scs
__scs_entry_jumppad:
0x0: {  	(pc) =	sbr.rel $0x88, $3  }
0x1: {  	(tag) =	ssettag $0x0;
	lr =	simm.s32 $0x1  }
0x2: {  	[smem:$0x3F98] =	sst lr;
	_ =	strace $0xD0000000  }
0x3: {  	_ = 	snop  }
0x4: {  	_ = 	snop  }
0x5: {  	_ = 	snop  }
0x6: {  	_ = 	snop  }
0x7: {  	_ = 	snop  }
__scs_overlays_trampoline_lowered:
0x8: {  	[smem:$0x3FA7] =	sst s0  }
0x9: {  	[smem:$0x3FA8] =	sst s1  }
0xa: {  	[smem:$0x3FA9] =	sst s2  }
0xb: {  	[smem:$0x3FAA] =	sst s3  }
0xc: {  	[smem:$0x3FAB] =	sst s4  }
0xd: {  	[smem:$0x3FAC] =	sst s5  }
0xe: {  	[smem:$0x3FAD] =	sst s6  }
0xf: {  	[smem:$0x3FAE] =	sst s7  }
0x10: {  	[smem:$0x3FAF] =	sst s8  }
0x11: {  	[smem:$0x3FB0] =	sst s9;
	s0 =	simm.s32 @!p0 $0x0  }
0x12: {  	s1 =	sld [smem:$0x3F96];
	s0 =	simm.s32 @p0 $0x1  }
0x13: {  	[smem:$0x3FB1] =	sst s0;
	s0 =	simm.s32 @!p1 $0x0  }
0x14: {  	s2 =	sld [smem:$0x3F95];
	s0 =	simm.s32 @p1 $0x1  }
0x15: {  	[smem:$0x3FB2] =	sst s0;
	s0 =	simm.s32 @!p2 $0x0  }
0x16: {  	s3 =	sld [smem:$0x3FDB];
	s0 =	simm.s32 @p2 $0x1  }
0x17: {  	s4 =	simm.s32 $0x1BF5;
	[smem:$0x3FB4] =	sst s0  }
0x18: {  	s0 =	sld [smem:$0x3F97];
	_ =	swait.ge [sflag:s4], $0x0  }
0x19: {  	s7 =	sld [smem:$0x3F98]  }
0x1a: {  	s8 =	sadd.s32 $0xFFFFE003, lr  }
0x1b: {  	s9 =	sadd.s32 $0xFFFFFEF7, lr;
	s5 =	simm.s32 $0xFFFFFFFF;
	p2 =	slt.u32 s8, $0xFFFFF086  }
0x1c: {  	p1 =	slt.u32 s9, $0xF7A;
	s5 =	simm.s32 @!p2 $0x0  }
0x1d: {  	s5 =	simm.s32 @p1 $0x1;
	p0 =	seq.s32 s7, s2  }
0x1e: {  	s7 =	smul.u32 @!p0 $0xF7A, s2;
	p2 =	seq.s32 @!p0 s5, $0x0  }
0x1f: {  	s9 =	smul.u32 $0xF7A, s1;
	s8 =	simm.s32 @!p0 $0x1BF5;
	p2 =	por !p2, p0  }
0x20: {  	[sflag:s8] =	ssyncset.s32 @!p0 $0xFFFFF086;
	s6 =	sadd.s32 @!p0 s3, s7;
	s7 =	simm.s32 @!p0 $0x108  }
0x21: {  	s3 =	sadd.s32 s3, s9;
	s6 =	sadd.s32 @!p0 $0x88, s6;
	s7 =	simm.s32 @p2 $0x1082  }
0x22: {  	[simem:s7], [sflag:s8] =	dma.local @!p0 [hbm:s6], $0xF7A  }
0x23: {  	s9 =	sor.u32 $0xD0000000, s2;
	s6 =	simm.s32 $0x108;
	_ =	swait.ge @!p0 [sflag:s8], $0x0  }
0x24: {  	s3 =	sadd.s32 $0x88, s3;
	s6 =	simm.s32 @!p1 $0x1082;
	[sflag:s4] =	ssyncset.s32 $0xFFFFF086  }
0x25: {  	[simem:s6], [sflag:s4] =	dma.local [hbm:s3], $0xF7A  }
0x26: {  	[smem:$0x3F98] =	sst s1;
	(tag) =	ssettag s2;
	_ =	strace s9  }
0x27: {  	s1 =	sld [smem:$0x3FA8]  }
0x28: {  	s2 =	sld [smem:$0x3FA9]  }
0x29: {  	s4 =	sld [smem:$0x3FAB]  }
0x2a: {  	p0 =	seq.s32 s5, $0x0;
	s5 =	sld [smem:$0x3FAC]  }
0x2b: {  	s6 =	sld [smem:$0x3FAD]  }
0x2c: {  	s7 =	sld [smem:$0x3FAE]  }
0x2d: {  	s3 =	simm.s32 $0x108;
	s8 =	sld [smem:$0x3FAF]  }
0x2e: {  	s3 =	simm.s32 @!p0 $0x1082;
	s9 =	sld [smem:$0x3FB0]  }
0x2f: {  	lr =	sadd.s32 s0, s3;
	s0 =	sld [smem:$0x3FA7]  }
0x30: {  	s3 =	sld [smem:$0x3FAA]  }
0x31: {  	[smem:$0x3FB3] =	sst s10  }
0x32: {  	s10 =	sld [smem:$0x3FB1];
	_ =	sdelay $0x3  }
0x33: {  	p0 =	seq.s32 s10, $0x1;
	s10 =	sld [smem:$0x3FB3];
	_ =	sdelay $0x3  }
0x34: {  	[smem:$0x3FB3] =	sst s10  }
0x35: {  	s10 =	sld [smem:$0x3FB2];
	_ =	sdelay $0x3  }
0x36: {  	p1 =	seq.s32 s10, $0x1;
	s10 =	sld [smem:$0x3FB3];
	_ =	sdelay $0x3  }
0x37: {  	[smem:$0x3FB3] =	sst s10  }
0x38: {  	s10 =	sld [smem:$0x3FB4]  }
0x39: {  	_ = 	snop;
	(pc) =	sbr.ind lr, $3  }
0x3a: {  	_ = 	snop  }
0x3b: {  	_ = 	snop  }
0x3c: {  	p2 =	seq.s32 s10, $0x1;
	s10 =	sld [smem:$0x3FB3]  }
0x3d: {  	_ =	shalt  }
0x3e: {  	_ =	shalt  }
0x3f: {  	_ =	shalt  }
0x40: {  	_ =	shalt  }
0x41: {  	_ =	shalt  }
0x42: {  	_ =	shalt  }
0x43: {  	_ =	shalt  }
0x44: {  	_ =	shalt  }
0x45: {  	_ =	shalt  }
0x46: {  	_ =	shalt  }
0x47: {  	_ =	shalt  }
0x48: {  	_ =	shalt  }
0x49: {  	_ =	shalt  }
0x4a: {  	_ =	shalt  }
0x4b: {  	_ =	shalt  }
0x4c: {  	_ =	shalt  }
0x4d: {  	_ =	shalt  }
0x4e: {  	_ =	shalt  }
0x4f: {  	_ =	shalt  }
0x50: {  	_ =	shalt  }
0x51: {  	_ =	shalt  }
0x52: {  	_ =	shalt  }
0x53: {  	_ =	shalt  }
0x54: {  	_ =	shalt  }
0x55: {  	_ =	shalt  }
0x56: {  	_ =	shalt  }
0x57: {  	_ =	shalt  }
0x58: {  	_ =	shalt  }
0x59: {  	_ =	shalt  }
0x5a: {  	_ =	shalt  }
0x5b: {  	_ =	shalt  }
0x5c: {  	_ =	shalt  }
0x5d: {  	_ =	shalt  }
0x5e: {  	_ =	shalt  }
0x5f: {  	_ =	shalt  }
0x60: {  	_ =	shalt  }
0x61: {  	_ =	shalt  }
0x62: {  	_ =	shalt  }
0x63: {  	_ =	shalt  }
0x64: {  	_ =	shalt  }
0x65: {  	_ =	shalt  }
0x66: {  	_ =	shalt  }
0x67: {  	_ =	shalt  }
0x68: {  	_ =	shalt  }
0x69: {  	_ =	shalt  }
0x6a: {  	_ =	shalt  }
0x6b: {  	_ =	shalt  }
0x6c: {  	_ =	shalt  }
0x6d: {  	_ =	shalt  }
0x6e: {  	_ =	shalt  }
0x6f: {  	_ =	shalt  }
0x70: {  	_ =	shalt  }
0x71: {  	_ =	shalt  }
0x72: {  	_ =	shalt  }
0x73: {  	_ =	shalt  }
0x74: {  	_ =	shalt  }
0x75: {  	_ =	shalt  }
0x76: {  	_ =	shalt  }
0x77: {  	_ =	shalt  }
0x78: {  	_ =	shalt  }
0x79: {  	_ =	shalt  }
0x7a: {  	_ =	shalt  }
0x7b: {  	_ =	shalt  }
0x7c: {  	_ =	shalt  }
0x7d: {  	_ =	shalt  }
0x7e: {  	_ =	shalt  }
0x7f: {  	_ =	shalt  }
0x80: {  	_ =	shalt  }
0x81: {  	_ =	shalt  }
0x82: {  	_ =	shalt  }
0x83: {  	_ =	shalt  }
0x84: {  	_ =	shalt  }
0x85: {  	_ =	shalt  }
0x86: {  	_ =	shalt  }
0x87: {  	_ =	shalt  }
.Lfunc_end0:
.L_simem_size_0:
called_computation.1_lowered:
.L_overlay_start_0:
0x88: {  	s2 =	sld [smem:$0x3FD9]  }
0x89: {  	s3 =	sld [smem:$0x3FFE];
	_ =	sdelay $0x1  }
0x8a: {  	s1 =	srdreg.scid  }
0x8b: {  	s0 =	sand.u32 $0x1, s1  }
0x8c: {  	s17 =	sshll.u32 s0, $0xA;
	s2 =	sadd.s32 s3, s2  }
0x8d: {  	s2 =	sadd.s32 s2, s17  }
0x8e: {  	[smem:$0x3FBF] =	sst s2  }
0x8f: {  	_ = 	snop  }
0x90: {  	s2 =	sld [smem:$0x3FD0];
	(tm) =	ssettm $0x1  }
0x91: {  	s18 =	sld [smem:$0x3FFB];
	_ =	sdelay $0x3  }
0x92: {  	_ =	strace s18  }
0x93: {  	s3 =	sld [smem:$0x3FFC];
	_ =	sdelay $0x3  }
0x94: {  	_ =	strace s3  }
0x95: {  	s3 =	sld [smem:$0x3FFD];
	_ =	sdelay $0x3  }
0x96: {  	_ =	strace s3  }
0x97: {  	_ =	strace $0x8FFFFFFF  }
0x98: {  	s19 =	sld [smem:$0x3FDB];
	_ =	sdelay $0x1  }
0x99: {  	s4 =	simm.s32 $_scs_section_size  }
0x9a: {  	s5 =	simm.s32 $_size__tile_overlayer_lowered;
	s6 =	simm.s32 $_tile_overlayer_lowered  }
0x9b: {  	s22 =	simm.s32 $0x1BFF;
	s21 =	sshll.u32 s6, $0x1;
	s3 =	sadd.s32 s4, s19  }
0x9c: {  	s7 =	simm.s32 $0x0;
	s20 =	sshll.u32 s5, $0x1;
	s5 =	sadd.s32 s21, s3  }
0x9d: {  	[timem:s7], [sflag:s22] =	dma.local [hbm:s5], s20  }
0x9e: {  	_ =	swait.ge [sflag:s22], s20  }
0x9f: {  	s4 =	ssub.s32 $0x0, s20;
	[sflag:s22] =	ssyncset.done $0x0  }
0xa0: {  	[sflag:s22] =	ssyncadd.s32 s4;
	_ =	sdelay $0x1  }
0xa1: {  	s23 =	simm.s32 $0x1B8B  }
0xa2: {  	_ =	swait.ge [sflag:s23], $0x1  }
0xa3: {  	[sflag:s23] =	ssyncset.done $0x0  }
0xa4: {  	s25 =	simm.s32 $0x1B8E;
	s24 =	sld [smem:$0x3FFE];
	[sflag:s23] =	ssyncadd.s32 $0xFFFFFFFF  }
0xa5: {  	s26 =	simm.s32 $execute0_lowered;
	[smem:$0x3FD2] =	sst s25  }
0xa6: {  	s5 =	sshll.u32 s26, $0x1;
	_ =	strace $0x80000049;
	[dreg:$0x1] =	wrdreg $0xFFFFFFFF  }
0xa7: {  	s28 =	simm.s32 $_size_execute0_lowered;
	s3 =	sadd.s32 s3, s5;
	[dreg:$0x0] =	wrdreg $0x0  }
0xa8: {  	s5 =	sshll.u32 s28, $0x1;
	[dreg:$0x2] =	wrdreg s3  }
0xa9: {  	[dreg:$0x3] =	wrdreg s5  }
0xaa: {  	[dreg:$0x4] =	wrdreg $0xC0  }
0xab: {  	_ =	task [dreg:s7], $0x5FFFF  }
0xac: {  	[dreg:$0x1] =	wrdreg $0xFFFFFFFF  }
0xad: {  	[dreg:$0x0] =	wrdreg $0x60  }
0xae: {  	[dreg:$0x2] =	wrdreg s24  }
0xaf: {  	[dreg:$0x3] =	wrdreg s2  }
0xb0: {  	[dreg:$0x4] =	wrdreg $0xBE200  }
0xb1: {  	[dreg:$0x5] =	wrdreg $0x9  }
0xb2: {  	_ =	task.clear_ibuf [dreg:s7], $0x6FFFF;
	_ =	strace $0x90000049  }
0xb3: {  	s29 =	simm.s32 $0x9;
	_ =	strace $0x8000004B  }
0xb4: {  	_ =	swait.ge [sflag:s29], $0x1  }
0xb5: {  	[sflag:s29] =	ssyncadd.s32 $0xFFFFFFFF  }
0xb6: {  	_ =	strace $0x9000004B  }
0xb7: {  	_ =	sfence  }
0xb8: {  	s30 =	sld [smem:$0x0];
	_ =	sdelay $0x2  }
0xb9: {  	s31 =	sshll.u32 s1, $0xD;
	s1 =	sshrl.u32 s1, $0x2  }
0xba: {  	s3 =	sand.u32 $0x4000, s31;
	s1 =	sadd.s32 s1, s30  }
0xbb: {  	s0 =	sor.u32 s3, s0;
	s1 =	sshll.u32 s1, $0x11  }
0xbc: {  	s0 =	sor.u32 s1, s0  }
0xbd: {  	s0 =	sadd.s32 $0x8F2B, s0  }
0xbe: {  	[sflag:s0] =	ssyncadd.remote.s32 $0x1  }
0xbf: {  	_ =	sfence.sel $0xFFFF  }
0xc0: {  	[dreg:$0x0] =	wrdreg $0xFFFFFFFF;
	(pc) =	sbr.abs _section_cstart, $3  }
0xc1: {  	[dreg:$0x1] =	wrdreg $0xFFFFFFFF  }
0xc2: {  	_ =	task.clear_ibuf [dreg:s7], $0x2FFFF;
	_ =	strace $0x9FFFFFFF  }
0xc3: {  	(tm) =	ssettm $0x7FFFFFFF  }
tec
execute0_lowered:
.L_overlay_start_1:
0x0: {  	(tag) =	ssettag $0x1  }
0x1: {  	s5 =	rddreg [dreg:$0x0]  }
0x2: {  	s2 =	rddreg [dreg:$0x1]  }
0x3: {  	s3 =	rddreg [dreg:$0x2];
	s4 =	srdreg.scid  }
0x4: {  	s0 =	rddreg [dreg:$0x3];
	s1 =	stileid.u32  }
0x5: {  	s19 =	simm.s32 $0x3;
	s20 =	simm.s32 $0x2710;
	s21 =	simm.s32 $0x9E20  }
0x6: {  	s22 =	simm.s32 $0x50;
	s23 =	simm.s32 $0x4E20;
	s24 =	simm.s32 $0x1  }
0x7: {  	s25 =	simm.s32 $0x7620;
	s26 =	simm.s32 $0x2;
	s28 =	simm.s32 $0x4DD0  }
0x8: {  	s6 =	sand.u32 $0x1, s4;
	s4 =	simm.s32 $0x0;
	s8 =	smul.u32 $0x14000, s1  }
0x9: {  	s10 =	smul.u32 $0x50000, s1;
	s7 =	sshll.u32 s6, $0x4;
	[smem:$0x7FF] =	sst s4  }
0xa: {  	s9 =	smul.u32 $0x140000, s6;
	s6 =	ssub.s32 $0x2, s6;
	s7 =	sor.u32 s1, s7  }
0xb: {  	_ =	strace $0x8000004A;
	s11 =	sshrl.u32 s6, $0x1;
	s31 =	sshrl.u32 s10, $0x2  }
0xc: {  	s7 =	smul.u32 $0x4E2, s7;
	s9 =	sadd.s32 s8, s9;
	s16 =	sadd.s32 s31, s3  }
0xd: {  	s18 =	ssub.s32 s6, s11;
	s9 =	sshrl.u32 s9, $0x3;
	s10 =	sadd.s32 $0x6000, s16  }
0xe: {  	s11 =	sadd.s32 $0x8000, s16;
	s12 =	sadd.s32 $0xA000, s16;
	s13 =	sadd.s32 $0xC000, s16  }
0xf: {  	s14 =	sadd.s32 $0xE000, s16;
	s15 =	sadd.s32 $0x10000, s16;
	s18 =	smax.u32 s18, $0x1  }
0x10: {  	s7 =	sadd.s32 s7, s5;
	s17 =	sadd.s32 s9, s5;
	s9 =	sadd.s32 $0x4000, s16  }
0x11: {  	s5 =	sadd.s32 $0x2600, s7;
	s6 =	sadd.s32 $0xC400, s7;
	s7 =	sadd.s32 s8, s3  }
0x12: {  	v0 =	vimm.f32 $0.0e+00;
	s8 =	sadd.s32 $0x2000, s16;
	s16 =	sadd.s32 $0x12000, s16;
	s17 =	sadd.s32 $0x16200, s17  }
.LBB2_1:
0x13: {  	s29 =	simm.s32 $0x0;
	s30 =	simm.s32 $0x200  }
.LBB2_2:
0x14: {  	p0 =	sne.s32 s30, $0x7E00;
	[tilespmem:s29+$0x9E90] =	vst v0  }
0x15: {  	[tilespmem:s29+$0x9E20] =	vst v0  }
0x16: {  	[tilespmem:s29+$0x9E30] =	vst v0  }
.Ltmp0:
0x17: {  	[tilespmem:s29+$0x9E40] =	vst v0;
	(pc) =	sbr.rel @p0 .LBB2_2-.Ltmp0, $4  }
0x18: {  	[tilespmem:s29+$0x9E50] =	vst v0  }
0x19: {  	[tilespmem:s29+$0x9E60] =	vst v0  }
0x1a: {  	[tilespmem:s29+$0x9E70] =	vst v0  }
0x1b: {  	[tilespmem:s29+$0x9E80] =	vst v0;
	s29 =	sshra.s32 s30, $0x2;
	s30 =	sadd.s32 $0x200, s30  }
0x1c: {  	[tilespmem:s29+$0x9E90] =	vst v0  }
0x1d: {  	[tilespmem:s29+$0x9E20] =	vst v0  }
0x1e: {  	[tilespmem:s29+$0x9E30] =	vst v0  }
0x1f: {  	[tilespmem:s29+$0x9E40] =	vst v0  }
0x20: {  	[tilespmem:s29+$0x9E50] =	vst v0  }
0x21: {  	[tilespmem:s29+$0x9E60] =	vst v0  }
0x22: {  	[tilespmem:s29+$0x9E70] =	vst v0  }
0x23: {  	[tilespmem:s29+$0x9E80] =	vst v0;
	s29 =	simm.s32 $0x0  }
0x24: {  	[tilespmem:s29], [sflag:$0x3] =	stream.linear.gather [hbm4b:s5+s29], $0x2710, $0x38;
	[tilespmem:$0x1FE20] =	vst v63  }
0x25: {  	_ =	swait.ge [sflag:s19], $0x2710  }
0x26: {  	[sflag:s19] =	ssyncset.done $0x0  }
0x27: {  	[sflag:s19] =	ssyncadd.s32 $0xFFFFD8F0  }
0x28: {  	[tilespmem:s20], [sflag:$0x3] =	stream.linear.gather [hbm4b:s6+s29], $0x2710, $0x38;
	[tilespmem:$0x1FE20] =	vst v63  }
0x29: {  	_ =	swait.ge [sflag:s19], $0x2710  }
0x2a: {  	[sflag:s19] =	ssyncset.done $0x0  }
0x2b: {  	[sflag:s19] =	ssyncadd.s32 $0xFFFFD8F0  }
0x2c: {  	[spmem:s7] =	stream.linear.scatter [tilespmem:s21], [sflag:$0x3], $0x2000, $0x38;
	[tilespmem:$0x1FE20] =	vst v63  }
0x2d: {  	_ =	swait.ge [sflag:s19], $0x2000  }
0x2e: {  	[sflag:s19] =	ssyncset.done $0x0  }
0x2f: {  	[sflag:s19] =	ssyncadd.s32 $0xFFFFE000  }
0x30: {  	[spmem:s8] =	stream.linear.scatter [tilespmem:s21], [sflag:$0x3], $0x2000, $0x38;
	[tilespmem:$0x1FE20] =	vst v63  }
0x31: {  	_ =	swait.ge [sflag:s19], $0x2000  }
0x32: {  	[sflag:s19] =	ssyncset.done $0x0  }
0x33: {  	[sflag:s19] =	ssyncadd.s32 $0xFFFFE000  }
0x34: {  	[spmem:s9] =	stream.linear.scatter [tilespmem:s21], [sflag:$0x3], $0x2000, $0x38;
	[tilespmem:$0x1FE20] =	vst v63  }
0x35: {  	_ =	swait.ge [sflag:s19], $0x2000  }
0x36: {  	[sflag:s19] =	ssyncset.done $0x0  }
0x37: {  	[sflag:s19] =	ssyncadd.s32 $0xFFFFE000  }
0x38: {  	[spmem:s10] =	stream.linear.scatter [tilespmem:s21], [sflag:$0x3], $0x2000, $0x38;
	[tilespmem:$0x1FE20] =	vst v63  }
0x39: {  	_ =	swait.ge [sflag:s19], $0x2000  }
0x3a: {  	[sflag:s19] =	ssyncset.done $0x0  }
0x3b: {  	[sflag:s19] =	ssyncadd.s32 $0xFFFFE000  }
0x3c: {  	[spmem:s11] =	stream.linear.scatter [tilespmem:s21], [sflag:$0x3], $0x2000, $0x38;
	[tilespmem:$0x1FE20] =	vst v63  }
0x3d: {  	_ =	swait.ge [sflag:s19], $0x2000  }
0x3e: {  	[sflag:s19] =	ssyncset.done $0x0  }
0x3f: {  	[sflag:s19] =	ssyncadd.s32 $0xFFFFE000  }
0x40: {  	[spmem:s12] =	stream.linear.scatter [tilespmem:s21], [sflag:$0x3], $0x2000, $0x38;
	[tilespmem:$0x1FE20] =	vst v63  }
0x41: {  	_ =	swait.ge [sflag:s19], $0x2000  }
0x42: {  	[sflag:s19] =	ssyncset.done $0x0  }
0x43: {  	[sflag:s19] =	ssyncadd.s32 $0xFFFFE000  }
0x44: {  	[spmem:s13] =	stream.linear.scatter [tilespmem:s21], [sflag:$0x3], $0x2000, $0x38;
	[tilespmem:$0x1FE20] =	vst v63  }
0x45: {  	_ =	swait.ge [sflag:s19], $0x2000  }
0x46: {  	[sflag:s19] =	ssyncset.done $0x0  }
0x47: {  	[sflag:s19] =	ssyncadd.s32 $0xFFFFE000  }
0x48: {  	[spmem:s14] =	stream.linear.scatter [tilespmem:s21], [sflag:$0x3], $0x2000, $0x38;
	[tilespmem:$0x1FE20] =	vst v63  }
0x49: {  	_ =	swait.ge [sflag:s19], $0x2000  }
0x4a: {  	[sflag:s19] =	ssyncset.done $0x0  }
0x4b: {  	[sflag:s19] =	ssyncadd.s32 $0xFFFFE000  }
0x4c: {  	[spmem:s15] =	stream.linear.scatter [tilespmem:s21], [sflag:$0x3], $0x2000, $0x38;
	[tilespmem:$0x1FE20] =	vst v63  }
0x4d: {  	_ =	swait.ge [sflag:s19], $0x2000  }
0x4e: {  	[sflag:s19] =	ssyncset.done $0x0  }
0x4f: {  	[sflag:s19] =	ssyncadd.s32 $0xFFFFE000  }
0x50: {  	[spmem:s16] =	stream.linear.scatter [tilespmem:s21], [sflag:$0x3], $0x2000, $0x38;
	[tilespmem:$0x1FE20] =	vst v63  }
0x51: {  	_ =	swait.ge [sflag:s19], $0x2000  }
0x52: {  	[sflag:s19] =	ssyncset.done $0x0  }
0x53: {  	[sflag:s19] =	ssyncadd.s32 $0xFFFFE000  }
0x54: {  	[bflag:$0x0] =	sbarrier.arrive $0xFFFF  }
0x55: {  	[tilespmem:s23], [sflag:$0x1] =	stream.indirect.gather [hbm4b:s2+s22], $0x80, s29, s22, $0xb8;
	[tilespmem:$0x1FE20] =	vst v63  }
0x56: {  	_ =	swait.ge [sflag:s24], $0x2800  }
0x57: {  	[sflag:s24] =	ssyncset.done $0x0  }
0x58: {  	s29 =	simm.s32 $0x50;
	[sflag:s24] =	ssyncadd.s32 $0xFFFFD800  }
0x59: {  	[tilespmem:s25], [sflag:$0x2] =	stream.indirect.gather [hbm4b:s2+s22], $0x80, s29, s22, $0xb8;
	[tilespmem:$0x1FE20] =	vst v63  }
0x5a: {  	s29 =	simm.s32 $0x2710  }
0x5b: {  	[spmem:s3] =	stream.indirect.scatter.add.f32 [tilespmem:s23], [sflag:$0x3], $0x80, s29, s22, $0xb8;
	[tilespmem:$0x1FE20] =	vst v63  }
0x5c: {  	_ =	swait.ge [sflag:s19], $0x2800  }
0x5d: {  	[sflag:s19] =	ssyncset.done $0x0  }
0x5e: {  	[sflag:s19] =	ssyncadd.s32 $0xFFFFD800  }
0x5f: {  	_ =	swait.ge [sflag:s26], $0x2800  }
0x60: {  	[sflag:s26] =	ssyncset.done $0x0  }
0x61: {  	s29 =	simm.s32 $0xA0;
	[sflag:s26] =	ssyncadd.s32 $0xFFFFD800  }
0x62: {  	[tilespmem:s23], [sflag:$0x1] =	stream.indirect.gather [hbm4b:s2+s22], $0x80, s29, s22, $0xb8;
	[tilespmem:$0x1FE20] =	vst v63  }
0x63: {  	s29 =	simm.s32 $0x2760  }
0x64: {  	[spmem:s3] =	stream.indirect.scatter.add.f32 [tilespmem:s25], [sflag:$0x3], $0x80, s29, s22, $0xb8;
	[tilespmem:$0x1FE20] =	vst v63  }
0x65: {  	_ =	swait.ge [sflag:s19], $0x2800  }
0x66: {  	s29 =	simm.s32 $0x280;
	[sflag:s19] =	ssyncset.done $0x0  }
.LBB2_4:
0x67: {  	p0 =	sne.s32 s29, $0x9880  }
0x68: {  	[sflag:s19] =	ssyncadd.s32 $0xFFFFD800;
	s30 =	smov.u32 s29;
	s29 =	sadd.s32 $0x280, s29  }
0x69: {  	_ = 	snop  }
0x6a: {  	_ =	swait.ge [sflag:s24], $0x2800  }
0x6b: {  	s30 =	sshra.s32 s30, $0x2;
	[sflag:s24] =	ssyncset.done $0x0  }
0x6c: {  	s31 =	sadd.s32 $0x50, s30;
	[sflag:s24] =	ssyncadd.s32 $0xFFFFD800  }
0x6d: {  	[tilespmem:s25], [sflag:$0x2] =	stream.indirect.gather [hbm4b:s2+s22], $0x80, s31, s22, $0xb8;
	[tilespmem:$0x1FE20] =	vst v63  }
0x6e: {  	s31 =	sadd.s32 $0x2710, s30  }
0x6f: {  	[spmem:s3] =	stream.indirect.scatter.add.f32 [tilespmem:s23], [sflag:$0x3], $0x80, s31, s22, $0xb8;
	[tilespmem:$0x1FE20] =	vst v63  }
0x70: {  	_ =	swait.ge [sflag:s19], $0x2800  }
0x71: {  	[sflag:s19] =	ssyncset.done $0x0  }
0x72: {  	[sflag:s19] =	ssyncadd.s32 $0xFFFFD800  }
0x73: {  	_ =	swait.ge [sflag:s26], $0x2800  }
0x74: {  	[sflag:s26] =	ssyncset.done $0x0  }
0x75: {  	s31 =	sadd.s32 $0xA0, s30;
	[sflag:s26] =	ssyncadd.s32 $0xFFFFD800  }
0x76: {  	[tilespmem:s23], [sflag:$0x1] =	stream.indirect.gather [hbm4b:s2+s22], $0x80, s31, s22, $0xb8;
	[tilespmem:$0x1FE20] =	vst v63  }
.Ltmp1:
0x77: {  	_ = 	snop;
	(pc) =	sbr.rel @p0 .LBB2_4-.Ltmp1, $4  }
0x78: {  	s30 =	sadd.s32 $0x2760, s30  }
0x79: {  	[spmem:s3] =	stream.indirect.scatter.add.f32 [tilespmem:s25], [sflag:$0x3], $0x80, s30, s22, $0xb8;
	[tilespmem:$0x1FE20] =	vst v63  }
0x7a: {  	_ =	swait.ge [sflag:s19], $0x2800  }
0x7b: {  	[sflag:s19] =	ssyncset.done $0x0  }
0x7c: {  	[sflag:s19] =	ssyncadd.s32 $0xFFFFD800  }
0x7d: {  	_ =	swait.ge [sflag:s24], $0x2800  }
0x7e: {  	[sflag:s24] =	ssyncset.done $0x0  }
0x7f: {  	[sflag:s24] =	ssyncadd.s32 $0xFFFFD800  }
0x80: {  	[spmem:s3] =	stream.indirect.scatter.add.f32 [tilespmem:s23], [sflag:$0x3], $0x80, s28, s22, $0xb8;
	[tilespmem:$0x1FE20] =	vst v63  }
0x81: {  	_ =	swait.ge [sflag:s19], $0x2800  }
0x82: {  	s29 =	sshll.u32 s1, $0x6;
	s4 =	sadd.s32 $0x1, s4;
	[sflag:s19] =	ssyncset.done $0x0  }
0x83: {  	s30 =	sshrl.u32 s7, $0x3;
	p0 =	sne.s32 s4, s18;
	[sflag:s19] =	ssyncadd.s32 $0xFFFFD800  }
.Ltmp2:
0x84: {  	s29 =	sor.u32 $0x1C03, s29;
	[bflag:$0x0] =	sbarrier.arrive $0xFFFF;
	(pc) =	sbr.rel @p0 .LBB2_1-.Ltmp2, $4  }
0x85: {  	[hbm:s17], [sflag:s29] =	dma.local [spmem:s30], $0x2800  }
0x86: {  	_ =	swait.ge [sflag:s19], $0x2800  }
0x87: {  	[sflag:s19] =	ssyncset.done $0x0  }
0x88: {  	[sflag:s19] =	ssyncadd.s32 $0xFFFFD800  }
0x89: {  	_ =	sfence.sel $0x180000  }
0x8a: {  	[bflag:$0x0] =	sbarrier.arrive $0xFFFF  }
0x8b: {  	p0 =	sne.s32 s1, $0x0;
	_ =	strace $0x9000004A  }
0x8c: {  	s0 =	sadd.s32 @!p0 $0x100000, s0;
	[bflag:$0x2] =	sbarrier.arrive $0xFFFF  }
0x8d: {  	[sflag:s0] =	ssyncadd.tile.s32 @!p0 $0x1;
	_ =	shalt  }
.Lfunc_end2:
_tile_overlayer_lowered:
.L_overlay_start_2:
0x8e: {  	(tag) =	ssettag $0x2  }
0x8f: {  	s0 =	rddreg [dreg:$0x0];
	s2 =	stileid.u32  }
0x90: {  	s1 =	rddreg [dreg:$0x1];
	p0 =	sne.s32 s2, $0x0  }
0x91: {  	s3 =	rddreg [dreg:$0x2];
	[bflag:$0x3] =	sbarrier.arrive $0xFFFF;
	s2 =	simm.s32 @!p0 $0x1C03  }
0x92: {  	[timem:s3], [sflag:s2] =	dma.local @!p0 [hbm:s0], s1  }
0x93: {  	s0 =	simm.s32 @!p0 $0x3  }
0x94: {  	_ =	swait.ge @!p0 [sflag:s0], s1  }
0x95: {  	s1 =	ssub.s32 @!p0 $0x0, s1;
	[sflag:s0] =	ssyncset.done @!p0 $0x0  }
0x96: {  	[sflag:s0] =	ssyncadd.s32 @!p0 s1  }
0x97: {  	[bflag:$0x3] =	sbarrier.arrive $0xFFFF  }
0x98: {  	_ =	shalt  }

// kernel: kernel.14.cloned.1.call-start
scs
__scs_entry_jumppad:
0x0: {  	(pc) =	sbr.rel $0x88, $3  }
0x1: {  	(tag) =	ssettag $0x0;
	lr =	simm.s32 $0x1  }
0x2: {  	[smem:$0x3F98] =	sst lr;
	_ =	strace $0xD0000000  }
0x3: {  	_ = 	snop  }
0x4: {  	_ = 	snop  }
0x5: {  	_ = 	snop  }
0x6: {  	_ = 	snop  }
0x7: {  	_ = 	snop  }
__scs_overlays_trampoline_lowered:
0x8: {  	[smem:$0x3FA7] =	sst s0  }
0x9: {  	[smem:$0x3FA8] =	sst s1  }
0xa: {  	[smem:$0x3FA9] =	sst s2  }
0xb: {  	[smem:$0x3FAA] =	sst s3  }
0xc: {  	[smem:$0x3FAB] =	sst s4  }
0xd: {  	[smem:$0x3FAC] =	sst s5  }
0xe: {  	[smem:$0x3FAD] =	sst s6  }
0xf: {  	[smem:$0x3FAE] =	sst s7  }
0x10: {  	[smem:$0x3FAF] =	sst s8  }
0x11: {  	[smem:$0x3FB0] =	sst s9;
	s0 =	simm.s32 @!p0 $0x0  }
0x12: {  	s1 =	sld [smem:$0x3F96];
	s0 =	simm.s32 @p0 $0x1  }
0x13: {  	[smem:$0x3FB1] =	sst s0;
	s0 =	simm.s32 @!p1 $0x0  }
0x14: {  	s2 =	sld [smem:$0x3F95];
	s0 =	simm.s32 @p1 $0x1  }
0x15: {  	[smem:$0x3FB2] =	sst s0;
	s0 =	simm.s32 @!p2 $0x0  }
0x16: {  	s3 =	sld [smem:$0x3FDB];
	s0 =	simm.s32 @p2 $0x1  }
0x17: {  	s4 =	simm.s32 $0x1BF5;
	[smem:$0x3FB4] =	sst s0  }
0x18: {  	s0 =	sld [smem:$0x3F97];
	_ =	swait.ge [sflag:s4], $0x0  }
0x19: {  	s7 =	sld [smem:$0x3F98]  }
0x1a: {  	s8 =	sadd.s32 $0xFFFFE003, lr  }
0x1b: {  	s9 =	sadd.s32 $0xFFFFFEF7, lr;
	s5 =	simm.s32 $0xFFFFFFFF;
	p2 =	slt.u32 s8, $0xFFFFF086  }
0x1c: {  	p1 =	slt.u32 s9, $0xF7A;
	s5 =	simm.s32 @!p2 $0x0  }
0x1d: {  	s5 =	simm.s32 @p1 $0x1;
	p0 =	seq.s32 s7, s2  }
0x1e: {  	s7 =	smul.u32 @!p0 $0xF7A, s2;
	p2 =	seq.s32 @!p0 s5, $0x0  }
0x1f: {  	s9 =	smul.u32 $0xF7A, s1;
	s8 =	simm.s32 @!p0 $0x1BF5;
	p2 =	por !p2, p0  }
0x20: {  	[sflag:s8] =	ssyncset.s32 @!p0 $0xFFFFF086;
	s6 =	sadd.s32 @!p0 s3, s7;
	s7 =	simm.s32 @!p0 $0x108  }
0x21: {  	s3 =	sadd.s32 s3, s9;
	s6 =	sadd.s32 @!p0 $0x88, s6;
	s7 =	simm.s32 @p2 $0x1082  }
0x22: {  	[simem:s7], [sflag:s8] =	dma.local @!p0 [hbm:s6], $0xF7A  }
0x23: {  	s9 =	sor.u32 $0xD0000000, s2;
	s6 =	simm.s32 $0x108;
	_ =	swait.ge @!p0 [sflag:s8], $0x0  }
0x24: {  	s3 =	sadd.s32 $0x88, s3;
	s6 =	simm.s32 @!p1 $0x1082;
	[sflag:s4] =	ssyncset.s32 $0xFFFFF086  }
0x25: {  	[simem:s6], [sflag:s4] =	dma.local [hbm:s3], $0xF7A  }
0x26: {  	[smem:$0x3F98] =	sst s1;
	(tag) =	ssettag s2;
	_ =	strace s9  }
0x27: {  	s1 =	sld [smem:$0x3FA8]  }
0x28: {  	s2 =	sld [smem:$0x3FA9]  }
0x29: {  	s4 =	sld [smem:$0x3FAB]  }
0x2a: {  	p0 =	seq.s32 s5, $0x0;
	s5 =	sld [smem:$0x3FAC]  }
0x2b: {  	s6 =	sld [smem:$0x3FAD]  }
0x2c: {  	s7 =	sld [smem:$0x3FAE]  }
0x2d: {  	s3 =	simm.s32 $0x108;
	s8 =	sld [smem:$0x3FAF]  }
0x2e: {  	s3 =	simm.s32 @!p0 $0x1082;
	s9 =	sld [smem:$0x3FB0]  }
0x2f: {  	lr =	sadd.s32 s0, s3;
	s0 =	sld [smem:$0x3FA7]  }
0x30: {  	s3 =	sld [smem:$0x3FAA]  }
0x31: {  	[smem:$0x3FB3] =	sst s10  }
0x32: {  	s10 =	sld [smem:$0x3FB1];
	_ =	sdelay $0x3  }
0x33: {  	p0 =	seq.s32 s10, $0x1;
	s10 =	sld [smem:$0x3FB3];
	_ =	sdelay $0x3  }
0x34: {  	[smem:$0x3FB3] =	sst s10  }
0x35: {  	s10 =	sld [smem:$0x3FB2];
	_ =	sdelay $0x3  }
0x36: {  	p1 =	seq.s32 s10, $0x1;
	s10 =	sld [smem:$0x3FB3];
	_ =	sdelay $0x3  }
0x37: {  	[smem:$0x3FB3] =	sst s10  }
0x38: {  	s10 =	sld [smem:$0x3FB4]  }
0x39: {  	_ = 	snop;
	(pc) =	sbr.ind lr, $3  }
0x3a: {  	_ = 	snop  }
0x3b: {  	_ = 	snop  }
0x3c: {  	p2 =	seq.s32 s10, $0x1;
	s10 =	sld [smem:$0x3FB3]  }
0x3d: {  	_ =	shalt  }
0x3e: {  	_ =	shalt  }
0x3f: {  	_ =	shalt  }
0x40: {  	_ =	shalt  }
0x41: {  	_ =	shalt  }
0x42: {  	_ =	shalt  }
0x43: {  	_ =	shalt  }
0x44: {  	_ =	shalt  }
0x45: {  	_ =	shalt  }
0x46: {  	_ =	shalt  }
0x47: {  	_ =	shalt  }
0x48: {  	_ =	shalt  }
0x49: {  	_ =	shalt  }
0x4a: {  	_ =	shalt  }
0x4b: {  	_ =	shalt  }
0x4c: {  	_ =	shalt  }
0x4d: {  	_ =	shalt  }
0x4e: {  	_ =	shalt  }
0x4f: {  	_ =	shalt  }
0x50: {  	_ =	shalt  }
0x51: {  	_ =	shalt  }
0x52: {  	_ =	shalt  }
0x53: {  	_ =	shalt  }
0x54: {  	_ =	shalt  }
0x55: {  	_ =	shalt  }
0x56: {  	_ =	shalt  }
0x57: {  	_ =	shalt  }
0x58: {  	_ =	shalt  }
0x59: {  	_ =	shalt  }
0x5a: {  	_ =	shalt  }
0x5b: {  	_ =	shalt  }
0x5c: {  	_ =	shalt  }
0x5d: {  	_ =	shalt  }
0x5e: {  	_ =	shalt  }
0x5f: {  	_ =	shalt  }
0x60: {  	_ =	shalt  }
0x61: {  	_ =	shalt  }
0x62: {  	_ =	shalt  }
0x63: {  	_ =	shalt  }
0x64: {  	_ =	shalt  }
0x65: {  	_ =	shalt  }
0x66: {  	_ =	shalt  }
0x67: {  	_ =	shalt  }
0x68: {  	_ =	shalt  }
0x69: {  	_ =	shalt  }
0x6a: {  	_ =	shalt  }
0x6b: {  	_ =	shalt  }
0x6c: {  	_ =	shalt  }
0x6d: {  	_ =	shalt  }
0x6e: {  	_ =	shalt  }
0x6f: {  	_ =	shalt  }
0x70: {  	_ =	shalt  }
0x71: {  	_ =	shalt  }
0x72: {  	_ =	shalt  }
0x73: {  	_ =	shalt  }
0x74: {  	_ =	shalt  }
0x75: {  	_ =	shalt  }
0x76: {  	_ =	shalt  }
0x77: {  	_ =	shalt  }
0x78: {  	_ =	shalt  }
0x79: {  	_ =	shalt  }
0x7a: {  	_ =	shalt  }
0x7b: {  	_ =	shalt  }
0x7c: {  	_ =	shalt  }
0x7d: {  	_ =	shalt  }
0x7e: {  	_ =	shalt  }
0x7f: {  	_ =	shalt  }
0x80: {  	_ =	shalt  }
0x81: {  	_ =	shalt  }
0x82: {  	_ =	shalt  }
0x83: {  	_ =	shalt  }
0x84: {  	_ =	shalt  }
0x85: {  	_ =	shalt  }
0x86: {  	_ =	shalt  }
0x87: {  	_ =	shalt  }
.Lfunc_end0:
.L_simem_size_0:
called_computation.2_lowered:
.L_overlay_start_0:
0x88: {  	s2 =	sld [smem:$0x3FD9]  }
0x89: {  	s3 =	sld [smem:$0x3FFE];
	_ =	sdelay $0x1  }
0x8a: {  	s1 =	srdreg.scid  }
0x8b: {  	s0 =	sand.u32 $0x1, s1  }
0x8c: {  	s17 =	sshll.u32 s0, $0xA;
	s2 =	sadd.s32 s3, s2  }
0x8d: {  	s2 =	sadd.s32 s2, s17  }
0x8e: {  	[smem:$0x3FBF] =	sst s2  }
0x8f: {  	_ = 	snop  }
0x90: {  	s2 =	sld [smem:$0x3FD0];
	(tm) =	ssettm $0x1  }
0x91: {  	s18 =	sld [smem:$0x3FFB];
	_ =	sdelay $0x3  }
0x92: {  	_ =	strace s18  }
0x93: {  	s3 =	sld [smem:$0x3FFC];
	_ =	sdelay $0x3  }
0x94: {  	_ =	strace s3  }
0x95: {  	s3 =	sld [smem:$0x3FFD];
	_ =	sdelay $0x3  }
0x96: {  	_ =	strace s3  }
0x97: {  	_ =	strace $0x8FFFFFFF  }
0x98: {  	s19 =	sld [smem:$0x3FDB];
	_ =	sdelay $0x1  }
0x99: {  	s4 =	simm.s32 $_scs_section_size  }
0x9a: {  	s5 =	simm.s32 $_size__tile_overlayer_lowered;
	s6 =	simm.s32 $_tile_overlayer_lowered  }
0x9b: {  	s22 =	simm.s32 $0x1BFF;
	s21 =	sshll.u32 s6, $0x1;
	s3 =	sadd.s32 s4, s19  }
0x9c: {  	s7 =	simm.s32 $0x0;
	s20 =	sshll.u32 s5, $0x1;
	s5 =	sadd.s32 s21, s3  }
0x9d: {  	[timem:s7], [sflag:s22] =	dma.local [hbm:s5], s20  }
0x9e: {  	_ =	swait.ge [sflag:s22], s20  }
0x9f: {  	s4 =	ssub.s32 $0x0, s20;
	[sflag:s22] =	ssyncset.done $0x0  }
0xa0: {  	[sflag:s22] =	ssyncadd.s32 s4;
	_ =	sdelay $0x1  }
0xa1: {  	s23 =	simm.s32 $0x1B8B  }
0xa2: {  	_ =	swait.ge [sflag:s23], $0x1  }
0xa3: {  	[sflag:s23] =	ssyncset.done $0x0  }
0xa4: {  	s25 =	simm.s32 $0x1B8E;
	s24 =	sld [smem:$0x3FFE];
	[sflag:s23] =	ssyncadd.s32 $0xFFFFFFFF  }
0xa5: {  	s26 =	simm.s32 $execute0_lowered;
	[smem:$0x3FD2] =	sst s25  }
0xa6: {  	s5 =	sshll.u32 s26, $0x1;
	_ =	strace $0x8000004C;
	[dreg:$0x1] =	wrdreg $0xFFFFFFFF  }
0xa7: {  	s28 =	simm.s32 $_size_execute0_lowered;
	s3 =	sadd.s32 s3, s5;
	[dreg:$0x0] =	wrdreg $0x0  }
0xa8: {  	s5 =	sshll.u32 s28, $0x1;
	[dreg:$0x2] =	wrdreg s3  }
0xa9: {  	[dreg:$0x3] =	wrdreg s5  }
0xaa: {  	[dreg:$0x4] =	wrdreg $0xC0  }
0xab: {  	_ =	task [dreg:s7], $0x5FFFF  }
0xac: {  	[dreg:$0x1] =	wrdreg $0xFFFFFFFF  }
0xad: {  	[dreg:$0x0] =	wrdreg $0x60  }
0xae: {  	[dreg:$0x2] =	wrdreg s24  }
0xaf: {  	[dreg:$0x3] =	wrdreg s2  }
0xb0: {  	[dreg:$0x4] =	wrdreg $0xBE200  }
0xb1: {  	[dreg:$0x5] =	wrdreg $0x9  }
0xb2: {  	_ =	task.clear_ibuf [dreg:s7], $0x6FFFF;
	_ =	strace $0x9000004C  }
0xb3: {  	s29 =	simm.s32 $0x9;
	_ =	strace $0x8000004E  }
0xb4: {  	_ =	swait.ge [sflag:s29], $0x1  }
0xb5: {  	[sflag:s29] =	ssyncadd.s32 $0xFFFFFFFF  }
0xb6: {  	_ =	strace $0x9000004E  }
0xb7: {  	_ =	sfence  }
0xb8: {  	s30 =	sld [smem:$0x0];
	_ =	sdelay $0x2  }
0xb9: {  	s31 =	sshll.u32 s1, $0xD;
	s1 =	sshrl.u32 s1, $0x2  }
0xba: {  	s3 =	sand.u32 $0x4000, s31;
	s1 =	sadd.s32 s1, s30  }
0xbb: {  	s0 =	sor.u32 s3, s0;
	s1 =	sshll.u32 s1, $0x11  }
0xbc: {  	s0 =	sor.u32 s1, s0  }
0xbd: {  	s0 =	sadd.s32 $0x8F2B, s0  }
0xbe: {  	[sflag:s0] =	ssyncadd.remote.s32 $0x1  }
0xbf: {  	_ =	sfence.sel $0xFFFF  }
0xc0: {  	[dreg:$0x0] =	wrdreg $0xFFFFFFFF;
	(pc) =	sbr.abs _section_cstart, $3  }
0xc1: {  	[dreg:$0x1] =	wrdreg $0xFFFFFFFF  }
0xc2: {  	_ =	task.clear_ibuf [dreg:s7], $0x2FFFF;
	_ =	strace $0x9FFFFFFF  }
0xc3: {  	(tm) =	ssettm $0x7FFFFFFF  }
tec
execute0_lowered:
.L_overlay_start_1:
0x0: {  	(tag) =	ssettag $0x1  }
0x1: {  	s1 =	rddreg [dreg:$0x0]  }
0x2: {  	s0 =	srdreg.scid;
	s2 =	rddreg [dreg:$0x1]  }
0x3: {  	s11 =	stileid.u32;
	s3 =	rddreg [dreg:$0x2];
	s28 =	simm.s32 $0x9E20  }
0x4: {  	s29 =	simm.s32 $0x50;
	s30 =	simm.s32 $0x4E20;
	s31 =	simm.s32 $0x1  }
0x5: {  	s0 =	sand.u32 $0x1, s0;
	s8 =	smul.u32 $0x14000, s11;
	s6 =	sadd.s32 $0x3D400, s1  }
0x6: {  	s4 =	sshll.u32 s0, $0x4;
	s7 =	smul.u32 $0x500000, s0;
	s0 =	ssub.s32 $0x2, s0  }
0x7: {  	s5 =	sor.u32 s11, s4;
	s4 =	simm.s32 $0x0;
	s11 =	smul.u32 $0x50000, s11  }
0x8: {  	s12 =	sshrl.u32 s0, $0x1;
	s5 =	smul.u32 $0x4E2, s5;
	[smem:$0x7FF] =	sst s4  }
0x9: {  	s10 =	sadd.s32 s8, s7;
	s7 =	sadd.s32 $0x64600, s1;
	s0 =	ssub.s32 s0, s12  }
0xa: {  	_ =	strace $0x8000004D;
	s10 =	sshrl.u32 s10, $0x3;
	s21 =	sshrl.u32 s11, $0x2  }
0xb: {  	s9 =	sadd.s32 s5, s1;
	s5 =	sadd.s32 $0x16200, s1;
	s1 =	sadd.s32 s10, s1  }
0xc: {  	s23 =	sadd.s32 s21, s3;
	s10 =	sadd.s32 s8, s3;
	s22 =	sadd.s32 $0x2600, s9  }
0xd: {  	s9 =	sadd.s32 $0xC400, s9;
	s11 =	sadd.s32 $0x2000, s23;
	s12 =	sadd.s32 $0x4000, s23  }
0xe: {  	s13 =	sadd.s32 $0x6000, s23;
	s14 =	sadd.s32 $0x8000, s23;
	s15 =	sadd.s32 $0xA000, s23  }
0xf: {  	s16 =	sadd.s32 $0xC000, s23;
	s17 =	sadd.s32 $0xE000, s23;
	[dreg:$0x4] =	wrdreg s22  }
0x10: {  	s18 =	sadd.s32 $0x10000, s23;
	s24 =	sadd.s32 $0x8B800, s1;
	[dreg:$0x5] =	wrdreg s9  }
0x11: {  	s19 =	sadd.s32 $0x12000, s23;
	s25 =	sadd.s32 $0xB3800, s1;
	[dreg:$0x6] =	wrdreg s24  }
0x12: {  	s26 =	sadd.s32 $0xDB800, s1;
	s23 =	sadd.s32 $0x103800, s1;
	[dreg:$0x7] =	wrdreg s25  }
0x13: {  	s1 =	simm.s32 $0x7620;
	[dreg:$0x8] =	wrdreg s26;
	s24 =	smax.u32 s0, $0x1  }
0x14: {  	v0 =	vimm.f32 $0.0e+00;
	s25 =	simm.s32 $0x3;
	s26 =	simm.s32 $0x2;
	s0 =	simm.s32 $0x4DD0  }
.LBB2_1:
0x15: {  	s8 =	simm.s32 $0x0;
	s9 =	simm.s32 $0x200  }
.LBB2_2:
0x16: {  	p0 =	sne.s32 s9, $0x7E00;
	[tilespmem:s8+$0x9E90] =	vst v0  }
0x17: {  	[tilespmem:s8+$0x9E20] =	vst v0  }
0x18: {  	[tilespmem:s8+$0x9E30] =	vst v0  }
.Ltmp0:
0x19: {  	[tilespmem:s8+$0x9E40] =	vst v0;
	(pc) =	sbr.rel @p0 .LBB2_2-.Ltmp0, $4  }
0x1a: {  	[tilespmem:s8+$0x9E50] =	vst v0  }
0x1b: {  	[tilespmem:s8+$0x9E60] =	vst v0  }
0x1c: {  	[tilespmem:s8+$0x9E70] =	vst v0  }
0x1d: {  	[tilespmem:s8+$0x9E80] =	vst v0;
	s8 =	sshra.s32 s9, $0x2;
	s9 =	sadd.s32 $0x200, s9  }
0x1e: {  	[tilespmem:s8+$0x9E90] =	vst v0  }
0x1f: {  	[tilespmem:s8+$0x9E20] =	vst v0  }
0x20: {  	[tilespmem:s8+$0x9E30] =	vst v0  }
0x21: {  	[tilespmem:s8+$0x9E40] =	vst v0  }
0x22: {  	[tilespmem:s8+$0x9E50] =	vst v0  }
0x23: {  	[tilespmem:s8+$0x9E60] =	vst v0  }
0x24: {  	[tilespmem:s8+$0x9E70] =	vst v0  }
0x25: {  	[tilespmem:s8+$0x9E80] =	vst v0;
	s21 =	simm.s32 $0x0;
	s9 =	rddreg [dreg:$0x4]  }
0x26: {  	[tilespmem:s21], [sflag:$0x3] =	stream.linear.gather [hbm4b:s9+s21], $0x2710, $0x38;
	[tilespmem:$0x1FE20] =	vst v63  }
0x27: {  	_ =	swait.ge [sflag:s25], $0x2710  }
0x28: {  	[sflag:s25] =	ssyncset.done $0x0  }
0x29: {  	s20 =	simm.s32 $0x2710;
	s22 =	rddreg [dreg:$0x5];
	[sflag:s25] =	ssyncadd.s32 $0xFFFFD8F0  }
0x2a: {  	[tilespmem:s20], [sflag:$0x3] =	stream.linear.gather [hbm4b:s22+s21], $0x2710, $0x38;
	[tilespmem:$0x1FE20] =	vst v63  }
0x2b: {  	_ =	swait.ge [sflag:s25], $0x2710  }
0x2c: {  	[sflag:s25] =	ssyncset.done $0x0  }
0x2d: {  	[sflag:s25] =	ssyncadd.s32 $0xFFFFD8F0  }
0x2e: {  	[spmem:s10] =	stream.linear.scatter [tilespmem:s28], [sflag:$0x3], $0x2000, $0x38;
	[tilespmem:$0x1FE20] =	vst v63  }
0x2f: {  	_ =	swait.ge [sflag:s25], $0x2000  }
0x30: {  	[sflag:s25] =	ssyncset.done $0x0  }
0x31: {  	[sflag:s25] =	ssyncadd.s32 $0xFFFFE000  }
0x32: {  	[spmem:s11] =	stream.linear.scatter [tilespmem:s28], [sflag:$0x3], $0x2000, $0x38;
	[tilespmem:$0x1FE20] =	vst v63  }
0x33: {  	_ =	swait.ge [sflag:s25], $0x2000  }
0x34: {  	[sflag:s25] =	ssyncset.done $0x0  }
0x35: {  	[sflag:s25] =	ssyncadd.s32 $0xFFFFE000  }
0x36: {  	[spmem:s12] =	stream.linear.scatter [tilespmem:s28], [sflag:$0x3], $0x2000, $0x38;
	[tilespmem:$0x1FE20] =	vst v63  }
0x37: {  	_ =	swait.ge [sflag:s25], $0x2000  }
0x38: {  	[sflag:s25] =	ssyncset.done $0x0  }
0x39: {  	[sflag:s25] =	ssyncadd.s32 $0xFFFFE000  }
0x3a: {  	[spmem:s13] =	stream.linear.scatter [tilespmem:s28], [sflag:$0x3], $0x2000, $0x38;
	[tilespmem:$0x1FE20] =	vst v63  }
0x3b: {  	_ =	swait.ge [sflag:s25], $0x2000  }
0x3c: {  	[sflag:s25] =	ssyncset.done $0x0  }
0x3d: {  	[sflag:s25] =	ssyncadd.s32 $0xFFFFE000  }
0x3e: {  	[spmem:s14] =	stream.linear.scatter [tilespmem:s28], [sflag:$0x3], $0x2000, $0x38;
	[tilespmem:$0x1FE20] =	vst v63  }
0x3f: {  	_ =	swait.ge [sflag:s25], $0x2000  }
0x40: {  	[sflag:s25] =	ssyncset.done $0x0  }
0x41: {  	[sflag:s25] =	ssyncadd.s32 $0xFFFFE000  }
0x42: {  	[spmem:s15] =	stream.linear.scatter [tilespmem:s28], [sflag:$0x3], $0x2000, $0x38;
	[tilespmem:$0x1FE20] =	vst v63  }
0x43: {  	_ =	swait.ge [sflag:s25], $0x2000  }
0x44: {  	[sflag:s25] =	ssyncset.done $0x0  }
0x45: {  	[sflag:s25] =	ssyncadd.s32 $0xFFFFE000  }
0x46: {  	[spmem:s16] =	stream.linear.scatter [tilespmem:s28], [sflag:$0x3], $0x2000, $0x38;
	[tilespmem:$0x1FE20] =	vst v63  }
0x47: {  	_ =	swait.ge [sflag:s25], $0x2000  }
0x48: {  	[sflag:s25] =	ssyncset.done $0x0  }
0x49: {  	[sflag:s25] =	ssyncadd.s32 $0xFFFFE000  }
0x4a: {  	[spmem:s17] =	stream.linear.scatter [tilespmem:s28], [sflag:$0x3], $0x2000, $0x38;
	[tilespmem:$0x1FE20] =	vst v63  }
0x4b: {  	_ =	swait.ge [sflag:s25], $0x2000  }
0x4c: {  	[sflag:s25] =	ssyncset.done $0x0  }
0x4d: {  	[sflag:s25] =	ssyncadd.s32 $0xFFFFE000  }
0x4e: {  	[spmem:s18] =	stream.linear.scatter [tilespmem:s28], [sflag:$0x3], $0x2000, $0x38;
	[tilespmem:$0x1FE20] =	vst v63  }
0x4f: {  	_ =	swait.ge [sflag:s25], $0x2000  }
0x50: {  	[sflag:s25] =	ssyncset.done $0x0  }
0x51: {  	[sflag:s25] =	ssyncadd.s32 $0xFFFFE000  }
0x52: {  	[spmem:s19] =	stream.linear.scatter [tilespmem:s28], [sflag:$0x3], $0x2000, $0x38;
	[tilespmem:$0x1FE20] =	vst v63  }
0x53: {  	_ =	swait.ge [sflag:s25], $0x2000  }
0x54: {  	[sflag:s25] =	ssyncset.done $0x0  }
0x55: {  	[sflag:s25] =	ssyncadd.s32 $0xFFFFE000  }
0x56: {  	[bflag:$0x0] =	sbarrier.arrive $0xFFFF  }
0x57: {  	[tilespmem:s30], [sflag:$0x1] =	stream.indirect.gather [hbm4b:s2+s29], $0x80, s21, s29, $0xb8;
	[tilespmem:$0x1FE20] =	vst v63  }
0x58: {  	_ =	swait.ge [sflag:s31], $0x2800  }
0x59: {  	[sflag:s31] =	ssyncset.done $0x0  }
0x5a: {  	s9 =	simm.s32 $0x50;
	[sflag:s31] =	ssyncadd.s32 $0xFFFFD800  }
0x5b: {  	[tilespmem:s1], [sflag:$0x2] =	stream.indirect.gather [hbm4b:s2+s29], $0x80, s9, s29, $0xb8;
	[tilespmem:$0x1FE20] =	vst v63  }
0x5c: {  	s20 =	simm.s32 $0x2710  }
0x5d: {  	[spmem:s3] =	stream.indirect.scatter.add.f32 [tilespmem:s30], [sflag:$0x3], $0x80, s20, s29, $0xb8;
	[tilespmem:$0x1FE20] =	vst v63  }
0x5e: {  	_ =	swait.ge [sflag:s25], $0x2800  }
0x5f: {  	[sflag:s25] =	ssyncset.done $0x0  }
0x60: {  	[sflag:s25] =	ssyncadd.s32 $0xFFFFD800  }
0x61: {  	_ =	swait.ge [sflag:s26], $0x2800  }
0x62: {  	[sflag:s26] =	ssyncset.done $0x0  }
0x63: {  	s21 =	simm.s32 $0xA0;
	[sflag:s26] =	ssyncadd.s32 $0xFFFFD800  }
0x64: {  	[tilespmem:s30], [sflag:$0x1] =	stream.indirect.gather [hbm4b:s2+s29], $0x80, s21, s29, $0xb8;
	[tilespmem:$0x1FE20] =	vst v63  }
0x65: {  	s22 =	simm.s32 $0x2760  }
0x66: {  	[spmem:s3] =	stream.indirect.scatter.add.f32 [tilespmem:s1], [sflag:$0x3], $0x80, s22, s29, $0xb8;
	[tilespmem:$0x1FE20] =	vst v63  }
0x67: {  	_ =	swait.ge [sflag:s25], $0x2800  }
0x68: {  	s8 =	simm.s32 $0x280;
	[sflag:s25] =	ssyncset.done $0x0  }
.LBB2_4:
0x69: {  	p0 =	sne.s32 s8, $0x9880  }
0x6a: {  	[sflag:s25] =	ssyncadd.s32 $0xFFFFD800;
	s9 =	smov.u32 s8;
	s8 =	sadd.s32 $0x280, s8  }
0x6b: {  	_ = 	snop  }
0x6c: {  	_ =	swait.ge [sflag:s31], $0x2800  }
0x6d: {  	s9 =	sshra.s32 s9, $0x2;
	[sflag:s31] =	ssyncset.done $0x0  }
0x6e: {  	s20 =	sadd.s32 $0x50, s9;
	[sflag:s31] =	ssyncadd.s32 $0xFFFFD800  }
0x6f: {  	[tilespmem:s1], [sflag:$0x2] =	stream.indirect.gather [hbm4b:s2+s29], $0x80, s20, s29, $0xb8;
	[tilespmem:$0x1FE20] =	vst v63  }
0x70: {  	s20 =	sadd.s32 $0x2710, s9  }
0x71: {  	[spmem:s3] =	stream.indirect.scatter.add.f32 [tilespmem:s30], [sflag:$0x3], $0x80, s20, s29, $0xb8;
	[tilespmem:$0x1FE20] =	vst v63  }
0x72: {  	_ =	swait.ge [sflag:s25], $0x2800  }
0x73: {  	[sflag:s25] =	ssyncset.done $0x0  }
0x74: {  	[sflag:s25] =	ssyncadd.s32 $0xFFFFD800  }
0x75: {  	_ =	swait.ge [sflag:s26], $0x2800  }
0x76: {  	[sflag:s26] =	ssyncset.done $0x0  }
0x77: {  	s20 =	sadd.s32 $0xA0, s9;
	[sflag:s26] =	ssyncadd.s32 $0xFFFFD800  }
0x78: {  	[tilespmem:s30], [sflag:$0x1] =	stream.indirect.gather [hbm4b:s2+s29], $0x80, s20, s29, $0xb8;
	[tilespmem:$0x1FE20] =	vst v63  }
.Ltmp1:
0x79: {  	_ = 	snop;
	(pc) =	sbr.rel @p0 .LBB2_4-.Ltmp1, $4  }
0x7a: {  	s9 =	sadd.s32 $0x2760, s9  }
0x7b: {  	[spmem:s3] =	stream.indirect.scatter.add.f32 [tilespmem:s1], [sflag:$0x3], $0x80, s9, s29, $0xb8;
	[tilespmem:$0x1FE20] =	vst v63  }
0x7c: {  	_ =	swait.ge [sflag:s25], $0x2800  }
0x7d: {  	[sflag:s25] =	ssyncset.done $0x0  }
0x7e: {  	[sflag:s25] =	ssyncadd.s32 $0xFFFFD800  }
0x7f: {  	_ =	swait.ge [sflag:s31], $0x2800  }
0x80: {  	[sflag:s31] =	ssyncset.done $0x0  }
0x81: {  	[sflag:s31] =	ssyncadd.s32 $0xFFFFD800  }
0x82: {  	[spmem:s3] =	stream.indirect.scatter.add.f32 [tilespmem:s30], [sflag:$0x3], $0x80, s0, s29, $0xb8;
	[tilespmem:$0x1FE20] =	vst v63  }
0x83: {  	_ =	swait.ge [sflag:s25], $0x2800  }
0x84: {  	[sflag:s25] =	ssyncset.done $0x0  }
0x85: {  	s8 =	stileid.u32;
	[sflag:s25] =	ssyncadd.s32 $0xFFFFD800  }
0x86: {  	s8 =	sshll.u32 s8, $0x6;
	[bflag:$0x0] =	sbarrier.arrive $0xFFFF  }
0x87: {  	s9 =	sshrl.u32 s10, $0x3;
	s8 =	sor.u32 $0x1C03, s8;
	s20 =	rddreg [dreg:$0x6]  }
0x88: {  	[hbm:s20], [sflag:s8] =	dma.local [spmem:s9], $0x2800  }
0x89: {  	_ =	swait.ge [sflag:s25], $0x2800  }
0x8a: {  	[sflag:s25] =	ssyncset.done $0x0  }
0x8b: {  	[sflag:s25] =	ssyncadd.s32 $0xFFFFD800  }
0x8c: {  	[spmem:s10] =	stream.linear.scatter [tilespmem:s28], [sflag:$0x3], $0x2000, $0x38;
	[tilespmem:$0x1FE20] =	vst v63  }
0x8d: {  	_ =	swait.ge [sflag:s25], $0x2000  }
0x8e: {  	[sflag:s25] =	ssyncset.done $0x0  }
0x8f: {  	[sflag:s25] =	ssyncadd.s32 $0xFFFFE000  }
0x90: {  	[spmem:s11] =	stream.linear.scatter [tilespmem:s28], [sflag:$0x3], $0x2000, $0x38;
	[tilespmem:$0x1FE20] =	vst v63  }
0x91: {  	_ =	swait.ge [sflag:s25], $0x2000  }
0x92: {  	[sflag:s25] =	ssyncset.done $0x0  }
0x93: {  	[sflag:s25] =	ssyncadd.s32 $0xFFFFE000  }
0x94: {  	[spmem:s12] =	stream.linear.scatter [tilespmem:s28], [sflag:$0x3], $0x2000, $0x38;
	[tilespmem:$0x1FE20] =	vst v63  }
0x95: {  	_ =	swait.ge [sflag:s25], $0x2000  }
0x96: {  	[sflag:s25] =	ssyncset.done $0x0  }
0x97: {  	[sflag:s25] =	ssyncadd.s32 $0xFFFFE000  }
0x98: {  	[spmem:s13] =	stream.linear.scatter [tilespmem:s28], [sflag:$0x3], $0x2000, $0x38;
	[tilespmem:$0x1FE20] =	vst v63  }
0x99: {  	_ =	swait.ge [sflag:s25], $0x2000  }
0x9a: {  	[sflag:s25] =	ssyncset.done $0x0  }
0x9b: {  	[sflag:s25] =	ssyncadd.s32 $0xFFFFE000  }
0x9c: {  	[spmem:s14] =	stream.linear.scatter [tilespmem:s28], [sflag:$0x3], $0x2000, $0x38;
	[tilespmem:$0x1FE20] =	vst v63  }
0x9d: {  	_ =	swait.ge [sflag:s25], $0x2000  }
0x9e: {  	[sflag:s25] =	ssyncset.done $0x0  }
0x9f: {  	[sflag:s25] =	ssyncadd.s32 $0xFFFFE000  }
0xa0: {  	[spmem:s15] =	stream.linear.scatter [tilespmem:s28], [sflag:$0x3], $0x2000, $0x38;
	[tilespmem:$0x1FE20] =	vst v63  }
0xa1: {  	_ =	swait.ge [sflag:s25], $0x2000  }
0xa2: {  	[sflag:s25] =	ssyncset.done $0x0  }
0xa3: {  	[sflag:s25] =	ssyncadd.s32 $0xFFFFE000  }
0xa4: {  	[spmem:s16] =	stream.linear.scatter [tilespmem:s28], [sflag:$0x3], $0x2000, $0x38;
	[tilespmem:$0x1FE20] =	vst v63  }
0xa5: {  	_ =	swait.ge [sflag:s25], $0x2000  }
0xa6: {  	[sflag:s25] =	ssyncset.done $0x0  }
0xa7: {  	[sflag:s25] =	ssyncadd.s32 $0xFFFFE000  }
0xa8: {  	[spmem:s17] =	stream.linear.scatter [tilespmem:s28], [sflag:$0x3], $0x2000, $0x38;
	[tilespmem:$0x1FE20] =	vst v63  }
0xa9: {  	_ =	swait.ge [sflag:s25], $0x2000  }
0xaa: {  	[sflag:s25] =	ssyncset.done $0x0  }
0xab: {  	[sflag:s25] =	ssyncadd.s32 $0xFFFFE000  }
0xac: {  	[spmem:s18] =	stream.linear.scatter [tilespmem:s28], [sflag:$0x3], $0x2000, $0x38;
	[tilespmem:$0x1FE20] =	vst v63  }
0xad: {  	_ =	swait.ge [sflag:s25], $0x2000  }
0xae: {  	[sflag:s25] =	ssyncset.done $0x0  }
0xaf: {  	[sflag:s25] =	ssyncadd.s32 $0xFFFFE000  }
0xb0: {  	[spmem:s19] =	stream.linear.scatter [tilespmem:s28], [sflag:$0x3], $0x2000, $0x38;
	[tilespmem:$0x1FE20] =	vst v63  }
0xb1: {  	_ =	swait.ge [sflag:s25], $0x2000  }
0xb2: {  	[sflag:s25] =	ssyncset.done $0x0  }
0xb3: {  	[sflag:s25] =	ssyncadd.s32 $0xFFFFE000  }
0xb4: {  	s22 =	simm.s32 $0x0;
	[bflag:$0x0] =	sbarrier.arrive $0xFFFF  }
0xb5: {  	[tilespmem:s30], [sflag:$0x1] =	stream.indirect.gather [hbm4b:s5+s29], $0x80, s22, s29, $0xb8;
	[tilespmem:$0x1FE20] =	vst v63  }
0xb6: {  	_ =	swait.ge [sflag:s31], $0x2800  }
0xb7: {  	[sflag:s31] =	ssyncset.done $0x0  }
0xb8: {  	s21 =	simm.s32 $0x50;
	[sflag:s31] =	ssyncadd.s32 $0xFFFFD800  }
0xb9: {  	[tilespmem:s1], [sflag:$0x2] =	stream.indirect.gather [hbm4b:s5+s29], $0x80, s21, s29, $0xb8;
	[tilespmem:$0x1FE20] =	vst v63  }
0xba: {  	s22 =	simm.s32 $0x2710  }
0xbb: {  	[spmem:s3] =	stream.indirect.scatter.add.f32 [tilespmem:s30], [sflag:$0x3], $0x80, s22, s29, $0xb8;
	[tilespmem:$0x1FE20] =	vst v63  }
0xbc: {  	_ =	swait.ge [sflag:s25], $0x2800  }
0xbd: {  	[sflag:s25] =	ssyncset.done $0x0  }
0xbe: {  	[sflag:s25] =	ssyncadd.s32 $0xFFFFD800  }
0xbf: {  	_ =	swait.ge [sflag:s26], $0x2800  }
0xc0: {  	[sflag:s26] =	ssyncset.done $0x0  }
0xc1: {  	s21 =	simm.s32 $0xA0;
	[sflag:s26] =	ssyncadd.s32 $0xFFFFD800  }
0xc2: {  	[tilespmem:s30], [sflag:$0x1] =	stream.indirect.gather [hbm4b:s5+s29], $0x80, s21, s29, $0xb8;
	[tilespmem:$0x1FE20] =	vst v63  }
0xc3: {  	s22 =	simm.s32 $0x2760  }
0xc4: {  	[spmem:s3] =	stream.indirect.scatter.add.f32 [tilespmem:s1], [sflag:$0x3], $0x80, s22, s29, $0xb8;
	[tilespmem:$0x1FE20] =	vst v63  }
0xc5: {  	_ =	swait.ge [sflag:s25], $0x2800  }
0xc6: {  	s20 =	simm.s32 $0x280;
	[sflag:s25] =	ssyncset.done $0x0  }
.LBB2_6:
0xc7: {  	p0 =	sne.s32 s20, $0x9880  }
0xc8: {  	[sflag:s25] =	ssyncadd.s32 $0xFFFFD800;
	s21 =	smov.u32 s20;
	s20 =	sadd.s32 $0x280, s20  }
0xc9: {  	_ = 	snop  }
0xca: {  	_ =	swait.ge [sflag:s31], $0x2800  }
0xcb: {  	s21 =	sshra.s32 s21, $0x2;
	[sflag:s31] =	ssyncset.done $0x0  }
0xcc: {  	s22 =	sadd.s32 $0x50, s21;
	[sflag:s31] =	ssyncadd.s32 $0xFFFFD800  }
0xcd: {  	[tilespmem:s1], [sflag:$0x2] =	stream.indirect.gather [hbm4b:s5+s29], $0x80, s22, s29, $0xb8;
	[tilespmem:$0x1FE20] =	vst v63  }
0xce: {  	s22 =	sadd.s32 $0x2710, s21  }
0xcf: {  	[spmem:s3] =	stream.indirect.scatter.add.f32 [tilespmem:s30], [sflag:$0x3], $0x80, s22, s29, $0xb8;
	[tilespmem:$0x1FE20] =	vst v63  }
0xd0: {  	_ =	swait.ge [sflag:s25], $0x2800  }
0xd1: {  	[sflag:s25] =	ssyncset.done $0x0  }
0xd2: {  	[sflag:s25] =	ssyncadd.s32 $0xFFFFD800  }
0xd3: {  	_ =	swait.ge [sflag:s26], $0x2800  }
0xd4: {  	[sflag:s26] =	ssyncset.done $0x0  }
0xd5: {  	s22 =	sadd.s32 $0xA0, s21;
	[sflag:s26] =	ssyncadd.s32 $0xFFFFD800  }
0xd6: {  	[tilespmem:s30], [sflag:$0x1] =	stream.indirect.gather [hbm4b:s5+s29], $0x80, s22, s29, $0xb8;
	[tilespmem:$0x1FE20] =	vst v63  }
.Ltmp2:
0xd7: {  	_ = 	snop;
	(pc) =	sbr.rel @p0 .LBB2_6-.Ltmp2, $4  }
0xd8: {  	s21 =	sadd.s32 $0x2760, s21  }
0xd9: {  	[spmem:s3] =	stream.indirect.scatter.add.f32 [tilespmem:s1], [sflag:$0x3], $0x80, s21, s29, $0xb8;
	[tilespmem:$0x1FE20] =	vst v63  }
0xda: {  	_ =	swait.ge [sflag:s25], $0x2800  }
0xdb: {  	[sflag:s25] =	ssyncset.done $0x0  }
0xdc: {  	[sflag:s25] =	ssyncadd.s32 $0xFFFFD800  }
0xdd: {  	_ =	swait.ge [sflag:s31], $0x2800  }
0xde: {  	[sflag:s31] =	ssyncset.done $0x0  }
0xdf: {  	[sflag:s31] =	ssyncadd.s32 $0xFFFFD800  }
0xe0: {  	[spmem:s3] =	stream.indirect.scatter.add.f32 [tilespmem:s30], [sflag:$0x3], $0x80, s0, s29, $0xb8;
	[tilespmem:$0x1FE20] =	vst v63  }
0xe1: {  	_ =	swait.ge [sflag:s25], $0x2800  }
0xe2: {  	[sflag:s25] =	ssyncset.done $0x0  }
0xe3: {  	[sflag:s25] =	ssyncadd.s32 $0xFFFFD800  }
0xe4: {  	[bflag:$0x0] =	sbarrier.arrive $0xFFFF  }
0xe5: {  	s20 =	rddreg [dreg:$0x7]  }
0xe6: {  	[hbm:s20], [sflag:s8] =	dma.local [spmem:s9], $0x2800  }
0xe7: {  	_ =	swait.ge [sflag:s25], $0x2800  }
0xe8: {  	[sflag:s25] =	ssyncset.done $0x0  }
0xe9: {  	[sflag:s25] =	ssyncadd.s32 $0xFFFFD800  }
0xea: {  	[spmem:s10] =	stream.linear.scatter [tilespmem:s28], [sflag:$0x3], $0x2000, $0x38;
	[tilespmem:$0x1FE20] =	vst v63  }
0xeb: {  	_ =	swait.ge [sflag:s25], $0x2000  }
0xec: {  	[sflag:s25] =	ssyncset.done $0x0  }
0xed: {  	[sflag:s25] =	ssyncadd.s32 $0xFFFFE000  }
0xee: {  	[spmem:s11] =	stream.linear.scatter [tilespmem:s28], [sflag:$0x3], $0x2000, $0x38;
	[tilespmem:$0x1FE20] =	vst v63  }
0xef: {  	_ =	swait.ge [sflag:s25], $0x2000  }
0xf0: {  	[sflag:s25] =	ssyncset.done $0x0  }
0xf1: {  	[sflag:s25] =	ssyncadd.s32 $0xFFFFE000  }
0xf2: {  	[spmem:s12] =	stream.linear.scatter [tilespmem:s28], [sflag:$0x3], $0x2000, $0x38;
	[tilespmem:$0x1FE20] =	vst v63  }
0xf3: {  	_ =	swait.ge [sflag:s25], $0x2000  }
0xf4: {  	[sflag:s25] =	ssyncset.done $0x0  }
0xf5: {  	[sflag:s25] =	ssyncadd.s32 $0xFFFFE000  }
0xf6: {  	[spmem:s13] =	stream.linear.scatter [tilespmem:s28], [sflag:$0x3], $0x2000, $0x38;
	[tilespmem:$0x1FE20] =	vst v63  }
0xf7: {  	_ =	swait.ge [sflag:s25], $0x2000  }
0xf8: {  	[sflag:s25] =	ssyncset.done $0x0  }
0xf9: {  	[sflag:s25] =	ssyncadd.s32 $0xFFFFE000  }
0xfa: {  	[spmem:s14] =	stream.linear.scatter [tilespmem:s28], [sflag:$0x3], $0x2000, $0x38;
	[tilespmem:$0x1FE20] =	vst v63  }
0xfb: {  	_ =	swait.ge [sflag:s25], $0x2000  }
0xfc: {  	[sflag:s25] =	ssyncset.done $0x0  }
0xfd: {  	[sflag:s25] =	ssyncadd.s32 $0xFFFFE000  }
0xfe: {  	[spmem:s15] =	stream.linear.scatter [tilespmem:s28], [sflag:$0x3], $0x2000, $0x38;
	[tilespmem:$0x1FE20] =	vst v63  }
0xff: {  	_ =	swait.ge [sflag:s25], $0x2000  }
0x100: {  	[sflag:s25] =	ssyncset.done $0x0  }
0x101: {  	[sflag:s25] =	ssyncadd.s32 $0xFFFFE000  }
0x102: {  	[spmem:s16] =	stream.linear.scatter [tilespmem:s28], [sflag:$0x3], $0x2000, $0x38;
	[tilespmem:$0x1FE20] =	vst v63  }
0x103: {  	_ =	swait.ge [sflag:s25], $0x2000  }
0x104: {  	[sflag:s25] =	ssyncset.done $0x0  }
0x105: {  	[sflag:s25] =	ssyncadd.s32 $0xFFFFE000  }
0x106: {  	[spmem:s17] =	stream.linear.scatter [tilespmem:s28], [sflag:$0x3], $0x2000, $0x38;
	[tilespmem:$0x1FE20] =	vst v63  }
0x107: {  	_ =	swait.ge [sflag:s25], $0x2000  }
0x108: {  	[sflag:s25] =	ssyncset.done $0x0  }
0x109: {  	[sflag:s25] =	ssyncadd.s32 $0xFFFFE000  }
0x10a: {  	[spmem:s18] =	stream.linear.scatter [tilespmem:s28], [sflag:$0x3], $0x2000, $0x38;
	[tilespmem:$0x1FE20] =	vst v63  }
0x10b: {  	_ =	swait.ge [sflag:s25], $0x2000  }
0x10c: {  	[sflag:s25] =	ssyncset.done $0x0  }
0x10d: {  	[sflag:s25] =	ssyncadd.s32 $0xFFFFE000  }
0x10e: {  	[spmem:s19] =	stream.linear.scatter [tilespmem:s28], [sflag:$0x3], $0x2000, $0x38;
	[tilespmem:$0x1FE20] =	vst v63  }
0x10f: {  	_ =	swait.ge [sflag:s25], $0x2000  }
0x110: {  	[sflag:s25] =	ssyncset.done $0x0  }
0x111: {  	[sflag:s25] =	ssyncadd.s32 $0xFFFFE000  }
0x112: {  	s22 =	simm.s32 $0x0;
	[bflag:$0x0] =	sbarrier.arrive $0xFFFF  }
0x113: {  	[tilespmem:s30], [sflag:$0x1] =	stream.indirect.gather [hbm4b:s6+s29], $0x80, s22, s29, $0xb8;
	[tilespmem:$0x1FE20] =	vst v63  }
0x114: {  	_ =	swait.ge [sflag:s31], $0x2800  }
0x115: {  	[sflag:s31] =	ssyncset.done $0x0  }
0x116: {  	s21 =	simm.s32 $0x50;
	[sflag:s31] =	ssyncadd.s32 $0xFFFFD800  }
0x117: {  	[tilespmem:s1], [sflag:$0x2] =	stream.indirect.gather [hbm4b:s6+s29], $0x80, s21, s29, $0xb8;
	[tilespmem:$0x1FE20] =	vst v63  }
0x118: {  	s22 =	simm.s32 $0x2710  }
0x119: {  	[spmem:s3] =	stream.indirect.scatter.add.f32 [tilespmem:s30], [sflag:$0x3], $0x80, s22, s29, $0xb8;
	[tilespmem:$0x1FE20] =	vst v63  }
0x11a: {  	_ =	swait.ge [sflag:s25], $0x2800  }
0x11b: {  	[sflag:s25] =	ssyncset.done $0x0  }
0x11c: {  	[sflag:s25] =	ssyncadd.s32 $0xFFFFD800  }
0x11d: {  	_ =	swait.ge [sflag:s26], $0x2800  }
0x11e: {  	[sflag:s26] =	ssyncset.done $0x0  }
0x11f: {  	s21 =	simm.s32 $0xA0;
	[sflag:s26] =	ssyncadd.s32 $0xFFFFD800  }
0x120: {  	[tilespmem:s30], [sflag:$0x1] =	stream.indirect.gather [hbm4b:s6+s29], $0x80, s21, s29, $0xb8;
	[tilespmem:$0x1FE20] =	vst v63  }
0x121: {  	s22 =	simm.s32 $0x2760  }
0x122: {  	[spmem:s3] =	stream.indirect.scatter.add.f32 [tilespmem:s1], [sflag:$0x3], $0x80, s22, s29, $0xb8;
	[tilespmem:$0x1FE20] =	vst v63  }
0x123: {  	_ =	swait.ge [sflag:s25], $0x2800  }
0x124: {  	s20 =	simm.s32 $0x280;
	[sflag:s25] =	ssyncset.done $0x0  }
.LBB2_8:
0x125: {  	p0 =	sne.s32 s20, $0x9880  }
0x126: {  	[sflag:s25] =	ssyncadd.s32 $0xFFFFD800;
	s21 =	smov.u32 s20;
	s20 =	sadd.s32 $0x280, s20  }
0x127: {  	_ = 	snop  }
0x128: {  	_ =	swait.ge [sflag:s31], $0x2800  }
0x129: {  	s21 =	sshra.s32 s21, $0x2;
	[sflag:s31] =	ssyncset.done $0x0  }
0x12a: {  	s22 =	sadd.s32 $0x50, s21;
	[sflag:s31] =	ssyncadd.s32 $0xFFFFD800  }
0x12b: {  	[tilespmem:s1], [sflag:$0x2] =	stream.indirect.gather [hbm4b:s6+s29], $0x80, s22, s29, $0xb8;
	[tilespmem:$0x1FE20] =	vst v63  }
0x12c: {  	s22 =	sadd.s32 $0x2710, s21  }
0x12d: {  	[spmem:s3] =	stream.indirect.scatter.add.f32 [tilespmem:s30], [sflag:$0x3], $0x80, s22, s29, $0xb8;
	[tilespmem:$0x1FE20] =	vst v63  }
0x12e: {  	_ =	swait.ge [sflag:s25], $0x2800  }
0x12f: {  	[sflag:s25] =	ssyncset.done $0x0  }
0x130: {  	[sflag:s25] =	ssyncadd.s32 $0xFFFFD800  }
0x131: {  	_ =	swait.ge [sflag:s26], $0x2800  }
0x132: {  	[sflag:s26] =	ssyncset.done $0x0  }
0x133: {  	s22 =	sadd.s32 $0xA0, s21;
	[sflag:s26] =	ssyncadd.s32 $0xFFFFD800  }
0x134: {  	[tilespmem:s30], [sflag:$0x1] =	stream.indirect.gather [hbm4b:s6+s29], $0x80, s22, s29, $0xb8;
	[tilespmem:$0x1FE20] =	vst v63  }
.Ltmp3:
0x135: {  	_ = 	snop;
	(pc) =	sbr.rel @p0 .LBB2_8-.Ltmp3, $4  }
0x136: {  	s21 =	sadd.s32 $0x2760, s21  }
0x137: {  	[spmem:s3] =	stream.indirect.scatter.add.f32 [tilespmem:s1], [sflag:$0x3], $0x80, s21, s29, $0xb8;
	[tilespmem:$0x1FE20] =	vst v63  }
0x138: {  	_ =	swait.ge [sflag:s25], $0x2800  }
0x139: {  	[sflag:s25] =	ssyncset.done $0x0  }
0x13a: {  	[sflag:s25] =	ssyncadd.s32 $0xFFFFD800  }
0x13b: {  	_ =	swait.ge [sflag:s31], $0x2800  }
0x13c: {  	[sflag:s31] =	ssyncset.done $0x0  }
0x13d: {  	[sflag:s31] =	ssyncadd.s32 $0xFFFFD800  }
0x13e: {  	[spmem:s3] =	stream.indirect.scatter.add.f32 [tilespmem:s30], [sflag:$0x3], $0x80, s0, s29, $0xb8;
	[tilespmem:$0x1FE20] =	vst v63  }
0x13f: {  	_ =	swait.ge [sflag:s25], $0x2800  }
0x140: {  	[sflag:s25] =	ssyncset.done $0x0  }
0x141: {  	[sflag:s25] =	ssyncadd.s32 $0xFFFFD800  }
0x142: {  	[bflag:$0x0] =	sbarrier.arrive $0xFFFF  }
0x143: {  	s20 =	rddreg [dreg:$0x8]  }
0x144: {  	[hbm:s20], [sflag:s8] =	dma.local [spmem:s9], $0x2800  }
0x145: {  	_ =	swait.ge [sflag:s25], $0x2800  }
0x146: {  	[sflag:s25] =	ssyncset.done $0x0  }
0x147: {  	[sflag:s25] =	ssyncadd.s32 $0xFFFFD800  }
0x148: {  	[spmem:s10] =	stream.linear.scatter [tilespmem:s28], [sflag:$0x3], $0x2000, $0x38;
	[tilespmem:$0x1FE20] =	vst v63  }
0x149: {  	_ =	swait.ge [sflag:s25], $0x2000  }
0x14a: {  	[sflag:s25] =	ssyncset.done $0x0  }
0x14b: {  	[sflag:s25] =	ssyncadd.s32 $0xFFFFE000  }
0x14c: {  	[spmem:s11] =	stream.linear.scatter [tilespmem:s28], [sflag:$0x3], $0x2000, $0x38;
	[tilespmem:$0x1FE20] =	vst v63  }
0x14d: {  	_ =	swait.ge [sflag:s25], $0x2000  }
0x14e: {  	[sflag:s25] =	ssyncset.done $0x0  }
0x14f: {  	[sflag:s25] =	ssyncadd.s32 $0xFFFFE000  }
0x150: {  	[spmem:s12] =	stream.linear.scatter [tilespmem:s28], [sflag:$0x3], $0x2000, $0x38;
	[tilespmem:$0x1FE20] =	vst v63  }
0x151: {  	_ =	swait.ge [sflag:s25], $0x2000  }
0x152: {  	[sflag:s25] =	ssyncset.done $0x0  }
0x153: {  	[sflag:s25] =	ssyncadd.s32 $0xFFFFE000  }
0x154: {  	[spmem:s13] =	stream.linear.scatter [tilespmem:s28], [sflag:$0x3], $0x2000, $0x38;
	[tilespmem:$0x1FE20] =	vst v63  }
0x155: {  	_ =	swait.ge [sflag:s25], $0x2000  }
0x156: {  	[sflag:s25] =	ssyncset.done $0x0  }
0x157: {  	[sflag:s25] =	ssyncadd.s32 $0xFFFFE000  }
0x158: {  	[spmem:s14] =	stream.linear.scatter [tilespmem:s28], [sflag:$0x3], $0x2000, $0x38;
	[tilespmem:$0x1FE20] =	vst v63  }
0x159: {  	_ =	swait.ge [sflag:s25], $0x2000  }
0x15a: {  	[sflag:s25] =	ssyncset.done $0x0  }
0x15b: {  	[sflag:s25] =	ssyncadd.s32 $0xFFFFE000  }
0x15c: {  	[spmem:s15] =	stream.linear.scatter [tilespmem:s28], [sflag:$0x3], $0x2000, $0x38;
	[tilespmem:$0x1FE20] =	vst v63  }
0x15d: {  	_ =	swait.ge [sflag:s25], $0x2000  }
0x15e: {  	[sflag:s25] =	ssyncset.done $0x0  }
0x15f: {  	[sflag:s25] =	ssyncadd.s32 $0xFFFFE000  }
0x160: {  	[spmem:s16] =	stream.linear.scatter [tilespmem:s28], [sflag:$0x3], $0x2000, $0x38;
	[tilespmem:$0x1FE20] =	vst v63  }
0x161: {  	_ =	swait.ge [sflag:s25], $0x2000  }
0x162: {  	[sflag:s25] =	ssyncset.done $0x0  }
0x163: {  	[sflag:s25] =	ssyncadd.s32 $0xFFFFE000  }
0x164: {  	[spmem:s17] =	stream.linear.scatter [tilespmem:s28], [sflag:$0x3], $0x2000, $0x38;
	[tilespmem:$0x1FE20] =	vst v63  }
0x165: {  	_ =	swait.ge [sflag:s25], $0x2000  }
0x166: {  	[sflag:s25] =	ssyncset.done $0x0  }
0x167: {  	[sflag:s25] =	ssyncadd.s32 $0xFFFFE000  }
0x168: {  	[spmem:s18] =	stream.linear.scatter [tilespmem:s28], [sflag:$0x3], $0x2000, $0x38;
	[tilespmem:$0x1FE20] =	vst v63  }
0x169: {  	_ =	swait.ge [sflag:s25], $0x2000  }
0x16a: {  	[sflag:s25] =	ssyncset.done $0x0  }
0x16b: {  	[sflag:s25] =	ssyncadd.s32 $0xFFFFE000  }
0x16c: {  	[spmem:s19] =	stream.linear.scatter [tilespmem:s28], [sflag:$0x3], $0x2000, $0x38;
	[tilespmem:$0x1FE20] =	vst v63  }
0x16d: {  	_ =	swait.ge [sflag:s25], $0x2000  }
0x16e: {  	[sflag:s25] =	ssyncset.done $0x0  }
0x16f: {  	[sflag:s25] =	ssyncadd.s32 $0xFFFFE000  }
0x170: {  	s22 =	simm.s32 $0x0;
	[bflag:$0x0] =	sbarrier.arrive $0xFFFF  }
0x171: {  	[tilespmem:s30], [sflag:$0x1] =	stream.indirect.gather [hbm4b:s7+s29], $0x80, s22, s29, $0xb8;
	[tilespmem:$0x1FE20] =	vst v63  }
0x172: {  	_ =	swait.ge [sflag:s31], $0x2800  }
0x173: {  	[sflag:s31] =	ssyncset.done $0x0  }
0x174: {  	s21 =	simm.s32 $0x50;
	[sflag:s31] =	ssyncadd.s32 $0xFFFFD800  }
0x175: {  	[tilespmem:s1], [sflag:$0x2] =	stream.indirect.gather [hbm4b:s7+s29], $0x80, s21, s29, $0xb8;
	[tilespmem:$0x1FE20] =	vst v63  }
0x176: {  	s22 =	simm.s32 $0x2710  }
0x177: {  	[spmem:s3] =	stream.indirect.scatter.add.f32 [tilespmem:s30], [sflag:$0x3], $0x80, s22, s29, $0xb8;
	[tilespmem:$0x1FE20] =	vst v63  }
0x178: {  	_ =	swait.ge [sflag:s25], $0x2800  }
0x179: {  	[sflag:s25] =	ssyncset.done $0x0  }
0x17a: {  	[sflag:s25] =	ssyncadd.s32 $0xFFFFD800  }
0x17b: {  	_ =	swait.ge [sflag:s26], $0x2800  }
0x17c: {  	[sflag:s26] =	ssyncset.done $0x0  }
0x17d: {  	s21 =	simm.s32 $0xA0;
	[sflag:s26] =	ssyncadd.s32 $0xFFFFD800  }
0x17e: {  	[tilespmem:s30], [sflag:$0x1] =	stream.indirect.gather [hbm4b:s7+s29], $0x80, s21, s29, $0xb8;
	[tilespmem:$0x1FE20] =	vst v63  }
0x17f: {  	s22 =	simm.s32 $0x2760  }
0x180: {  	[spmem:s3] =	stream.indirect.scatter.add.f32 [tilespmem:s1], [sflag:$0x3], $0x80, s22, s29, $0xb8;
	[tilespmem:$0x1FE20] =	vst v63  }
0x181: {  	_ =	swait.ge [sflag:s25], $0x2800  }
0x182: {  	s20 =	simm.s32 $0x280;
	[sflag:s25] =	ssyncset.done $0x0  }
.LBB2_10:
0x183: {  	p0 =	sne.s32 s20, $0x9880  }
0x184: {  	[sflag:s25] =	ssyncadd.s32 $0xFFFFD800;
	s21 =	smov.u32 s20;
	s20 =	sadd.s32 $0x280, s20  }
0x185: {  	_ = 	snop  }
0x186: {  	_ =	swait.ge [sflag:s31], $0x2800  }
0x187: {  	s21 =	sshra.s32 s21, $0x2;
	[sflag:s31] =	ssyncset.done $0x0  }
0x188: {  	s22 =	sadd.s32 $0x50, s21;
	[sflag:s31] =	ssyncadd.s32 $0xFFFFD800  }
0x189: {  	[tilespmem:s1], [sflag:$0x2] =	stream.indirect.gather [hbm4b:s7+s29], $0x80, s22, s29, $0xb8;
	[tilespmem:$0x1FE20] =	vst v63  }
0x18a: {  	s22 =	sadd.s32 $0x2710, s21  }
0x18b: {  	[spmem:s3] =	stream.indirect.scatter.add.f32 [tilespmem:s30], [sflag:$0x3], $0x80, s22, s29, $0xb8;
	[tilespmem:$0x1FE20] =	vst v63  }
0x18c: {  	_ =	swait.ge [sflag:s25], $0x2800  }
0x18d: {  	[sflag:s25] =	ssyncset.done $0x0  }
0x18e: {  	[sflag:s25] =	ssyncadd.s32 $0xFFFFD800  }
0x18f: {  	_ =	swait.ge [sflag:s26], $0x2800  }
0x190: {  	[sflag:s26] =	ssyncset.done $0x0  }
0x191: {  	s22 =	sadd.s32 $0xA0, s21;
	[sflag:s26] =	ssyncadd.s32 $0xFFFFD800  }
0x192: {  	[tilespmem:s30], [sflag:$0x1] =	stream.indirect.gather [hbm4b:s7+s29], $0x80, s22, s29, $0xb8;
	[tilespmem:$0x1FE20] =	vst v63  }
.Ltmp4:
0x193: {  	_ = 	snop;
	(pc) =	sbr.rel @p0 .LBB2_10-.Ltmp4, $4  }
0x194: {  	s21 =	sadd.s32 $0x2760, s21  }
0x195: {  	[spmem:s3] =	stream.indirect.scatter.add.f32 [tilespmem:s1], [sflag:$0x3], $0x80, s21, s29, $0xb8;
	[tilespmem:$0x1FE20] =	vst v63  }
0x196: {  	_ =	swait.ge [sflag:s25], $0x2800  }
0x197: {  	[sflag:s25] =	ssyncset.done $0x0  }
0x198: {  	[sflag:s25] =	ssyncadd.s32 $0xFFFFD800  }
0x199: {  	_ =	swait.ge [sflag:s31], $0x2800  }
0x19a: {  	[sflag:s31] =	ssyncset.done $0x0  }
0x19b: {  	[sflag:s31] =	ssyncadd.s32 $0xFFFFD800  }
0x19c: {  	[spmem:s3] =	stream.indirect.scatter.add.f32 [tilespmem:s30], [sflag:$0x3], $0x80, s0, s29, $0xb8;
	[tilespmem:$0x1FE20] =	vst v63  }
0x19d: {  	_ =	swait.ge [sflag:s25], $0x2800  }
0x19e: {  	s4 =	sadd.s32 $0x1, s4;
	[sflag:s25] =	ssyncset.done $0x0  }
0x19f: {  	p0 =	sne.s32 s4, s24;
	[sflag:s25] =	ssyncadd.s32 $0xFFFFD800  }
.Ltmp5:
0x1a0: {  	[bflag:$0x0] =	sbarrier.arrive $0xFFFF;
	(pc) =	sbr.rel @p0 .LBB2_1-.Ltmp5, $4  }
0x1a1: {  	[hbm:s23], [sflag:s8] =	dma.local [spmem:s9], $0x2800  }
0x1a2: {  	_ =	swait.ge [sflag:s25], $0x2800  }
0x1a3: {  	[sflag:s25] =	ssyncset.done $0x0  }
0x1a4: {  	[sflag:s25] =	ssyncadd.s32 $0xFFFFD800  }
0x1a5: {  	_ =	sfence.sel $0x180000  }
0x1a6: {  	[bflag:$0x0] =	sbarrier.arrive $0xFFFF  }
0x1a7: {  	_ =	strace $0x9000004D  }
0x1a8: {  	s0 =	stileid.u32;
	[bflag:$0x2] =	sbarrier.arrive $0xFFFF  }
0x1a9: {  	p0 =	sne.s32 s0, $0x0;
	s0 =	rddreg [dreg:$0x3]  }
0x1aa: {  	s0 =	sadd.s32 @!p0 $0x100000, s0  }
0x1ab: {  	[sflag:s0] =	ssyncadd.tile.s32 @!p0 $0x1;
	_ =	shalt  }
.Lfunc_end2:
_tile_overlayer_lowered:
.L_overlay_start_2:
0x1ac: {  	(tag) =	ssettag $0x2  }
0x1ad: {  	s0 =	rddreg [dreg:$0x0];
	s2 =	stileid.u32  }
0x1ae: {  	s1 =	rddreg [dreg:$0x1];
	p0 =	sne.s32 s2, $0x0  }
0x1af: {  	s3 =	rddreg [dreg:$0x2];
	[bflag:$0x3] =	sbarrier.arrive $0xFFFF;
	s2 =	simm.s32 @!p0 $0x1C03  }
0x1b0: {  	[timem:s3], [sflag:s2] =	dma.local @!p0 [hbm:s0], s1  }
0x1b1: {  	s0 =	simm.s32 @!p0 $0x3  }
0x1b2: {  	_ =	swait.ge @!p0 [sflag:s0], s1  }
0x1b3: {  	s1 =	ssub.s32 @!p0 $0x0, s1;
	[sflag:s0] =	ssyncset.done @!p0 $0x0  }
0x1b4: {  	[sflag:s0] =	ssyncadd.s32 @!p0 s1  }
0x1b5: {  	[bflag:$0x3] =	sbarrier.arrive $0xFFFF  }
0x1b6: {  	_ =	shalt  }

// kernel: kernel.8.cloned.1.call-start
scs
__scs_entry_jumppad:
0x0: {  	(pc) =	sbr.rel $0x88, $3  }
0x1: {  	(tag) =	ssettag $0x0;
	lr =	simm.s32 $0x1  }
0x2: {  	[smem:$0x3F98] =	sst lr;
	_ =	strace $0xD0000000  }
0x3: {  	_ = 	snop  }
0x4: {  	_ = 	snop  }
0x5: {  	_ = 	snop  }
0x6: {  	_ = 	snop  }
0x7: {  	_ = 	snop  }
__scs_overlays_trampoline_lowered:
0x8: {  	[smem:$0x3FA7] =	sst s0  }
0x9: {  	[smem:$0x3FA8] =	sst s1  }
0xa: {  	[smem:$0x3FA9] =	sst s2  }
0xb: {  	[smem:$0x3FAA] =	sst s3  }
0xc: {  	[smem:$0x3FAB] =	sst s4  }
0xd: {  	[smem:$0x3FAC] =	sst s5  }
0xe: {  	[smem:$0x3FAD] =	sst s6  }
0xf: {  	[smem:$0x3FAE] =	sst s7  }
0x10: {  	[smem:$0x3FAF] =	sst s8  }
0x11: {  	[smem:$0x3FB0] =	sst s9;
	s0 =	simm.s32 @!p0 $0x0  }
0x12: {  	s1 =	sld [smem:$0x3F96];
	s0 =	simm.s32 @p0 $0x1  }
0x13: {  	[smem:$0x3FB1] =	sst s0;
	s0 =	simm.s32 @!p1 $0x0  }
0x14: {  	s2 =	sld [smem:$0x3F95];
	s0 =	simm.s32 @p1 $0x1  }
0x15: {  	[smem:$0x3FB2] =	sst s0;
	s0 =	simm.s32 @!p2 $0x0  }
0x16: {  	s3 =	sld [smem:$0x3FDB];
	s0 =	simm.s32 @p2 $0x1  }
0x17: {  	s4 =	simm.s32 $0x1BF5;
	[smem:$0x3FB4] =	sst s0  }
0x18: {  	s0 =	sld [smem:$0x3F97];
	_ =	swait.ge [sflag:s4], $0x0  }
0x19: {  	s7 =	sld [smem:$0x3F98]  }
0x1a: {  	s8 =	sadd.s32 $0xFFFFE003, lr  }
0x1b: {  	s9 =	sadd.s32 $0xFFFFFEF7, lr;
	s5 =	simm.s32 $0xFFFFFFFF;
	p2 =	slt.u32 s8, $0xFFFFF086  }
0x1c: {  	p1 =	slt.u32 s9, $0xF7A;
	s5 =	simm.s32 @!p2 $0x0  }
0x1d: {  	s5 =	simm.s32 @p1 $0x1;
	p0 =	seq.s32 s7, s2  }
0x1e: {  	s7 =	smul.u32 @!p0 $0xF7A, s2;
	p2 =	seq.s32 @!p0 s5, $0x0  }
0x1f: {  	s9 =	smul.u32 $0xF7A, s1;
	s8 =	simm.s32 @!p0 $0x1BF5;
	p2 =	por !p2, p0  }
0x20: {  	[sflag:s8] =	ssyncset.s32 @!p0 $0xFFFFF086;
	s6 =	sadd.s32 @!p0 s3, s7;
	s7 =	simm.s32 @!p0 $0x108  }
0x21: {  	s3 =	sadd.s32 s3, s9;
	s6 =	sadd.s32 @!p0 $0x88, s6;
	s7 =	simm.s32 @p2 $0x1082  }
0x22: {  	[simem:s7], [sflag:s8] =	dma.local @!p0 [hbm:s6], $0xF7A  }
0x23: {  	s9 =	sor.u32 $0xD0000000, s2;
	s6 =	simm.s32 $0x108;
	_ =	swait.ge @!p0 [sflag:s8], $0x0  }
0x24: {  	s3 =	sadd.s32 $0x88, s3;
	s6 =	simm.s32 @!p1 $0x1082;
	[sflag:s4] =	ssyncset.s32 $0xFFFFF086  }
0x25: {  	[simem:s6], [sflag:s4] =	dma.local [hbm:s3], $0xF7A  }
0x26: {  	[smem:$0x3F98] =	sst s1;
	(tag) =	ssettag s2;
	_ =	strace s9  }
0x27: {  	s1 =	sld [smem:$0x3FA8]  }
0x28: {  	s2 =	sld [smem:$0x3FA9]  }
0x29: {  	s4 =	sld [smem:$0x3FAB]  }
0x2a: {  	p0 =	seq.s32 s5, $0x0;
	s5 =	sld [smem:$0x3FAC]  }
0x2b: {  	s6 =	sld [smem:$0x3FAD]  }
0x2c: {  	s7 =	sld [smem:$0x3FAE]  }
0x2d: {  	s3 =	simm.s32 $0x108;
	s8 =	sld [smem:$0x3FAF]  }
0x2e: {  	s3 =	simm.s32 @!p0 $0x1082;
	s9 =	sld [smem:$0x3FB0]  }
0x2f: {  	lr =	sadd.s32 s0, s3;
	s0 =	sld [smem:$0x3FA7]  }
0x30: {  	s3 =	sld [smem:$0x3FAA]  }
0x31: {  	[smem:$0x3FB3] =	sst s10  }
0x32: {  	s10 =	sld [smem:$0x3FB1];
	_ =	sdelay $0x3  }
0x33: {  	p0 =	seq.s32 s10, $0x1;
	s10 =	sld [smem:$0x3FB3];
	_ =	sdelay $0x3  }
0x34: {  	[smem:$0x3FB3] =	sst s10  }
0x35: {  	s10 =	sld [smem:$0x3FB2];
	_ =	sdelay $0x3  }
0x36: {  	p1 =	seq.s32 s10, $0x1;
	s10 =	sld [smem:$0x3FB3];
	_ =	sdelay $0x3  }
0x37: {  	[smem:$0x3FB3] =	sst s10  }
0x38: {  	s10 =	sld [smem:$0x3FB4]  }
0x39: {  	_ = 	snop;
	(pc) =	sbr.ind lr, $3  }
0x3a: {  	_ = 	snop  }
0x3b: {  	_ = 	snop  }
0x3c: {  	p2 =	seq.s32 s10, $0x1;
	s10 =	sld [smem:$0x3FB3]  }
0x3d: {  	_ =	shalt  }
0x3e: {  	_ =	shalt  }
0x3f: {  	_ =	shalt  }
0x40: {  	_ =	shalt  }
0x41: {  	_ =	shalt  }
0x42: {  	_ =	shalt  }
0x43: {  	_ =	shalt  }
0x44: {  	_ =	shalt  }
0x45: {  	_ =	shalt  }
0x46: {  	_ =	shalt  }
0x47: {  	_ =	shalt  }
0x48: {  	_ =	shalt  }
0x49: {  	_ =	shalt  }
0x4a: {  	_ =	shalt  }
0x4b: {  	_ =	shalt  }
0x4c: {  	_ =	shalt  }
0x4d: {  	_ =	shalt  }
0x4e: {  	_ =	shalt  }
0x4f: {  	_ =	shalt  }
0x50: {  	_ =	shalt  }
0x51: {  	_ =	shalt  }
0x52: {  	_ =	shalt  }
0x53: {  	_ =	shalt  }
0x54: {  	_ =	shalt  }
0x55: {  	_ =	shalt  }
0x56: {  	_ =	shalt  }
0x57: {  	_ =	shalt  }
0x58: {  	_ =	shalt  }
0x59: {  	_ =	shalt  }
0x5a: {  	_ =	shalt  }
0x5b: {  	_ =	shalt  }
0x5c: {  	_ =	shalt  }
0x5d: {  	_ =	shalt  }
0x5e: {  	_ =	shalt  }
0x5f: {  	_ =	shalt  }
0x60: {  	_ =	shalt  }
0x61: {  	_ =	shalt  }
0x62: {  	_ =	shalt  }
0x63: {  	_ =	shalt  }
0x64: {  	_ =	shalt  }
0x65: {  	_ =	shalt  }
0x66: {  	_ =	shalt  }
0x67: {  	_ =	shalt  }
0x68: {  	_ =	shalt  }
0x69: {  	_ =	shalt  }
0x6a: {  	_ =	shalt  }
0x6b: {  	_ =	shalt  }
0x6c: {  	_ =	shalt  }
0x6d: {  	_ =	shalt  }
0x6e: {  	_ =	shalt  }
0x6f: {  	_ =	shalt  }
0x70: {  	_ =	shalt  }
0x71: {  	_ =	shalt  }
0x72: {  	_ =	shalt  }
0x73: {  	_ =	shalt  }
0x74: {  	_ =	shalt  }
0x75: {  	_ =	shalt  }
0x76: {  	_ =	shalt  }
0x77: {  	_ =	shalt  }
0x78: {  	_ =	shalt  }
0x79: {  	_ =	shalt  }
0x7a: {  	_ =	shalt  }
0x7b: {  	_ =	shalt  }
0x7c: {  	_ =	shalt  }
0x7d: {  	_ =	shalt  }
0x7e: {  	_ =	shalt  }
0x7f: {  	_ =	shalt  }
0x80: {  	_ =	shalt  }
0x81: {  	_ =	shalt  }
0x82: {  	_ =	shalt  }
0x83: {  	_ =	shalt  }
0x84: {  	_ =	shalt  }
0x85: {  	_ =	shalt  }
0x86: {  	_ =	shalt  }
0x87: {  	_ =	shalt  }
.Lfunc_end0:
.L_simem_size_0:
called_computation_lowered:
.L_overlay_start_0:
0x88: {  	s2 =	sld [smem:$0x3FD9]  }
0x89: {  	s3 =	sld [smem:$0x3FFE];
	_ =	sdelay $0x1  }
0x8a: {  	s1 =	srdreg.scid  }
0x8b: {  	s0 =	sand.u32 $0x1, s1  }
0x8c: {  	s17 =	sshll.u32 s0, $0xA;
	s2 =	sadd.s32 s3, s2  }
0x8d: {  	s2 =	sadd.s32 s2, s17  }
0x8e: {  	[smem:$0x3FBF] =	sst s2  }
0x8f: {  	_ = 	snop  }
0x90: {  	s2 =	sld [smem:$0x3FD0];
	(tm) =	ssettm $0x1  }
0x91: {  	s18 =	sld [smem:$0x3FFB];
	_ =	sdelay $0x3  }
0x92: {  	_ =	strace s18  }
0x93: {  	s3 =	sld [smem:$0x3FFC];
	_ =	sdelay $0x3  }
0x94: {  	_ =	strace s3  }
0x95: {  	s3 =	sld [smem:$0x3FFD];
	_ =	sdelay $0x3  }
0x96: {  	_ =	strace s3  }
0x97: {  	_ =	strace $0x8FFFFFFF  }
0x98: {  	s19 =	sld [smem:$0x3FDB];
	_ =	sdelay $0x1  }
0x99: {  	s4 =	simm.s32 $_scs_section_size  }
0x9a: {  	s5 =	simm.s32 $_size__tile_overlayer_lowered;
	s6 =	simm.s32 $_tile_overlayer_lowered  }
0x9b: {  	s22 =	simm.s32 $0x1BFF;
	s21 =	sshll.u32 s6, $0x1;
	s3 =	sadd.s32 s4, s19  }
0x9c: {  	s7 =	simm.s32 $0x0;
	s20 =	sshll.u32 s5, $0x1;
	s5 =	sadd.s32 s21, s3  }
0x9d: {  	[timem:s7], [sflag:s22] =	dma.local [hbm:s5], s20  }
0x9e: {  	_ =	swait.ge [sflag:s22], s20  }
0x9f: {  	s4 =	ssub.s32 $0x0, s20;
	[sflag:s22] =	ssyncset.done $0x0  }
0xa0: {  	[sflag:s22] =	ssyncadd.s32 s4;
	_ =	sdelay $0x1  }
0xa1: {  	s23 =	simm.s32 $0x1B8B  }
0xa2: {  	_ =	swait.ge [sflag:s23], $0x1  }
0xa3: {  	[sflag:s23] =	ssyncset.done $0x0  }
0xa4: {  	s25 =	simm.s32 $0x1B8E;
	s24 =	sld [smem:$0x3FFE];
	[sflag:s23] =	ssyncadd.s32 $0xFFFFFFFF  }
0xa5: {  	s26 =	simm.s32 $execute0_lowered;
	[smem:$0x3FD2] =	sst s25  }
0xa6: {  	s5 =	sshll.u32 s26, $0x1;
	_ =	strace $0x80000046;
	[dreg:$0x1] =	wrdreg $0xFFFFFFFF  }
0xa7: {  	s28 =	simm.s32 $_size_execute0_lowered;
	s3 =	sadd.s32 s3, s5;
	[dreg:$0x0] =	wrdreg $0x0  }
0xa8: {  	s5 =	sshll.u32 s28, $0x1;
	[dreg:$0x2] =	wrdreg s3  }
0xa9: {  	[dreg:$0x3] =	wrdreg s5  }
0xaa: {  	[dreg:$0x4] =	wrdreg $0xC0  }
0xab: {  	_ =	task [dreg:s7], $0x5FFFF  }
0xac: {  	[dreg:$0x1] =	wrdreg $0xFFFFFFFF  }
0xad: {  	[dreg:$0x0] =	wrdreg $0x60  }
0xae: {  	[dreg:$0x2] =	wrdreg s24  }
0xaf: {  	[dreg:$0x3] =	wrdreg s2  }
0xb0: {  	[dreg:$0x4] =	wrdreg $0x29E00  }
0xb1: {  	[dreg:$0x5] =	wrdreg $0x9  }
0xb2: {  	_ =	task.clear_ibuf [dreg:s7], $0x6FFFF;
	_ =	strace $0x90000046  }
0xb3: {  	s29 =	simm.s32 $0x9;
	_ =	strace $0x80000048  }
0xb4: {  	_ =	swait.ge [sflag:s29], $0x1  }
0xb5: {  	[sflag:s29] =	ssyncadd.s32 $0xFFFFFFFF  }
0xb6: {  	_ =	strace $0x90000048  }
0xb7: {  	_ =	sfence  }
0xb8: {  	s30 =	sld [smem:$0x0];
	_ =	sdelay $0x2  }
0xb9: {  	s31 =	sshll.u32 s1, $0xD;
	s1 =	sshrl.u32 s1, $0x2  }
0xba: {  	s3 =	sand.u32 $0x4000, s31;
	s1 =	sadd.s32 s1, s30  }
0xbb: {  	s0 =	sor.u32 s3, s0;
	s1 =	sshll.u32 s1, $0x11  }
0xbc: {  	s0 =	sor.u32 s1, s0  }
0xbd: {  	s0 =	sadd.s32 $0x8F2B, s0  }
0xbe: {  	[sflag:s0] =	ssyncadd.remote.s32 $0x1  }
0xbf: {  	_ =	sfence.sel $0xFFFF  }
0xc0: {  	[dreg:$0x0] =	wrdreg $0xFFFFFFFF;
	(pc) =	sbr.abs _section_cstart, $3  }
0xc1: {  	[dreg:$0x1] =	wrdreg $0xFFFFFFFF  }
0xc2: {  	_ =	task.clear_ibuf [dreg:s7], $0x2FFFF;
	_ =	strace $0x9FFFFFFF  }
0xc3: {  	(tm) =	ssettm $0x7FFFFFFF  }
tec
execute0_lowered:
.L_overlay_start_1:
0x0: {  	(tag) =	ssettag $0x1  }
0x1: {  	s4 =	rddreg [dreg:$0x0]  }
0x2: {  	s6 =	rddreg [dreg:$0x1];
	s0 =	srdreg.scid  }
0x3: {  	s2 =	rddreg [dreg:$0x2];
	s1 =	stileid.u32;
	s3 =	simm.s32 $0x0  }
0x4: {  	s11 =	simm.s32 $0x2710;
	s5 =	sand.u32 $0x1, s0;
	s0 =	rddreg [dreg:$0x3]  }
0x5: {  	s14 =	simm.s32 $0x0;
	s8 =	smul.u32 $0x280, s1;
	[smem:$0x7FF] =	sst s3  }
0x6: {  	s12 =	sshll.u32 s1, $0x6;
	s7 =	sshll.u32 s5, $0x4;
	s9 =	smul.u32 $0x2800, s5  }
0x7: {  	s5 =	ssub.s32 $0x2, s5;
	_ =	strace $0x80000047;
	s7 =	sor.u32 s1, s7  }
0x8: {  	s10 =	sshrl.u32 s5, $0x1;
	s7 =	smul.u32 $0x4E2, s7;
	s9 =	sadd.s32 s8, s9  }
0x9: {  	s12 =	sor.u32 $0x1C01, s12;
	s10 =	ssub.s32 s5, s10;
	s9 =	sshrl.u32 s9, $0x3  }
0xa: {  	s7 =	sadd.s32 s7, s4;
	s4 =	sadd.s32 s8, s2;
	s6 =	sadd.s32 s6, s9  }
0xb: {  	s8 =	simm.s32 $0x2760;
	s9 =	simm.s32 $0x1;
	s5 =	sadd.s32 $0xC400, s7  }
0xc: {  	v0 =	vimm.f32 $0.0e+00;
	v1 =	vimm.f32 $1.000000000e+00;
	s7 =	smax.u32 s10, $0x1;
	s10 =	simm.s32 $0x50;
	s13 =	sshrl.u32 s4, $0x3  }
.LBB2_1:
0xd: {  	[tilespmem:$0x2760] =	vst v0  }
0xe: {  	[tilespmem:$0x2770] =	vst v0  }
0xf: {  	[tilespmem:$0x2780] =	vst v0  }
0x10: {  	[tilespmem:$0x2790] =	vst v0  }
0x11: {  	[tilespmem:$0x27A0] =	vst v0  }
0x12: {  	[tilespmem:$0x27B0] =	vst v0  }
0x13: {  	[tilespmem:$0x27C0] =	vst v0  }
0x14: {  	[tilespmem:$0x27D0] =	vst v0  }
0x15: {  	[tilespmem:$0x27E0] =	vst v0  }
0x16: {  	[tilespmem:$0x27F0] =	vst v0  }
0x17: {  	[tilespmem:$0x2800] =	vst v0  }
0x18: {  	[tilespmem:$0x2810] =	vst v0  }
0x19: {  	[tilespmem:$0x2820] =	vst v0  }
0x1a: {  	[tilespmem:$0x2830] =	vst v0  }
0x1b: {  	[tilespmem:$0x2840] =	vst v0  }
0x1c: {  	[tilespmem:$0x2850] =	vst v0  }
0x1d: {  	[tilespmem:$0x2860] =	vst v0  }
0x1e: {  	[tilespmem:$0x2870] =	vst v0  }
0x1f: {  	[tilespmem:$0x2880] =	vst v0  }
0x20: {  	[tilespmem:$0x2890] =	vst v0  }
0x21: {  	[tilespmem:$0x28A0] =	vst v0  }
0x22: {  	[tilespmem:$0x28B0] =	vst v0  }
0x23: {  	[tilespmem:$0x28C0] =	vst v0  }
0x24: {  	[tilespmem:$0x28D0] =	vst v0  }
0x25: {  	[tilespmem:$0x28E0] =	vst v0  }
0x26: {  	[tilespmem:$0x28F0] =	vst v0  }
0x27: {  	[tilespmem:$0x2900] =	vst v0  }
0x28: {  	[tilespmem:$0x2910] =	vst v0  }
0x29: {  	[tilespmem:$0x2920] =	vst v0  }
0x2a: {  	[tilespmem:$0x2930] =	vst v0  }
0x2b: {  	[tilespmem:$0x2940] =	vst v0  }
0x2c: {  	[tilespmem:$0x2950] =	vst v0  }
0x2d: {  	[tilespmem:$0x2960] =	vst v0  }
0x2e: {  	[tilespmem:$0x2970] =	vst v0  }
0x2f: {  	[tilespmem:$0x2980] =	vst v0  }
0x30: {  	[tilespmem:$0x2990] =	vst v0  }
0x31: {  	[tilespmem:$0x29A0] =	vst v0  }
0x32: {  	[tilespmem:$0x29B0] =	vst v0  }
0x33: {  	[tilespmem:$0x29C0] =	vst v0  }
0x34: {  	[tilespmem:$0x29D0] =	vst v0  }
0x35: {  	[tilespmem:$0x2710] =	vst v1  }
0x36: {  	[tilespmem:$0x2720] =	vst v1  }
0x37: {  	[tilespmem:$0x2730] =	vst v1  }
0x38: {  	[tilespmem:$0x2740] =	vst v1  }
0x39: {  	[tilespmem:$0x2750] =	vst v1  }
0x3a: {  	[spmem:s4] =	stream.linear.scatter [tilespmem:s8], [sflag:$0x1], $0x280, $0x38;
	[tilespmem:$0x2C60] =	vst v63  }
0x3b: {  	_ =	swait.ge [sflag:s9], $0x280  }
0x3c: {  	[sflag:s9] =	ssyncset.done $0x0  }
0x3d: {  	[sflag:s9] =	ssyncadd.s32 $0xFFFFFD80  }
0x3e: {  	[tilespmem:s3], [sflag:$0x1] =	stream.linear.gather [hbm4b:s5+s3], $0x2710, $0x38;
	[tilespmem:$0x2C60] =	vst v63  }
0x3f: {  	_ =	swait.ge [sflag:s9], $0x2710  }
0x40: {  	[sflag:s9] =	ssyncset.done $0x0  }
0x41: {  	[sflag:s9] =	ssyncadd.s32 $0xFFFFD8F0  }
0x42: {  	s15 =	simm.s32 $0x0;
	[bflag:$0x0] =	sbarrier.arrive $0xFFFF  }
0x43: {  	[spmem:s2] =	stream.indirect.scatter.add.f32 [tilespmem:s11], [sflag:$0x1], $0x1, s15, s10, $0xb8;
	[tilespmem:$0x2C60] =	vst v63  }
0x44: {  	_ =	swait.ge [sflag:s9], $0x50  }
0x45: {  	s15 =	simm.s32 $0x140;
	[sflag:s9] =	ssyncset.done $0x0  }
.LBB2_2:
0x46: {  	s16 =	sshra.s32 s15, $0x2;
	[sflag:s9] =	ssyncadd.s32 $0xFFFFFFB0;
	p0 =	sne.s32 s15, $0x9B00  }
0x47: {  	[spmem:s2] =	stream.indirect.scatter.add.f32 [tilespmem:s11], [sflag:$0x1], $0x1, s16, s10, $0xb8;
	[tilespmem:$0x2C60] =	vst v63  }
.Ltmp0:
0x48: {  	_ = 	snop;
	(pc) =	sbr.rel @p0 .LBB2_2-.Ltmp0, $4  }
0x49: {  	_ = 	snop  }
0x4a: {  	s15 =	sadd.s32 $0x140, s15  }
0x4b: {  	_ =	swait.ge [sflag:s9], $0x50  }
0x4c: {  	[sflag:s9] =	ssyncset.done $0x0  }
0x4d: {  	s14 =	sadd.s32 $0x1, s14  }
0x4e: {  	[sflag:s9] =	ssyncadd.s32 $0xFFFFFFB0;
	p0 =	sne.s32 s14, s7  }
.Ltmp1:
0x4f: {  	[bflag:$0x0] =	sbarrier.arrive $0xFFFF;
	(pc) =	sbr.rel @p0 .LBB2_1-.Ltmp1, $4  }
0x50: {  	[hbm:s6], [sflag:s12] =	dma.local [spmem:s13], $0x50  }
0x51: {  	_ =	swait.ge [sflag:s9], $0x50  }
0x52: {  	[sflag:s9] =	ssyncset.done $0x0  }
0x53: {  	[sflag:s9] =	ssyncadd.s32 $0xFFFFFFB0  }
0x54: {  	_ =	sfence.sel $0x180000  }
0x55: {  	[bflag:$0x0] =	sbarrier.arrive $0xFFFF  }
0x56: {  	p0 =	sne.s32 s1, $0x0;
	_ =	strace $0x90000047  }
0x57: {  	s0 =	sadd.s32 @!p0 $0x100000, s0;
	[bflag:$0x2] =	sbarrier.arrive $0xFFFF  }
0x58: {  	[sflag:s0] =	ssyncadd.tile.s32 @!p0 $0x1;
	_ =	shalt  }
.Lfunc_end2:
_tile_overlayer_lowered:
.L_overlay_start_2:
0x59: {  	(tag) =	ssettag $0x2  }
0x5a: {  	s0 =	rddreg [dreg:$0x0];
	s2 =	stileid.u32  }
0x5b: {  	s1 =	rddreg [dreg:$0x1];
	p0 =	sne.s32 s2, $0x0  }
0x5c: {  	s3 =	rddreg [dreg:$0x2];
	[bflag:$0x3] =	sbarrier.arrive $0xFFFF;
	s2 =	simm.s32 @!p0 $0x1C01  }
0x5d: {  	[timem:s3], [sflag:s2] =	dma.local @!p0 [hbm:s0], s1  }
0x5e: {  	s0 =	simm.s32 @!p0 $0x1  }
0x5f: {  	_ =	swait.ge @!p0 [sflag:s0], s1  }
0x60: {  	s1 =	ssub.s32 @!p0 $0x0, s1;
	[sflag:s0] =	ssyncset.done @!p0 $0x0  }
0x61: {  	[sflag:s0] =	ssyncadd.s32 @!p0 s1  }
0x62: {  	[bflag:$0x3] =	sbarrier.arrive $0xFFFF  }
0x63: {  	_ =	shalt  }

</sc_bundles>
